<compile_context>
chip_gen: v7x
topology: tpu7x:2x2x1
jax: 0.10.2.dev20260603
libtpu: 0.0.44.dev20260713+nightly
codegen_flags: <defaults>
</compile_context>

<pallas_src>
import functools

import jax
import jax.numpy as jnp
from jax import lax
from jax.experimental import pallas as pl
from jax.experimental.pallas import tpu as pltpu
from jax.experimental.pallas import tpu_sc as plsc

NU = 50000
NI = 50000
EMB = 16
NC = 2
NS = 16
L = 16

RPT = 3200
NPAD = NS * RPT
RCHUNK = 320
NCHUNKS = RPT // RCHUNK

_f32 = jnp.float32
_i32 = jnp.int32

_mesh = plsc.VectorSubcoreMesh(
    core_axis_name="c", subcore_axis_name="s", num_cores=NC, num_subcores=NS
)


def _zero_vec(ref, nwords):
    z16 = jnp.zeros((L,), _f32)

    def zz(i, _):
        ref[pl.ds(i * L, L)] = z16
        return 0

    lax.fori_loop(0, nwords // L, zz, 0)


def _fast_rsqrt(x):
    xi = plsc.bitcast(x, _i32)
    xi = jnp.int32(0x5F3759DF) - (xi >> 1)
    y = plsc.bitcast(xi, _f32)
    hx = x * jnp.float32(0.5)
    y = y * (jnp.float32(1.5) - hx * y * y)
    y = y * (jnp.float32(1.5) - hx * y * y)
    y = y * (jnp.float32(1.5) - hx * y * y)
    return y


def _deg_z0_body(ut, it, u2, v2, z0u, z0i, dsqu, dsqi, squ, sqi,
                 deg_parts, hist, idxb0, idxb1, rowb, stage, dslice,
                 pbuf0, pbuf1, sqbuf, ybuf, tbuf, sem0, sem1):
    c = lax.axis_index("c")
    s = lax.axis_index("s")
    one16 = jnp.ones((L,), _f32)

    _zero_vec(hist, NPAD)

    def histogram(dst2):
        ept = (dst2.shape[0] - 1024) // NS
        base = s * ept
        n = ept // 1024
        bufs = ((idxb0, sem0), (idxb1, sem1))

        pltpu.async_copy(dst2.at[pl.ds(base, 1024)], idxb0, sem0)

        def chunk(gg, _):
            for h in (0, 1):
                g = 2 * gg + h
                ib, sm = bufs[h]
                ob, osm = bufs[1 - h]
                pltpu.make_async_copy(
                    dst2.at[pl.ds(base + g * 1024, 1024)], ib, sm).wait()
                pltpu.async_copy(
                    dst2.at[pl.ds(base + (g + 1) * 1024, 1024)], ob, osm)

                def kloop(kk, _):
                    idx = ib[pl.ds(kk * L, L)]
                    plsc.addupdate_scatter(hist, [idx], one16)
                    return 0

                lax.fori_loop(0, 1024 // L, kloop, 0)
            return 0

        lax.fori_loop(0, n // 2, chunk, 0)
        pltpu.make_async_copy(
            dst2.at[pl.ds(base + n * 1024, 1024)], idxb0, sem0).wait()

    @pl.when(c == 0)
    def _():
        histogram(u2)

    @pl.when(c == 1)
    def _():
        histogram(v2)

    pltpu.sync_copy(hist, deg_parts.at[c * NS + s])
    plsc.subcore_barrier()

    pltpu.sync_copy(deg_parts.at[c * NS, pl.ds(s * RPT, RPT)], dslice)
    pbufs = ((pbuf0, sem0), (pbuf1, sem1))
    pltpu.async_copy(deg_parts.at[c * NS + 1, pl.ds(s * RPT, RPT)], pbuf0, sem0)

    def accum(tt, _):
        for h in (0, 1):
            t = 1 + 2 * tt + h
            pb, sm = pbufs[h]
            ob, osm = pbufs[1 - h]
            pltpu.make_async_copy(
                deg_parts.at[c * NS + t, pl.ds(s * RPT, RPT)], pb, sm).wait()

            @pl.when(t + 1 < NS)
            def _():
                pltpu.async_copy(
                    deg_parts.at[c * NS + t + 1, pl.ds(s * RPT, RPT)], ob, osm)

            def avec(i, _):
                dslice[pl.ds(i * L, L)] = (
                    dslice[pl.ds(i * L, L)] + pb[pl.ds(i * L, L)]
                )
                return 0

            lax.fori_loop(0, RPT // L, avec, 0)
        return 0

    lax.fori_loop(0, (NS - 1) // 2, accum, 0)
    pltpu.make_async_copy(
        deg_parts.at[c * NS + 15, pl.ds(s * RPT, RPT)], pbuf0, sem0).wait()

    def avec15(i, _):
        dslice[pl.ds(i * L, L)] = (
            dslice[pl.ds(i * L, L)] + pbuf0[pl.ds(i * L, L)]
        )
        return 0

    lax.fori_loop(0, RPT // L, avec15, 0)

    def comp(i, _):
        d = dslice[pl.ds(i * L, L)]
        dm = jnp.maximum(d, jnp.float32(1.0))
        y = _fast_rsqrt(dm)
        ybuf[pl.ds(i * L, L)] = y
        sqbuf[pl.ds(i * L, L)] = dm * y
        tbuf[pl.ds(i * L, L)] = y * y
        return 0

    lax.fori_loop(0, RPT // L, comp, 0)

    def finish(tab, z0, dsq, sq):
        pltpu.sync_copy(tbuf, dsq.at[pl.ds(s * RPT, RPT)])
        pltpu.sync_copy(sqbuf, sq.at[pl.ds(s * RPT, RPT)])

        def ch(cb, _):
            r0 = s * RPT + cb * RCHUNK
            pltpu.sync_copy(tab.at[pl.ds(r0, RCHUNK)], rowb)

            def rr(r, _):
                ii = jnp.full((L,), cb * RCHUNK + r, _i32)
                stage[r, :] = rowb[r, :] * plsc.load_gather(ybuf, [ii])
                return 0

            lax.fori_loop(0, RCHUNK, rr, 0)
            pltpu.sync_copy(stage, z0.at[pl.ds(r0, RCHUNK)])
            return 0

        lax.fori_loop(0, NCHUNKS, ch, 0)

    @pl.when(c == 0)
    def _():
        finish(ut, z0u, dsqu, squ)

    @pl.when(c == 1)
    def _():
        finish(it, z0i, dsqi, sqi)


_deg_z0 = pl.kernel(
    _deg_z0_body,
    out_type=[
        jax.ShapeDtypeStruct((NPAD, EMB), _f32),
        jax.ShapeDtypeStruct((NPAD, EMB), _f32),
        jax.ShapeDtypeStruct((NPAD,), _f32),
        jax.ShapeDtypeStruct((NPAD,), _f32),
        jax.ShapeDtypeStruct((NPAD,), _f32),
        jax.ShapeDtypeStruct((NPAD,), _f32),
        jax.ShapeDtypeStruct((NC * NS, NPAD), _f32),
    ],
    mesh=_mesh,
    compiler_params=pltpu.CompilerParams(
        needs_layout_passes=False, use_tc_tiling_on_sc=False
    ),
    scratch_types=[
        pltpu.VMEM((NPAD,), _f32),
        pltpu.VMEM((1024,), _i32),
        pltpu.VMEM((1024,), _i32),
        pltpu.VMEM((RCHUNK, EMB), _f32),
        pltpu.VMEM((RCHUNK, EMB), _f32),
        pltpu.VMEM((RPT,), _f32),
        pltpu.VMEM((RPT,), _f32),
        pltpu.VMEM((RPT,), _f32),
        pltpu.VMEM((RPT,), _f32),
        pltpu.VMEM((RPT,), _f32),
        pltpu.VMEM((RPT,), _f32),
        pltpu.SemaphoreType.DMA,
        pltpu.SemaphoreType.DMA,
    ],
)


def _side(final, s, dst2, src2, zsrc, dsq, acc, sq, oz, oa,
          s_sh, dstb0, srcb0, rows0, dstb1, srcb1, rows1, sbuf, abuf,
          ostage, astage, dsqb, sqb, semi, semg, sems):
    z16 = jnp.zeros((L,), _f32)

    def zz(i, _):
        astage[i, :] = z16
        return 0

    lax.fori_loop(0, RCHUNK, zz, 0)

    def zs(cb, _):
        pltpu.sync_copy(astage, s_sh.at[pl.ds(s * RPT + cb * RCHUNK, RCHUNK)])
        return 0

    lax.fori_loop(0, NCHUNKS, zs, 0)
    plsc.subcore_barrier()

    ept = (dst2.shape[0] - 1024) // NS
    base = s * ept
    n = ept // 1024

    def idx_copy(g, db, sb):
        pltpu.async_copy(dst2.at[pl.ds(base + g * 1024, 1024)], db, semi)
        pltpu.async_copy(src2.at[pl.ds(base + g * 1024, 1024)], sb, semi)

    def idx_wait(g, db, sb):
        pltpu.make_async_copy(
            dst2.at[pl.ds(base + g * 1024, 1024)], db, semi).wait()
        pltpu.make_async_copy(
            src2.at[pl.ds(base + g * 1024, 1024)], sb, semi).wait()

    def fire_gathers(sb, rw):
        pltpu.async_copy(zsrc.at[sb], rw, semg)

    def wait_gathers(sb, rw):
        pltpu.make_async_copy(zsrc.at[sb], rw, semg).wait()

    def fire_scatters(db, rw):
        pltpu.async_copy(rw, s_sh.at[db], sems, add=True)

    def wait_scatters(db, rw):
        pltpu.make_async_copy(rw, s_sh.at[db], sems).wait()

    bufs = ((dstb0, srcb0, rows0), (dstb1, srcb1, rows1))
    idx_copy(0, dstb0, srcb0)

    def piter(gg, _):
        for h in (0, 1):
            g = 2 * gg + h
            db, sb, rw = bufs[h]
            odb, osb, orw = bufs[1 - h]
            idx_wait(g, db, sb)
            fire_gathers(sb, rw)
            if h == 0:
                @pl.when(gg > 0)
                def _():
                    wait_scatters(odb, orw)
            else:
                wait_scatters(odb, orw)
            idx_copy(g + 1, odb, osb)
            wait_gathers(sb, rw)
            fire_scatters(db, rw)
        return 0

    lax.fori_loop(0, n // 2, piter, 0)
    wait_scatters(dstb1, rows1)
    idx_wait(n, dstb0, srcb0)
    plsc.subcore_barrier()

    pltpu.sync_copy(dsq.at[pl.ds(s * RPT, RPT)], dsqb)
    if final:
        pltpu.sync_copy(sq.at[pl.ds(s * RPT, RPT)], sqb)
    third = jnp.float32(1.0 / 3.0)

    def ch(cb, _):
        r0 = s * RPT + cb * RCHUNK
        pltpu.sync_copy(s_sh.at[pl.ds(r0, RCHUNK)], sbuf)
        pltpu.sync_copy(acc.at[pl.ds(r0, RCHUNK)], abuf)

        def rr(r, _):
            ii = jnp.full((L,), cb * RCHUNK + r, _i32)
            zrow = sbuf[r, :] * plsc.load_gather(dsqb, [ii])
            arow = abuf[r, :] + zrow
            if final:
                ostage[r, :] = arow * plsc.load_gather(sqb, [ii]) * third
            else:
                ostage[r, :] = zrow
                astage[r, :] = arow
            return 0

        lax.fori_loop(0, RCHUNK, rr, 0)
        pltpu.sync_copy(ostage, oz.at[pl.ds(r0, RCHUNK)])
        if not final:
            pltpu.sync_copy(astage, oa.at[pl.ds(r0, RCHUNK)])
        return 0

    lax.fori_loop(0, NCHUNKS, ch, 0)


def _layer_body(zu, zi, u2, v2, dsqu, dsqi, accu, acci,
                nzu, nzi, nau, nai, *scratch):
    c = lax.axis_index("c")
    s = lax.axis_index("s")

    @pl.when(c == 0)
    def _():
        _side(False, s, u2, v2, zi, dsqu, accu, None, nzu, nau, *scratch)

    @pl.when(c == 1)
    def _():
        _side(False, s, v2, u2, zu, dsqi, acci, None, nzi, nai, *scratch)


def _final_body(zu, zi, u2, v2, dsqu, dsqi, accu, acci, squ, sqi,
                eu, ei, *scratch):
    c = lax.axis_index("c")
    s = lax.axis_index("s")

    @pl.when(c == 0)
    def _():
        _side(True, s, u2, v2, zi, dsqu, accu, squ, eu, None, *scratch)

    @pl.when(c == 1)
    def _():
        _side(True, s, v2, u2, zu, dsqi, acci, sqi, ei, None, *scratch)


_layer_scratch = [
    pltpu.VMEM_SHARED((NPAD, EMB), _f32),
    pltpu.VMEM((1024,), _i32),
    pltpu.VMEM((1024,), _i32),
    pltpu.VMEM((1024, EMB), _f32),
    pltpu.VMEM((1024,), _i32),
    pltpu.VMEM((1024,), _i32),
    pltpu.VMEM((1024, EMB), _f32),
    pltpu.VMEM((RCHUNK, EMB), _f32),
    pltpu.VMEM((RCHUNK, EMB), _f32),
    pltpu.VMEM((RCHUNK, EMB), _f32),
    pltpu.VMEM((RCHUNK, EMB), _f32),
    pltpu.VMEM((RPT,), _f32),
    pltpu.VMEM((RPT,), _f32),
    pltpu.SemaphoreType.DMA,
    pltpu.SemaphoreType.DMA,
    pltpu.SemaphoreType.DMA,
]

_layer = pl.kernel(
    _layer_body,
    out_type=[jax.ShapeDtypeStruct((NPAD, EMB), _f32)] * 4,
    mesh=_mesh,
    compiler_params=pltpu.CompilerParams(
        needs_layout_passes=False, use_tc_tiling_on_sc=False
    ),
    scratch_types=_layer_scratch,
)

_final = pl.kernel(
    _final_body,
    out_type=[jax.ShapeDtypeStruct((NPAD, EMB), _f32)] * 2,
    mesh=_mesh,
    compiler_params=pltpu.CompilerParams(
        needs_layout_passes=False, use_tc_tiling_on_sc=False
    ),
    scratch_types=_layer_scratch,
)


def kernel(user_table, item_table, edge_index):
    E = edge_index.shape[1]
    n_chunks = -(-E // (NS * 1024))
    n_chunks += n_chunks % 2
    Epad = n_chunks * NS * 1024 + 1024
    u = edge_index[0].astype(_i32)
    v = edge_index[1].astype(_i32)
    pad = jnp.full((Epad - E,), NU, _i32)
    u2 = jnp.concatenate([u, pad])
    v2 = jnp.concatenate([v, pad])
    ut = jnp.pad(user_table, ((0, NPAD - NU), (0, 0)))
    it = jnp.pad(item_table, ((0, NPAD - NI), (0, 0)))

    z0u, z0i, dsqu, dsqi, squ, sqi, _unused = _deg_z0(ut, it, u2, v2)
    z1u, z1i, a1u, a1i = _layer(z0u, z0i, u2, v2, dsqu, dsqi, z0u, z0i)
    eu, ei = _final(z1u, z1i, u2, v2, dsqu, dsqi, a1u, a1i, squ, sqi)
    return eu[:NU], ei[:NI]

# --- scband reference (transcript-rebuilt; emitter-appended) ---
"""Pipeline reference for scband-fast-mmgcn-15161234555493 (READ-ONLY COPY).

The authoritative reference and input builder live on the scoring server;
editing this copy changes nothing except your own understanding.
"""

import jax, jax.numpy as jnp
import numpy as np

NUM_USERS = 50000
NUM_ITEMS = 50000
EMB = 16
KS = 2
E = 3200000


def setup_inputs(seed: int = 0) -> dict:
    key = jax.random.key(seed)
    k1, k2, k3 = jax.random.split(key, 3)
    user_table = jax.random.normal(k1, (NUM_USERS, EMB), dtype=jnp.float32) * 0.1
    item_table = jax.random.normal(k2, (NUM_ITEMS, EMB), dtype=jnp.float32) * 0.1
    # edge_index[0] = user ids in [0, NUM_USERS); edge_index[1] = item ids in [0, NUM_ITEMS)
    edge_index = jax.random.randint(k3, (2, E), 0, NUM_USERS, dtype=jnp.int32)
    return {"user_table": user_table, "item_table": item_table, "edge_index": edge_index}


def reference(user_table, item_table, edge_index):
    # FastMMGCN.forward: emb = graph(user_emb, item_emb); split into user/item parts.
    # Graph is LightGCN-style symmetric-normalized bipartite propagation over ks layers,
    # with mean aggregation across layers (standard for this model family).
    N = NUM_USERS + NUM_ITEMS
    u = edge_index[0]
    v = edge_index[1] + NUM_USERS
    # undirected bipartite graph -> both directions
    src = jnp.concatenate([u, v], axis=0)
    dst = jnp.concatenate([v, u], axis=0)
    deg = jax.ops.segment_sum(jnp.ones_like(src, dtype=jnp.float32), dst, num_segments=N)
    deg = jnp.maximum(deg, 1.0)
    dinv = jax.lax.rsqrt(deg)
    norm = dinv[src] * dinv[dst]  # symmetric normalization per edge

    x0 = jnp.concatenate([user_table, item_table], axis=0)  # [N, EMB]
    acc = x0
    h = x0
    for _ in range(KS):
        msg = h[src] * norm[:, None]          # gather (memory-bound)
        h = jax.ops.segment_sum(msg, dst, num_segments=N)  # scatter-add
        acc = acc + h
    emb = acc / float(KS + 1)
    user_embeddings = emb[:NUM_USERS]
    item_embeddings = emb[NUM_USERS:]
    return user_embeddings, item_embeddings

if __name__ == "__main__":
    import jax
    _d = setup_inputs()
    print(jax.jit(kernel)(*tuple(_d.values())))

</pallas_src>

<mosaic_0001>
#map = affine_map<(d0, d1) -> (0, 0)>
#map1 = affine_map<(d0, d1) -> (0)>
module attributes {stable_mosaic.version = 14 : i64} {
  func.func @_layer_body(%arg0: i32, %arg1: i32, %arg2: memref<51200x16xf32, #tpu.memory_space<hbm>>, %arg3: memref<51200x16xf32, #tpu.memory_space<hbm>>, %arg4: memref<3212288xi32, #tpu.memory_space<hbm>>, %arg5: memref<3212288xi32, #tpu.memory_space<hbm>>, %arg6: memref<51200xf32, #tpu.memory_space<hbm>>, %arg7: memref<51200xf32, #tpu.memory_space<hbm>>, %arg8: memref<51200x16xf32, #tpu.memory_space<hbm>>, %arg9: memref<51200x16xf32, #tpu.memory_space<hbm>>, %arg10: memref<51200x16xf32, #tpu.memory_space<hbm>>, %arg11: memref<51200x16xf32, #tpu.memory_space<hbm>>, %arg12: memref<51200x16xf32, #tpu.memory_space<hbm>>, %arg13: memref<51200x16xf32, #tpu.memory_space<hbm>>, %arg14: memref<51200x16xf32, #tpu.memory_space<vmem_shared>>, %arg15: memref<1024xi32, #tpu.memory_space<vmem>>, %arg16: memref<1024xi32, #tpu.memory_space<vmem>>, %arg17: memref<1024x16xf32, #tpu.memory_space<vmem>>, %arg18: memref<1024xi32, #tpu.memory_space<vmem>>, %arg19: memref<1024xi32, #tpu.memory_space<vmem>>, %arg20: memref<1024x16xf32, #tpu.memory_space<vmem>>, %arg21: memref<320x16xf32, #tpu.memory_space<vmem>>, %arg22: memref<320x16xf32, #tpu.memory_space<vmem>>, %arg23: memref<320x16xf32, #tpu.memory_space<vmem>>, %arg24: memref<320x16xf32, #tpu.memory_space<vmem>>, %arg25: memref<3200xf32, #tpu.memory_space<vmem>>, %arg26: memref<3200xf32, #tpu.memory_space<vmem>>, %arg27: memref<!tpu.dma_semaphore, #tpu.memory_space<semaphore_mem>>, %arg28: memref<!tpu.dma_semaphore, #tpu.memory_space<semaphore_mem>>, %arg29: memref<!tpu.dma_semaphore, #tpu.memory_space<semaphore_mem>>) attributes {dimension_semantics = [#tpu.dimension_semantics<core_parallel>, #tpu.dimension_semantics<subcore_parallel>], iteration_bounds = array<i64: 2, 16>, scalar_prefetch = 0 : i64, scratch_operands = 16 : i64, tpu.core_type = #tpu.core_type<sc_vector_subcore>, window_params = [{transform_indices = #map}, {transform_indices = #map}, {transform_indices = #map1}, {transform_indices = #map1}, {transform_indices = #map1}, {transform_indices = #map1}, {transform_indices = #map}, {transform_indices = #map}, {transform_indices = #map}, {transform_indices = #map}, {transform_indices = #map}, {transform_indices = #map}]} {
    %eq3A = arith.constant 0 : i32
    %eq3A_0 = arith.cmpi eq, %arg0, %eq3A : i32
    %convert_element_type3A = arith.extui %eq3A_0 : i1 to i32
    %cond3A = arith.constant 0 : i32
    %cond3A_1 = arith.cmpi ne, %convert_element_type3A, %cond3A : i32
    scf.if %cond3A_1 {
      %broadcast_in_dim3A = arith.constant 0.000000e+00 : f32
      %broadcast_in_dim3A_7 = vector.broadcast %broadcast_in_dim3A : f32 to vector<16xf32>
      %scan3A = arith.constant 0 : i32
      %scan3A_8 = arith.constant 0 : i32
      %scan3A_9 = arith.constant 320 : i32
      %scan3A_10 = arith.addi %scan3A_8, %scan3A_9 : i32
      %scan3A_11 = arith.constant 1 : i32
      %scan3A_12 = scf.for %scan3A_55 = %scan3A_8 to %scan3A_10 step %scan3A_11 iter_args(%scan3A_56 = %scan3A) -> (i32)  : i32 {
        %swap3A = arith.index_cast %scan3A_55 : i32 to index
        %swap3A_57 = arith.constant 0 : index
        %swap3A_58 = tpu.vector_load %arg24[%swap3A, %swap3A_57] {strides = array<i32>} : memref<320x16xf32, #tpu.memory_space<vmem>>, vector<16xf32>,
        tpu.vector_store %arg24[%swap3A, %swap3A_57], %broadcast_in_dim3A_7 {strides = array<i32>} : memref<320x16xf32, #tpu.memory_space<vmem>>, vector<16xf32>,
        %scan3A_59 = arith.constant 0 : i32
        scf.yield %scan3A_59 : i32
      }
      %scan3A_13 = arith.constant 320 : i32
      %scan3A_14 = arith.constant 0 : i32
      %scan3A_15 = arith.constant 0 : i32
      %scan3A_16 = arith.constant 10 : i32
      %scan3A_17 = arith.addi %scan3A_15, %scan3A_16 : i32
      %scan3A_18 = arith.constant 1 : i32
      %scan3A_19 = scf.for %scan3A_55 = %scan3A_15 to %scan3A_17 step %scan3A_18 iter_args(%scan3A_56 = %scan3A_14) -> (i32)  : i32 {
        %mul3A_57 = arith.constant 3200 : i32
        %mul3A_58 = arith.muli %arg1, %mul3A_57 : i32
        %mul3A_59 = arith.constant 320 : i32
        %mul3A_60 = arith.muli %scan3A_55, %mul3A_59 : i32
        %add3A_61 = arith.addi %mul3A_58, %mul3A_60 : i32
        "tpu.region"() ({
          %run_scoped3A = tpu.sem_alloc : memref<!tpu.dma_semaphore, #tpu.memory_space<semaphore_mem>>
          %dma_start3A_63 = arith.constant 0 : i32
          %dma_start3A_64 = tpu.memref_slice %arg14[%add3A_61, %dma_start3A_63] : memref<51200x16xf32, #tpu.memory_space<vmem_shared>> -> memref<320x16xf32, #tpu.memory_space<vmem_shared>>
          %dma_start3A_65 = arith.constant 0 : i32
          %dma_start3A_66 = tpu.memref_slice %arg14[%add3A_61, %dma_start3A_65] : memref<51200x16xf32, #tpu.memory_space<vmem_shared>> -> memref<320x16xf32, #tpu.memory_space<vmem_shared>>
          tpu.enqueue_dma source(%arg24 : memref<320x16xf32, #tpu.memory_space<vmem>>) target(%dma_start3A_66 : memref<320x16xf32, #tpu.memory_space<vmem_shared>>) target_semaphore(%run_scoped3A : memref<!tpu.dma_semaphore, #tpu.memory_space<semaphore_mem>>)
          %dma_wait3A_67 = arith.constant 0 : i32
          %dma_wait3A_68 = tpu.memref_slice %arg14[%add3A_61, %dma_wait3A_67] : memref<51200x16xf32, #tpu.memory_space<vmem_shared>> -> memref<320x16xf32, #tpu.memory_space<vmem_shared>>
          %dma_wait3A_69 = arith.constant 0 : i32
          %dma_wait3A_70 = tpu.memref_slice %arg14[%add3A_61, %dma_wait3A_69] : memref<51200x16xf32, #tpu.memory_space<vmem_shared>> -> memref<320x16xf32, #tpu.memory_space<vmem_shared>>
          tpu.wait_dma2 semaphore(%run_scoped3A : memref<!tpu.dma_semaphore, #tpu.memory_space<semaphore_mem>>) src(%arg24 : memref<320x16xf32, #tpu.memory_space<vmem>>) dst(%dma_wait3A_70 : memref<320x16xf32, #tpu.memory_space<vmem_shared>>)
          tpu.yield
        }) : () -> ()
        %scan3A_62 = arith.constant 0 : i32
        scf.yield %scan3A_62 : i32
      }
      %scan3A_20 = arith.constant 10 : i32
      %barrier3A = arith.constant 0 : index
      tpu.barrier barrier_id(%barrier3A)
      %mul3A = arith.constant 200704 : i32
      %mul3A_21 = arith.muli %arg1, %mul3A : i32
      %add3A = arith.constant 0 : i32
      %add3A_22 = arith.addi %mul3A_21, %add3A : i32
      %dma_start3A = tpu.memref_slice %arg4[%add3A_22] : memref<3212288xi32, #tpu.memory_space<hbm>> -> memref<1024xi32, #tpu.memory_space<hbm>>
      %dma_start3A_23 = tpu.memref_slice %arg4[%add3A_22] : memref<3212288xi32, #tpu.memory_space<hbm>> -> memref<1024xi32, #tpu.memory_space<hbm>>
      tpu.enqueue_dma source(%dma_start3A_23 : memref<1024xi32, #tpu.memory_space<hbm>>) target(%arg15 : memref<1024xi32, #tpu.memory_space<vmem>>) target_semaphore(%arg27 : memref<!tpu.dma_semaphore, #tpu.memory_space<semaphore_mem>>)
      %add3A_24 = arith.constant 0 : i32
      %add3A_25 = arith.addi %mul3A_21, %add3A_24 : i32
      %dma_start3A_26 = tpu.memref_slice %arg5[%add3A_25] : memref<3212288xi32, #tpu.memory_space<hbm>> -> memref<1024xi32, #tpu.memory_space<hbm>>
      %dma_start3A_27 = tpu.memref_slice %arg5[%add3A_25] : memref<3212288xi32, #tpu.memory_space<hbm>> -> memref<1024xi32, #tpu.memory_space<hbm>>
      tpu.enqueue_dma source(%dma_start3A_27 : memref<1024xi32, #tpu.memory_space<hbm>>) target(%arg16 : memref<1024xi32, #tpu.memory_space<vmem>>) target_semaphore(%arg27 : memref<!tpu.dma_semaphore, #tpu.memory_space<semaphore_mem>>)
      %scan3A_28 = arith.constant 0 : i32
      %scan3A_29 = arith.constant 0 : i32
      %scan3A_30 = arith.constant 98 : i32
      %scan3A_31 = arith.addi %scan3A_29, %scan3A_30 : i32
      %scan3A_32 = arith.constant 1 : i32
      %scan3A_33 = scf.for %scan3A_55 = %scan3A_29 to %scan3A_31 step %scan3A_32 iter_args(%scan3A_56 = %scan3A_28) -> (i32)  : i32 {
        %mul3A_57 = arith.constant 2 : i32
        %mul3A_58 = arith.muli %mul3A_57, %scan3A_55 : i32
        %add3A_59 = arith.constant 0 : i32
        %add3A_60 = arith.addi %mul3A_58, %add3A_59 : i32
        %mul3A_61 = arith.constant 1024 : i32
        %mul3A_62 = arith.muli %add3A_60, %mul3A_61 : i32
        %add3A_63 = arith.addi %mul3A_21, %mul3A_62 : i32
        %dma_wait3A_64 = tpu.memref_slice %arg4[%add3A_63] : memref<3212288xi32, #tpu.memory_space<hbm>> -> memref<1024xi32, #tpu.memory_space<hbm>>
        %dma_wait3A_65 = tpu.memref_slice %arg4[%add3A_63] : memref<3212288xi32, #tpu.memory_space<hbm>> -> memref<1024xi32, #tpu.memory_space<hbm>>
        tpu.wait_dma2 semaphore(%arg27 : memref<!tpu.dma_semaphore, #tpu.memory_space<semaphore_mem>>) src(%dma_wait3A_65 : memref<1024xi32, #tpu.memory_space<hbm>>) dst(%arg15 : memref<1024xi32, #tpu.memory_space<vmem>>)
        %mul3A_66 = arith.constant 1024 : i32
        %mul3A_67 = arith.muli %add3A_60, %mul3A_66 : i32
        %add3A_68 = arith.addi %mul3A_21, %mul3A_67 : i32
        %dma_wait3A_69 = tpu.memref_slice %arg5[%add3A_68] : memref<3212288xi32, #tpu.memory_space<hbm>> -> memref<1024xi32, #tpu.memory_space<hbm>>
        %dma_wait3A_70 = tpu.memref_slice %arg5[%add3A_68] : memref<3212288xi32, #tpu.memory_space<hbm>> -> memref<1024xi32, #tpu.memory_space<hbm>>
        tpu.wait_dma2 semaphore(%arg27 : memref<!tpu.dma_semaphore, #tpu.memory_space<semaphore_mem>>) src(%dma_wait3A_70 : memref<1024xi32, #tpu.memory_space<hbm>>) dst(%arg16 : memref<1024xi32, #tpu.memory_space<vmem>>)
        %dma_start3A_71 = arith.constant 0 : i32
        %dma_start3A_72 = arith.constant 0 : i32
        %dma_start3A_73 = tpu.memref_slice %arg3[%dma_start3A_71, %dma_start3A_72] : memref<51200x16xf32, #tpu.memory_space<hbm>> -> memref<51200x16xf32, #tpu.memory_space<hbm>>
        tpu.enqueue_indirect_dma source(%dma_start3A_73 : memref<51200x16xf32, #tpu.memory_space<hbm>>) target(%arg17 : memref<1024x16xf32, #tpu.memory_space<vmem>>) offsets(%arg16 : memref<1024xi32, #tpu.memory_space<vmem>>) semaphore(%arg28 : memref<!tpu.dma_semaphore, #tpu.memory_space<semaphore_mem>>)
        %gt3A = arith.constant 0 : i32
        %gt3A_74 = arith.cmpi sgt, %scan3A_55, %gt3A : i32
        %convert_element_type3A_75 = arith.extui %gt3A_74 : i1 to i32
        %cond3A_76 = arith.constant 0 : i32
        %cond3A_77 = arith.cmpi ne, %convert_element_type3A_75, %cond3A_76 : i32
        scf.if %cond3A_77 {
          %dma_wait3A_135 = arith.constant 0 : i32
          %dma_wait3A_136 = arith.constant 0 : i32
          %dma_wait3A_137 = tpu.memref_slice %arg14[%dma_wait3A_135, %dma_wait3A_136] : memref<51200x16xf32, #tpu.memory_space<vmem_shared>> -> memref<51200x16xf32, #tpu.memory_space<vmem_shared>>
          tpu.wait_indirect_dma semaphore(%arg29 : memref<!tpu.dma_semaphore, #tpu.memory_space<semaphore_mem>>) src(%arg20 : memref<1024x16xf32, #tpu.memory_space<vmem>>) dst(%dma_wait3A_137 : memref<51200x16xf32, #tpu.memory_space<vmem_shared>>)
        } else {
        }
        %add3A_78 = arith.constant 1 : i32
        %add3A_79 = arith.addi %add3A_60, %add3A_78 : i32
        %mul3A_80 = arith.constant 1024 : i32
        %mul3A_81 = arith.muli %add3A_79, %mul3A_80 : i32
        %add3A_82 = arith.addi %mul3A_21, %mul3A_81 : i32
        %dma_start3A_83 = tpu.memref_slice %arg4[%add3A_82] : memref<3212288xi32, #tpu.memory_space<hbm>> -> memref<1024xi32, #tpu.memory_space<hbm>>
        %dma_start3A_84 = tpu.memref_slice %arg4[%add3A_82] : memref<3212288xi32, #tpu.memory_space<hbm>> -> memref<1024xi32, #tpu.memory_space<hbm>>
        tpu.enqueue_dma source(%dma_start3A_84 : memref<1024xi32, #tpu.memory_space<hbm>>) target(%arg18 : memref<1024xi32, #tpu.memory_space<vmem>>) target_semaphore(%arg27 : memref<!tpu.dma_semaphore, #tpu.memory_space<semaphore_mem>>)
        %mul3A_85 = arith.constant 1024 : i32
        %mul3A_86 = arith.muli %add3A_79, %mul3A_85 : i32
        %add3A_87 = arith.addi %mul3A_21, %mul3A_86 : i32
        %dma_start3A_88 = tpu.memref_slice %arg5[%add3A_87] : memref<3212288xi32, #tpu.memory_space<hbm>> -> memref<1024xi32, #tpu.memory_space<hbm>>
        %dma_start3A_89 = tpu.memref_slice %arg5[%add3A_87] : memref<3212288xi32, #tpu.memory_space<hbm>> -> memref<1024xi32, #tpu.memory_space<hbm>>
        tpu.enqueue_dma source(%dma_start3A_89 : memref<1024xi32, #tpu.memory_space<hbm>>) target(%arg19 : memref<1024xi32, #tpu.memory_space<vmem>>) target_semaphore(%arg27 : memref<!tpu.dma_semaphore, #tpu.memory_space<semaphore_mem>>)
        %dma_wait3A_90 = arith.constant 0 : i32
        %dma_wait3A_91 = arith.constant 0 : i32
        %dma_wait3A_92 = tpu.memref_slice %arg3[%dma_wait3A_90, %dma_wait3A_91] : memref<51200x16xf32, #tpu.memory_space<hbm>> -> memref<51200x16xf32, #tpu.memory_space<hbm>>
        tpu.wait_indirect_dma semaphore(%arg28 : memref<!tpu.dma_semaphore, #tpu.memory_space<semaphore_mem>>) src(%dma_wait3A_92 : memref<51200x16xf32, #tpu.memory_space<hbm>>) dst(%arg17 : memref<1024x16xf32, #tpu.memory_space<vmem>>)
        %dma_start3A_93 = arith.constant 0 : i32
        %dma_start3A_94 = arith.constant 0 : i32
        %dma_start3A_95 = tpu.memref_slice %arg14[%dma_start3A_93, %dma_start3A_94] : memref<51200x16xf32, #tpu.memory_space<vmem_shared>> -> memref<51200x16xf32, #tpu.memory_space<vmem_shared>>
        tpu.enqueue_indirect_dma source(%arg17 : memref<1024x16xf32, #tpu.memory_space<vmem>>) target(%dma_start3A_95 : memref<51200x16xf32, #tpu.memory_space<vmem_shared>>) offsets(%arg15 : memref<1024xi32, #tpu.memory_space<vmem>>) semaphore(%arg29 : memref<!tpu.dma_semaphore, #tpu.memory_space<semaphore_mem>>) {add = true}
        %mul3A_96 = arith.constant 2 : i32
        %mul3A_97 = arith.muli %mul3A_96, %scan3A_55 : i32
        %add3A_98 = arith.constant 1 : i32
        %add3A_99 = arith.addi %mul3A_97, %add3A_98 : i32
        %mul3A_100 = arith.constant 1024 : i32
        %mul3A_101 = arith.muli %add3A_99, %mul3A_100 : i32
        %add3A_102 = arith.addi %mul3A_21, %mul3A_101 : i32
        %dma_wait3A_103 = tpu.memref_slice %arg4[%add3A_102] : memref<3212288xi32, #tpu.memory_space<hbm>> -> memref<1024xi32, #tpu.memory_space<hbm>>
        %dma_wait3A_104 = tpu.memref_slice %arg4[%add3A_102] : memref<3212288xi32, #tpu.memory_space<hbm>> -> memref<1024xi32, #tpu.memory_space<hbm>>
        tpu.wait_dma2 semaphore(%arg27 : memref<!tpu.dma_semaphore, #tpu.memory_space<semaphore_mem>>) src(%dma_wait3A_104 : memref<1024xi32, #tpu.memory_space<hbm>>) dst(%arg18 : memref<1024xi32, #tpu.memory_space<vmem>>)
        %mul3A_105 = arith.constant 1024 : i32
        %mul3A_106 = arith.muli %add3A_99, %mul3A_105 : i32
        %add3A_107 = arith.addi %mul3A_21, %mul3A_106 : i32
        %dma_wait3A_108 = tpu.memref_slice %arg5[%add3A_107] : memref<3212288xi32, #tpu.memory_space<hbm>> -> memref<1024xi32, #tpu.memory_space<hbm>>
        %dma_wait3A_109 = tpu.memref_slice %arg5[%add3A_107] : memref<3212288xi32, #tpu.memory_space<hbm>> -> memref<1024xi32, #tpu.memory_space<hbm>>
        tpu.wait_dma2 semaphore(%arg27 : memref<!tpu.dma_semaphore, #tpu.memory_space<semaphore_mem>>) src(%dma_wait3A_109 : memref<1024xi32, #tpu.memory_space<hbm>>) dst(%arg19 : memref<1024xi32, #tpu.memory_space<vmem>>)
        %dma_start3A_110 = arith.constant 0 : i32
        %dma_start3A_111 = arith.constant 0 : i32
        %dma_start3A_112 = tpu.memref_slice %arg3[%dma_start3A_110, %dma_start3A_111] : memref<51200x16xf32, #tpu.memory_space<hbm>> -> memref<51200x16xf32, #tpu.memory_space<hbm>>
        tpu.enqueue_indirect_dma source(%dma_start3A_112 : memref<51200x16xf32, #tpu.memory_space<hbm>>) target(%arg20 : memref<1024x16xf32, #tpu.memory_space<vmem>>) offsets(%arg19 : memref<1024xi32, #tpu.memory_space<vmem>>) semaphore(%arg28 : memref<!tpu.dma_semaphore, #tpu.memory_space<semaphore_mem>>)
        %dma_wait3A_113 = arith.constant 0 : i32
        %dma_wait3A_114 = arith.constant 0 : i32
        %dma_wait3A_115 = tpu.memref_slice %arg14[%dma_wait3A_113, %dma_wait3A_114] : memref<51200x16xf32, #tpu.memory_space<vmem_shared>> -> memref<51200x16xf32, #tpu.memory_space<vmem_shared>>
        tpu.wait_indirect_dma semaphore(%arg29 : memref<!tpu.dma_semaphore, #tpu.memory_space<semaphore_mem>>) src(%arg17 : memref<1024x16xf32, #tpu.memory_space<vmem>>) dst(%dma_wait3A_115 : memref<51200x16xf32, #tpu.memory_space<vmem_shared>>)
        %add3A_116 = arith.constant 1 : i32
        %add3A_117 = arith.addi %add3A_99, %add3A_116 : i32
        %mul3A_118 = arith.constant 1024 : i32
        %mul3A_119 = arith.muli %add3A_117, %mul3A_118 : i32
        %add3A_120 = arith.addi %mul3A_21, %mul3A_119 : i32
        %dma_start3A_121 = tpu.memref_slice %arg4[%add3A_120] : memref<3212288xi32, #tpu.memory_space<hbm>> -> memref<1024xi32, #tpu.memory_space<hbm>>
        %dma_start3A_122 = tpu.memref_slice %arg4[%add3A_120] : memref<3212288xi32, #tpu.memory_space<hbm>> -> memref<1024xi32, #tpu.memory_space<hbm>>
        tpu.enqueue_dma source(%dma_start3A_122 : memref<1024xi32, #tpu.memory_space<hbm>>) target(%arg15 : memref<1024xi32, #tpu.memory_space<vmem>>) target_semaphore(%arg27 : memref<!tpu.dma_semaphore, #tpu.memory_space<semaphore_mem>>)
        %mul3A_123 = arith.constant 1024 : i32
        %mul3A_124 = arith.muli %add3A_117, %mul3A_123 : i32
        %add3A_125 = arith.addi %mul3A_21, %mul3A_124 : i32
        %dma_start3A_126 = tpu.memref_slice %arg5[%add3A_125] : memref<3212288xi32, #tpu.memory_space<hbm>> -> memref<1024xi32, #tpu.memory_space<hbm>>
        %dma_start3A_127 = tpu.memref_slice %arg5[%add3A_125] : memref<3212288xi32, #tpu.memory_space<hbm>> -> memref<1024xi32, #tpu.memory_space<hbm>>
        tpu.enqueue_dma source(%dma_start3A_127 : memref<1024xi32, #tpu.memory_space<hbm>>) target(%arg16 : memref<1024xi32, #tpu.memory_space<vmem>>) target_semaphore(%arg27 : memref<!tpu.dma_semaphore, #tpu.memory_space<semaphore_mem>>)
        %dma_wait3A_128 = arith.constant 0 : i32
        %dma_wait3A_129 = arith.constant 0 : i32
        %dma_wait3A_130 = tpu.memref_slice %arg3[%dma_wait3A_128, %dma_wait3A_129] : memref<51200x16xf32, #tpu.memory_space<hbm>> -> memref<51200x16xf32, #tpu.memory_space<hbm>>
        tpu.wait_indirect_dma semaphore(%arg28 : memref<!tpu.dma_semaphore, #tpu.memory_space<semaphore_mem>>) src(%dma_wait3A_130 : memref<51200x16xf32, #tpu.memory_space<hbm>>) dst(%arg20 : memref<1024x16xf32, #tpu.memory_space<vmem>>)
        %dma_start3A_131 = arith.constant 0 : i32
        %dma_start3A_132 = arith.constant 0 : i32
        %dma_start3A_133 = tpu.memref_slice %arg14[%dma_start3A_131, %dma_start3A_132] : memref<51200x16xf32, #tpu.memory_space<vmem_shared>> -> memref<51200x16xf32, #tpu.memory_space<vmem_shared>>
        tpu.enqueue_indirect_dma source(%arg20 : memref<1024x16xf32, #tpu.memory_space<vmem>>) target(%dma_start3A_133 : memref<51200x16xf32, #tpu.memory_space<vmem_shared>>) offsets(%arg18 : memref<1024xi32, #tpu.memory_space<vmem>>) semaphore(%arg29 : memref<!tpu.dma_semaphore, #tpu.memory_space<semaphore_mem>>) {add = true}
        %scan3A_134 = arith.constant 0 : i32
        scf.yield %scan3A_134 : i32
      }
      %scan3A_34 = arith.constant 98 : i32
      %dma_wait3A = arith.constant 0 : i32
      %dma_wait3A_35 = arith.constant 0 : i32
      %dma_wait3A_36 = tpu.memref_slice %arg14[%dma_wait3A, %dma_wait3A_35] : memref<51200x16xf32, #tpu.memory_space<vmem_shared>> -> memref<51200x16xf32, #tpu.memory_space<vmem_shared>>
      tpu.wait_indirect_dma semaphore(%arg29 : memref<!tpu.dma_semaphore, #tpu.memory_space<semaphore_mem>>) src(%arg20 : memref<1024x16xf32, #tpu.memory_space<vmem>>) dst(%dma_wait3A_36 : memref<51200x16xf32, #tpu.memory_space<vmem_shared>>)
      %add3A_37 = arith.constant 200704 : i32
      %add3A_38 = arith.addi %mul3A_21, %add3A_37 : i32
      %dma_wait3A_39 = tpu.memref_slice %arg4[%add3A_38] : memref<3212288xi32, #tpu.memory_space<hbm>> -> memref<1024xi32, #tpu.memory_space<hbm>>
      %dma_wait3A_40 = tpu.memref_slice %arg4[%add3A_38] : memref<3212288xi32, #tpu.memory_space<hbm>> -> memref<1024xi32, #tpu.memory_space<hbm>>
      tpu.wait_dma2 semaphore(%arg27 : memref<!tpu.dma_semaphore, #tpu.memory_space<semaphore_mem>>) src(%dma_wait3A_40 : memref<1024xi32, #tpu.memory_space<hbm>>) dst(%arg15 : memref<1024xi32, #tpu.memory_space<vmem>>)
      %add3A_41 = arith.constant 200704 : i32
      %add3A_42 = arith.addi %mul3A_21, %add3A_41 : i32
      %dma_wait3A_43 = tpu.memref_slice %arg5[%add3A_42] : memref<3212288xi32, #tpu.memory_space<hbm>> -> memref<1024xi32, #tpu.memory_space<hbm>>
      %dma_wait3A_44 = tpu.memref_slice %arg5[%add3A_42] : memref<3212288xi32, #tpu.memory_space<hbm>> -> memref<1024xi32, #tpu.memory_space<hbm>>
      tpu.wait_dma2 semaphore(%arg27 : memref<!tpu.dma_semaphore, #tpu.memory_space<semaphore_mem>>) src(%dma_wait3A_44 : memref<1024xi32, #tpu.memory_space<hbm>>) dst(%arg16 : memref<1024xi32, #tpu.memory_space<vmem>>)
      %barrier3A_45 = arith.constant 0 : index
      tpu.barrier barrier_id(%barrier3A_45)
      %mul3A_46 = arith.constant 3200 : i32
      %mul3A_47 = arith.muli %arg1, %mul3A_46 : i32
      "tpu.region"() ({
        %run_scoped3A = tpu.sem_alloc : memref<!tpu.dma_semaphore, #tpu.memory_space<semaphore_mem>>
        %dma_start3A_55 = tpu.memref_slice %arg6[%mul3A_47] : memref<51200xf32, #tpu.memory_space<hbm>> -> memref<3200xf32, #tpu.memory_space<hbm>>
        %dma_start3A_56 = tpu.memref_slice %arg6[%mul3A_47] : memref<51200xf32, #tpu.memory_space<hbm>> -> memref<3200xf32, #tpu.memory_space<hbm>>
        tpu.enqueue_dma source(%dma_start3A_56 : memref<3200xf32, #tpu.memory_space<hbm>>) target(%arg25 : memref<3200xf32, #tpu.memory_space<vmem>>) target_semaphore(%run_scoped3A : memref<!tpu.dma_semaphore, #tpu.memory_space<semaphore_mem>>)
        %dma_wait3A_57 = tpu.memref_slice %arg6[%mul3A_47] : memref<51200xf32, #tpu.memory_space<hbm>> -> memref<3200xf32, #tpu.memory_space<hbm>>
        %dma_wait3A_58 = tpu.memref_slice %arg6[%mul3A_47] : memref<51200xf32, #tpu.memory_space<hbm>> -> memref<3200xf32, #tpu.memory_space<hbm>>
        tpu.wait_dma2 semaphore(%run_scoped3A : memref<!tpu.dma_semaphore, #tpu.memory_space<semaphore_mem>>) src(%dma_wait3A_58 : memref<3200xf32, #tpu.memory_space<hbm>>) dst(%arg25 : memref<3200xf32, #tpu.memory_space<vmem>>)
        tpu.yield
      }) : () -> ()
      %scan3A_48 = arith.constant 0 : i32
      %scan3A_49 = arith.constant 0 : i32
      %scan3A_50 = arith.constant 10 : i32
      %scan3A_51 = arith.addi %scan3A_49, %scan3A_50 : i32
      %scan3A_52 = arith.constant 1 : i32
      %scan3A_53 = scf.for %scan3A_55 = %scan3A_49 to %scan3A_51 step %scan3A_52 iter_args(%scan3A_56 = %scan3A_48) -> (i32)  : i32 {
        %mul3A_57 = arith.constant 3200 : i32
        %mul3A_58 = arith.muli %arg1, %mul3A_57 : i32
        %mul3A_59 = arith.constant 320 : i32
        %mul3A_60 = arith.muli %scan3A_55, %mul3A_59 : i32
        %add3A_61 = arith.addi %mul3A_58, %mul3A_60 : i32
        "tpu.region"() ({
          %run_scoped3A = tpu.sem_alloc : memref<!tpu.dma_semaphore, #tpu.memory_space<semaphore_mem>>
          %dma_start3A_70 = arith.constant 0 : i32
          %dma_start3A_71 = tpu.memref_slice %arg14[%add3A_61, %dma_start3A_70] : memref<51200x16xf32, #tpu.memory_space<vmem_shared>> -> memref<320x16xf32, #tpu.memory_space<vmem_shared>>
          %dma_start3A_72 = arith.constant 0 : i32
          %dma_start3A_73 = tpu.memref_slice %arg14[%add3A_61, %dma_start3A_72] : memref<51200x16xf32, #tpu.memory_space<vmem_shared>> -> memref<320x16xf32, #tpu.memory_space<vmem_shared>>
          tpu.enqueue_dma source(%dma_start3A_73 : memref<320x16xf32, #tpu.memory_space<vmem_shared>>) target(%arg21 : memref<320x16xf32, #tpu.memory_space<vmem>>) target_semaphore(%run_scoped3A : memref<!tpu.dma_semaphore, #tpu.memory_space<semaphore_mem>>)
          %dma_wait3A_74 = arith.constant 0 : i32
          %dma_wait3A_75 = tpu.memref_slice %arg14[%add3A_61, %dma_wait3A_74] : memref<51200x16xf32, #tpu.memory_space<vmem_shared>> -> memref<320x16xf32, #tpu.memory_space<vmem_shared>>
          %dma_wait3A_76 = arith.constant 0 : i32
          %dma_wait3A_77 = tpu.memref_slice %arg14[%add3A_61, %dma_wait3A_76] : memref<51200x16xf32, #tpu.memory_space<vmem_shared>> -> memref<320x16xf32, #tpu.memory_space<vmem_shared>>
          tpu.wait_dma2 semaphore(%run_scoped3A : memref<!tpu.dma_semaphore, #tpu.memory_space<semaphore_mem>>) src(%dma_wait3A_77 : memref<320x16xf32, #tpu.memory_space<vmem_shared>>) dst(%arg21 : memref<320x16xf32, #tpu.memory_space<vmem>>)
          tpu.yield
        }) : () -> ()
        "tpu.region"() ({
          %run_scoped3A = tpu.sem_alloc : memref<!tpu.dma_semaphore, #tpu.memory_space<semaphore_mem>>
          %dma_start3A_70 = arith.constant 0 : i32
          %dma_start3A_71 = tpu.memref_slice %arg8[%add3A_61, %dma_start3A_70] : memref<51200x16xf32, #tpu.memory_space<hbm>> -> memref<320x16xf32, #tpu.memory_space<hbm>>
          %dma_start3A_72 = arith.constant 0 : i32
          %dma_start3A_73 = tpu.memref_slice %arg8[%add3A_61, %dma_start3A_72] : memref<51200x16xf32, #tpu.memory_space<hbm>> -> memref<320x16xf32, #tpu.memory_space<hbm>>
          tpu.enqueue_dma source(%dma_start3A_73 : memref<320x16xf32, #tpu.memory_space<hbm>>) target(%arg22 : memref<320x16xf32, #tpu.memory_space<vmem>>) target_semaphore(%run_scoped3A : memref<!tpu.dma_semaphore, #tpu.memory_space<semaphore_mem>>)
          %dma_wait3A_74 = arith.constant 0 : i32
          %dma_wait3A_75 = tpu.memref_slice %arg8[%add3A_61, %dma_wait3A_74] : memref<51200x16xf32, #tpu.memory_space<hbm>> -> memref<320x16xf32, #tpu.memory_space<hbm>>
          %dma_wait3A_76 = arith.constant 0 : i32
          %dma_wait3A_77 = tpu.memref_slice %arg8[%add3A_61, %dma_wait3A_76] : memref<51200x16xf32, #tpu.memory_space<hbm>> -> memref<320x16xf32, #tpu.memory_space<hbm>>
          tpu.wait_dma2 semaphore(%run_scoped3A : memref<!tpu.dma_semaphore, #tpu.memory_space<semaphore_mem>>) src(%dma_wait3A_77 : memref<320x16xf32, #tpu.memory_space<hbm>>) dst(%arg22 : memref<320x16xf32, #tpu.memory_space<vmem>>)
          tpu.yield
        }) : () -> ()
        %scan3A_62 = arith.constant 0 : i32
        %scan3A_63 = arith.constant 0 : i32
        %scan3A_64 = arith.constant 320 : i32
        %scan3A_65 = arith.addi %scan3A_63, %scan3A_64 : i32
        %scan3A_66 = arith.constant 1 : i32
        %scan3A_67 = scf.for %scan3A_70 = %scan3A_63 to %scan3A_65 step %scan3A_66 iter_args(%scan3A_71 = %scan3A_62) -> (i32)  : i32 {
          %mul3A_72 = arith.constant 320 : i32
          %mul3A_73 = arith.muli %scan3A_55, %mul3A_72 : i32
          %add3A_74 = arith.addi %mul3A_73, %scan3A_70 : i32
          %broadcast_in_dim3A_75 = vector.broadcast %add3A_74 : i32 to vector<16xi32>
          %get3A = arith.index_cast %scan3A_70 : i32 to index
          %get3A_76 = arith.constant 0 : index
          %get3A_77 = tpu.vector_load %arg21[%get3A, %get3A_76] {strides = array<i32>} : memref<320x16xf32, #tpu.memory_space<vmem>>, vector<16xf32>,
          %gather3A = tpu.vector_load_idx %arg25[%broadcast_in_dim3A_75] : memref<3200xf32, #tpu.memory_space<vmem>>[vector<16xi32>], vector<16xf32>,
          %mul3A_78 = arith.mulf %get3A_77, %gather3A : vector<16xf32>
          %get3A_79 = arith.index_cast %scan3A_70 : i32 to index
          %get3A_80 = arith.constant 0 : index
          %get3A_81 = tpu.vector_load %arg22[%get3A_79, %get3A_80] {strides = array<i32>} : memref<320x16xf32, #tpu.memory_space<vmem>>, vector<16xf32>,
          %add3A_82 = arith.addf %get3A_81, %mul3A_78 : vector<16xf32>
          %swap3A = arith.index_cast %scan3A_70 : i32 to index
          %swap3A_83 = arith.constant 0 : index
          %swap3A_84 = tpu.vector_load %arg23[%swap3A, %swap3A_83] {strides = array<i32>} : memref<320x16xf32, #tpu.memory_space<vmem>>, vector<16xf32>,
          tpu.vector_store %arg23[%swap3A, %swap3A_83], %mul3A_78 {strides = array<i32>} : memref<320x16xf32, #tpu.memory_space<vmem>>, vector<16xf32>,
          %swap3A_85 = arith.index_cast %scan3A_70 : i32 to index
          %swap3A_86 = arith.constant 0 : index
          %swap3A_87 = tpu.vector_load %arg24[%swap3A_85, %swap3A_86] {strides = array<i32>} : memref<320x16xf32, #tpu.memory_space<vmem>>, vector<16xf32>,
          tpu.vector_store %arg24[%swap3A_85, %swap3A_86], %add3A_82 {strides = array<i32>} : memref<320x16xf32, #tpu.memory_space<vmem>>, vector<16xf32>,
          %scan3A_88 = arith.constant 0 : i32
          scf.yield %scan3A_88 : i32
        }
        %scan3A_68 = arith.constant 320 : i32
        "tpu.region"() ({
          %run_scoped3A = tpu.sem_alloc : memref<!tpu.dma_semaphore, #tpu.memory_space<semaphore_mem>>
          %dma_start3A_70 = arith.constant 0 : i32
          %dma_start3A_71 = tpu.memref_slice %arg10[%add3A_61, %dma_start3A_70] : memref<51200x16xf32, #tpu.memory_space<hbm>> -> memref<320x16xf32, #tpu.memory_space<hbm>>
          %dma_start3A_72 = arith.constant 0 : i32
          %dma_start3A_73 = tpu.memref_slice %arg10[%add3A_61, %dma_start3A_72] : memref<51200x16xf32, #tpu.memory_space<hbm>> -> memref<320x16xf32, #tpu.memory_space<hbm>>
          tpu.enqueue_dma source(%arg23 : memref<320x16xf32, #tpu.memory_space<vmem>>) target(%dma_start3A_73 : memref<320x16xf32, #tpu.memory_space<hbm>>) target_semaphore(%run_scoped3A : memref<!tpu.dma_semaphore, #tpu.memory_space<semaphore_mem>>)
          %dma_wait3A_74 = arith.constant 0 : i32
          %dma_wait3A_75 = tpu.memref_slice %arg10[%add3A_61, %dma_wait3A_74] : memref<51200x16xf32, #tpu.memory_space<hbm>> -> memref<320x16xf32, #tpu.memory_space<hbm>>
          %dma_wait3A_76 = arith.constant 0 : i32
          %dma_wait3A_77 = tpu.memref_slice %arg10[%add3A_61, %dma_wait3A_76] : memref<51200x16xf32, #tpu.memory_space<hbm>> -> memref<320x16xf32, #tpu.memory_space<hbm>>
          tpu.wait_dma2 semaphore(%run_scoped3A : memref<!tpu.dma_semaphore, #tpu.memory_space<semaphore_mem>>) src(%arg23 : memref<320x16xf32, #tpu.memory_space<vmem>>) dst(%dma_wait3A_77 : memref<320x16xf32, #tpu.memory_space<hbm>>)
          tpu.yield
        }) : () -> ()
        "tpu.region"() ({
          %run_scoped3A = tpu.sem_alloc : memref<!tpu.dma_semaphore, #tpu.memory_space<semaphore_mem>>
          %dma_start3A_70 = arith.constant 0 : i32
          %dma_start3A_71 = tpu.memref_slice %arg12[%add3A_61, %dma_start3A_70] : memref<51200x16xf32, #tpu.memory_space<hbm>> -> memref<320x16xf32, #tpu.memory_space<hbm>>
          %dma_start3A_72 = arith.constant 0 : i32
          %dma_start3A_73 = tpu.memref_slice %arg12[%add3A_61, %dma_start3A_72] : memref<51200x16xf32, #tpu.memory_space<hbm>> -> memref<320x16xf32, #tpu.memory_space<hbm>>
          tpu.enqueue_dma source(%arg24 : memref<320x16xf32, #tpu.memory_space<vmem>>) target(%dma_start3A_73 : memref<320x16xf32, #tpu.memory_space<hbm>>) target_semaphore(%run_scoped3A : memref<!tpu.dma_semaphore, #tpu.memory_space<semaphore_mem>>)
          %dma_wait3A_74 = arith.constant 0 : i32
          %dma_wait3A_75 = tpu.memref_slice %arg12[%add3A_61, %dma_wait3A_74] : memref<51200x16xf32, #tpu.memory_space<hbm>> -> memref<320x16xf32, #tpu.memory_space<hbm>>
          %dma_wait3A_76 = arith.constant 0 : i32
          %dma_wait3A_77 = tpu.memref_slice %arg12[%add3A_61, %dma_wait3A_76] : memref<51200x16xf32, #tpu.memory_space<hbm>> -> memref<320x16xf32, #tpu.memory_space<hbm>>
          tpu.wait_dma2 semaphore(%run_scoped3A : memref<!tpu.dma_semaphore, #tpu.memory_space<semaphore_mem>>) src(%arg24 : memref<320x16xf32, #tpu.memory_space<vmem>>) dst(%dma_wait3A_77 : memref<320x16xf32, #tpu.memory_space<hbm>>)
          tpu.yield
        }) : () -> ()
        %scan3A_69 = arith.constant 0 : i32
        scf.yield %scan3A_69 : i32
      }
      %scan3A_54 = arith.constant 10 : i32
    } else {
    }
    %eq3A_2 = arith.constant 1 : i32
    %eq3A_3 = arith.cmpi eq, %arg0, %eq3A_2 : i32
    %convert_element_type3A_4 = arith.extui %eq3A_3 : i1 to i32
    %cond3A_5 = arith.constant 0 : i32
    %cond3A_6 = arith.cmpi ne, %convert_element_type3A_4, %cond3A_5 : i32
    scf.if %cond3A_6 {
      %broadcast_in_dim3A = arith.constant 0.000000e+00 : f32
      %broadcast_in_dim3A_7 = vector.broadcast %broadcast_in_dim3A : f32 to vector<16xf32>
      %scan3A = arith.constant 0 : i32
      %scan3A_8 = arith.constant 0 : i32
      %scan3A_9 = arith.constant 320 : i32
      %scan3A_10 = arith.addi %scan3A_8, %scan3A_9 : i32
      %scan3A_11 = arith.constant 1 : i32
      %scan3A_12 = scf.for %scan3A_55 = %scan3A_8 to %scan3A_10 step %scan3A_11 iter_args(%scan3A_56 = %scan3A) -> (i32)  : i32 {
        %swap3A = arith.index_cast %scan3A_55 : i32 to index
        %swap3A_57 = arith.constant 0 : index
        %swap3A_58 = tpu.vector_load %arg24[%swap3A, %swap3A_57] {strides = array<i32>} : memref<320x16xf32, #tpu.memory_space<vmem>>, vector<16xf32>,
        tpu.vector_store %arg24[%swap3A, %swap3A_57], %broadcast_in_dim3A_7 {strides = array<i32>} : memref<320x16xf32, #tpu.memory_space<vmem>>, vector<16xf32>,
        %scan3A_59 = arith.constant 0 : i32
        scf.yield %scan3A_59 : i32
      }
      %scan3A_13 = arith.constant 320 : i32
      %scan3A_14 = arith.constant 0 : i32
      %scan3A_15 = arith.constant 0 : i32
      %scan3A_16 = arith.constant 10 : i32
      %scan3A_17 = arith.addi %scan3A_15, %scan3A_16 : i32
      %scan3A_18 = arith.constant 1 : i32
      %scan3A_19 = scf.for %scan3A_55 = %scan3A_15 to %scan3A_17 step %scan3A_18 iter_args(%scan3A_56 = %scan3A_14) -> (i32)  : i32 {
        %mul3A_57 = arith.constant 3200 : i32
        %mul3A_58 = arith.muli %arg1, %mul3A_57 : i32
        %mul3A_59 = arith.constant 320 : i32
        %mul3A_60 = arith.muli %scan3A_55, %mul3A_59 : i32
        %add3A_61 = arith.addi %mul3A_58, %mul3A_60 : i32
        "tpu.region"() ({
          %run_scoped3A = tpu.sem_alloc : memref<!tpu.dma_semaphore, #tpu.memory_space<semaphore_mem>>
          %dma_start3A_63 = arith.constant 0 : i32
          %dma_start3A_64 = tpu.memref_slice %arg14[%add3A_61, %dma_start3A_63] : memref<51200x16xf32, #tpu.memory_space<vmem_shared>> -> memref<320x16xf32, #tpu.memory_space<vmem_shared>>
          %dma_start3A_65 = arith.constant 0 : i32
          %dma_start3A_66 = tpu.memref_slice %arg14[%add3A_61, %dma_start3A_65] : memref<51200x16xf32, #tpu.memory_space<vmem_shared>> -> memref<320x16xf32, #tpu.memory_space<vmem_shared>>
          tpu.enqueue_dma source(%arg24 : memref<320x16xf32, #tpu.memory_space<vmem>>) target(%dma_start3A_66 : memref<320x16xf32, #tpu.memory_space<vmem_shared>>) target_semaphore(%run_scoped3A : memref<!tpu.dma_semaphore, #tpu.memory_space<semaphore_mem>>)
          %dma_wait3A_67 = arith.constant 0 : i32
          %dma_wait3A_68 = tpu.memref_slice %arg14[%add3A_61, %dma_wait3A_67] : memref<51200x16xf32, #tpu.memory_space<vmem_shared>> -> memref<320x16xf32, #tpu.memory_space<vmem_shared>>
          %dma_wait3A_69 = arith.constant 0 : i32
          %dma_wait3A_70 = tpu.memref_slice %arg14[%add3A_61, %dma_wait3A_69] : memref<51200x16xf32, #tpu.memory_space<vmem_shared>> -> memref<320x16xf32, #tpu.memory_space<vmem_shared>>
          tpu.wait_dma2 semaphore(%run_scoped3A : memref<!tpu.dma_semaphore, #tpu.memory_space<semaphore_mem>>) src(%arg24 : memref<320x16xf32, #tpu.memory_space<vmem>>) dst(%dma_wait3A_70 : memref<320x16xf32, #tpu.memory_space<vmem_shared>>)
          tpu.yield
        }) : () -> ()
        %scan3A_62 = arith.constant 0 : i32
        scf.yield %scan3A_62 : i32
      }
      %scan3A_20 = arith.constant 10 : i32
      %barrier3A = arith.constant 0 : index
      tpu.barrier barrier_id(%barrier3A)
      %mul3A = arith.constant 200704 : i32
      %mul3A_21 = arith.muli %arg1, %mul3A : i32
      %add3A = arith.constant 0 : i32
      %add3A_22 = arith.addi %mul3A_21, %add3A : i32
      %dma_start3A = tpu.memref_slice %arg5[%add3A_22] : memref<3212288xi32, #tpu.memory_space<hbm>> -> memref<1024xi32, #tpu.memory_space<hbm>>
      %dma_start3A_23 = tpu.memref_slice %arg5[%add3A_22] : memref<3212288xi32, #tpu.memory_space<hbm>> -> memref<1024xi32, #tpu.memory_space<hbm>>
      tpu.enqueue_dma source(%dma_start3A_23 : memref<1024xi32, #tpu.memory_space<hbm>>) target(%arg15 : memref<1024xi32, #tpu.memory_space<vmem>>) target_semaphore(%arg27 : memref<!tpu.dma_semaphore, #tpu.memory_space<semaphore_mem>>)
      %add3A_24 = arith.constant 0 : i32
      %add3A_25 = arith.addi %mul3A_21, %add3A_24 : i32
      %dma_start3A_26 = tpu.memref_slice %arg4[%add3A_25] : memref<3212288xi32, #tpu.memory_space<hbm>> -> memref<1024xi32, #tpu.memory_space<hbm>>
      %dma_start3A_27 = tpu.memref_slice %arg4[%add3A_25] : memref<3212288xi32, #tpu.memory_space<hbm>> -> memref<1024xi32, #tpu.memory_space<hbm>>
      tpu.enqueue_dma source(%dma_start3A_27 : memref<1024xi32, #tpu.memory_space<hbm>>) target(%arg16 : memref<1024xi32, #tpu.memory_space<vmem>>) target_semaphore(%arg27 : memref<!tpu.dma_semaphore, #tpu.memory_space<semaphore_mem>>)
      %scan3A_28 = arith.constant 0 : i32
      %scan3A_29 = arith.constant 0 : i32
      %scan3A_30 = arith.constant 98 : i32
      %scan3A_31 = arith.addi %scan3A_29, %scan3A_30 : i32
      %scan3A_32 = arith.constant 1 : i32
      %scan3A_33 = scf.for %scan3A_55 = %scan3A_29 to %scan3A_31 step %scan3A_32 iter_args(%scan3A_56 = %scan3A_28) -> (i32)  : i32 {
        %mul3A_57 = arith.constant 2 : i32
        %mul3A_58 = arith.muli %mul3A_57, %scan3A_55 : i32
        %add3A_59 = arith.constant 0 : i32
        %add3A_60 = arith.addi %mul3A_58, %add3A_59 : i32
        %mul3A_61 = arith.constant 1024 : i32
        %mul3A_62 = arith.muli %add3A_60, %mul3A_61 : i32
        %add3A_63 = arith.addi %mul3A_21, %mul3A_62 : i32
        %dma_wait3A_64 = tpu.memref_slice %arg5[%add3A_63] : memref<3212288xi32, #tpu.memory_space<hbm>> -> memref<1024xi32, #tpu.memory_space<hbm>>
        %dma_wait3A_65 = tpu.memref_slice %arg5[%add3A_63] : memref<3212288xi32, #tpu.memory_space<hbm>> -> memref<1024xi32, #tpu.memory_space<hbm>>
        tpu.wait_dma2 semaphore(%arg27 : memref<!tpu.dma_semaphore, #tpu.memory_space<semaphore_mem>>) src(%dma_wait3A_65 : memref<1024xi32, #tpu.memory_space<hbm>>) dst(%arg15 : memref<1024xi32, #tpu.memory_space<vmem>>)
        %mul3A_66 = arith.constant 1024 : i32
        %mul3A_67 = arith.muli %add3A_60, %mul3A_66 : i32
        %add3A_68 = arith.addi %mul3A_21, %mul3A_67 : i32
        %dma_wait3A_69 = tpu.memref_slice %arg4[%add3A_68] : memref<3212288xi32, #tpu.memory_space<hbm>> -> memref<1024xi32, #tpu.memory_space<hbm>>
        %dma_wait3A_70 = tpu.memref_slice %arg4[%add3A_68] : memref<3212288xi32, #tpu.memory_space<hbm>> -> memref<1024xi32, #tpu.memory_space<hbm>>
        tpu.wait_dma2 semaphore(%arg27 : memref<!tpu.dma_semaphore, #tpu.memory_space<semaphore_mem>>) src(%dma_wait3A_70 : memref<1024xi32, #tpu.memory_space<hbm>>) dst(%arg16 : memref<1024xi32, #tpu.memory_space<vmem>>)
        %dma_start3A_71 = arith.constant 0 : i32
        %dma_start3A_72 = arith.constant 0 : i32
        %dma_start3A_73 = tpu.memref_slice %arg2[%dma_start3A_71, %dma_start3A_72] : memref<51200x16xf32, #tpu.memory_space<hbm>> -> memref<51200x16xf32, #tpu.memory_space<hbm>>
        tpu.enqueue_indirect_dma source(%dma_start3A_73 : memref<51200x16xf32, #tpu.memory_space<hbm>>) target(%arg17 : memref<1024x16xf32, #tpu.memory_space<vmem>>) offsets(%arg16 : memref<1024xi32, #tpu.memory_space<vmem>>) semaphore(%arg28 : memref<!tpu.dma_semaphore, #tpu.memory_space<semaphore_mem>>)
        %gt3A = arith.constant 0 : i32
        %gt3A_74 = arith.cmpi sgt, %scan3A_55, %gt3A : i32
        %convert_element_type3A_75 = arith.extui %gt3A_74 : i1 to i32
        %cond3A_76 = arith.constant 0 : i32
        %cond3A_77 = arith.cmpi ne, %convert_element_type3A_75, %cond3A_76 : i32
        scf.if %cond3A_77 {
          %dma_wait3A_135 = arith.constant 0 : i32
          %dma_wait3A_136 = arith.constant 0 : i32
          %dma_wait3A_137 = tpu.memref_slice %arg14[%dma_wait3A_135, %dma_wait3A_136] : memref<51200x16xf32, #tpu.memory_space<vmem_shared>> -> memref<51200x16xf32, #tpu.memory_space<vmem_shared>>
          tpu.wait_indirect_dma semaphore(%arg29 : memref<!tpu.dma_semaphore, #tpu.memory_space<semaphore_mem>>) src(%arg20 : memref<1024x16xf32, #tpu.memory_space<vmem>>) dst(%dma_wait3A_137 : memref<51200x16xf32, #tpu.memory_space<vmem_shared>>)
        } else {
        }
        %add3A_78 = arith.constant 1 : i32
        %add3A_79 = arith.addi %add3A_60, %add3A_78 : i32
        %mul3A_80 = arith.constant 1024 : i32
        %mul3A_81 = arith.muli %add3A_79, %mul3A_80 : i32
        %add3A_82 = arith.addi %mul3A_21, %mul3A_81 : i32
        %dma_start3A_83 = tpu.memref_slice %arg5[%add3A_82] : memref<3212288xi32, #tpu.memory_space<hbm>> -> memref<1024xi32, #tpu.memory_space<hbm>>
        %dma_start3A_84 = tpu.memref_slice %arg5[%add3A_82] : memref<3212288xi32, #tpu.memory_space<hbm>> -> memref<1024xi32, #tpu.memory_space<hbm>>
        tpu.enqueue_dma source(%dma_start3A_84 : memref<1024xi32, #tpu.memory_space<hbm>>) target(%arg18 : memref<1024xi32, #tpu.memory_space<vmem>>) target_semaphore(%arg27 : memref<!tpu.dma_semaphore, #tpu.memory_space<semaphore_mem>>)
        %mul3A_85 = arith.constant 1024 : i32
        %mul3A_86 = arith.muli %add3A_79, %mul3A_85 : i32
        %add3A_87 = arith.addi %mul3A_21, %mul3A_86 : i32
        %dma_start3A_88 = tpu.memref_slice %arg4[%add3A_87] : memref<3212288xi32, #tpu.memory_space<hbm>> -> memref<1024xi32, #tpu.memory_space<hbm>>
        %dma_start3A_89 = tpu.memref_slice %arg4[%add3A_87] : memref<3212288xi32, #tpu.memory_space<hbm>> -> memref<1024xi32, #tpu.memory_space<hbm>>
        tpu.enqueue_dma source(%dma_start3A_89 : memref<1024xi32, #tpu.memory_space<hbm>>) target(%arg19 : memref<1024xi32, #tpu.memory_space<vmem>>) target_semaphore(%arg27 : memref<!tpu.dma_semaphore, #tpu.memory_space<semaphore_mem>>)
        %dma_wait3A_90 = arith.constant 0 : i32
        %dma_wait3A_91 = arith.constant 0 : i32
        %dma_wait3A_92 = tpu.memref_slice %arg2[%dma_wait3A_90, %dma_wait3A_91] : memref<51200x16xf32, #tpu.memory_space<hbm>> -> memref<51200x16xf32, #tpu.memory_space<hbm>>
        tpu.wait_indirect_dma semaphore(%arg28 : memref<!tpu.dma_semaphore, #tpu.memory_space<semaphore_mem>>) src(%dma_wait3A_92 : memref<51200x16xf32, #tpu.memory_space<hbm>>) dst(%arg17 : memref<1024x16xf32, #tpu.memory_space<vmem>>)
        %dma_start3A_93 = arith.constant 0 : i32
        %dma_start3A_94 = arith.constant 0 : i32
        %dma_start3A_95 = tpu.memref_slice %arg14[%dma_start3A_93, %dma_start3A_94] : memref<51200x16xf32, #tpu.memory_space<vmem_shared>> -> memref<51200x16xf32, #tpu.memory_space<vmem_shared>>
        tpu.enqueue_indirect_dma source(%arg17 : memref<1024x16xf32, #tpu.memory_space<vmem>>) target(%dma_start3A_95 : memref<51200x16xf32, #tpu.memory_space<vmem_shared>>) offsets(%arg15 : memref<1024xi32, #tpu.memory_space<vmem>>) semaphore(%arg29 : memref<!tpu.dma_semaphore, #tpu.memory_space<semaphore_mem>>) {add = true}
        %mul3A_96 = arith.constant 2 : i32
        %mul3A_97 = arith.muli %mul3A_96, %scan3A_55 : i32
        %add3A_98 = arith.constant 1 : i32
        %add3A_99 = arith.addi %mul3A_97, %add3A_98 : i32
        %mul3A_100 = arith.constant 1024 : i32
        %mul3A_101 = arith.muli %add3A_99, %mul3A_100 : i32
        %add3A_102 = arith.addi %mul3A_21, %mul3A_101 : i32
        %dma_wait3A_103 = tpu.memref_slice %arg5[%add3A_102] : memref<3212288xi32, #tpu.memory_space<hbm>> -> memref<1024xi32, #tpu.memory_space<hbm>>
        %dma_wait3A_104 = tpu.memref_slice %arg5[%add3A_102] : memref<3212288xi32, #tpu.memory_space<hbm>> -> memref<1024xi32, #tpu.memory_space<hbm>>
        tpu.wait_dma2 semaphore(%arg27 : memref<!tpu.dma_semaphore, #tpu.memory_space<semaphore_mem>>) src(%dma_wait3A_104 : memref<1024xi32, #tpu.memory_space<hbm>>) dst(%arg18 : memref<1024xi32, #tpu.memory_space<vmem>>)
        %mul3A_105 = arith.constant 1024 : i32
        %mul3A_106 = arith.muli %add3A_99, %mul3A_105 : i32
        %add3A_107 = arith.addi %mul3A_21, %mul3A_106 : i32
        %dma_wait3A_108 = tpu.memref_slice %arg4[%add3A_107] : memref<3212288xi32, #tpu.memory_space<hbm>> -> memref<1024xi32, #tpu.memory_space<hbm>>
        %dma_wait3A_109 = tpu.memref_slice %arg4[%add3A_107] : memref<3212288xi32, #tpu.memory_space<hbm>> -> memref<1024xi32, #tpu.memory_space<hbm>>
        tpu.wait_dma2 semaphore(%arg27 : memref<!tpu.dma_semaphore, #tpu.memory_space<semaphore_mem>>) src(%dma_wait3A_109 : memref<1024xi32, #tpu.memory_space<hbm>>) dst(%arg19 : memref<1024xi32, #tpu.memory_space<vmem>>)
        %dma_start3A_110 = arith.constant 0 : i32
        %dma_start3A_111 = arith.constant 0 : i32
        %dma_start3A_112 = tpu.memref_slice %arg2[%dma_start3A_110, %dma_start3A_111] : memref<51200x16xf32, #tpu.memory_space<hbm>> -> memref<51200x16xf32, #tpu.memory_space<hbm>>
        tpu.enqueue_indirect_dma source(%dma_start3A_112 : memref<51200x16xf32, #tpu.memory_space<hbm>>) target(%arg20 : memref<1024x16xf32, #tpu.memory_space<vmem>>) offsets(%arg19 : memref<1024xi32, #tpu.memory_space<vmem>>) semaphore(%arg28 : memref<!tpu.dma_semaphore, #tpu.memory_space<semaphore_mem>>)
        %dma_wait3A_113 = arith.constant 0 : i32
        %dma_wait3A_114 = arith.constant 0 : i32
        %dma_wait3A_115 = tpu.memref_slice %arg14[%dma_wait3A_113, %dma_wait3A_114] : memref<51200x16xf32, #tpu.memory_space<vmem_shared>> -> memref<51200x16xf32, #tpu.memory_space<vmem_shared>>
        tpu.wait_indirect_dma semaphore(%arg29 : memref<!tpu.dma_semaphore, #tpu.memory_space<semaphore_mem>>) src(%arg17 : memref<1024x16xf32, #tpu.memory_space<vmem>>) dst(%dma_wait3A_115 : memref<51200x16xf32, #tpu.memory_space<vmem_shared>>)
        %add3A_116 = arith.constant 1 : i32
        %add3A_117 = arith.addi %add3A_99, %add3A_116 : i32
        %mul3A_118 = arith.constant 1024 : i32
        %mul3A_119 = arith.muli %add3A_117, %mul3A_118 : i32
        %add3A_120 = arith.addi %mul3A_21, %mul3A_119 : i32
        %dma_start3A_121 = tpu.memref_slice %arg5[%add3A_120] : memref<3212288xi32, #tpu.memory_space<hbm>> -> memref<1024xi32, #tpu.memory_space<hbm>>
        %dma_start3A_122 = tpu.memref_slice %arg5[%add3A_120] : memref<3212288xi32, #tpu.memory_space<hbm>> -> memref<1024xi32, #tpu.memory_space<hbm>>
        tpu.enqueue_dma source(%dma_start3A_122 : memref<1024xi32, #tpu.memory_space<hbm>>) target(%arg15 : memref<1024xi32, #tpu.memory_space<vmem>>) target_semaphore(%arg27 : memref<!tpu.dma_semaphore, #tpu.memory_space<semaphore_mem>>)
        %mul3A_123 = arith.constant 1024 : i32
        %mul3A_124 = arith.muli %add3A_117, %mul3A_123 : i32
        %add3A_125 = arith.addi %mul3A_21, %mul3A_124 : i32
        %dma_start3A_126 = tpu.memref_slice %arg4[%add3A_125] : memref<3212288xi32, #tpu.memory_space<hbm>> -> memref<1024xi32, #tpu.memory_space<hbm>>
        %dma_start3A_127 = tpu.memref_slice %arg4[%add3A_125] : memref<3212288xi32, #tpu.memory_space<hbm>> -> memref<1024xi32, #tpu.memory_space<hbm>>
        tpu.enqueue_dma source(%dma_start3A_127 : memref<1024xi32, #tpu.memory_space<hbm>>) target(%arg16 : memref<1024xi32, #tpu.memory_space<vmem>>) target_semaphore(%arg27 : memref<!tpu.dma_semaphore, #tpu.memory_space<semaphore_mem>>)
        %dma_wait3A_128 = arith.constant 0 : i32
        %dma_wait3A_129 = arith.constant 0 : i32
        %dma_wait3A_130 = tpu.memref_slice %arg2[%dma_wait3A_128, %dma_wait3A_129] : memref<51200x16xf32, #tpu.memory_space<hbm>> -> memref<51200x16xf32, #tpu.memory_space<hbm>>
        tpu.wait_indirect_dma semaphore(%arg28 : memref<!tpu.dma_semaphore, #tpu.memory_space<semaphore_mem>>) src(%dma_wait3A_130 : memref<51200x16xf32, #tpu.memory_space<hbm>>) dst(%arg20 : memref<1024x16xf32, #tpu.memory_space<vmem>>)
        %dma_start3A_131 = arith.constant 0 : i32
        %dma_start3A_132 = arith.constant 0 : i32
        %dma_start3A_133 = tpu.memref_slice %arg14[%dma_start3A_131, %dma_start3A_132] : memref<51200x16xf32, #tpu.memory_space<vmem_shared>> -> memref<51200x16xf32, #tpu.memory_space<vmem_shared>>
        tpu.enqueue_indirect_dma source(%arg20 : memref<1024x16xf32, #tpu.memory_space<vmem>>) target(%dma_start3A_133 : memref<51200x16xf32, #tpu.memory_space<vmem_shared>>) offsets(%arg18 : memref<1024xi32, #tpu.memory_space<vmem>>) semaphore(%arg29 : memref<!tpu.dma_semaphore, #tpu.memory_space<semaphore_mem>>) {add = true}
        %scan3A_134 = arith.constant 0 : i32
        scf.yield %scan3A_134 : i32
      }
      %scan3A_34 = arith.constant 98 : i32
      %dma_wait3A = arith.constant 0 : i32
      %dma_wait3A_35 = arith.constant 0 : i32
      %dma_wait3A_36 = tpu.memref_slice %arg14[%dma_wait3A, %dma_wait3A_35] : memref<51200x16xf32, #tpu.memory_space<vmem_shared>> -> memref<51200x16xf32, #tpu.memory_space<vmem_shared>>
      tpu.wait_indirect_dma semaphore(%arg29 : memref<!tpu.dma_semaphore, #tpu.memory_space<semaphore_mem>>) src(%arg20 : memref<1024x16xf32, #tpu.memory_space<vmem>>) dst(%dma_wait3A_36 : memref<51200x16xf32, #tpu.memory_space<vmem_shared>>)
      %add3A_37 = arith.constant 200704 : i32
      %add3A_38 = arith.addi %mul3A_21, %add3A_37 : i32
      %dma_wait3A_39 = tpu.memref_slice %arg5[%add3A_38] : memref<3212288xi32, #tpu.memory_space<hbm>> -> memref<1024xi32, #tpu.memory_space<hbm>>
      %dma_wait3A_40 = tpu.memref_slice %arg5[%add3A_38] : memref<3212288xi32, #tpu.memory_space<hbm>> -> memref<1024xi32, #tpu.memory_space<hbm>>
      tpu.wait_dma2 semaphore(%arg27 : memref<!tpu.dma_semaphore, #tpu.memory_space<semaphore_mem>>) src(%dma_wait3A_40 : memref<1024xi32, #tpu.memory_space<hbm>>) dst(%arg15 : memref<1024xi32, #tpu.memory_space<vmem>>)
      %add3A_41 = arith.constant 200704 : i32
      %add3A_42 = arith.addi %mul3A_21, %add3A_41 : i32
      %dma_wait3A_43 = tpu.memref_slice %arg4[%add3A_42] : memref<3212288xi32, #tpu.memory_space<hbm>> -> memref<1024xi32, #tpu.memory_space<hbm>>
      %dma_wait3A_44 = tpu.memref_slice %arg4[%add3A_42] : memref<3212288xi32, #tpu.memory_space<hbm>> -> memref<1024xi32, #tpu.memory_space<hbm>>
      tpu.wait_dma2 semaphore(%arg27 : memref<!tpu.dma_semaphore, #tpu.memory_space<semaphore_mem>>) src(%dma_wait3A_44 : memref<1024xi32, #tpu.memory_space<hbm>>) dst(%arg16 : memref<1024xi32, #tpu.memory_space<vmem>>)
      %barrier3A_45 = arith.constant 0 : index
      tpu.barrier barrier_id(%barrier3A_45)
      %mul3A_46 = arith.constant 3200 : i32
      %mul3A_47 = arith.muli %arg1, %mul3A_46 : i32
      "tpu.region"() ({
        %run_scoped3A = tpu.sem_alloc : memref<!tpu.dma_semaphore, #tpu.memory_space<semaphore_mem>>
        %dma_start3A_55 = tpu.memref_slice %arg7[%mul3A_47] : memref<51200xf32, #tpu.memory_space<hbm>> -> memref<3200xf32, #tpu.memory_space<hbm>>
        %dma_start3A_56 = tpu.memref_slice %arg7[%mul3A_47] : memref<51200xf32, #tpu.memory_space<hbm>> -> memref<3200xf32, #tpu.memory_space<hbm>>
        tpu.enqueue_dma source(%dma_start3A_56 : memref<3200xf32, #tpu.memory_space<hbm>>) target(%arg25 : memref<3200xf32, #tpu.memory_space<vmem>>) target_semaphore(%run_scoped3A : memref<!tpu.dma_semaphore, #tpu.memory_space<semaphore_mem>>)
        %dma_wait3A_57 = tpu.memref_slice %arg7[%mul3A_47] : memref<51200xf32, #tpu.memory_space<hbm>> -> memref<3200xf32, #tpu.memory_space<hbm>>
        %dma_wait3A_58 = tpu.memref_slice %arg7[%mul3A_47] : memref<51200xf32, #tpu.memory_space<hbm>> -> memref<3200xf32, #tpu.memory_space<hbm>>
        tpu.wait_dma2 semaphore(%run_scoped3A : memref<!tpu.dma_semaphore, #tpu.memory_space<semaphore_mem>>) src(%dma_wait3A_58 : memref<3200xf32, #tpu.memory_space<hbm>>) dst(%arg25 : memref<3200xf32, #tpu.memory_space<vmem>>)
        tpu.yield
      }) : () -> ()
      %scan3A_48 = arith.constant 0 : i32
      %scan3A_49 = arith.constant 0 : i32
      %scan3A_50 = arith.constant 10 : i32
      %scan3A_51 = arith.addi %scan3A_49, %scan3A_50 : i32
      %scan3A_52 = arith.constant 1 : i32
      %scan3A_53 = scf.for %scan3A_55 = %scan3A_49 to %scan3A_51 step %scan3A_52 iter_args(%scan3A_56 = %scan3A_48) -> (i32)  : i32 {
        %mul3A_57 = arith.constant 3200 : i32
        %mul3A_58 = arith.muli %arg1, %mul3A_57 : i32
        %mul3A_59 = arith.constant 320 : i32
        %mul3A_60 = arith.muli %scan3A_55, %mul3A_59 : i32
        %add3A_61 = arith.addi %mul3A_58, %mul3A_60 : i32
        "tpu.region"() ({
          %run_scoped3A = tpu.sem_alloc : memref<!tpu.dma_semaphore, #tpu.memory_space<semaphore_mem>>
          %dma_start3A_70 = arith.constant 0 : i32
          %dma_start3A_71 = tpu.memref_slice %arg14[%add3A_61, %dma_start3A_70] : memref<51200x16xf32, #tpu.memory_space<vmem_shared>> -> memref<320x16xf32, #tpu.memory_space<vmem_shared>>
          %dma_start3A_72 = arith.constant 0 : i32
          %dma_start3A_73 = tpu.memref_slice %arg14[%add3A_61, %dma_start3A_72] : memref<51200x16xf32, #tpu.memory_space<vmem_shared>> -> memref<320x16xf32, #tpu.memory_space<vmem_shared>>
          tpu.enqueue_dma source(%dma_start3A_73 : memref<320x16xf32, #tpu.memory_space<vmem_shared>>) target(%arg21 : memref<320x16xf32, #tpu.memory_space<vmem>>) target_semaphore(%run_scoped3A : memref<!tpu.dma_semaphore, #tpu.memory_space<semaphore_mem>>)
          %dma_wait3A_74 = arith.constant 0 : i32
          %dma_wait3A_75 = tpu.memref_slice %arg14[%add3A_61, %dma_wait3A_74] : memref<51200x16xf32, #tpu.memory_space<vmem_shared>> -> memref<320x16xf32, #tpu.memory_space<vmem_shared>>
          %dma_wait3A_76 = arith.constant 0 : i32
          %dma_wait3A_77 = tpu.memref_slice %arg14[%add3A_61, %dma_wait3A_76] : memref<51200x16xf32, #tpu.memory_space<vmem_shared>> -> memref<320x16xf32, #tpu.memory_space<vmem_shared>>
          tpu.wait_dma2 semaphore(%run_scoped3A : memref<!tpu.dma_semaphore, #tpu.memory_space<semaphore_mem>>) src(%dma_wait3A_77 : memref<320x16xf32, #tpu.memory_space<vmem_shared>>) dst(%arg21 : memref<320x16xf32, #tpu.memory_space<vmem>>)
          tpu.yield
        }) : () -> ()
        "tpu.region"() ({
          %run_scoped3A = tpu.sem_alloc : memref<!tpu.dma_semaphore, #tpu.memory_space<semaphore_mem>>
          %dma_start3A_70 = arith.constant 0 : i32
          %dma_start3A_71 = tpu.memref_slice %arg9[%add3A_61, %dma_start3A_70] : memref<51200x16xf32, #tpu.memory_space<hbm>> -> memref<320x16xf32, #tpu.memory_space<hbm>>
          %dma_start3A_72 = arith.constant 0 : i32
          %dma_start3A_73 = tpu.memref_slice %arg9[%add3A_61, %dma_start3A_72] : memref<51200x16xf32, #tpu.memory_space<hbm>> -> memref<320x16xf32, #tpu.memory_space<hbm>>
          tpu.enqueue_dma source(%dma_start3A_73 : memref<320x16xf32, #tpu.memory_space<hbm>>) target(%arg22 : memref<320x16xf32, #tpu.memory_space<vmem>>) target_semaphore(%run_scoped3A : memref<!tpu.dma_semaphore, #tpu.memory_space<semaphore_mem>>)
          %dma_wait3A_74 = arith.constant 0 : i32
          %dma_wait3A_75 = tpu.memref_slice %arg9[%add3A_61, %dma_wait3A_74] : memref<51200x16xf32, #tpu.memory_space<hbm>> -> memref<320x16xf32, #tpu.memory_space<hbm>>
          %dma_wait3A_76 = arith.constant 0 : i32
          %dma_wait3A_77 = tpu.memref_slice %arg9[%add3A_61, %dma_wait3A_76] : memref<51200x16xf32, #tpu.memory_space<hbm>> -> memref<320x16xf32, #tpu.memory_space<hbm>>
          tpu.wait_dma2 semaphore(%run_scoped3A : memref<!tpu.dma_semaphore, #tpu.memory_space<semaphore_mem>>) src(%dma_wait3A_77 : memref<320x16xf32, #tpu.memory_space<hbm>>) dst(%arg22 : memref<320x16xf32, #tpu.memory_space<vmem>>)
          tpu.yield
        }) : () -> ()
        %scan3A_62 = arith.constant 0 : i32
        %scan3A_63 = arith.constant 0 : i32
        %scan3A_64 = arith.constant 320 : i32
        %scan3A_65 = arith.addi %scan3A_63, %scan3A_64 : i32
        %scan3A_66 = arith.constant 1 : i32
        %scan3A_67 = scf.for %scan3A_70 = %scan3A_63 to %scan3A_65 step %scan3A_66 iter_args(%scan3A_71 = %scan3A_62) -> (i32)  : i32 {
          %mul3A_72 = arith.constant 320 : i32
          %mul3A_73 = arith.muli %scan3A_55, %mul3A_72 : i32
          %add3A_74 = arith.addi %mul3A_73, %scan3A_70 : i32
          %broadcast_in_dim3A_75 = vector.broadcast %add3A_74 : i32 to vector<16xi32>
          %get3A = arith.index_cast %scan3A_70 : i32 to index
          %get3A_76 = arith.constant 0 : index
          %get3A_77 = tpu.vector_load %arg21[%get3A, %get3A_76] {strides = array<i32>} : memref<320x16xf32, #tpu.memory_space<vmem>>, vector<16xf32>,
          %gather3A = tpu.vector_load_idx %arg25[%broadcast_in_dim3A_75] : memref<3200xf32, #tpu.memory_space<vmem>>[vector<16xi32>], vector<16xf32>,
          %mul3A_78 = arith.mulf %get3A_77, %gather3A : vector<16xf32>
          %get3A_79 = arith.index_cast %scan3A_70 : i32 to index
          %get3A_80 = arith.constant 0 : index
          %get3A_81 = tpu.vector_load %arg22[%get3A_79, %get3A_80] {strides = array<i32>} : memref<320x16xf32, #tpu.memory_space<vmem>>, vector<16xf32>,
          %add3A_82 = arith.addf %get3A_81, %mul3A_78 : vector<16xf32>
          %swap3A = arith.index_cast %scan3A_70 : i32 to index
          %swap3A_83 = arith.constant 0 : index
          %swap3A_84 = tpu.vector_load %arg23[%swap3A, %swap3A_83] {strides = array<i32>} : memref<320x16xf32, #tpu.memory_space<vmem>>, vector<16xf32>,
          tpu.vector_store %arg23[%swap3A, %swap3A_83], %mul3A_78 {strides = array<i32>} : memref<320x16xf32, #tpu.memory_space<vmem>>, vector<16xf32>,
          %swap3A_85 = arith.index_cast %scan3A_70 : i32 to index
          %swap3A_86 = arith.constant 0 : index
          %swap3A_87 = tpu.vector_load %arg24[%swap3A_85, %swap3A_86] {strides = array<i32>} : memref<320x16xf32, #tpu.memory_space<vmem>>, vector<16xf32>,
          tpu.vector_store %arg24[%swap3A_85, %swap3A_86], %add3A_82 {strides = array<i32>} : memref<320x16xf32, #tpu.memory_space<vmem>>, vector<16xf32>,
          %scan3A_88 = arith.constant 0 : i32
          scf.yield %scan3A_88 : i32
        }
        %scan3A_68 = arith.constant 320 : i32
        "tpu.region"() ({
          %run_scoped3A = tpu.sem_alloc : memref<!tpu.dma_semaphore, #tpu.memory_space<semaphore_mem>>
          %dma_start3A_70 = arith.constant 0 : i32
          %dma_start3A_71 = tpu.memref_slice %arg11[%add3A_61, %dma_start3A_70] : memref<51200x16xf32, #tpu.memory_space<hbm>> -> memref<320x16xf32, #tpu.memory_space<hbm>>
          %dma_start3A_72 = arith.constant 0 : i32
          %dma_start3A_73 = tpu.memref_slice %arg11[%add3A_61, %dma_start3A_72] : memref<51200x16xf32, #tpu.memory_space<hbm>> -> memref<320x16xf32, #tpu.memory_space<hbm>>
          tpu.enqueue_dma source(%arg23 : memref<320x16xf32, #tpu.memory_space<vmem>>) target(%dma_start3A_73 : memref<320x16xf32, #tpu.memory_space<hbm>>) target_semaphore(%run_scoped3A : memref<!tpu.dma_semaphore, #tpu.memory_space<semaphore_mem>>)
          %dma_wait3A_74 = arith.constant 0 : i32
          %dma_wait3A_75 = tpu.memref_slice %arg11[%add3A_61, %dma_wait3A_74] : memref<51200x16xf32, #tpu.memory_space<hbm>> -> memref<320x16xf32, #tpu.memory_space<hbm>>
          %dma_wait3A_76 = arith.constant 0 : i32
          %dma_wait3A_77 = tpu.memref_slice %arg11[%add3A_61, %dma_wait3A_76] : memref<51200x16xf32, #tpu.memory_space<hbm>> -> memref<320x16xf32, #tpu.memory_space<hbm>>
          tpu.wait_dma2 semaphore(%run_scoped3A : memref<!tpu.dma_semaphore, #tpu.memory_space<semaphore_mem>>) src(%arg23 : memref<320x16xf32, #tpu.memory_space<vmem>>) dst(%dma_wait3A_77 : memref<320x16xf32, #tpu.memory_space<hbm>>)
          tpu.yield
        }) : () -> ()
        "tpu.region"() ({
          %run_scoped3A = tpu.sem_alloc : memref<!tpu.dma_semaphore, #tpu.memory_space<semaphore_mem>>
          %dma_start3A_70 = arith.constant 0 : i32
          %dma_start3A_71 = tpu.memref_slice %arg13[%add3A_61, %dma_start3A_70] : memref<51200x16xf32, #tpu.memory_space<hbm>> -> memref<320x16xf32, #tpu.memory_space<hbm>>
          %dma_start3A_72 = arith.constant 0 : i32
          %dma_start3A_73 = tpu.memref_slice %arg13[%add3A_61, %dma_start3A_72] : memref<51200x16xf32, #tpu.memory_space<hbm>> -> memref<320x16xf32, #tpu.memory_space<hbm>>
          tpu.enqueue_dma source(%arg24 : memref<320x16xf32, #tpu.memory_space<vmem>>) target(%dma_start3A_73 : memref<320x16xf32, #tpu.memory_space<hbm>>) target_semaphore(%run_scoped3A : memref<!tpu.dma_semaphore, #tpu.memory_space<semaphore_mem>>)
          %dma_wait3A_74 = arith.constant 0 : i32
          %dma_wait3A_75 = tpu.memref_slice %arg13[%add3A_61, %dma_wait3A_74] : memref<51200x16xf32, #tpu.memory_space<hbm>> -> memref<320x16xf32, #tpu.memory_space<hbm>>
          %dma_wait3A_76 = arith.constant 0 : i32
          %dma_wait3A_77 = tpu.memref_slice %arg13[%add3A_61, %dma_wait3A_76] : memref<51200x16xf32, #tpu.memory_space<hbm>> -> memref<320x16xf32, #tpu.memory_space<hbm>>
          tpu.wait_dma2 semaphore(%run_scoped3A : memref<!tpu.dma_semaphore, #tpu.memory_space<semaphore_mem>>) src(%arg24 : memref<320x16xf32, #tpu.memory_space<vmem>>) dst(%dma_wait3A_77 : memref<320x16xf32, #tpu.memory_space<hbm>>)
          tpu.yield
        }) : () -> ()
        %scan3A_69 = arith.constant 0 : i32
        scf.yield %scan3A_69 : i32
      }
      %scan3A_54 = arith.constant 10 : i32
    } else {
    }
    return
  }
}

#map = affine_map<(d0, d1) -> (0, 0)>
#map1 = affine_map<(d0, d1) -> (0)>
module attributes {stable_mosaic.version = 14 : i64} {
  func.func @_deg_z0_body(%arg0: i32, %arg1: i32, %arg2: memref<51200x16xf32, #tpu.memory_space<hbm>>, %arg3: memref<51200x16xf32, #tpu.memory_space<hbm>>, %arg4: memref<3212288xi32, #tpu.memory_space<hbm>>, %arg5: memref<3212288xi32, #tpu.memory_space<hbm>>, %arg6: memref<51200x16xf32, #tpu.memory_space<hbm>>, %arg7: memref<51200x16xf32, #tpu.memory_space<hbm>>, %arg8: memref<51200xf32, #tpu.memory_space<hbm>>, %arg9: memref<51200xf32, #tpu.memory_space<hbm>>, %arg10: memref<51200xf32, #tpu.memory_space<hbm>>, %arg11: memref<51200xf32, #tpu.memory_space<hbm>>, %arg12: memref<32x51200xf32, #tpu.memory_space<hbm>>, %arg13: memref<51200xf32, #tpu.memory_space<vmem>>, %arg14: memref<1024xi32, #tpu.memory_space<vmem>>, %arg15: memref<1024xi32, #tpu.memory_space<vmem>>, %arg16: memref<320x16xf32, #tpu.memory_space<vmem>>, %arg17: memref<320x16xf32, #tpu.memory_space<vmem>>, %arg18: memref<3200xf32, #tpu.memory_space<vmem>>, %arg19: memref<3200xf32, #tpu.memory_space<vmem>>, %arg20: memref<3200xf32, #tpu.memory_space<vmem>>, %arg21: memref<3200xf32, #tpu.memory_space<vmem>>, %arg22: memref<3200xf32, #tpu.memory_space<vmem>>, %arg23: memref<3200xf32, #tpu.memory_space<vmem>>, %arg24: memref<!tpu.dma_semaphore, #tpu.memory_space<semaphore_mem>>, %arg25: memref<!tpu.dma_semaphore, #tpu.memory_space<semaphore_mem>>) attributes {dimension_semantics = [#tpu.dimension_semantics<core_parallel>, #tpu.dimension_semantics<subcore_parallel>], iteration_bounds = array<i64: 2, 16>, scalar_prefetch = 0 : i64, scratch_operands = 13 : i64, tpu.core_type = #tpu.core_type<sc_vector_subcore>, window_params = [{transform_indices = #map}, {transform_indices = #map}, {transform_indices = #map1}, {transform_indices = #map1}, {transform_indices = #map}, {transform_indices = #map}, {transform_indices = #map1}, {transform_indices = #map1}, {transform_indices = #map1}, {transform_indices = #map1}, {transform_indices = #map}]} {
    %broadcast_in_dim3A = arith.constant 1.000000e+00 : f32
    %broadcast_in_dim3A_0 = vector.broadcast %broadcast_in_dim3A : f32 to vector<16xf32>
    %broadcast_in_dim3A_1 = arith.constant 0.000000e+00 : f32
    %broadcast_in_dim3A_2 = vector.broadcast %broadcast_in_dim3A_1 : f32 to vector<16xf32>
    %scan3A = arith.constant 0 : i32
    %scan3A_3 = arith.constant 0 : i32
    %scan3A_4 = arith.constant 3200 : i32
    %scan3A_5 = arith.addi %scan3A_3, %scan3A_4 : i32
    %scan3A_6 = arith.constant 1 : i32
    %scan3A_7 = scf.for %scan3A_70 = %scan3A_3 to %scan3A_5 step %scan3A_6 iter_args(%scan3A_71 = %scan3A) -> (i32)  : i32 {
      %mul3A_72 = arith.constant 16 : i32
      %mul3A_73 = arith.muli %scan3A_70, %mul3A_72 : i32
      %swap3A = arith.index_cast %mul3A_73 : i32 to index
      %swap3A_74 = tpu.vector_load %arg13[%swap3A] {strides = array<i32>} : memref<51200xf32, #tpu.memory_space<vmem>>, vector<16xf32>,
      tpu.vector_store %arg13[%swap3A], %broadcast_in_dim3A_2 {strides = array<i32>} : memref<51200xf32, #tpu.memory_space<vmem>>, vector<16xf32>,
      %scan3A_75 = arith.constant 0 : i32
      scf.yield %scan3A_75 : i32
    }
    %scan3A_8 = arith.constant 3200 : i32
    %eq3A = arith.constant 0 : i32
    %eq3A_9 = arith.cmpi eq, %arg0, %eq3A : i32
    %convert_element_type3A = arith.extui %eq3A_9 : i1 to i32
    %cond3A = arith.constant 0 : i32
    %cond3A_10 = arith.cmpi ne, %convert_element_type3A, %cond3A : i32
    scf.if %cond3A_10 {
      %mul3A_70 = arith.constant 200704 : i32
      %mul3A_71 = arith.muli %arg1, %mul3A_70 : i32
      %dma_start3A_72 = tpu.memref_slice %arg4[%mul3A_71] : memref<3212288xi32, #tpu.memory_space<hbm>> -> memref<1024xi32, #tpu.memory_space<hbm>>
      %dma_start3A_73 = tpu.memref_slice %arg4[%mul3A_71] : memref<3212288xi32, #tpu.memory_space<hbm>> -> memref<1024xi32, #tpu.memory_space<hbm>>
      tpu.enqueue_dma source(%dma_start3A_73 : memref<1024xi32, #tpu.memory_space<hbm>>) target(%arg14 : memref<1024xi32, #tpu.memory_space<vmem>>) target_semaphore(%arg24 : memref<!tpu.dma_semaphore, #tpu.memory_space<semaphore_mem>>)
      %scan3A_74 = arith.constant 0 : i32
      %scan3A_75 = arith.constant 0 : i32
      %scan3A_76 = arith.constant 98 : i32
      %scan3A_77 = arith.addi %scan3A_75, %scan3A_76 : i32
      %scan3A_78 = arith.constant 1 : i32
      %scan3A_79 = scf.for %scan3A_85 = %scan3A_75 to %scan3A_77 step %scan3A_78 iter_args(%scan3A_86 = %scan3A_74) -> (i32)  : i32 {
        %mul3A_87 = arith.constant 2 : i32
        %mul3A_88 = arith.muli %mul3A_87, %scan3A_85 : i32
        %add3A_89 = arith.constant 0 : i32
        %add3A_90 = arith.addi %mul3A_88, %add3A_89 : i32
        %mul3A_91 = arith.constant 1024 : i32
        %mul3A_92 = arith.muli %add3A_90, %mul3A_91 : i32
        %add3A_93 = arith.addi %mul3A_71, %mul3A_92 : i32
        %dma_wait3A_94 = tpu.memref_slice %arg4[%add3A_93] : memref<3212288xi32, #tpu.memory_space<hbm>> -> memref<1024xi32, #tpu.memory_space<hbm>>
        %dma_wait3A_95 = tpu.memref_slice %arg4[%add3A_93] : memref<3212288xi32, #tpu.memory_space<hbm>> -> memref<1024xi32, #tpu.memory_space<hbm>>
        tpu.wait_dma2 semaphore(%arg24 : memref<!tpu.dma_semaphore, #tpu.memory_space<semaphore_mem>>) src(%dma_wait3A_95 : memref<1024xi32, #tpu.memory_space<hbm>>) dst(%arg14 : memref<1024xi32, #tpu.memory_space<vmem>>)
        %add3A_96 = arith.constant 1 : i32
        %add3A_97 = arith.addi %add3A_90, %add3A_96 : i32
        %mul3A_98 = arith.constant 1024 : i32
        %mul3A_99 = arith.muli %add3A_97, %mul3A_98 : i32
        %add3A_100 = arith.addi %mul3A_71, %mul3A_99 : i32
        %dma_start3A_101 = tpu.memref_slice %arg4[%add3A_100] : memref<3212288xi32, #tpu.memory_space<hbm>> -> memref<1024xi32, #tpu.memory_space<hbm>>
        %dma_start3A_102 = tpu.memref_slice %arg4[%add3A_100] : memref<3212288xi32, #tpu.memory_space<hbm>> -> memref<1024xi32, #tpu.memory_space<hbm>>
        tpu.enqueue_dma source(%dma_start3A_102 : memref<1024xi32, #tpu.memory_space<hbm>>) target(%arg15 : memref<1024xi32, #tpu.memory_space<vmem>>) target_semaphore(%arg25 : memref<!tpu.dma_semaphore, #tpu.memory_space<semaphore_mem>>)
        %scan3A_103 = arith.constant 0 : i32
        %scan3A_104 = arith.constant 0 : i32
        %scan3A_105 = arith.constant 64 : i32
        %scan3A_106 = arith.addi %scan3A_104, %scan3A_105 : i32
        %scan3A_107 = arith.constant 1 : i32
        %scan3A_108 = scf.for %scan3A_134 = %scan3A_104 to %scan3A_106 step %scan3A_107 iter_args(%scan3A_135 = %scan3A_103) -> (i32)  : i32 {
          %mul3A_136 = arith.constant 16 : i32
          %mul3A_137 = arith.muli %scan3A_134, %mul3A_136 : i32
          %get3A = arith.index_cast %mul3A_137 : i32 to index
          %get3A_138 = tpu.vector_load %arg14[%get3A] {strides = array<i32>} : memref<1024xi32, #tpu.memory_space<vmem>>, vector<16xi32>,
          tpu.vector_store_idx %arg13[%get3A_138], %broadcast_in_dim3A_0 {add = true} : memref<51200xf32, #tpu.memory_space<vmem>>[vector<16xi32>], vector<16xf32>,
          %scan3A_139 = arith.constant 0 : i32
          scf.yield %scan3A_139 : i32
        }
        %scan3A_109 = arith.constant 64 : i32
        %mul3A_110 = arith.constant 2 : i32
        %mul3A_111 = arith.muli %mul3A_110, %scan3A_85 : i32
        %add3A_112 = arith.constant 1 : i32
        %add3A_113 = arith.addi %mul3A_111, %add3A_112 : i32
        %mul3A_114 = arith.constant 1024 : i32
        %mul3A_115 = arith.muli %add3A_113, %mul3A_114 : i32
        %add3A_116 = arith.addi %mul3A_71, %mul3A_115 : i32
        %dma_wait3A_117 = tpu.memref_slice %arg4[%add3A_116] : memref<3212288xi32, #tpu.memory_space<hbm>> -> memref<1024xi32, #tpu.memory_space<hbm>>
        %dma_wait3A_118 = tpu.memref_slice %arg4[%add3A_116] : memref<3212288xi32, #tpu.memory_space<hbm>> -> memref<1024xi32, #tpu.memory_space<hbm>>
        tpu.wait_dma2 semaphore(%arg25 : memref<!tpu.dma_semaphore, #tpu.memory_space<semaphore_mem>>) src(%dma_wait3A_118 : memref<1024xi32, #tpu.memory_space<hbm>>) dst(%arg15 : memref<1024xi32, #tpu.memory_space<vmem>>)
        %add3A_119 = arith.constant 1 : i32
        %add3A_120 = arith.addi %add3A_113, %add3A_119 : i32
        %mul3A_121 = arith.constant 1024 : i32
        %mul3A_122 = arith.muli %add3A_120, %mul3A_121 : i32
        %add3A_123 = arith.addi %mul3A_71, %mul3A_122 : i32
        %dma_start3A_124 = tpu.memref_slice %arg4[%add3A_123] : memref<3212288xi32, #tpu.memory_space<hbm>> -> memref<1024xi32, #tpu.memory_space<hbm>>
        %dma_start3A_125 = tpu.memref_slice %arg4[%add3A_123] : memref<3212288xi32, #tpu.memory_space<hbm>> -> memref<1024xi32, #tpu.memory_space<hbm>>
        tpu.enqueue_dma source(%dma_start3A_125 : memref<1024xi32, #tpu.memory_space<hbm>>) target(%arg14 : memref<1024xi32, #tpu.memory_space<vmem>>) target_semaphore(%arg24 : memref<!tpu.dma_semaphore, #tpu.memory_space<semaphore_mem>>)
        %scan3A_126 = arith.constant 0 : i32
        %scan3A_127 = arith.constant 0 : i32
        %scan3A_128 = arith.constant 64 : i32
        %scan3A_129 = arith.addi %scan3A_127, %scan3A_128 : i32
        %scan3A_130 = arith.constant 1 : i32
        %scan3A_131 = scf.for %scan3A_134 = %scan3A_127 to %scan3A_129 step %scan3A_130 iter_args(%scan3A_135 = %scan3A_126) -> (i32)  : i32 {
          %mul3A_136 = arith.constant 16 : i32
          %mul3A_137 = arith.muli %scan3A_134, %mul3A_136 : i32
          %get3A = arith.index_cast %mul3A_137 : i32 to index
          %get3A_138 = tpu.vector_load %arg15[%get3A] {strides = array<i32>} : memref<1024xi32, #tpu.memory_space<vmem>>, vector<16xi32>,
          tpu.vector_store_idx %arg13[%get3A_138], %broadcast_in_dim3A_0 {add = true} : memref<51200xf32, #tpu.memory_space<vmem>>[vector<16xi32>], vector<16xf32>,
          %scan3A_139 = arith.constant 0 : i32
          scf.yield %scan3A_139 : i32
        }
        %scan3A_132 = arith.constant 64 : i32
        %scan3A_133 = arith.constant 0 : i32
        scf.yield %scan3A_133 : i32
      }
      %scan3A_80 = arith.constant 98 : i32
      %add3A_81 = arith.constant 200704 : i32
      %add3A_82 = arith.addi %mul3A_71, %add3A_81 : i32
      %dma_wait3A_83 = tpu.memref_slice %arg4[%add3A_82] : memref<3212288xi32, #tpu.memory_space<hbm>> -> memref<1024xi32, #tpu.memory_space<hbm>>
      %dma_wait3A_84 = tpu.memref_slice %arg4[%add3A_82] : memref<3212288xi32, #tpu.memory_space<hbm>> -> memref<1024xi32, #tpu.memory_space<hbm>>
      tpu.wait_dma2 semaphore(%arg24 : memref<!tpu.dma_semaphore, #tpu.memory_space<semaphore_mem>>) src(%dma_wait3A_84 : memref<1024xi32, #tpu.memory_space<hbm>>) dst(%arg14 : memref<1024xi32, #tpu.memory_space<vmem>>)
    } else {
    }
    %eq3A_11 = arith.constant 1 : i32
    %eq3A_12 = arith.cmpi eq, %arg0, %eq3A_11 : i32
    %convert_element_type3A_13 = arith.extui %eq3A_12 : i1 to i32
    %cond3A_14 = arith.constant 0 : i32
    %cond3A_15 = arith.cmpi ne, %convert_element_type3A_13, %cond3A_14 : i32
    scf.if %cond3A_15 {
      %mul3A_70 = arith.constant 200704 : i32
      %mul3A_71 = arith.muli %arg1, %mul3A_70 : i32
      %dma_start3A_72 = tpu.memref_slice %arg5[%mul3A_71] : memref<3212288xi32, #tpu.memory_space<hbm>> -> memref<1024xi32, #tpu.memory_space<hbm>>
      %dma_start3A_73 = tpu.memref_slice %arg5[%mul3A_71] : memref<3212288xi32, #tpu.memory_space<hbm>> -> memref<1024xi32, #tpu.memory_space<hbm>>
      tpu.enqueue_dma source(%dma_start3A_73 : memref<1024xi32, #tpu.memory_space<hbm>>) target(%arg14 : memref<1024xi32, #tpu.memory_space<vmem>>) target_semaphore(%arg24 : memref<!tpu.dma_semaphore, #tpu.memory_space<semaphore_mem>>)
      %scan3A_74 = arith.constant 0 : i32
      %scan3A_75 = arith.constant 0 : i32
      %scan3A_76 = arith.constant 98 : i32
      %scan3A_77 = arith.addi %scan3A_75, %scan3A_76 : i32
      %scan3A_78 = arith.constant 1 : i32
      %scan3A_79 = scf.for %scan3A_85 = %scan3A_75 to %scan3A_77 step %scan3A_78 iter_args(%scan3A_86 = %scan3A_74) -> (i32)  : i32 {
        %mul3A_87 = arith.constant 2 : i32
        %mul3A_88 = arith.muli %mul3A_87, %scan3A_85 : i32
        %add3A_89 = arith.constant 0 : i32
        %add3A_90 = arith.addi %mul3A_88, %add3A_89 : i32
        %mul3A_91 = arith.constant 1024 : i32
        %mul3A_92 = arith.muli %add3A_90, %mul3A_91 : i32
        %add3A_93 = arith.addi %mul3A_71, %mul3A_92 : i32
        %dma_wait3A_94 = tpu.memref_slice %arg5[%add3A_93] : memref<3212288xi32, #tpu.memory_space<hbm>> -> memref<1024xi32, #tpu.memory_space<hbm>>
        %dma_wait3A_95 = tpu.memref_slice %arg5[%add3A_93] : memref<3212288xi32, #tpu.memory_space<hbm>> -> memref<1024xi32, #tpu.memory_space<hbm>>
        tpu.wait_dma2 semaphore(%arg24 : memref<!tpu.dma_semaphore, #tpu.memory_space<semaphore_mem>>) src(%dma_wait3A_95 : memref<1024xi32, #tpu.memory_space<hbm>>) dst(%arg14 : memref<1024xi32, #tpu.memory_space<vmem>>)
        %add3A_96 = arith.constant 1 : i32
        %add3A_97 = arith.addi %add3A_90, %add3A_96 : i32
        %mul3A_98 = arith.constant 1024 : i32
        %mul3A_99 = arith.muli %add3A_97, %mul3A_98 : i32
        %add3A_100 = arith.addi %mul3A_71, %mul3A_99 : i32
        %dma_start3A_101 = tpu.memref_slice %arg5[%add3A_100] : memref<3212288xi32, #tpu.memory_space<hbm>> -> memref<1024xi32, #tpu.memory_space<hbm>>
        %dma_start3A_102 = tpu.memref_slice %arg5[%add3A_100] : memref<3212288xi32, #tpu.memory_space<hbm>> -> memref<1024xi32, #tpu.memory_space<hbm>>
        tpu.enqueue_dma source(%dma_start3A_102 : memref<1024xi32, #tpu.memory_space<hbm>>) target(%arg15 : memref<1024xi32, #tpu.memory_space<vmem>>) target_semaphore(%arg25 : memref<!tpu.dma_semaphore, #tpu.memory_space<semaphore_mem>>)
        %scan3A_103 = arith.constant 0 : i32
        %scan3A_104 = arith.constant 0 : i32
        %scan3A_105 = arith.constant 64 : i32
        %scan3A_106 = arith.addi %scan3A_104, %scan3A_105 : i32
        %scan3A_107 = arith.constant 1 : i32
        %scan3A_108 = scf.for %scan3A_134 = %scan3A_104 to %scan3A_106 step %scan3A_107 iter_args(%scan3A_135 = %scan3A_103) -> (i32)  : i32 {
          %mul3A_136 = arith.constant 16 : i32
          %mul3A_137 = arith.muli %scan3A_134, %mul3A_136 : i32
          %get3A = arith.index_cast %mul3A_137 : i32 to index
          %get3A_138 = tpu.vector_load %arg14[%get3A] {strides = array<i32>} : memref<1024xi32, #tpu.memory_space<vmem>>, vector<16xi32>,
          tpu.vector_store_idx %arg13[%get3A_138], %broadcast_in_dim3A_0 {add = true} : memref<51200xf32, #tpu.memory_space<vmem>>[vector<16xi32>], vector<16xf32>,
          %scan3A_139 = arith.constant 0 : i32
          scf.yield %scan3A_139 : i32
        }
        %scan3A_109 = arith.constant 64 : i32
        %mul3A_110 = arith.constant 2 : i32
        %mul3A_111 = arith.muli %mul3A_110, %scan3A_85 : i32
        %add3A_112 = arith.constant 1 : i32
        %add3A_113 = arith.addi %mul3A_111, %add3A_112 : i32
        %mul3A_114 = arith.constant 1024 : i32
        %mul3A_115 = arith.muli %add3A_113, %mul3A_114 : i32
        %add3A_116 = arith.addi %mul3A_71, %mul3A_115 : i32
        %dma_wait3A_117 = tpu.memref_slice %arg5[%add3A_116] : memref<3212288xi32, #tpu.memory_space<hbm>> -> memref<1024xi32, #tpu.memory_space<hbm>>
        %dma_wait3A_118 = tpu.memref_slice %arg5[%add3A_116] : memref<3212288xi32, #tpu.memory_space<hbm>> -> memref<1024xi32, #tpu.memory_space<hbm>>
        tpu.wait_dma2 semaphore(%arg25 : memref<!tpu.dma_semaphore, #tpu.memory_space<semaphore_mem>>) src(%dma_wait3A_118 : memref<1024xi32, #tpu.memory_space<hbm>>) dst(%arg15 : memref<1024xi32, #tpu.memory_space<vmem>>)
        %add3A_119 = arith.constant 1 : i32
        %add3A_120 = arith.addi %add3A_113, %add3A_119 : i32
        %mul3A_121 = arith.constant 1024 : i32
        %mul3A_122 = arith.muli %add3A_120, %mul3A_121 : i32
        %add3A_123 = arith.addi %mul3A_71, %mul3A_122 : i32
        %dma_start3A_124 = tpu.memref_slice %arg5[%add3A_123] : memref<3212288xi32, #tpu.memory_space<hbm>> -> memref<1024xi32, #tpu.memory_space<hbm>>
        %dma_start3A_125 = tpu.memref_slice %arg5[%add3A_123] : memref<3212288xi32, #tpu.memory_space<hbm>> -> memref<1024xi32, #tpu.memory_space<hbm>>
        tpu.enqueue_dma source(%dma_start3A_125 : memref<1024xi32, #tpu.memory_space<hbm>>) target(%arg14 : memref<1024xi32, #tpu.memory_space<vmem>>) target_semaphore(%arg24 : memref<!tpu.dma_semaphore, #tpu.memory_space<semaphore_mem>>)
        %scan3A_126 = arith.constant 0 : i32
        %scan3A_127 = arith.constant 0 : i32
        %scan3A_128 = arith.constant 64 : i32
        %scan3A_129 = arith.addi %scan3A_127, %scan3A_128 : i32
        %scan3A_130 = arith.constant 1 : i32
        %scan3A_131 = scf.for %scan3A_134 = %scan3A_127 to %scan3A_129 step %scan3A_130 iter_args(%scan3A_135 = %scan3A_126) -> (i32)  : i32 {
          %mul3A_136 = arith.constant 16 : i32
          %mul3A_137 = arith.muli %scan3A_134, %mul3A_136 : i32
          %get3A = arith.index_cast %mul3A_137 : i32 to index
          %get3A_138 = tpu.vector_load %arg15[%get3A] {strides = array<i32>} : memref<1024xi32, #tpu.memory_space<vmem>>, vector<16xi32>,
          tpu.vector_store_idx %arg13[%get3A_138], %broadcast_in_dim3A_0 {add = true} : memref<51200xf32, #tpu.memory_space<vmem>>[vector<16xi32>], vector<16xf32>,
          %scan3A_139 = arith.constant 0 : i32
          scf.yield %scan3A_139 : i32
        }
        %scan3A_132 = arith.constant 64 : i32
        %scan3A_133 = arith.constant 0 : i32
        scf.yield %scan3A_133 : i32
      }
      %scan3A_80 = arith.constant 98 : i32
      %add3A_81 = arith.constant 200704 : i32
      %add3A_82 = arith.addi %mul3A_71, %add3A_81 : i32
      %dma_wait3A_83 = tpu.memref_slice %arg5[%add3A_82] : memref<3212288xi32, #tpu.memory_space<hbm>> -> memref<1024xi32, #tpu.memory_space<hbm>>
      %dma_wait3A_84 = tpu.memref_slice %arg5[%add3A_82] : memref<3212288xi32, #tpu.memory_space<hbm>> -> memref<1024xi32, #tpu.memory_space<hbm>>
      tpu.wait_dma2 semaphore(%arg24 : memref<!tpu.dma_semaphore, #tpu.memory_space<semaphore_mem>>) src(%dma_wait3A_84 : memref<1024xi32, #tpu.memory_space<hbm>>) dst(%arg14 : memref<1024xi32, #tpu.memory_space<vmem>>)
    } else {
    }
    %mul3A = arith.constant 16 : i32
    %mul3A_16 = arith.muli %arg0, %mul3A : i32
    %add3A = arith.addi %mul3A_16, %arg1 : i32
    "tpu.region"() ({
      %run_scoped3A = tpu.sem_alloc : memref<!tpu.dma_semaphore, #tpu.memory_space<semaphore_mem>>
      %dma_start3A_70 = arith.constant 0 : i32
      %dma_start3A_71 = tpu.memref_slice %arg12[%add3A, %dma_start3A_70] : memref<32x51200xf32, #tpu.memory_space<hbm>> -> memref<1x51200xf32, #tpu.memory_space<hbm>>
      %dma_start3A_72 = tpu.memref_squeeze %dma_start3A_71 : memref<1x51200xf32, #tpu.memory_space<hbm>> -> memref<51200xf32, #tpu.memory_space<hbm>>
      %dma_start3A_73 = arith.constant 0 : i32
      %dma_start3A_74 = tpu.memref_slice %arg12[%add3A, %dma_start3A_73] : memref<32x51200xf32, #tpu.memory_space<hbm>> -> memref<1x51200xf32, #tpu.memory_space<hbm>>
      %dma_start3A_75 = tpu.memref_squeeze %dma_start3A_74 : memref<1x51200xf32, #tpu.memory_space<hbm>> -> memref<51200xf32, #tpu.memory_space<hbm>>
      tpu.enqueue_dma source(%arg13 : memref<51200xf32, #tpu.memory_space<vmem>>) target(%dma_start3A_75 : memref<51200xf32, #tpu.memory_space<hbm>>) target_semaphore(%run_scoped3A : memref<!tpu.dma_semaphore, #tpu.memory_space<semaphore_mem>>)
      %dma_wait3A_76 = arith.constant 0 : i32
      %dma_wait3A_77 = tpu.memref_slice %arg12[%add3A, %dma_wait3A_76] : memref<32x51200xf32, #tpu.memory_space<hbm>> -> memref<1x51200xf32, #tpu.memory_space<hbm>>
      %dma_wait3A_78 = tpu.memref_squeeze %dma_wait3A_77 : memref<1x51200xf32, #tpu.memory_space<hbm>> -> memref<51200xf32, #tpu.memory_space<hbm>>
      %dma_wait3A_79 = arith.constant 0 : i32
      %dma_wait3A_80 = tpu.memref_slice %arg12[%add3A, %dma_wait3A_79] : memref<32x51200xf32, #tpu.memory_space<hbm>> -> memref<1x51200xf32, #tpu.memory_space<hbm>>
      %dma_wait3A_81 = tpu.memref_squeeze %dma_wait3A_80 : memref<1x51200xf32, #tpu.memory_space<hbm>> -> memref<51200xf32, #tpu.memory_space<hbm>>
      tpu.wait_dma2 semaphore(%run_scoped3A : memref<!tpu.dma_semaphore, #tpu.memory_space<semaphore_mem>>) src(%arg13 : memref<51200xf32, #tpu.memory_space<vmem>>) dst(%dma_wait3A_81 : memref<51200xf32, #tpu.memory_space<hbm>>)
      tpu.yield
    }) : () -> ()
    %barrier3A = arith.constant 0 : index
    tpu.barrier barrier_id(%barrier3A)
    %mul3A_17 = arith.constant 16 : i32
    %mul3A_18 = arith.muli %arg0, %mul3A_17 : i32
    %mul3A_19 = arith.constant 3200 : i32
    %mul3A_20 = arith.muli %arg1, %mul3A_19 : i32
    "tpu.region"() ({
      %run_scoped3A = tpu.sem_alloc : memref<!tpu.dma_semaphore, #tpu.memory_space<semaphore_mem>>
      %dma_start3A_70 = tpu.memref_slice %arg12[%mul3A_18, %mul3A_20] : memref<32x51200xf32, #tpu.memory_space<hbm>> -> memref<1x3200xf32, #tpu.memory_space<hbm>>
      %dma_start3A_71 = tpu.memref_squeeze %dma_start3A_70 : memref<1x3200xf32, #tpu.memory_space<hbm>> -> memref<3200xf32, #tpu.memory_space<hbm>>
      %dma_start3A_72 = tpu.memref_slice %arg12[%mul3A_18, %mul3A_20] : memref<32x51200xf32, #tpu.memory_space<hbm>> -> memref<1x3200xf32, #tpu.memory_space<hbm>>
      %dma_start3A_73 = tpu.memref_squeeze %dma_start3A_72 : memref<1x3200xf32, #tpu.memory_space<hbm>> -> memref<3200xf32, #tpu.memory_space<hbm>>
      tpu.enqueue_dma source(%dma_start3A_73 : memref<3200xf32, #tpu.memory_space<hbm>>) target(%arg18 : memref<3200xf32, #tpu.memory_space<vmem>>) target_semaphore(%run_scoped3A : memref<!tpu.dma_semaphore, #tpu.memory_space<semaphore_mem>>)
      %dma_wait3A_74 = tpu.memref_slice %arg12[%mul3A_18, %mul3A_20] : memref<32x51200xf32, #tpu.memory_space<hbm>> -> memref<1x3200xf32, #tpu.memory_space<hbm>>
      %dma_wait3A_75 = tpu.memref_squeeze %dma_wait3A_74 : memref<1x3200xf32, #tpu.memory_space<hbm>> -> memref<3200xf32, #tpu.memory_space<hbm>>
      %dma_wait3A_76 = tpu.memref_slice %arg12[%mul3A_18, %mul3A_20] : memref<32x51200xf32, #tpu.memory_space<hbm>> -> memref<1x3200xf32, #tpu.memory_space<hbm>>
      %dma_wait3A_77 = tpu.memref_squeeze %dma_wait3A_76 : memref<1x3200xf32, #tpu.memory_space<hbm>> -> memref<3200xf32, #tpu.memory_space<hbm>>
      tpu.wait_dma2 semaphore(%run_scoped3A : memref<!tpu.dma_semaphore, #tpu.memory_space<semaphore_mem>>) src(%dma_wait3A_77 : memref<3200xf32, #tpu.memory_space<hbm>>) dst(%arg18 : memref<3200xf32, #tpu.memory_space<vmem>>)
      tpu.yield
    }) : () -> ()
    %mul3A_21 = arith.constant 16 : i32
    %mul3A_22 = arith.muli %arg0, %mul3A_21 : i32
    %add3A_23 = arith.constant 1 : i32
    %add3A_24 = arith.addi %mul3A_22, %add3A_23 : i32
    %mul3A_25 = arith.constant 3200 : i32
    %mul3A_26 = arith.muli %arg1, %mul3A_25 : i32
    %dma_start3A = tpu.memref_slice %arg12[%add3A_24, %mul3A_26] : memref<32x51200xf32, #tpu.memory_space<hbm>> -> memref<1x3200xf32, #tpu.memory_space<hbm>>
    %dma_start3A_27 = tpu.memref_squeeze %dma_start3A : memref<1x3200xf32, #tpu.memory_space<hbm>> -> memref<3200xf32, #tpu.memory_space<hbm>>
    %dma_start3A_28 = tpu.memref_slice %arg12[%add3A_24, %mul3A_26] : memref<32x51200xf32, #tpu.memory_space<hbm>> -> memref<1x3200xf32, #tpu.memory_space<hbm>>
    %dma_start3A_29 = tpu.memref_squeeze %dma_start3A_28 : memref<1x3200xf32, #tpu.memory_space<hbm>> -> memref<3200xf32, #tpu.memory_space<hbm>>
    tpu.enqueue_dma source(%dma_start3A_29 : memref<3200xf32, #tpu.memory_space<hbm>>) target(%arg19 : memref<3200xf32, #tpu.memory_space<vmem>>) target_semaphore(%arg24 : memref<!tpu.dma_semaphore, #tpu.memory_space<semaphore_mem>>)
    %scan3A_30 = arith.constant 0 : i32
    %scan3A_31 = arith.constant 0 : i32
    %scan3A_32 = arith.constant 7 : i32
    %scan3A_33 = arith.addi %scan3A_31, %scan3A_32 : i32
    %scan3A_34 = arith.constant 1 : i32
    %scan3A_35 = scf.for %scan3A_70 = %scan3A_31 to %scan3A_33 step %scan3A_34 iter_args(%scan3A_71 = %scan3A_30) -> (i32)  : i32 {
      %mul3A_72 = arith.constant 2 : i32
      %mul3A_73 = arith.muli %mul3A_72, %scan3A_70 : i32
      %add3A_74 = arith.constant 1 : i32
      %add3A_75 = arith.addi %add3A_74, %mul3A_73 : i32
      %add3A_76 = arith.constant 0 : i32
      %add3A_77 = arith.addi %add3A_75, %add3A_76 : i32
      %mul3A_78 = arith.constant 16 : i32
      %mul3A_79 = arith.muli %arg0, %mul3A_78 : i32
      %add3A_80 = arith.addi %mul3A_79, %add3A_77 : i32
      %mul3A_81 = arith.constant 3200 : i32
      %mul3A_82 = arith.muli %arg1, %mul3A_81 : i32
      %dma_wait3A_83 = tpu.memref_slice %arg12[%add3A_80, %mul3A_82] : memref<32x51200xf32, #tpu.memory_space<hbm>> -> memref<1x3200xf32, #tpu.memory_space<hbm>>
      %dma_wait3A_84 = tpu.memref_squeeze %dma_wait3A_83 : memref<1x3200xf32, #tpu.memory_space<hbm>> -> memref<3200xf32, #tpu.memory_space<hbm>>
      %dma_wait3A_85 = tpu.memref_slice %arg12[%add3A_80, %mul3A_82] : memref<32x51200xf32, #tpu.memory_space<hbm>> -> memref<1x3200xf32, #tpu.memory_space<hbm>>
      %dma_wait3A_86 = tpu.memref_squeeze %dma_wait3A_85 : memref<1x3200xf32, #tpu.memory_space<hbm>> -> memref<3200xf32, #tpu.memory_space<hbm>>
      tpu.wait_dma2 semaphore(%arg24 : memref<!tpu.dma_semaphore, #tpu.memory_space<semaphore_mem>>) src(%dma_wait3A_86 : memref<3200xf32, #tpu.memory_space<hbm>>) dst(%arg19 : memref<3200xf32, #tpu.memory_space<vmem>>)
      %add3A_87 = arith.constant 1 : i32
      %add3A_88 = arith.addi %add3A_77, %add3A_87 : i32
      %lt3A = arith.constant 16 : i32
      %lt3A_89 = arith.cmpi slt, %add3A_88, %lt3A : i32
      %convert_element_type3A_90 = arith.extui %lt3A_89 : i1 to i32
      %cond3A_91 = arith.constant 0 : i32
      %cond3A_92 = arith.cmpi ne, %convert_element_type3A_90, %cond3A_91 : i32
      scf.if %cond3A_92 {
        %mul3A_130 = arith.constant 16 : i32
        %mul3A_131 = arith.muli %arg0, %mul3A_130 : i32
        %add3A_132 = arith.addi %mul3A_131, %add3A_77 : i32
        %add3A_133 = arith.constant 1 : i32
        %add3A_134 = arith.addi %add3A_132, %add3A_133 : i32
        %mul3A_135 = arith.constant 3200 : i32
        %mul3A_136 = arith.muli %arg1, %mul3A_135 : i32
        %dma_start3A_137 = tpu.memref_slice %arg12[%add3A_134, %mul3A_136] : memref<32x51200xf32, #tpu.memory_space<hbm>> -> memref<1x3200xf32, #tpu.memory_space<hbm>>
        %dma_start3A_138 = tpu.memref_squeeze %dma_start3A_137 : memref<1x3200xf32, #tpu.memory_space<hbm>> -> memref<3200xf32, #tpu.memory_space<hbm>>
        %dma_start3A_139 = tpu.memref_slice %arg12[%add3A_134, %mul3A_136] : memref<32x51200xf32, #tpu.memory_space<hbm>> -> memref<1x3200xf32, #tpu.memory_space<hbm>>
        %dma_start3A_140 = tpu.memref_squeeze %dma_start3A_139 : memref<1x3200xf32, #tpu.memory_space<hbm>> -> memref<3200xf32, #tpu.memory_space<hbm>>
        tpu.enqueue_dma source(%dma_start3A_140 : memref<3200xf32, #tpu.memory_space<hbm>>) target(%arg20 : memref<3200xf32, #tpu.memory_space<vmem>>) target_semaphore(%arg25 : memref<!tpu.dma_semaphore, #tpu.memory_space<semaphore_mem>>)
      } else {
      }
      %scan3A_93 = arith.constant 0 : i32
      %scan3A_94 = arith.constant 0 : i32
      %scan3A_95 = arith.constant 200 : i32
      %scan3A_96 = arith.addi %scan3A_94, %scan3A_95 : i32
      %scan3A_97 = arith.constant 1 : i32
      %scan3A_98 = scf.for %scan3A_130 = %scan3A_94 to %scan3A_96 step %scan3A_97 iter_args(%scan3A_131 = %scan3A_93) -> (i32)  : i32 {
        %mul3A_132 = arith.constant 16 : i32
        %mul3A_133 = arith.muli %scan3A_130, %mul3A_132 : i32
        %get3A = arith.index_cast %mul3A_133 : i32 to index
        %get3A_134 = tpu.vector_load %arg18[%get3A] {strides = array<i32>} : memref<3200xf32, #tpu.memory_space<vmem>>, vector<16xf32>,
        %mul3A_135 = arith.constant 16 : i32
        %mul3A_136 = arith.muli %scan3A_130, %mul3A_135 : i32
        %get3A_137 = arith.index_cast %mul3A_136 : i32 to index
        %get3A_138 = tpu.vector_load %arg19[%get3A_137] {strides = array<i32>} : memref<3200xf32, #tpu.memory_space<vmem>>, vector<16xf32>,
        %add3A_139 = arith.addf %get3A_134, %get3A_138 : vector<16xf32>
        %mul3A_140 = arith.constant 16 : i32
        %mul3A_141 = arith.muli %scan3A_130, %mul3A_140 : i32
        %swap3A = arith.index_cast %mul3A_141 : i32 to index
        %swap3A_142 = tpu.vector_load %arg18[%swap3A] {strides = array<i32>} : memref<3200xf32, #tpu.memory_space<vmem>>, vector<16xf32>,
        tpu.vector_store %arg18[%swap3A], %add3A_139 {strides = array<i32>} : memref<3200xf32, #tpu.memory_space<vmem>>, vector<16xf32>,
        %scan3A_143 = arith.constant 0 : i32
        scf.yield %scan3A_143 : i32
      }
      %scan3A_99 = arith.constant 200 : i32
      %mul3A_100 = arith.constant 2 : i32
      %mul3A_101 = arith.muli %mul3A_100, %scan3A_70 : i32
      %add3A_102 = arith.constant 1 : i32
      %add3A_103 = arith.addi %add3A_102, %mul3A_101 : i32
      %add3A_104 = arith.constant 1 : i32
      %add3A_105 = arith.addi %add3A_103, %add3A_104 : i32
      %mul3A_106 = arith.constant 16 : i32
      %mul3A_107 = arith.muli %arg0, %mul3A_106 : i32
      %add3A_108 = arith.addi %mul3A_107, %add3A_105 : i32
      %mul3A_109 = arith.constant 3200 : i32
      %mul3A_110 = arith.muli %arg1, %mul3A_109 : i32
      %dma_wait3A_111 = tpu.memref_slice %arg12[%add3A_108, %mul3A_110] : memref<32x51200xf32, #tpu.memory_space<hbm>> -> memref<1x3200xf32, #tpu.memory_space<hbm>>
      %dma_wait3A_112 = tpu.memref_squeeze %dma_wait3A_111 : memref<1x3200xf32, #tpu.memory_space<hbm>> -> memref<3200xf32, #tpu.memory_space<hbm>>
      %dma_wait3A_113 = tpu.memref_slice %arg12[%add3A_108, %mul3A_110] : memref<32x51200xf32, #tpu.memory_space<hbm>> -> memref<1x3200xf32, #tpu.memory_space<hbm>>
      %dma_wait3A_114 = tpu.memref_squeeze %dma_wait3A_113 : memref<1x3200xf32, #tpu.memory_space<hbm>> -> memref<3200xf32, #tpu.memory_space<hbm>>
      tpu.wait_dma2 semaphore(%arg25 : memref<!tpu.dma_semaphore, #tpu.memory_space<semaphore_mem>>) src(%dma_wait3A_114 : memref<3200xf32, #tpu.memory_space<hbm>>) dst(%arg20 : memref<3200xf32, #tpu.memory_space<vmem>>)
      %add3A_115 = arith.constant 1 : i32
      %add3A_116 = arith.addi %add3A_105, %add3A_115 : i32
      %lt3A_117 = arith.constant 16 : i32
      %lt3A_118 = arith.cmpi slt, %add3A_116, %lt3A_117 : i32
      %convert_element_type3A_119 = arith.extui %lt3A_118 : i1 to i32
      %cond3A_120 = arith.constant 0 : i32
      %cond3A_121 = arith.cmpi ne, %convert_element_type3A_119, %cond3A_120 : i32
      scf.if %cond3A_121 {
        %mul3A_130 = arith.constant 16 : i32
        %mul3A_131 = arith.muli %arg0, %mul3A_130 : i32
        %add3A_132 = arith.addi %mul3A_131, %add3A_105 : i32
        %add3A_133 = arith.constant 1 : i32
        %add3A_134 = arith.addi %add3A_132, %add3A_133 : i32
        %mul3A_135 = arith.constant 3200 : i32
        %mul3A_136 = arith.muli %arg1, %mul3A_135 : i32
        %dma_start3A_137 = tpu.memref_slice %arg12[%add3A_134, %mul3A_136] : memref<32x51200xf32, #tpu.memory_space<hbm>> -> memref<1x3200xf32, #tpu.memory_space<hbm>>
        %dma_start3A_138 = tpu.memref_squeeze %dma_start3A_137 : memref<1x3200xf32, #tpu.memory_space<hbm>> -> memref<3200xf32, #tpu.memory_space<hbm>>
        %dma_start3A_139 = tpu.memref_slice %arg12[%add3A_134, %mul3A_136] : memref<32x51200xf32, #tpu.memory_space<hbm>> -> memref<1x3200xf32, #tpu.memory_space<hbm>>
        %dma_start3A_140 = tpu.memref_squeeze %dma_start3A_139 : memref<1x3200xf32, #tpu.memory_space<hbm>> -> memref<3200xf32, #tpu.memory_space<hbm>>
        tpu.enqueue_dma source(%dma_start3A_140 : memref<3200xf32, #tpu.memory_space<hbm>>) target(%arg19 : memref<3200xf32, #tpu.memory_space<vmem>>) target_semaphore(%arg24 : memref<!tpu.dma_semaphore, #tpu.memory_space<semaphore_mem>>)
      } else {
      }
      %scan3A_122 = arith.constant 0 : i32
      %scan3A_123 = arith.constant 0 : i32
      %scan3A_124 = arith.constant 200 : i32
      %scan3A_125 = arith.addi %scan3A_123, %scan3A_124 : i32
      %scan3A_126 = arith.constant 1 : i32
      %scan3A_127 = scf.for %scan3A_130 = %scan3A_123 to %scan3A_125 step %scan3A_126 iter_args(%scan3A_131 = %scan3A_122) -> (i32)  : i32 {
        %mul3A_132 = arith.constant 16 : i32
        %mul3A_133 = arith.muli %scan3A_130, %mul3A_132 : i32
        %get3A = arith.index_cast %mul3A_133 : i32 to index
        %get3A_134 = tpu.vector_load %arg18[%get3A] {strides = array<i32>} : memref<3200xf32, #tpu.memory_space<vmem>>, vector<16xf32>,
        %mul3A_135 = arith.constant 16 : i32
        %mul3A_136 = arith.muli %scan3A_130, %mul3A_135 : i32
        %get3A_137 = arith.index_cast %mul3A_136 : i32 to index
        %get3A_138 = tpu.vector_load %arg20[%get3A_137] {strides = array<i32>} : memref<3200xf32, #tpu.memory_space<vmem>>, vector<16xf32>,
        %add3A_139 = arith.addf %get3A_134, %get3A_138 : vector<16xf32>
        %mul3A_140 = arith.constant 16 : i32
        %mul3A_141 = arith.muli %scan3A_130, %mul3A_140 : i32
        %swap3A = arith.index_cast %mul3A_141 : i32 to index
        %swap3A_142 = tpu.vector_load %arg18[%swap3A] {strides = array<i32>} : memref<3200xf32, #tpu.memory_space<vmem>>, vector<16xf32>,
        tpu.vector_store %arg18[%swap3A], %add3A_139 {strides = array<i32>} : memref<3200xf32, #tpu.memory_space<vmem>>, vector<16xf32>,
        %scan3A_143 = arith.constant 0 : i32
        scf.yield %scan3A_143 : i32
      }
      %scan3A_128 = arith.constant 200 : i32
      %scan3A_129 = arith.constant 0 : i32
      scf.yield %scan3A_129 : i32
    }
    %scan3A_36 = arith.constant 7 : i32
    %mul3A_37 = arith.constant 16 : i32
    %mul3A_38 = arith.muli %arg0, %mul3A_37 : i32
    %add3A_39 = arith.constant 15 : i32
    %add3A_40 = arith.addi %mul3A_38, %add3A_39 : i32
    %mul3A_41 = arith.constant 3200 : i32
    %mul3A_42 = arith.muli %arg1, %mul3A_41 : i32
    %dma_wait3A = tpu.memref_slice %arg12[%add3A_40, %mul3A_42] : memref<32x51200xf32, #tpu.memory_space<hbm>> -> memref<1x3200xf32, #tpu.memory_space<hbm>>
    %dma_wait3A_43 = tpu.memref_squeeze %dma_wait3A : memref<1x3200xf32, #tpu.memory_space<hbm>> -> memref<3200xf32, #tpu.memory_space<hbm>>
    %dma_wait3A_44 = tpu.memref_slice %arg12[%add3A_40, %mul3A_42] : memref<32x51200xf32, #tpu.memory_space<hbm>> -> memref<1x3200xf32, #tpu.memory_space<hbm>>
    %dma_wait3A_45 = tpu.memref_squeeze %dma_wait3A_44 : memref<1x3200xf32, #tpu.memory_space<hbm>> -> memref<3200xf32, #tpu.memory_space<hbm>>
    tpu.wait_dma2 semaphore(%arg24 : memref<!tpu.dma_semaphore, #tpu.memory_space<semaphore_mem>>) src(%dma_wait3A_45 : memref<3200xf32, #tpu.memory_space<hbm>>) dst(%arg19 : memref<3200xf32, #tpu.memory_space<vmem>>)
    %scan3A_46 = arith.constant 0 : i32
    %scan3A_47 = arith.constant 0 : i32
    %scan3A_48 = arith.constant 200 : i32
    %scan3A_49 = arith.addi %scan3A_47, %scan3A_48 : i32
    %scan3A_50 = arith.constant 1 : i32
    %scan3A_51 = scf.for %scan3A_70 = %scan3A_47 to %scan3A_49 step %scan3A_50 iter_args(%scan3A_71 = %scan3A_46) -> (i32)  : i32 {
      %mul3A_72 = arith.constant 16 : i32
      %mul3A_73 = arith.muli %scan3A_70, %mul3A_72 : i32
      %get3A = arith.index_cast %mul3A_73 : i32 to index
      %get3A_74 = tpu.vector_load %arg18[%get3A] {strides = array<i32>} : memref<3200xf32, #tpu.memory_space<vmem>>, vector<16xf32>,
      %mul3A_75 = arith.constant 16 : i32
      %mul3A_76 = arith.muli %scan3A_70, %mul3A_75 : i32
      %get3A_77 = arith.index_cast %mul3A_76 : i32 to index
      %get3A_78 = tpu.vector_load %arg19[%get3A_77] {strides = array<i32>} : memref<3200xf32, #tpu.memory_space<vmem>>, vector<16xf32>,
      %add3A_79 = arith.addf %get3A_74, %get3A_78 : vector<16xf32>
      %mul3A_80 = arith.constant 16 : i32
      %mul3A_81 = arith.muli %scan3A_70, %mul3A_80 : i32
      %swap3A = arith.index_cast %mul3A_81 : i32 to index
      %swap3A_82 = tpu.vector_load %arg18[%swap3A] {strides = array<i32>} : memref<3200xf32, #tpu.memory_space<vmem>>, vector<16xf32>,
      tpu.vector_store %arg18[%swap3A], %add3A_79 {strides = array<i32>} : memref<3200xf32, #tpu.memory_space<vmem>>, vector<16xf32>,
      %scan3A_83 = arith.constant 0 : i32
      scf.yield %scan3A_83 : i32
    }
    %scan3A_52 = arith.constant 200 : i32
    %scan3A_53 = arith.constant 0 : i32
    %scan3A_54 = arith.constant 0 : i32
    %scan3A_55 = arith.constant 200 : i32
    %scan3A_56 = arith.addi %scan3A_54, %scan3A_55 : i32
    %scan3A_57 = arith.constant 1 : i32
    %scan3A_58 = scf.for %scan3A_70 = %scan3A_54 to %scan3A_56 step %scan3A_57 iter_args(%scan3A_71 = %scan3A_53) -> (i32)  : i32 {
      %mul3A_72 = arith.constant 16 : i32
      %mul3A_73 = arith.muli %scan3A_70, %mul3A_72 : i32
      %get3A = arith.index_cast %mul3A_73 : i32 to index
      %get3A_74 = tpu.vector_load %arg18[%get3A] {strides = array<i32>} : memref<3200xf32, #tpu.memory_space<vmem>>, vector<16xf32>,
      %max3A = arith.constant 1.000000e+00 : f32
      %max3A_75 = vector.broadcast %max3A : f32 to vector<16xf32>
      %max3A_76 = arith.maximumf %get3A_74, %max3A_75 : vector<16xf32>
      %bitcast3A = vector.bitcast %max3A_76 : vector<16xf32> to vector<16xi32>
      %shift_right_arithmetic3A = arith.constant 1 : i32
      %shift_right_arithmetic3A_77 = vector.broadcast %shift_right_arithmetic3A : i32 to vector<16xi32>
      %shift_right_arithmetic3A_78 = arith.shrsi %bitcast3A, %shift_right_arithmetic3A_77 : vector<16xi32>
      %sub3A = arith.constant 1597463007 : i32
      %sub3A_79 = vector.broadcast %sub3A : i32 to vector<16xi32>
      %sub3A_80 = arith.subi %sub3A_79, %shift_right_arithmetic3A_78 : vector<16xi32>
      %bitcast3A_81 = vector.bitcast %sub3A_80 : vector<16xi32> to vector<16xf32>
      %mul3A_82 = arith.constant 5.000000e-01 : f32
      %mul3A_83 = vector.broadcast %mul3A_82 : f32 to vector<16xf32>
      %mul3A_84 = arith.mulf %max3A_76, %mul3A_83 : vector<16xf32>
      %mul3A_85 = arith.mulf %mul3A_84, %bitcast3A_81 : vector<16xf32>
      %mul3A_86 = arith.mulf %mul3A_85, %bitcast3A_81 : vector<16xf32>
      %sub3A_87 = arith.constant 1.500000e+00 : f32
      %sub3A_88 = vector.broadcast %sub3A_87 : f32 to vector<16xf32>
      %sub3A_89 = arith.subf %sub3A_88, %mul3A_86 : vector<16xf32>
      %mul3A_90 = arith.mulf %bitcast3A_81, %sub3A_89 : vector<16xf32>
      %mul3A_91 = arith.mulf %mul3A_84, %mul3A_90 : vector<16xf32>
      %mul3A_92 = arith.mulf %mul3A_91, %mul3A_90 : vector<16xf32>
      %sub3A_93 = arith.constant 1.500000e+00 : f32
      %sub3A_94 = vector.broadcast %sub3A_93 : f32 to vector<16xf32>
      %sub3A_95 = arith.subf %sub3A_94, %mul3A_92 : vector<16xf32>
      %mul3A_96 = arith.mulf %mul3A_90, %sub3A_95 : vector<16xf32>
      %mul3A_97 = arith.mulf %mul3A_84, %mul3A_96 : vector<16xf32>
      %mul3A_98 = arith.mulf %mul3A_97, %mul3A_96 : vector<16xf32>
      %sub3A_99 = arith.constant 1.500000e+00 : f32
      %sub3A_100 = vector.broadcast %sub3A_99 : f32 to vector<16xf32>
      %sub3A_101 = arith.subf %sub3A_100, %mul3A_98 : vector<16xf32>
      %mul3A_102 = arith.mulf %mul3A_96, %sub3A_101 : vector<16xf32>
      %mul3A_103 = arith.constant 16 : i32
      %mul3A_104 = arith.muli %scan3A_70, %mul3A_103 : i32
      %swap3A = arith.index_cast %mul3A_104 : i32 to index
      %swap3A_105 = tpu.vector_load %arg22[%swap3A] {strides = array<i32>} : memref<3200xf32, #tpu.memory_space<vmem>>, vector<16xf32>,
      tpu.vector_store %arg22[%swap3A], %mul3A_102 {strides = array<i32>} : memref<3200xf32, #tpu.memory_space<vmem>>, vector<16xf32>,
      %mul3A_106 = arith.mulf %max3A_76, %mul3A_102 : vector<16xf32>
      %mul3A_107 = arith.constant 16 : i32
      %mul3A_108 = arith.muli %scan3A_70, %mul3A_107 : i32
      %swap3A_109 = arith.index_cast %mul3A_108 : i32 to index
      %swap3A_110 = tpu.vector_load %arg21[%swap3A_109] {strides = array<i32>} : memref<3200xf32, #tpu.memory_space<vmem>>, vector<16xf32>,
      tpu.vector_store %arg21[%swap3A_109], %mul3A_106 {strides = array<i32>} : memref<3200xf32, #tpu.memory_space<vmem>>, vector<16xf32>,
      %mul3A_111 = arith.mulf %mul3A_102, %mul3A_102 : vector<16xf32>
      %mul3A_112 = arith.constant 16 : i32
      %mul3A_113 = arith.muli %scan3A_70, %mul3A_112 : i32
      %swap3A_114 = arith.index_cast %mul3A_113 : i32 to index
      %swap3A_115 = tpu.vector_load %arg23[%swap3A_114] {strides = array<i32>} : memref<3200xf32, #tpu.memory_space<vmem>>, vector<16xf32>,
      tpu.vector_store %arg23[%swap3A_114], %mul3A_111 {strides = array<i32>} : memref<3200xf32, #tpu.memory_space<vmem>>, vector<16xf32>,
      %scan3A_116 = arith.constant 0 : i32
      scf.yield %scan3A_116 : i32
    }
    %scan3A_59 = arith.constant 200 : i32
    %eq3A_60 = arith.constant 0 : i32
    %eq3A_61 = arith.cmpi eq, %arg0, %eq3A_60 : i32
    %convert_element_type3A_62 = arith.extui %eq3A_61 : i1 to i32
    %cond3A_63 = arith.constant 0 : i32
    %cond3A_64 = arith.cmpi ne, %convert_element_type3A_62, %cond3A_63 : i32
    scf.if %cond3A_64 {
      %mul3A_70 = arith.constant 3200 : i32
      %mul3A_71 = arith.muli %arg1, %mul3A_70 : i32
      "tpu.region"() ({
        %run_scoped3A = tpu.sem_alloc : memref<!tpu.dma_semaphore, #tpu.memory_space<semaphore_mem>>
        %dma_start3A_81 = tpu.memref_slice %arg8[%mul3A_71] : memref<51200xf32, #tpu.memory_space<hbm>> -> memref<3200xf32, #tpu.memory_space<hbm>>
        %dma_start3A_82 = tpu.memref_slice %arg8[%mul3A_71] : memref<51200xf32, #tpu.memory_space<hbm>> -> memref<3200xf32, #tpu.memory_space<hbm>>
        tpu.enqueue_dma source(%arg23 : memref<3200xf32, #tpu.memory_space<vmem>>) target(%dma_start3A_82 : memref<3200xf32, #tpu.memory_space<hbm>>) target_semaphore(%run_scoped3A : memref<!tpu.dma_semaphore, #tpu.memory_space<semaphore_mem>>)
        %dma_wait3A_83 = tpu.memref_slice %arg8[%mul3A_71] : memref<51200xf32, #tpu.memory_space<hbm>> -> memref<3200xf32, #tpu.memory_space<hbm>>
        %dma_wait3A_84 = tpu.memref_slice %arg8[%mul3A_71] : memref<51200xf32, #tpu.memory_space<hbm>> -> memref<3200xf32, #tpu.memory_space<hbm>>
        tpu.wait_dma2 semaphore(%run_scoped3A : memref<!tpu.dma_semaphore, #tpu.memory_space<semaphore_mem>>) src(%arg23 : memref<3200xf32, #tpu.memory_space<vmem>>) dst(%dma_wait3A_84 : memref<3200xf32, #tpu.memory_space<hbm>>)
        tpu.yield
      }) : () -> ()
      %mul3A_72 = arith.constant 3200 : i32
      %mul3A_73 = arith.muli %arg1, %mul3A_72 : i32
      "tpu.region"() ({
        %run_scoped3A = tpu.sem_alloc : memref<!tpu.dma_semaphore, #tpu.memory_space<semaphore_mem>>
        %dma_start3A_81 = tpu.memref_slice %arg10[%mul3A_73] : memref<51200xf32, #tpu.memory_space<hbm>> -> memref<3200xf32, #tpu.memory_space<hbm>>
        %dma_start3A_82 = tpu.memref_slice %arg10[%mul3A_73] : memref<51200xf32, #tpu.memory_space<hbm>> -> memref<3200xf32, #tpu.memory_space<hbm>>
        tpu.enqueue_dma source(%arg21 : memref<3200xf32, #tpu.memory_space<vmem>>) target(%dma_start3A_82 : memref<3200xf32, #tpu.memory_space<hbm>>) target_semaphore(%run_scoped3A : memref<!tpu.dma_semaphore, #tpu.memory_space<semaphore_mem>>)
        %dma_wait3A_83 = tpu.memref_slice %arg10[%mul3A_73] : memref<51200xf32, #tpu.memory_space<hbm>> -> memref<3200xf32, #tpu.memory_space<hbm>>
        %dma_wait3A_84 = tpu.memref_slice %arg10[%mul3A_73] : memref<51200xf32, #tpu.memory_space<hbm>> -> memref<3200xf32, #tpu.memory_space<hbm>>
        tpu.wait_dma2 semaphore(%run_scoped3A : memref<!tpu.dma_semaphore, #tpu.memory_space<semaphore_mem>>) src(%arg21 : memref<3200xf32, #tpu.memory_space<vmem>>) dst(%dma_wait3A_84 : memref<3200xf32, #tpu.memory_space<hbm>>)
        tpu.yield
      }) : () -> ()
      %scan3A_74 = arith.constant 0 : i32
      %scan3A_75 = arith.constant 0 : i32
      %scan3A_76 = arith.constant 10 : i32
      %scan3A_77 = arith.addi %scan3A_75, %scan3A_76 : i32
      %scan3A_78 = arith.constant 1 : i32
      %scan3A_79 = scf.for %scan3A_81 = %scan3A_75 to %scan3A_77 step %scan3A_78 iter_args(%scan3A_82 = %scan3A_74) -> (i32)  : i32 {
        %mul3A_83 = arith.constant 3200 : i32
        %mul3A_84 = arith.muli %arg1, %mul3A_83 : i32
        %mul3A_85 = arith.constant 320 : i32
        %mul3A_86 = arith.muli %scan3A_81, %mul3A_85 : i32
        %add3A_87 = arith.addi %mul3A_84, %mul3A_86 : i32
        "tpu.region"() ({
          %run_scoped3A = tpu.sem_alloc : memref<!tpu.dma_semaphore, #tpu.memory_space<semaphore_mem>>
          %dma_start3A_96 = arith.constant 0 : i32
          %dma_start3A_97 = tpu.memref_slice %arg2[%add3A_87, %dma_start3A_96] : memref<51200x16xf32, #tpu.memory_space<hbm>> -> memref<320x16xf32, #tpu.memory_space<hbm>>
          %dma_start3A_98 = arith.constant 0 : i32
          %dma_start3A_99 = tpu.memref_slice %arg2[%add3A_87, %dma_start3A_98] : memref<51200x16xf32, #tpu.memory_space<hbm>> -> memref<320x16xf32, #tpu.memory_space<hbm>>
          tpu.enqueue_dma source(%dma_start3A_99 : memref<320x16xf32, #tpu.memory_space<hbm>>) target(%arg16 : memref<320x16xf32, #tpu.memory_space<vmem>>) target_semaphore(%run_scoped3A : memref<!tpu.dma_semaphore, #tpu.memory_space<semaphore_mem>>)
          %dma_wait3A_100 = arith.constant 0 : i32
          %dma_wait3A_101 = tpu.memref_slice %arg2[%add3A_87, %dma_wait3A_100] : memref<51200x16xf32, #tpu.memory_space<hbm>> -> memref<320x16xf32, #tpu.memory_space<hbm>>
          %dma_wait3A_102 = arith.constant 0 : i32
          %dma_wait3A_103 = tpu.memref_slice %arg2[%add3A_87, %dma_wait3A_102] : memref<51200x16xf32, #tpu.memory_space<hbm>> -> memref<320x16xf32, #tpu.memory_space<hbm>>
          tpu.wait_dma2 semaphore(%run_scoped3A : memref<!tpu.dma_semaphore, #tpu.memory_space<semaphore_mem>>) src(%dma_wait3A_103 : memref<320x16xf32, #tpu.memory_space<hbm>>) dst(%arg16 : memref<320x16xf32, #tpu.memory_space<vmem>>)
          tpu.yield
        }) : () -> ()
        %scan3A_88 = arith.constant 0 : i32
        %scan3A_89 = arith.constant 0 : i32
        %scan3A_90 = arith.constant 320 : i32
        %scan3A_91 = arith.addi %scan3A_89, %scan3A_90 : i32
        %scan3A_92 = arith.constant 1 : i32
        %scan3A_93 = scf.for %scan3A_96 = %scan3A_89 to %scan3A_91 step %scan3A_92 iter_args(%scan3A_97 = %scan3A_88) -> (i32)  : i32 {
          %mul3A_98 = arith.constant 320 : i32
          %mul3A_99 = arith.muli %scan3A_81, %mul3A_98 : i32
          %add3A_100 = arith.addi %mul3A_99, %scan3A_96 : i32
          %broadcast_in_dim3A_101 = vector.broadcast %add3A_100 : i32 to vector<16xi32>
          %get3A = arith.index_cast %scan3A_96 : i32 to index
          %get3A_102 = arith.constant 0 : index
          %get3A_103 = tpu.vector_load %arg16[%get3A, %get3A_102] {strides = array<i32>} : memref<320x16xf32, #tpu.memory_space<vmem>>, vector<16xf32>,
          %gather3A = tpu.vector_load_idx %arg22[%broadcast_in_dim3A_101] : memref<3200xf32, #tpu.memory_space<vmem>>[vector<16xi32>], vector<16xf32>,
          %mul3A_104 = arith.mulf %get3A_103, %gather3A : vector<16xf32>
          %swap3A = arith.index_cast %scan3A_96 : i32 to index
          %swap3A_105 = arith.constant 0 : index
          %swap3A_106 = tpu.vector_load %arg17[%swap3A, %swap3A_105] {strides = array<i32>} : memref<320x16xf32, #tpu.memory_space<vmem>>, vector<16xf32>,
          tpu.vector_store %arg17[%swap3A, %swap3A_105], %mul3A_104 {strides = array<i32>} : memref<320x16xf32, #tpu.memory_space<vmem>>, vector<16xf32>,
          %scan3A_107 = arith.constant 0 : i32
          scf.yield %scan3A_107 : i32
        }
        %scan3A_94 = arith.constant 320 : i32
        "tpu.region"() ({
          %run_scoped3A = tpu.sem_alloc : memref<!tpu.dma_semaphore, #tpu.memory_space<semaphore_mem>>
          %dma_start3A_96 = arith.constant 0 : i32
          %dma_start3A_97 = tpu.memref_slice %arg6[%add3A_87, %dma_start3A_96] : memref<51200x16xf32, #tpu.memory_space<hbm>> -> memref<320x16xf32, #tpu.memory_space<hbm>>
          %dma_start3A_98 = arith.constant 0 : i32
          %dma_start3A_99 = tpu.memref_slice %arg6[%add3A_87, %dma_start3A_98] : memref<51200x16xf32, #tpu.memory_space<hbm>> -> memref<320x16xf32, #tpu.memory_space<hbm>>
          tpu.enqueue_dma source(%arg17 : memref<320x16xf32, #tpu.memory_space<vmem>>) target(%dma_start3A_99 : memref<320x16xf32, #tpu.memory_space<hbm>>) target_semaphore(%run_scoped3A : memref<!tpu.dma_semaphore, #tpu.memory_space<semaphore_mem>>)
          %dma_wait3A_100 = arith.constant 0 : i32
          %dma_wait3A_101 = tpu.memref_slice %arg6[%add3A_87, %dma_wait3A_100] : memref<51200x16xf32, #tpu.memory_space<hbm>> -> memref<320x16xf32, #tpu.memory_space<hbm>>
          %dma_wait3A_102 = arith.constant 0 : i32
          %dma_wait3A_103 = tpu.memref_slice %arg6[%add3A_87, %dma_wait3A_102] : memref<51200x16xf32, #tpu.memory_space<hbm>> -> memref<320x16xf32, #tpu.memory_space<hbm>>
          tpu.wait_dma2 semaphore(%run_scoped3A : memref<!tpu.dma_semaphore, #tpu.memory_space<semaphore_mem>>) src(%arg17 : memref<320x16xf32, #tpu.memory_space<vmem>>) dst(%dma_wait3A_103 : memref<320x16xf32, #tpu.memory_space<hbm>>)
          tpu.yield
        }) : () -> ()
        %scan3A_95 = arith.constant 0 : i32
        scf.yield %scan3A_95 : i32
      }
      %scan3A_80 = arith.constant 10 : i32
    } else {
    }
    %eq3A_65 = arith.constant 1 : i32
    %eq3A_66 = arith.cmpi eq, %arg0, %eq3A_65 : i32
    %convert_element_type3A_67 = arith.extui %eq3A_66 : i1 to i32
    %cond3A_68 = arith.constant 0 : i32
    %cond3A_69 = arith.cmpi ne, %convert_element_type3A_67, %cond3A_68 : i32
    scf.if %cond3A_69 {
      %mul3A_70 = arith.constant 3200 : i32
      %mul3A_71 = arith.muli %arg1, %mul3A_70 : i32
      "tpu.region"() ({
        %run_scoped3A = tpu.sem_alloc : memref<!tpu.dma_semaphore, #tpu.memory_space<semaphore_mem>>
        %dma_start3A_81 = tpu.memref_slice %arg9[%mul3A_71] : memref<51200xf32, #tpu.memory_space<hbm>> -> memref<3200xf32, #tpu.memory_space<hbm>>
        %dma_start3A_82 = tpu.memref_slice %arg9[%mul3A_71] : memref<51200xf32, #tpu.memory_space<hbm>> -> memref<3200xf32, #tpu.memory_space<hbm>>
        tpu.enqueue_dma source(%arg23 : memref<3200xf32, #tpu.memory_space<vmem>>) target(%dma_start3A_82 : memref<3200xf32, #tpu.memory_space<hbm>>) target_semaphore(%run_scoped3A : memref<!tpu.dma_semaphore, #tpu.memory_space<semaphore_mem>>)
        %dma_wait3A_83 = tpu.memref_slice %arg9[%mul3A_71] : memref<51200xf32, #tpu.memory_space<hbm>> -> memref<3200xf32, #tpu.memory_space<hbm>>
        %dma_wait3A_84 = tpu.memref_slice %arg9[%mul3A_71] : memref<51200xf32, #tpu.memory_space<hbm>> -> memref<3200xf32, #tpu.memory_space<hbm>>
        tpu.wait_dma2 semaphore(%run_scoped3A : memref<!tpu.dma_semaphore, #tpu.memory_space<semaphore_mem>>) src(%arg23 : memref<3200xf32, #tpu.memory_space<vmem>>) dst(%dma_wait3A_84 : memref<3200xf32, #tpu.memory_space<hbm>>)
        tpu.yield
      }) : () -> ()
      %mul3A_72 = arith.constant 3200 : i32
      %mul3A_73 = arith.muli %arg1, %mul3A_72 : i32
      "tpu.region"() ({
        %run_scoped3A = tpu.sem_alloc : memref<!tpu.dma_semaphore, #tpu.memory_space<semaphore_mem>>
        %dma_start3A_81 = tpu.memref_slice %arg11[%mul3A_73] : memref<51200xf32, #tpu.memory_space<hbm>> -> memref<3200xf32, #tpu.memory_space<hbm>>
        %dma_start3A_82 = tpu.memref_slice %arg11[%mul3A_73] : memref<51200xf32, #tpu.memory_space<hbm>> -> memref<3200xf32, #tpu.memory_space<hbm>>
        tpu.enqueue_dma source(%arg21 : memref<3200xf32, #tpu.memory_space<vmem>>) target(%dma_start3A_82 : memref<3200xf32, #tpu.memory_space<hbm>>) target_semaphore(%run_scoped3A : memref<!tpu.dma_semaphore, #tpu.memory_space<semaphore_mem>>)
        %dma_wait3A_83 = tpu.memref_slice %arg11[%mul3A_73] : memref<51200xf32, #tpu.memory_space<hbm>> -> memref<3200xf32, #tpu.memory_space<hbm>>
        %dma_wait3A_84 = tpu.memref_slice %arg11[%mul3A_73] : memref<51200xf32, #tpu.memory_space<hbm>> -> memref<3200xf32, #tpu.memory_space<hbm>>
        tpu.wait_dma2 semaphore(%run_scoped3A : memref<!tpu.dma_semaphore, #tpu.memory_space<semaphore_mem>>) src(%arg21 : memref<3200xf32, #tpu.memory_space<vmem>>) dst(%dma_wait3A_84 : memref<3200xf32, #tpu.memory_space<hbm>>)
        tpu.yield
      }) : () -> ()
      %scan3A_74 = arith.constant 0 : i32
      %scan3A_75 = arith.constant 0 : i32
      %scan3A_76 = arith.constant 10 : i32
      %scan3A_77 = arith.addi %scan3A_75, %scan3A_76 : i32
      %scan3A_78 = arith.constant 1 : i32
      %scan3A_79 = scf.for %scan3A_81 = %scan3A_75 to %scan3A_77 step %scan3A_78 iter_args(%scan3A_82 = %scan3A_74) -> (i32)  : i32 {
        %mul3A_83 = arith.constant 3200 : i32
        %mul3A_84 = arith.muli %arg1, %mul3A_83 : i32
        %mul3A_85 = arith.constant 320 : i32
        %mul3A_86 = arith.muli %scan3A_81, %mul3A_85 : i32
        %add3A_87 = arith.addi %mul3A_84, %mul3A_86 : i32
        "tpu.region"() ({
          %run_scoped3A = tpu.sem_alloc : memref<!tpu.dma_semaphore, #tpu.memory_space<semaphore_mem>>
          %dma_start3A_96 = arith.constant 0 : i32
          %dma_start3A_97 = tpu.memref_slice %arg3[%add3A_87, %dma_start3A_96] : memref<51200x16xf32, #tpu.memory_space<hbm>> -> memref<320x16xf32, #tpu.memory_space<hbm>>
          %dma_start3A_98 = arith.constant 0 : i32
          %dma_start3A_99 = tpu.memref_slice %arg3[%add3A_87, %dma_start3A_98] : memref<51200x16xf32, #tpu.memory_space<hbm>> -> memref<320x16xf32, #tpu.memory_space<hbm>>
          tpu.enqueue_dma source(%dma_start3A_99 : memref<320x16xf32, #tpu.memory_space<hbm>>) target(%arg16 : memref<320x16xf32, #tpu.memory_space<vmem>>) target_semaphore(%run_scoped3A : memref<!tpu.dma_semaphore, #tpu.memory_space<semaphore_mem>>)
          %dma_wait3A_100 = arith.constant 0 : i32
          %dma_wait3A_101 = tpu.memref_slice %arg3[%add3A_87, %dma_wait3A_100] : memref<51200x16xf32, #tpu.memory_space<hbm>> -> memref<320x16xf32, #tpu.memory_space<hbm>>
          %dma_wait3A_102 = arith.constant 0 : i32
          %dma_wait3A_103 = tpu.memref_slice %arg3[%add3A_87, %dma_wait3A_102] : memref<51200x16xf32, #tpu.memory_space<hbm>> -> memref<320x16xf32, #tpu.memory_space<hbm>>
          tpu.wait_dma2 semaphore(%run_scoped3A : memref<!tpu.dma_semaphore, #tpu.memory_space<semaphore_mem>>) src(%dma_wait3A_103 : memref<320x16xf32, #tpu.memory_space<hbm>>) dst(%arg16 : memref<320x16xf32, #tpu.memory_space<vmem>>)
          tpu.yield
        }) : () -> ()
        %scan3A_88 = arith.constant 0 : i32
        %scan3A_89 = arith.constant 0 : i32
        %scan3A_90 = arith.constant 320 : i32
        %scan3A_91 = arith.addi %scan3A_89, %scan3A_90 : i32
        %scan3A_92 = arith.constant 1 : i32
        %scan3A_93 = scf.for %scan3A_96 = %scan3A_89 to %scan3A_91 step %scan3A_92 iter_args(%scan3A_97 = %scan3A_88) -> (i32)  : i32 {
          %mul3A_98 = arith.constant 320 : i32
          %mul3A_99 = arith.muli %scan3A_81, %mul3A_98 : i32
          %add3A_100 = arith.addi %mul3A_99, %scan3A_96 : i32
          %broadcast_in_dim3A_101 = vector.broadcast %add3A_100 : i32 to vector<16xi32>
          %get3A = arith.index_cast %scan3A_96 : i32 to index
          %get3A_102 = arith.constant 0 : index
          %get3A_103 = tpu.vector_load %arg16[%get3A, %get3A_102] {strides = array<i32>} : memref<320x16xf32, #tpu.memory_space<vmem>>, vector<16xf32>,
          %gather3A = tpu.vector_load_idx %arg22[%broadcast_in_dim3A_101] : memref<3200xf32, #tpu.memory_space<vmem>>[vector<16xi32>], vector<16xf32>,
          %mul3A_104 = arith.mulf %get3A_103, %gather3A : vector<16xf32>
          %swap3A = arith.index_cast %scan3A_96 : i32 to index
          %swap3A_105 = arith.constant 0 : index
          %swap3A_106 = tpu.vector_load %arg17[%swap3A, %swap3A_105] {strides = array<i32>} : memref<320x16xf32, #tpu.memory_space<vmem>>, vector<16xf32>,
          tpu.vector_store %arg17[%swap3A, %swap3A_105], %mul3A_104 {strides = array<i32>} : memref<320x16xf32, #tpu.memory_space<vmem>>, vector<16xf32>,
          %scan3A_107 = arith.constant 0 : i32
          scf.yield %scan3A_107 : i32
        }
        %scan3A_94 = arith.constant 320 : i32
        "tpu.region"() ({
          %run_scoped3A = tpu.sem_alloc : memref<!tpu.dma_semaphore, #tpu.memory_space<semaphore_mem>>
          %dma_start3A_96 = arith.constant 0 : i32
          %dma_start3A_97 = tpu.memref_slice %arg7[%add3A_87, %dma_start3A_96] : memref<51200x16xf32, #tpu.memory_space<hbm>> -> memref<320x16xf32, #tpu.memory_space<hbm>>
          %dma_start3A_98 = arith.constant 0 : i32
          %dma_start3A_99 = tpu.memref_slice %arg7[%add3A_87, %dma_start3A_98] : memref<51200x16xf32, #tpu.memory_space<hbm>> -> memref<320x16xf32, #tpu.memory_space<hbm>>
          tpu.enqueue_dma source(%arg17 : memref<320x16xf32, #tpu.memory_space<vmem>>) target(%dma_start3A_99 : memref<320x16xf32, #tpu.memory_space<hbm>>) target_semaphore(%run_scoped3A : memref<!tpu.dma_semaphore, #tpu.memory_space<semaphore_mem>>)
          %dma_wait3A_100 = arith.constant 0 : i32
          %dma_wait3A_101 = tpu.memref_slice %arg7[%add3A_87, %dma_wait3A_100] : memref<51200x16xf32, #tpu.memory_space<hbm>> -> memref<320x16xf32, #tpu.memory_space<hbm>>
          %dma_wait3A_102 = arith.constant 0 : i32
          %dma_wait3A_103 = tpu.memref_slice %arg7[%add3A_87, %dma_wait3A_102] : memref<51200x16xf32, #tpu.memory_space<hbm>> -> memref<320x16xf32, #tpu.memory_space<hbm>>
          tpu.wait_dma2 semaphore(%run_scoped3A : memref<!tpu.dma_semaphore, #tpu.memory_space<semaphore_mem>>) src(%arg17 : memref<320x16xf32, #tpu.memory_space<vmem>>) dst(%dma_wait3A_103 : memref<320x16xf32, #tpu.memory_space<hbm>>)
          tpu.yield
        }) : () -> ()
        %scan3A_95 = arith.constant 0 : i32
        scf.yield %scan3A_95 : i32
      }
      %scan3A_80 = arith.constant 10 : i32
    } else {
    }
    return
  }
}

#map = affine_map<(d0, d1) -> (0, 0)>
#map1 = affine_map<(d0, d1) -> (0)>
module attributes {stable_mosaic.version = 14 : i64} {
  func.func @_final_body(%arg0: i32, %arg1: i32, %arg2: memref<51200x16xf32, #tpu.memory_space<hbm>>, %arg3: memref<51200x16xf32, #tpu.memory_space<hbm>>, %arg4: memref<3212288xi32, #tpu.memory_space<hbm>>, %arg5: memref<3212288xi32, #tpu.memory_space<hbm>>, %arg6: memref<51200xf32, #tpu.memory_space<hbm>>, %arg7: memref<51200xf32, #tpu.memory_space<hbm>>, %arg8: memref<51200x16xf32, #tpu.memory_space<hbm>>, %arg9: memref<51200x16xf32, #tpu.memory_space<hbm>>, %arg10: memref<51200xf32, #tpu.memory_space<hbm>>, %arg11: memref<51200xf32, #tpu.memory_space<hbm>>, %arg12: memref<51200x16xf32, #tpu.memory_space<hbm>>, %arg13: memref<51200x16xf32, #tpu.memory_space<hbm>>, %arg14: memref<51200x16xf32, #tpu.memory_space<vmem_shared>>, %arg15: memref<1024xi32, #tpu.memory_space<vmem>>, %arg16: memref<1024xi32, #tpu.memory_space<vmem>>, %arg17: memref<1024x16xf32, #tpu.memory_space<vmem>>, %arg18: memref<1024xi32, #tpu.memory_space<vmem>>, %arg19: memref<1024xi32, #tpu.memory_space<vmem>>, %arg20: memref<1024x16xf32, #tpu.memory_space<vmem>>, %arg21: memref<320x16xf32, #tpu.memory_space<vmem>>, %arg22: memref<320x16xf32, #tpu.memory_space<vmem>>, %arg23: memref<320x16xf32, #tpu.memory_space<vmem>>, %arg24: memref<320x16xf32, #tpu.memory_space<vmem>>, %arg25: memref<3200xf32, #tpu.memory_space<vmem>>, %arg26: memref<3200xf32, #tpu.memory_space<vmem>>, %arg27: memref<!tpu.dma_semaphore, #tpu.memory_space<semaphore_mem>>, %arg28: memref<!tpu.dma_semaphore, #tpu.memory_space<semaphore_mem>>, %arg29: memref<!tpu.dma_semaphore, #tpu.memory_space<semaphore_mem>>) attributes {dimension_semantics = [#tpu.dimension_semantics<core_parallel>, #tpu.dimension_semantics<subcore_parallel>], iteration_bounds = array<i64: 2, 16>, scalar_prefetch = 0 : i64, scratch_operands = 16 : i64, tpu.core_type = #tpu.core_type<sc_vector_subcore>, window_params = [{transform_indices = #map}, {transform_indices = #map}, {transform_indices = #map1}, {transform_indices = #map1}, {transform_indices = #map1}, {transform_indices = #map1}, {transform_indices = #map}, {transform_indices = #map}, {transform_indices = #map1}, {transform_indices = #map1}, {transform_indices = #map}, {transform_indices = #map}]} {
    %eq3A = arith.constant 0 : i32
    %eq3A_0 = arith.cmpi eq, %arg0, %eq3A : i32
    %convert_element_type3A = arith.extui %eq3A_0 : i1 to i32
    %cond3A = arith.constant 0 : i32
    %cond3A_1 = arith.cmpi ne, %convert_element_type3A, %cond3A : i32
    scf.if %cond3A_1 {
      %broadcast_in_dim3A = arith.constant 0.000000e+00 : f32
      %broadcast_in_dim3A_7 = vector.broadcast %broadcast_in_dim3A : f32 to vector<16xf32>
      %scan3A = arith.constant 0 : i32
      %scan3A_8 = arith.constant 0 : i32
      %scan3A_9 = arith.constant 320 : i32
      %scan3A_10 = arith.addi %scan3A_8, %scan3A_9 : i32
      %scan3A_11 = arith.constant 1 : i32
      %scan3A_12 = scf.for %scan3A_58 = %scan3A_8 to %scan3A_10 step %scan3A_11 iter_args(%scan3A_59 = %scan3A) -> (i32)  : i32 {
        %swap3A = arith.index_cast %scan3A_58 : i32 to index
        %swap3A_60 = arith.constant 0 : index
        %swap3A_61 = tpu.vector_load %arg24[%swap3A, %swap3A_60] {strides = array<i32>} : memref<320x16xf32, #tpu.memory_space<vmem>>, vector<16xf32>,
        tpu.vector_store %arg24[%swap3A, %swap3A_60], %broadcast_in_dim3A_7 {strides = array<i32>} : memref<320x16xf32, #tpu.memory_space<vmem>>, vector<16xf32>,
        %scan3A_62 = arith.constant 0 : i32
        scf.yield %scan3A_62 : i32
      }
      %scan3A_13 = arith.constant 320 : i32
      %scan3A_14 = arith.constant 0 : i32
      %scan3A_15 = arith.constant 0 : i32
      %scan3A_16 = arith.constant 10 : i32
      %scan3A_17 = arith.addi %scan3A_15, %scan3A_16 : i32
      %scan3A_18 = arith.constant 1 : i32
      %scan3A_19 = scf.for %scan3A_58 = %scan3A_15 to %scan3A_17 step %scan3A_18 iter_args(%scan3A_59 = %scan3A_14) -> (i32)  : i32 {
        %mul3A_60 = arith.constant 3200 : i32
        %mul3A_61 = arith.muli %arg1, %mul3A_60 : i32
        %mul3A_62 = arith.constant 320 : i32
        %mul3A_63 = arith.muli %scan3A_58, %mul3A_62 : i32
        %add3A_64 = arith.addi %mul3A_61, %mul3A_63 : i32
        "tpu.region"() ({
          %run_scoped3A = tpu.sem_alloc : memref<!tpu.dma_semaphore, #tpu.memory_space<semaphore_mem>>
          %dma_start3A_66 = arith.constant 0 : i32
          %dma_start3A_67 = tpu.memref_slice %arg14[%add3A_64, %dma_start3A_66] : memref<51200x16xf32, #tpu.memory_space<vmem_shared>> -> memref<320x16xf32, #tpu.memory_space<vmem_shared>>
          %dma_start3A_68 = arith.constant 0 : i32
          %dma_start3A_69 = tpu.memref_slice %arg14[%add3A_64, %dma_start3A_68] : memref<51200x16xf32, #tpu.memory_space<vmem_shared>> -> memref<320x16xf32, #tpu.memory_space<vmem_shared>>
          tpu.enqueue_dma source(%arg24 : memref<320x16xf32, #tpu.memory_space<vmem>>) target(%dma_start3A_69 : memref<320x16xf32, #tpu.memory_space<vmem_shared>>) target_semaphore(%run_scoped3A : memref<!tpu.dma_semaphore, #tpu.memory_space<semaphore_mem>>)
          %dma_wait3A_70 = arith.constant 0 : i32
          %dma_wait3A_71 = tpu.memref_slice %arg14[%add3A_64, %dma_wait3A_70] : memref<51200x16xf32, #tpu.memory_space<vmem_shared>> -> memref<320x16xf32, #tpu.memory_space<vmem_shared>>
          %dma_wait3A_72 = arith.constant 0 : i32
          %dma_wait3A_73 = tpu.memref_slice %arg14[%add3A_64, %dma_wait3A_72] : memref<51200x16xf32, #tpu.memory_space<vmem_shared>> -> memref<320x16xf32, #tpu.memory_space<vmem_shared>>
          tpu.wait_dma2 semaphore(%run_scoped3A : memref<!tpu.dma_semaphore, #tpu.memory_space<semaphore_mem>>) src(%arg24 : memref<320x16xf32, #tpu.memory_space<vmem>>) dst(%dma_wait3A_73 : memref<320x16xf32, #tpu.memory_space<vmem_shared>>)
          tpu.yield
        }) : () -> ()
        %scan3A_65 = arith.constant 0 : i32
        scf.yield %scan3A_65 : i32
      }
      %scan3A_20 = arith.constant 10 : i32
      %barrier3A = arith.constant 0 : index
      tpu.barrier barrier_id(%barrier3A)
      %mul3A = arith.constant 200704 : i32
      %mul3A_21 = arith.muli %arg1, %mul3A : i32
      %add3A = arith.constant 0 : i32
      %add3A_22 = arith.addi %mul3A_21, %add3A : i32
      %dma_start3A = tpu.memref_slice %arg4[%add3A_22] : memref<3212288xi32, #tpu.memory_space<hbm>> -> memref<1024xi32, #tpu.memory_space<hbm>>
      %dma_start3A_23 = tpu.memref_slice %arg4[%add3A_22] : memref<3212288xi32, #tpu.memory_space<hbm>> -> memref<1024xi32, #tpu.memory_space<hbm>>
      tpu.enqueue_dma source(%dma_start3A_23 : memref<1024xi32, #tpu.memory_space<hbm>>) target(%arg15 : memref<1024xi32, #tpu.memory_space<vmem>>) target_semaphore(%arg27 : memref<!tpu.dma_semaphore, #tpu.memory_space<semaphore_mem>>)
      %add3A_24 = arith.constant 0 : i32
      %add3A_25 = arith.addi %mul3A_21, %add3A_24 : i32
      %dma_start3A_26 = tpu.memref_slice %arg5[%add3A_25] : memref<3212288xi32, #tpu.memory_space<hbm>> -> memref<1024xi32, #tpu.memory_space<hbm>>
      %dma_start3A_27 = tpu.memref_slice %arg5[%add3A_25] : memref<3212288xi32, #tpu.memory_space<hbm>> -> memref<1024xi32, #tpu.memory_space<hbm>>
      tpu.enqueue_dma source(%dma_start3A_27 : memref<1024xi32, #tpu.memory_space<hbm>>) target(%arg16 : memref<1024xi32, #tpu.memory_space<vmem>>) target_semaphore(%arg27 : memref<!tpu.dma_semaphore, #tpu.memory_space<semaphore_mem>>)
      %scan3A_28 = arith.constant 0 : i32
      %scan3A_29 = arith.constant 0 : i32
      %scan3A_30 = arith.constant 98 : i32
      %scan3A_31 = arith.addi %scan3A_29, %scan3A_30 : i32
      %scan3A_32 = arith.constant 1 : i32
      %scan3A_33 = scf.for %scan3A_58 = %scan3A_29 to %scan3A_31 step %scan3A_32 iter_args(%scan3A_59 = %scan3A_28) -> (i32)  : i32 {
        %mul3A_60 = arith.constant 2 : i32
        %mul3A_61 = arith.muli %mul3A_60, %scan3A_58 : i32
        %add3A_62 = arith.constant 0 : i32
        %add3A_63 = arith.addi %mul3A_61, %add3A_62 : i32
        %mul3A_64 = arith.constant 1024 : i32
        %mul3A_65 = arith.muli %add3A_63, %mul3A_64 : i32
        %add3A_66 = arith.addi %mul3A_21, %mul3A_65 : i32
        %dma_wait3A_67 = tpu.memref_slice %arg4[%add3A_66] : memref<3212288xi32, #tpu.memory_space<hbm>> -> memref<1024xi32, #tpu.memory_space<hbm>>
        %dma_wait3A_68 = tpu.memref_slice %arg4[%add3A_66] : memref<3212288xi32, #tpu.memory_space<hbm>> -> memref<1024xi32, #tpu.memory_space<hbm>>
        tpu.wait_dma2 semaphore(%arg27 : memref<!tpu.dma_semaphore, #tpu.memory_space<semaphore_mem>>) src(%dma_wait3A_68 : memref<1024xi32, #tpu.memory_space<hbm>>) dst(%arg15 : memref<1024xi32, #tpu.memory_space<vmem>>)
        %mul3A_69 = arith.constant 1024 : i32
        %mul3A_70 = arith.muli %add3A_63, %mul3A_69 : i32
        %add3A_71 = arith.addi %mul3A_21, %mul3A_70 : i32
        %dma_wait3A_72 = tpu.memref_slice %arg5[%add3A_71] : memref<3212288xi32, #tpu.memory_space<hbm>> -> memref<1024xi32, #tpu.memory_space<hbm>>
        %dma_wait3A_73 = tpu.memref_slice %arg5[%add3A_71] : memref<3212288xi32, #tpu.memory_space<hbm>> -> memref<1024xi32, #tpu.memory_space<hbm>>
        tpu.wait_dma2 semaphore(%arg27 : memref<!tpu.dma_semaphore, #tpu.memory_space<semaphore_mem>>) src(%dma_wait3A_73 : memref<1024xi32, #tpu.memory_space<hbm>>) dst(%arg16 : memref<1024xi32, #tpu.memory_space<vmem>>)
        %dma_start3A_74 = arith.constant 0 : i32
        %dma_start3A_75 = arith.constant 0 : i32
        %dma_start3A_76 = tpu.memref_slice %arg3[%dma_start3A_74, %dma_start3A_75] : memref<51200x16xf32, #tpu.memory_space<hbm>> -> memref<51200x16xf32, #tpu.memory_space<hbm>>
        tpu.enqueue_indirect_dma source(%dma_start3A_76 : memref<51200x16xf32, #tpu.memory_space<hbm>>) target(%arg17 : memref<1024x16xf32, #tpu.memory_space<vmem>>) offsets(%arg16 : memref<1024xi32, #tpu.memory_space<vmem>>) semaphore(%arg28 : memref<!tpu.dma_semaphore, #tpu.memory_space<semaphore_mem>>)
        %gt3A = arith.constant 0 : i32
        %gt3A_77 = arith.cmpi sgt, %scan3A_58, %gt3A : i32
        %convert_element_type3A_78 = arith.extui %gt3A_77 : i1 to i32
        %cond3A_79 = arith.constant 0 : i32
        %cond3A_80 = arith.cmpi ne, %convert_element_type3A_78, %cond3A_79 : i32
        scf.if %cond3A_80 {
          %dma_wait3A_138 = arith.constant 0 : i32
          %dma_wait3A_139 = arith.constant 0 : i32
          %dma_wait3A_140 = tpu.memref_slice %arg14[%dma_wait3A_138, %dma_wait3A_139] : memref<51200x16xf32, #tpu.memory_space<vmem_shared>> -> memref<51200x16xf32, #tpu.memory_space<vmem_shared>>
          tpu.wait_indirect_dma semaphore(%arg29 : memref<!tpu.dma_semaphore, #tpu.memory_space<semaphore_mem>>) src(%arg20 : memref<1024x16xf32, #tpu.memory_space<vmem>>) dst(%dma_wait3A_140 : memref<51200x16xf32, #tpu.memory_space<vmem_shared>>)
        } else {
        }
        %add3A_81 = arith.constant 1 : i32
        %add3A_82 = arith.addi %add3A_63, %add3A_81 : i32
        %mul3A_83 = arith.constant 1024 : i32
        %mul3A_84 = arith.muli %add3A_82, %mul3A_83 : i32
        %add3A_85 = arith.addi %mul3A_21, %mul3A_84 : i32
        %dma_start3A_86 = tpu.memref_slice %arg4[%add3A_85] : memref<3212288xi32, #tpu.memory_space<hbm>> -> memref<1024xi32, #tpu.memory_space<hbm>>
        %dma_start3A_87 = tpu.memref_slice %arg4[%add3A_85] : memref<3212288xi32, #tpu.memory_space<hbm>> -> memref<1024xi32, #tpu.memory_space<hbm>>
        tpu.enqueue_dma source(%dma_start3A_87 : memref<1024xi32, #tpu.memory_space<hbm>>) target(%arg18 : memref<1024xi32, #tpu.memory_space<vmem>>) target_semaphore(%arg27 : memref<!tpu.dma_semaphore, #tpu.memory_space<semaphore_mem>>)
        %mul3A_88 = arith.constant 1024 : i32
        %mul3A_89 = arith.muli %add3A_82, %mul3A_88 : i32
        %add3A_90 = arith.addi %mul3A_21, %mul3A_89 : i32
        %dma_start3A_91 = tpu.memref_slice %arg5[%add3A_90] : memref<3212288xi32, #tpu.memory_space<hbm>> -> memref<1024xi32, #tpu.memory_space<hbm>>
        %dma_start3A_92 = tpu.memref_slice %arg5[%add3A_90] : memref<3212288xi32, #tpu.memory_space<hbm>> -> memref<1024xi32, #tpu.memory_space<hbm>>
        tpu.enqueue_dma source(%dma_start3A_92 : memref<1024xi32, #tpu.memory_space<hbm>>) target(%arg19 : memref<1024xi32, #tpu.memory_space<vmem>>) target_semaphore(%arg27 : memref<!tpu.dma_semaphore, #tpu.memory_space<semaphore_mem>>)
        %dma_wait3A_93 = arith.constant 0 : i32
        %dma_wait3A_94 = arith.constant 0 : i32
        %dma_wait3A_95 = tpu.memref_slice %arg3[%dma_wait3A_93, %dma_wait3A_94] : memref<51200x16xf32, #tpu.memory_space<hbm>> -> memref<51200x16xf32, #tpu.memory_space<hbm>>
        tpu.wait_indirect_dma semaphore(%arg28 : memref<!tpu.dma_semaphore, #tpu.memory_space<semaphore_mem>>) src(%dma_wait3A_95 : memref<51200x16xf32, #tpu.memory_space<hbm>>) dst(%arg17 : memref<1024x16xf32, #tpu.memory_space<vmem>>)
        %dma_start3A_96 = arith.constant 0 : i32
        %dma_start3A_97 = arith.constant 0 : i32
        %dma_start3A_98 = tpu.memref_slice %arg14[%dma_start3A_96, %dma_start3A_97] : memref<51200x16xf32, #tpu.memory_space<vmem_shared>> -> memref<51200x16xf32, #tpu.memory_space<vmem_shared>>
        tpu.enqueue_indirect_dma source(%arg17 : memref<1024x16xf32, #tpu.memory_space<vmem>>) target(%dma_start3A_98 : memref<51200x16xf32, #tpu.memory_space<vmem_shared>>) offsets(%arg15 : memref<1024xi32, #tpu.memory_space<vmem>>) semaphore(%arg29 : memref<!tpu.dma_semaphore, #tpu.memory_space<semaphore_mem>>) {add = true}
        %mul3A_99 = arith.constant 2 : i32
        %mul3A_100 = arith.muli %mul3A_99, %scan3A_58 : i32
        %add3A_101 = arith.constant 1 : i32
        %add3A_102 = arith.addi %mul3A_100, %add3A_101 : i32
        %mul3A_103 = arith.constant 1024 : i32
        %mul3A_104 = arith.muli %add3A_102, %mul3A_103 : i32
        %add3A_105 = arith.addi %mul3A_21, %mul3A_104 : i32
        %dma_wait3A_106 = tpu.memref_slice %arg4[%add3A_105] : memref<3212288xi32, #tpu.memory_space<hbm>> -> memref<1024xi32, #tpu.memory_space<hbm>>
        %dma_wait3A_107 = tpu.memref_slice %arg4[%add3A_105] : memref<3212288xi32, #tpu.memory_space<hbm>> -> memref<1024xi32, #tpu.memory_space<hbm>>
        tpu.wait_dma2 semaphore(%arg27 : memref<!tpu.dma_semaphore, #tpu.memory_space<semaphore_mem>>) src(%dma_wait3A_107 : memref<1024xi32, #tpu.memory_space<hbm>>) dst(%arg18 : memref<1024xi32, #tpu.memory_space<vmem>>)
        %mul3A_108 = arith.constant 1024 : i32
        %mul3A_109 = arith.muli %add3A_102, %mul3A_108 : i32
        %add3A_110 = arith.addi %mul3A_21, %mul3A_109 : i32
        %dma_wait3A_111 = tpu.memref_slice %arg5[%add3A_110] : memref<3212288xi32, #tpu.memory_space<hbm>> -> memref<1024xi32, #tpu.memory_space<hbm>>
        %dma_wait3A_112 = tpu.memref_slice %arg5[%add3A_110] : memref<3212288xi32, #tpu.memory_space<hbm>> -> memref<1024xi32, #tpu.memory_space<hbm>>
        tpu.wait_dma2 semaphore(%arg27 : memref<!tpu.dma_semaphore, #tpu.memory_space<semaphore_mem>>) src(%dma_wait3A_112 : memref<1024xi32, #tpu.memory_space<hbm>>) dst(%arg19 : memref<1024xi32, #tpu.memory_space<vmem>>)
        %dma_start3A_113 = arith.constant 0 : i32
        %dma_start3A_114 = arith.constant 0 : i32
        %dma_start3A_115 = tpu.memref_slice %arg3[%dma_start3A_113, %dma_start3A_114] : memref<51200x16xf32, #tpu.memory_space<hbm>> -> memref<51200x16xf32, #tpu.memory_space<hbm>>
        tpu.enqueue_indirect_dma source(%dma_start3A_115 : memref<51200x16xf32, #tpu.memory_space<hbm>>) target(%arg20 : memref<1024x16xf32, #tpu.memory_space<vmem>>) offsets(%arg19 : memref<1024xi32, #tpu.memory_space<vmem>>) semaphore(%arg28 : memref<!tpu.dma_semaphore, #tpu.memory_space<semaphore_mem>>)
        %dma_wait3A_116 = arith.constant 0 : i32
        %dma_wait3A_117 = arith.constant 0 : i32
        %dma_wait3A_118 = tpu.memref_slice %arg14[%dma_wait3A_116, %dma_wait3A_117] : memref<51200x16xf32, #tpu.memory_space<vmem_shared>> -> memref<51200x16xf32, #tpu.memory_space<vmem_shared>>
        tpu.wait_indirect_dma semaphore(%arg29 : memref<!tpu.dma_semaphore, #tpu.memory_space<semaphore_mem>>) src(%arg17 : memref<1024x16xf32, #tpu.memory_space<vmem>>) dst(%dma_wait3A_118 : memref<51200x16xf32, #tpu.memory_space<vmem_shared>>)
        %add3A_119 = arith.constant 1 : i32
        %add3A_120 = arith.addi %add3A_102, %add3A_119 : i32
        %mul3A_121 = arith.constant 1024 : i32
        %mul3A_122 = arith.muli %add3A_120, %mul3A_121 : i32
        %add3A_123 = arith.addi %mul3A_21, %mul3A_122 : i32
        %dma_start3A_124 = tpu.memref_slice %arg4[%add3A_123] : memref<3212288xi32, #tpu.memory_space<hbm>> -> memref<1024xi32, #tpu.memory_space<hbm>>
        %dma_start3A_125 = tpu.memref_slice %arg4[%add3A_123] : memref<3212288xi32, #tpu.memory_space<hbm>> -> memref<1024xi32, #tpu.memory_space<hbm>>
        tpu.enqueue_dma source(%dma_start3A_125 : memref<1024xi32, #tpu.memory_space<hbm>>) target(%arg15 : memref<1024xi32, #tpu.memory_space<vmem>>) target_semaphore(%arg27 : memref<!tpu.dma_semaphore, #tpu.memory_space<semaphore_mem>>)
        %mul3A_126 = arith.constant 1024 : i32
        %mul3A_127 = arith.muli %add3A_120, %mul3A_126 : i32
        %add3A_128 = arith.addi %mul3A_21, %mul3A_127 : i32
        %dma_start3A_129 = tpu.memref_slice %arg5[%add3A_128] : memref<3212288xi32, #tpu.memory_space<hbm>> -> memref<1024xi32, #tpu.memory_space<hbm>>
        %dma_start3A_130 = tpu.memref_slice %arg5[%add3A_128] : memref<3212288xi32, #tpu.memory_space<hbm>> -> memref<1024xi32, #tpu.memory_space<hbm>>
        tpu.enqueue_dma source(%dma_start3A_130 : memref<1024xi32, #tpu.memory_space<hbm>>) target(%arg16 : memref<1024xi32, #tpu.memory_space<vmem>>) target_semaphore(%arg27 : memref<!tpu.dma_semaphore, #tpu.memory_space<semaphore_mem>>)
        %dma_wait3A_131 = arith.constant 0 : i32
        %dma_wait3A_132 = arith.constant 0 : i32
        %dma_wait3A_133 = tpu.memref_slice %arg3[%dma_wait3A_131, %dma_wait3A_132] : memref<51200x16xf32, #tpu.memory_space<hbm>> -> memref<51200x16xf32, #tpu.memory_space<hbm>>
        tpu.wait_indirect_dma semaphore(%arg28 : memref<!tpu.dma_semaphore, #tpu.memory_space<semaphore_mem>>) src(%dma_wait3A_133 : memref<51200x16xf32, #tpu.memory_space<hbm>>) dst(%arg20 : memref<1024x16xf32, #tpu.memory_space<vmem>>)
        %dma_start3A_134 = arith.constant 0 : i32
        %dma_start3A_135 = arith.constant 0 : i32
        %dma_start3A_136 = tpu.memref_slice %arg14[%dma_start3A_134, %dma_start3A_135] : memref<51200x16xf32, #tpu.memory_space<vmem_shared>> -> memref<51200x16xf32, #tpu.memory_space<vmem_shared>>
        tpu.enqueue_indirect_dma source(%arg20 : memref<1024x16xf32, #tpu.memory_space<vmem>>) target(%dma_start3A_136 : memref<51200x16xf32, #tpu.memory_space<vmem_shared>>) offsets(%arg18 : memref<1024xi32, #tpu.memory_space<vmem>>) semaphore(%arg29 : memref<!tpu.dma_semaphore, #tpu.memory_space<semaphore_mem>>) {add = true}
        %scan3A_137 = arith.constant 0 : i32
        scf.yield %scan3A_137 : i32
      }
      %scan3A_34 = arith.constant 98 : i32
      %dma_wait3A = arith.constant 0 : i32
      %dma_wait3A_35 = arith.constant 0 : i32
      %dma_wait3A_36 = tpu.memref_slice %arg14[%dma_wait3A, %dma_wait3A_35] : memref<51200x16xf32, #tpu.memory_space<vmem_shared>> -> memref<51200x16xf32, #tpu.memory_space<vmem_shared>>
      tpu.wait_indirect_dma semaphore(%arg29 : memref<!tpu.dma_semaphore, #tpu.memory_space<semaphore_mem>>) src(%arg20 : memref<1024x16xf32, #tpu.memory_space<vmem>>) dst(%dma_wait3A_36 : memref<51200x16xf32, #tpu.memory_space<vmem_shared>>)
      %add3A_37 = arith.constant 200704 : i32
      %add3A_38 = arith.addi %mul3A_21, %add3A_37 : i32
      %dma_wait3A_39 = tpu.memref_slice %arg4[%add3A_38] : memref<3212288xi32, #tpu.memory_space<hbm>> -> memref<1024xi32, #tpu.memory_space<hbm>>
      %dma_wait3A_40 = tpu.memref_slice %arg4[%add3A_38] : memref<3212288xi32, #tpu.memory_space<hbm>> -> memref<1024xi32, #tpu.memory_space<hbm>>
      tpu.wait_dma2 semaphore(%arg27 : memref<!tpu.dma_semaphore, #tpu.memory_space<semaphore_mem>>) src(%dma_wait3A_40 : memref<1024xi32, #tpu.memory_space<hbm>>) dst(%arg15 : memref<1024xi32, #tpu.memory_space<vmem>>)
      %add3A_41 = arith.constant 200704 : i32
      %add3A_42 = arith.addi %mul3A_21, %add3A_41 : i32
      %dma_wait3A_43 = tpu.memref_slice %arg5[%add3A_42] : memref<3212288xi32, #tpu.memory_space<hbm>> -> memref<1024xi32, #tpu.memory_space<hbm>>
      %dma_wait3A_44 = tpu.memref_slice %arg5[%add3A_42] : memref<3212288xi32, #tpu.memory_space<hbm>> -> memref<1024xi32, #tpu.memory_space<hbm>>
      tpu.wait_dma2 semaphore(%arg27 : memref<!tpu.dma_semaphore, #tpu.memory_space<semaphore_mem>>) src(%dma_wait3A_44 : memref<1024xi32, #tpu.memory_space<hbm>>) dst(%arg16 : memref<1024xi32, #tpu.memory_space<vmem>>)
      %barrier3A_45 = arith.constant 0 : index
      tpu.barrier barrier_id(%barrier3A_45)
      %mul3A_46 = arith.constant 3200 : i32
      %mul3A_47 = arith.muli %arg1, %mul3A_46 : i32
      "tpu.region"() ({
        %run_scoped3A = tpu.sem_alloc : memref<!tpu.dma_semaphore, #tpu.memory_space<semaphore_mem>>
        %dma_start3A_58 = tpu.memref_slice %arg6[%mul3A_47] : memref<51200xf32, #tpu.memory_space<hbm>> -> memref<3200xf32, #tpu.memory_space<hbm>>
        %dma_start3A_59 = tpu.memref_slice %arg6[%mul3A_47] : memref<51200xf32, #tpu.memory_space<hbm>> -> memref<3200xf32, #tpu.memory_space<hbm>>
        tpu.enqueue_dma source(%dma_start3A_59 : memref<3200xf32, #tpu.memory_space<hbm>>) target(%arg25 : memref<3200xf32, #tpu.memory_space<vmem>>) target_semaphore(%run_scoped3A : memref<!tpu.dma_semaphore, #tpu.memory_space<semaphore_mem>>)
        %dma_wait3A_60 = tpu.memref_slice %arg6[%mul3A_47] : memref<51200xf32, #tpu.memory_space<hbm>> -> memref<3200xf32, #tpu.memory_space<hbm>>
        %dma_wait3A_61 = tpu.memref_slice %arg6[%mul3A_47] : memref<51200xf32, #tpu.memory_space<hbm>> -> memref<3200xf32, #tpu.memory_space<hbm>>
        tpu.wait_dma2 semaphore(%run_scoped3A : memref<!tpu.dma_semaphore, #tpu.memory_space<semaphore_mem>>) src(%dma_wait3A_61 : memref<3200xf32, #tpu.memory_space<hbm>>) dst(%arg25 : memref<3200xf32, #tpu.memory_space<vmem>>)
        tpu.yield
      }) : () -> ()
      %mul3A_48 = arith.constant 3200 : i32
      %mul3A_49 = arith.muli %arg1, %mul3A_48 : i32
      "tpu.region"() ({
        %run_scoped3A = tpu.sem_alloc : memref<!tpu.dma_semaphore, #tpu.memory_space<semaphore_mem>>
        %dma_start3A_58 = tpu.memref_slice %arg10[%mul3A_49] : memref<51200xf32, #tpu.memory_space<hbm>> -> memref<3200xf32, #tpu.memory_space<hbm>>
        %dma_start3A_59 = tpu.memref_slice %arg10[%mul3A_49] : memref<51200xf32, #tpu.memory_space<hbm>> -> memref<3200xf32, #tpu.memory_space<hbm>>
        tpu.enqueue_dma source(%dma_start3A_59 : memref<3200xf32, #tpu.memory_space<hbm>>) target(%arg26 : memref<3200xf32, #tpu.memory_space<vmem>>) target_semaphore(%run_scoped3A : memref<!tpu.dma_semaphore, #tpu.memory_space<semaphore_mem>>)
        %dma_wait3A_60 = tpu.memref_slice %arg10[%mul3A_49] : memref<51200xf32, #tpu.memory_space<hbm>> -> memref<3200xf32, #tpu.memory_space<hbm>>
        %dma_wait3A_61 = tpu.memref_slice %arg10[%mul3A_49] : memref<51200xf32, #tpu.memory_space<hbm>> -> memref<3200xf32, #tpu.memory_space<hbm>>
        tpu.wait_dma2 semaphore(%run_scoped3A : memref<!tpu.dma_semaphore, #tpu.memory_space<semaphore_mem>>) src(%dma_wait3A_61 : memref<3200xf32, #tpu.memory_space<hbm>>) dst(%arg26 : memref<3200xf32, #tpu.memory_space<vmem>>)
        tpu.yield
      }) : () -> ()
      %scan3A_50 = arith.constant 0.333333343 : f32
      %scan3A_51 = arith.constant 0 : i32
      %scan3A_52 = arith.constant 0 : i32
      %scan3A_53 = arith.constant 10 : i32
      %scan3A_54 = arith.addi %scan3A_52, %scan3A_53 : i32
      %scan3A_55 = arith.constant 1 : i32
      %scan3A_56 = scf.for %scan3A_58 = %scan3A_52 to %scan3A_54 step %scan3A_55 iter_args(%scan3A_59 = %scan3A_51) -> (i32)  : i32 {
        %mul3A_60 = arith.constant 3200 : i32
        %mul3A_61 = arith.muli %arg1, %mul3A_60 : i32
        %mul3A_62 = arith.constant 320 : i32
        %mul3A_63 = arith.muli %scan3A_58, %mul3A_62 : i32
        %add3A_64 = arith.addi %mul3A_61, %mul3A_63 : i32
        "tpu.region"() ({
          %run_scoped3A = tpu.sem_alloc : memref<!tpu.dma_semaphore, #tpu.memory_space<semaphore_mem>>
          %dma_start3A_73 = arith.constant 0 : i32
          %dma_start3A_74 = tpu.memref_slice %arg14[%add3A_64, %dma_start3A_73] : memref<51200x16xf32, #tpu.memory_space<vmem_shared>> -> memref<320x16xf32, #tpu.memory_space<vmem_shared>>
          %dma_start3A_75 = arith.constant 0 : i32
          %dma_start3A_76 = tpu.memref_slice %arg14[%add3A_64, %dma_start3A_75] : memref<51200x16xf32, #tpu.memory_space<vmem_shared>> -> memref<320x16xf32, #tpu.memory_space<vmem_shared>>
          tpu.enqueue_dma source(%dma_start3A_76 : memref<320x16xf32, #tpu.memory_space<vmem_shared>>) target(%arg21 : memref<320x16xf32, #tpu.memory_space<vmem>>) target_semaphore(%run_scoped3A : memref<!tpu.dma_semaphore, #tpu.memory_space<semaphore_mem>>)
          %dma_wait3A_77 = arith.constant 0 : i32
          %dma_wait3A_78 = tpu.memref_slice %arg14[%add3A_64, %dma_wait3A_77] : memref<51200x16xf32, #tpu.memory_space<vmem_shared>> -> memref<320x16xf32, #tpu.memory_space<vmem_shared>>
          %dma_wait3A_79 = arith.constant 0 : i32
          %dma_wait3A_80 = tpu.memref_slice %arg14[%add3A_64, %dma_wait3A_79] : memref<51200x16xf32, #tpu.memory_space<vmem_shared>> -> memref<320x16xf32, #tpu.memory_space<vmem_shared>>
          tpu.wait_dma2 semaphore(%run_scoped3A : memref<!tpu.dma_semaphore, #tpu.memory_space<semaphore_mem>>) src(%dma_wait3A_80 : memref<320x16xf32, #tpu.memory_space<vmem_shared>>) dst(%arg21 : memref<320x16xf32, #tpu.memory_space<vmem>>)
          tpu.yield
        }) : () -> ()
        "tpu.region"() ({
          %run_scoped3A = tpu.sem_alloc : memref<!tpu.dma_semaphore, #tpu.memory_space<semaphore_mem>>
          %dma_start3A_73 = arith.constant 0 : i32
          %dma_start3A_74 = tpu.memref_slice %arg8[%add3A_64, %dma_start3A_73] : memref<51200x16xf32, #tpu.memory_space<hbm>> -> memref<320x16xf32, #tpu.memory_space<hbm>>
          %dma_start3A_75 = arith.constant 0 : i32
          %dma_start3A_76 = tpu.memref_slice %arg8[%add3A_64, %dma_start3A_75] : memref<51200x16xf32, #tpu.memory_space<hbm>> -> memref<320x16xf32, #tpu.memory_space<hbm>>
          tpu.enqueue_dma source(%dma_start3A_76 : memref<320x16xf32, #tpu.memory_space<hbm>>) target(%arg22 : memref<320x16xf32, #tpu.memory_space<vmem>>) target_semaphore(%run_scoped3A : memref<!tpu.dma_semaphore, #tpu.memory_space<semaphore_mem>>)
          %dma_wait3A_77 = arith.constant 0 : i32
          %dma_wait3A_78 = tpu.memref_slice %arg8[%add3A_64, %dma_wait3A_77] : memref<51200x16xf32, #tpu.memory_space<hbm>> -> memref<320x16xf32, #tpu.memory_space<hbm>>
          %dma_wait3A_79 = arith.constant 0 : i32
          %dma_wait3A_80 = tpu.memref_slice %arg8[%add3A_64, %dma_wait3A_79] : memref<51200x16xf32, #tpu.memory_space<hbm>> -> memref<320x16xf32, #tpu.memory_space<hbm>>
          tpu.wait_dma2 semaphore(%run_scoped3A : memref<!tpu.dma_semaphore, #tpu.memory_space<semaphore_mem>>) src(%dma_wait3A_80 : memref<320x16xf32, #tpu.memory_space<hbm>>) dst(%arg22 : memref<320x16xf32, #tpu.memory_space<vmem>>)
          tpu.yield
        }) : () -> ()
        %scan3A_65 = arith.constant 0 : i32
        %scan3A_66 = arith.constant 0 : i32
        %scan3A_67 = arith.constant 320 : i32
        %scan3A_68 = arith.addi %scan3A_66, %scan3A_67 : i32
        %scan3A_69 = arith.constant 1 : i32
        %scan3A_70 = scf.for %scan3A_73 = %scan3A_66 to %scan3A_68 step %scan3A_69 iter_args(%scan3A_74 = %scan3A_65) -> (i32)  : i32 {
          %mul3A_75 = arith.constant 320 : i32
          %mul3A_76 = arith.muli %scan3A_58, %mul3A_75 : i32
          %add3A_77 = arith.addi %mul3A_76, %scan3A_73 : i32
          %broadcast_in_dim3A_78 = vector.broadcast %add3A_77 : i32 to vector<16xi32>
          %get3A = arith.index_cast %scan3A_73 : i32 to index
          %get3A_79 = arith.constant 0 : index
          %get3A_80 = tpu.vector_load %arg21[%get3A, %get3A_79] {strides = array<i32>} : memref<320x16xf32, #tpu.memory_space<vmem>>, vector<16xf32>,
          %gather3A = tpu.vector_load_idx %arg25[%broadcast_in_dim3A_78] : memref<3200xf32, #tpu.memory_space<vmem>>[vector<16xi32>], vector<16xf32>,
          %mul3A_81 = arith.mulf %get3A_80, %gather3A : vector<16xf32>
          %get3A_82 = arith.index_cast %scan3A_73 : i32 to index
          %get3A_83 = arith.constant 0 : index
          %get3A_84 = tpu.vector_load %arg22[%get3A_82, %get3A_83] {strides = array<i32>} : memref<320x16xf32, #tpu.memory_space<vmem>>, vector<16xf32>,
          %add3A_85 = arith.addf %get3A_84, %mul3A_81 : vector<16xf32>
          %gather3A_86 = tpu.vector_load_idx %arg26[%broadcast_in_dim3A_78] : memref<3200xf32, #tpu.memory_space<vmem>>[vector<16xi32>], vector<16xf32>,
          %mul3A_87 = arith.mulf %add3A_85, %gather3A_86 : vector<16xf32>
          %mul3A_88 = vector.broadcast %scan3A_50 : f32 to vector<16xf32>
          %mul3A_89 = arith.mulf %mul3A_87, %mul3A_88 : vector<16xf32>
          %swap3A = arith.index_cast %scan3A_73 : i32 to index
          %swap3A_90 = arith.constant 0 : index
          %swap3A_91 = tpu.vector_load %arg23[%swap3A, %swap3A_90] {strides = array<i32>} : memref<320x16xf32, #tpu.memory_space<vmem>>, vector<16xf32>,
          tpu.vector_store %arg23[%swap3A, %swap3A_90], %mul3A_89 {strides = array<i32>} : memref<320x16xf32, #tpu.memory_space<vmem>>, vector<16xf32>,
          %scan3A_92 = arith.constant 0 : i32
          scf.yield %scan3A_92 : i32
        }
        %scan3A_71 = arith.constant 320 : i32
        "tpu.region"() ({
          %run_scoped3A = tpu.sem_alloc : memref<!tpu.dma_semaphore, #tpu.memory_space<semaphore_mem>>
          %dma_start3A_73 = arith.constant 0 : i32
          %dma_start3A_74 = tpu.memref_slice %arg12[%add3A_64, %dma_start3A_73] : memref<51200x16xf32, #tpu.memory_space<hbm>> -> memref<320x16xf32, #tpu.memory_space<hbm>>
          %dma_start3A_75 = arith.constant 0 : i32
          %dma_start3A_76 = tpu.memref_slice %arg12[%add3A_64, %dma_start3A_75] : memref<51200x16xf32, #tpu.memory_space<hbm>> -> memref<320x16xf32, #tpu.memory_space<hbm>>
          tpu.enqueue_dma source(%arg23 : memref<320x16xf32, #tpu.memory_space<vmem>>) target(%dma_start3A_76 : memref<320x16xf32, #tpu.memory_space<hbm>>) target_semaphore(%run_scoped3A : memref<!tpu.dma_semaphore, #tpu.memory_space<semaphore_mem>>)
          %dma_wait3A_77 = arith.constant 0 : i32
          %dma_wait3A_78 = tpu.memref_slice %arg12[%add3A_64, %dma_wait3A_77] : memref<51200x16xf32, #tpu.memory_space<hbm>> -> memref<320x16xf32, #tpu.memory_space<hbm>>
          %dma_wait3A_79 = arith.constant 0 : i32
          %dma_wait3A_80 = tpu.memref_slice %arg12[%add3A_64, %dma_wait3A_79] : memref<51200x16xf32, #tpu.memory_space<hbm>> -> memref<320x16xf32, #tpu.memory_space<hbm>>
          tpu.wait_dma2 semaphore(%run_scoped3A : memref<!tpu.dma_semaphore, #tpu.memory_space<semaphore_mem>>) src(%arg23 : memref<320x16xf32, #tpu.memory_space<vmem>>) dst(%dma_wait3A_80 : memref<320x16xf32, #tpu.memory_space<hbm>>)
          tpu.yield
        }) : () -> ()
        %scan3A_72 = arith.constant 0 : i32
        scf.yield %scan3A_72 : i32
      }
      %scan3A_57 = arith.constant 10 : i32
    } else {
    }
    %eq3A_2 = arith.constant 1 : i32
    %eq3A_3 = arith.cmpi eq, %arg0, %eq3A_2 : i32
    %convert_element_type3A_4 = arith.extui %eq3A_3 : i1 to i32
    %cond3A_5 = arith.constant 0 : i32
    %cond3A_6 = arith.cmpi ne, %convert_element_type3A_4, %cond3A_5 : i32
    scf.if %cond3A_6 {
      %broadcast_in_dim3A = arith.constant 0.000000e+00 : f32
      %broadcast_in_dim3A_7 = vector.broadcast %broadcast_in_dim3A : f32 to vector<16xf32>
      %scan3A = arith.constant 0 : i32
      %scan3A_8 = arith.constant 0 : i32
      %scan3A_9 = arith.constant 320 : i32
      %scan3A_10 = arith.addi %scan3A_8, %scan3A_9 : i32
      %scan3A_11 = arith.constant 1 : i32
      %scan3A_12 = scf.for %scan3A_58 = %scan3A_8 to %scan3A_10 step %scan3A_11 iter_args(%scan3A_59 = %scan3A) -> (i32)  : i32 {
        %swap3A = arith.index_cast %scan3A_58 : i32 to index
        %swap3A_60 = arith.constant 0 : index
        %swap3A_61 = tpu.vector_load %arg24[%swap3A, %swap3A_60] {strides = array<i32>} : memref<320x16xf32, #tpu.memory_space<vmem>>, vector<16xf32>,
        tpu.vector_store %arg24[%swap3A, %swap3A_60], %broadcast_in_dim3A_7 {strides = array<i32>} : memref<320x16xf32, #tpu.memory_space<vmem>>, vector<16xf32>,
        %scan3A_62 = arith.constant 0 : i32
        scf.yield %scan3A_62 : i32
      }
      %scan3A_13 = arith.constant 320 : i32
      %scan3A_14 = arith.constant 0 : i32
      %scan3A_15 = arith.constant 0 : i32
      %scan3A_16 = arith.constant 10 : i32
      %scan3A_17 = arith.addi %scan3A_15, %scan3A_16 : i32
      %scan3A_18 = arith.constant 1 : i32
      %scan3A_19 = scf.for %scan3A_58 = %scan3A_15 to %scan3A_17 step %scan3A_18 iter_args(%scan3A_59 = %scan3A_14) -> (i32)  : i32 {
        %mul3A_60 = arith.constant 3200 : i32
        %mul3A_61 = arith.muli %arg1, %mul3A_60 : i32
        %mul3A_62 = arith.constant 320 : i32
        %mul3A_63 = arith.muli %scan3A_58, %mul3A_62 : i32
        %add3A_64 = arith.addi %mul3A_61, %mul3A_63 : i32
        "tpu.region"() ({
          %run_scoped3A = tpu.sem_alloc : memref<!tpu.dma_semaphore, #tpu.memory_space<semaphore_mem>>
          %dma_start3A_66 = arith.constant 0 : i32
          %dma_start3A_67 = tpu.memref_slice %arg14[%add3A_64, %dma_start3A_66] : memref<51200x16xf32, #tpu.memory_space<vmem_shared>> -> memref<320x16xf32, #tpu.memory_space<vmem_shared>>
          %dma_start3A_68 = arith.constant 0 : i32
          %dma_start3A_69 = tpu.memref_slice %arg14[%add3A_64, %dma_start3A_68] : memref<51200x16xf32, #tpu.memory_space<vmem_shared>> -> memref<320x16xf32, #tpu.memory_space<vmem_shared>>
          tpu.enqueue_dma source(%arg24 : memref<320x16xf32, #tpu.memory_space<vmem>>) target(%dma_start3A_69 : memref<320x16xf32, #tpu.memory_space<vmem_shared>>) target_semaphore(%run_scoped3A : memref<!tpu.dma_semaphore, #tpu.memory_space<semaphore_mem>>)
          %dma_wait3A_70 = arith.constant 0 : i32
          %dma_wait3A_71 = tpu.memref_slice %arg14[%add3A_64, %dma_wait3A_70] : memref<51200x16xf32, #tpu.memory_space<vmem_shared>> -> memref<320x16xf32, #tpu.memory_space<vmem_shared>>
          %dma_wait3A_72 = arith.constant 0 : i32
          %dma_wait3A_73 = tpu.memref_slice %arg14[%add3A_64, %dma_wait3A_72] : memref<51200x16xf32, #tpu.memory_space<vmem_shared>> -> memref<320x16xf32, #tpu.memory_space<vmem_shared>>
          tpu.wait_dma2 semaphore(%run_scoped3A : memref<!tpu.dma_semaphore, #tpu.memory_space<semaphore_mem>>) src(%arg24 : memref<320x16xf32, #tpu.memory_space<vmem>>) dst(%dma_wait3A_73 : memref<320x16xf32, #tpu.memory_space<vmem_shared>>)
          tpu.yield
        }) : () -> ()
        %scan3A_65 = arith.constant 0 : i32
        scf.yield %scan3A_65 : i32
      }
      %scan3A_20 = arith.constant 10 : i32
      %barrier3A = arith.constant 0 : index
      tpu.barrier barrier_id(%barrier3A)
      %mul3A = arith.constant 200704 : i32
      %mul3A_21 = arith.muli %arg1, %mul3A : i32
      %add3A = arith.constant 0 : i32
      %add3A_22 = arith.addi %mul3A_21, %add3A : i32
      %dma_start3A = tpu.memref_slice %arg5[%add3A_22] : memref<3212288xi32, #tpu.memory_space<hbm>> -> memref<1024xi32, #tpu.memory_space<hbm>>
      %dma_start3A_23 = tpu.memref_slice %arg5[%add3A_22] : memref<3212288xi32, #tpu.memory_space<hbm>> -> memref<1024xi32, #tpu.memory_space<hbm>>
      tpu.enqueue_dma source(%dma_start3A_23 : memref<1024xi32, #tpu.memory_space<hbm>>) target(%arg15 : memref<1024xi32, #tpu.memory_space<vmem>>) target_semaphore(%arg27 : memref<!tpu.dma_semaphore, #tpu.memory_space<semaphore_mem>>)
      %add3A_24 = arith.constant 0 : i32
      %add3A_25 = arith.addi %mul3A_21, %add3A_24 : i32
      %dma_start3A_26 = tpu.memref_slice %arg4[%add3A_25] : memref<3212288xi32, #tpu.memory_space<hbm>> -> memref<1024xi32, #tpu.memory_space<hbm>>
      %dma_start3A_27 = tpu.memref_slice %arg4[%add3A_25] : memref<3212288xi32, #tpu.memory_space<hbm>> -> memref<1024xi32, #tpu.memory_space<hbm>>
      tpu.enqueue_dma source(%dma_start3A_27 : memref<1024xi32, #tpu.memory_space<hbm>>) target(%arg16 : memref<1024xi32, #tpu.memory_space<vmem>>) target_semaphore(%arg27 : memref<!tpu.dma_semaphore, #tpu.memory_space<semaphore_mem>>)
      %scan3A_28 = arith.constant 0 : i32
      %scan3A_29 = arith.constant 0 : i32
      %scan3A_30 = arith.constant 98 : i32
      %scan3A_31 = arith.addi %scan3A_29, %scan3A_30 : i32
      %scan3A_32 = arith.constant 1 : i32
      %scan3A_33 = scf.for %scan3A_58 = %scan3A_29 to %scan3A_31 step %scan3A_32 iter_args(%scan3A_59 = %scan3A_28) -> (i32)  : i32 {
        %mul3A_60 = arith.constant 2 : i32
        %mul3A_61 = arith.muli %mul3A_60, %scan3A_58 : i32
        %add3A_62 = arith.constant 0 : i32
        %add3A_63 = arith.addi %mul3A_61, %add3A_62 : i32
        %mul3A_64 = arith.constant 1024 : i32
        %mul3A_65 = arith.muli %add3A_63, %mul3A_64 : i32
        %add3A_66 = arith.addi %mul3A_21, %mul3A_65 : i32
        %dma_wait3A_67 = tpu.memref_slice %arg5[%add3A_66] : memref<3212288xi32, #tpu.memory_space<hbm>> -> memref<1024xi32, #tpu.memory_space<hbm>>
        %dma_wait3A_68 = tpu.memref_slice %arg5[%add3A_66] : memref<3212288xi32, #tpu.memory_space<hbm>> -> memref<1024xi32, #tpu.memory_space<hbm>>
        tpu.wait_dma2 semaphore(%arg27 : memref<!tpu.dma_semaphore, #tpu.memory_space<semaphore_mem>>) src(%dma_wait3A_68 : memref<1024xi32, #tpu.memory_space<hbm>>) dst(%arg15 : memref<1024xi32, #tpu.memory_space<vmem>>)
        %mul3A_69 = arith.constant 1024 : i32
        %mul3A_70 = arith.muli %add3A_63, %mul3A_69 : i32
        %add3A_71 = arith.addi %mul3A_21, %mul3A_70 : i32
        %dma_wait3A_72 = tpu.memref_slice %arg4[%add3A_71] : memref<3212288xi32, #tpu.memory_space<hbm>> -> memref<1024xi32, #tpu.memory_space<hbm>>
        %dma_wait3A_73 = tpu.memref_slice %arg4[%add3A_71] : memref<3212288xi32, #tpu.memory_space<hbm>> -> memref<1024xi32, #tpu.memory_space<hbm>>
        tpu.wait_dma2 semaphore(%arg27 : memref<!tpu.dma_semaphore, #tpu.memory_space<semaphore_mem>>) src(%dma_wait3A_73 : memref<1024xi32, #tpu.memory_space<hbm>>) dst(%arg16 : memref<1024xi32, #tpu.memory_space<vmem>>)
        %dma_start3A_74 = arith.constant 0 : i32
        %dma_start3A_75 = arith.constant 0 : i32
        %dma_start3A_76 = tpu.memref_slice %arg2[%dma_start3A_74, %dma_start3A_75] : memref<51200x16xf32, #tpu.memory_space<hbm>> -> memref<51200x16xf32, #tpu.memory_space<hbm>>
        tpu.enqueue_indirect_dma source(%dma_start3A_76 : memref<51200x16xf32, #tpu.memory_space<hbm>>) target(%arg17 : memref<1024x16xf32, #tpu.memory_space<vmem>>) offsets(%arg16 : memref<1024xi32, #tpu.memory_space<vmem>>) semaphore(%arg28 : memref<!tpu.dma_semaphore, #tpu.memory_space<semaphore_mem>>)
        %gt3A = arith.constant 0 : i32
        %gt3A_77 = arith.cmpi sgt, %scan3A_58, %gt3A : i32
        %convert_element_type3A_78 = arith.extui %gt3A_77 : i1 to i32
        %cond3A_79 = arith.constant 0 : i32
        %cond3A_80 = arith.cmpi ne, %convert_element_type3A_78, %cond3A_79 : i32
        scf.if %cond3A_80 {
          %dma_wait3A_138 = arith.constant 0 : i32
          %dma_wait3A_139 = arith.constant 0 : i32
          %dma_wait3A_140 = tpu.memref_slice %arg14[%dma_wait3A_138, %dma_wait3A_139] : memref<51200x16xf32, #tpu.memory_space<vmem_shared>> -> memref<51200x16xf32, #tpu.memory_space<vmem_shared>>
          tpu.wait_indirect_dma semaphore(%arg29 : memref<!tpu.dma_semaphore, #tpu.memory_space<semaphore_mem>>) src(%arg20 : memref<1024x16xf32, #tpu.memory_space<vmem>>) dst(%dma_wait3A_140 : memref<51200x16xf32, #tpu.memory_space<vmem_shared>>)
        } else {
        }
        %add3A_81 = arith.constant 1 : i32
        %add3A_82 = arith.addi %add3A_63, %add3A_81 : i32
        %mul3A_83 = arith.constant 1024 : i32
        %mul3A_84 = arith.muli %add3A_82, %mul3A_83 : i32
        %add3A_85 = arith.addi %mul3A_21, %mul3A_84 : i32
        %dma_start3A_86 = tpu.memref_slice %arg5[%add3A_85] : memref<3212288xi32, #tpu.memory_space<hbm>> -> memref<1024xi32, #tpu.memory_space<hbm>>
        %dma_start3A_87 = tpu.memref_slice %arg5[%add3A_85] : memref<3212288xi32, #tpu.memory_space<hbm>> -> memref<1024xi32, #tpu.memory_space<hbm>>
        tpu.enqueue_dma source(%dma_start3A_87 : memref<1024xi32, #tpu.memory_space<hbm>>) target(%arg18 : memref<1024xi32, #tpu.memory_space<vmem>>) target_semaphore(%arg27 : memref<!tpu.dma_semaphore, #tpu.memory_space<semaphore_mem>>)
        %mul3A_88 = arith.constant 1024 : i32
        %mul3A_89 = arith.muli %add3A_82, %mul3A_88 : i32
        %add3A_90 = arith.addi %mul3A_21, %mul3A_89 : i32
        %dma_start3A_91 = tpu.memref_slice %arg4[%add3A_90] : memref<3212288xi32, #tpu.memory_space<hbm>> -> memref<1024xi32, #tpu.memory_space<hbm>>
        %dma_start3A_92 = tpu.memref_slice %arg4[%add3A_90] : memref<3212288xi32, #tpu.memory_space<hbm>> -> memref<1024xi32, #tpu.memory_space<hbm>>
        tpu.enqueue_dma source(%dma_start3A_92 : memref<1024xi32, #tpu.memory_space<hbm>>) target(%arg19 : memref<1024xi32, #tpu.memory_space<vmem>>) target_semaphore(%arg27 : memref<!tpu.dma_semaphore, #tpu.memory_space<semaphore_mem>>)
        %dma_wait3A_93 = arith.constant 0 : i32
        %dma_wait3A_94 = arith.constant 0 : i32
        %dma_wait3A_95 = tpu.memref_slice %arg2[%dma_wait3A_93, %dma_wait3A_94] : memref<51200x16xf32, #tpu.memory_space<hbm>> -> memref<51200x16xf32, #tpu.memory_space<hbm>>
        tpu.wait_indirect_dma semaphore(%arg28 : memref<!tpu.dma_semaphore, #tpu.memory_space<semaphore_mem>>) src(%dma_wait3A_95 : memref<51200x16xf32, #tpu.memory_space<hbm>>) dst(%arg17 : memref<1024x16xf32, #tpu.memory_space<vmem>>)
        %dma_start3A_96 = arith.constant 0 : i32
        %dma_start3A_97 = arith.constant 0 : i32
        %dma_start3A_98 = tpu.memref_slice %arg14[%dma_start3A_96, %dma_start3A_97] : memref<51200x16xf32, #tpu.memory_space<vmem_shared>> -> memref<51200x16xf32, #tpu.memory_space<vmem_shared>>
        tpu.enqueue_indirect_dma source(%arg17 : memref<1024x16xf32, #tpu.memory_space<vmem>>) target(%dma_start3A_98 : memref<51200x16xf32, #tpu.memory_space<vmem_shared>>) offsets(%arg15 : memref<1024xi32, #tpu.memory_space<vmem>>) semaphore(%arg29 : memref<!tpu.dma_semaphore, #tpu.memory_space<semaphore_mem>>) {add = true}
        %mul3A_99 = arith.constant 2 : i32
        %mul3A_100 = arith.muli %mul3A_99, %scan3A_58 : i32
        %add3A_101 = arith.constant 1 : i32
        %add3A_102 = arith.addi %mul3A_100, %add3A_101 : i32
        %mul3A_103 = arith.constant 1024 : i32
        %mul3A_104 = arith.muli %add3A_102, %mul3A_103 : i32
        %add3A_105 = arith.addi %mul3A_21, %mul3A_104 : i32
        %dma_wait3A_106 = tpu.memref_slice %arg5[%add3A_105] : memref<3212288xi32, #tpu.memory_space<hbm>> -> memref<1024xi32, #tpu.memory_space<hbm>>
        %dma_wait3A_107 = tpu.memref_slice %arg5[%add3A_105] : memref<3212288xi32, #tpu.memory_space<hbm>> -> memref<1024xi32, #tpu.memory_space<hbm>>
        tpu.wait_dma2 semaphore(%arg27 : memref<!tpu.dma_semaphore, #tpu.memory_space<semaphore_mem>>) src(%dma_wait3A_107 : memref<1024xi32, #tpu.memory_space<hbm>>) dst(%arg18 : memref<1024xi32, #tpu.memory_space<vmem>>)
        %mul3A_108 = arith.constant 1024 : i32
        %mul3A_109 = arith.muli %add3A_102, %mul3A_108 : i32
        %add3A_110 = arith.addi %mul3A_21, %mul3A_109 : i32
        %dma_wait3A_111 = tpu.memref_slice %arg4[%add3A_110] : memref<3212288xi32, #tpu.memory_space<hbm>> -> memref<1024xi32, #tpu.memory_space<hbm>>
        %dma_wait3A_112 = tpu.memref_slice %arg4[%add3A_110] : memref<3212288xi32, #tpu.memory_space<hbm>> -> memref<1024xi32, #tpu.memory_space<hbm>>
        tpu.wait_dma2 semaphore(%arg27 : memref<!tpu.dma_semaphore, #tpu.memory_space<semaphore_mem>>) src(%dma_wait3A_112 : memref<1024xi32, #tpu.memory_space<hbm>>) dst(%arg19 : memref<1024xi32, #tpu.memory_space<vmem>>)
        %dma_start3A_113 = arith.constant 0 : i32
        %dma_start3A_114 = arith.constant 0 : i32
        %dma_start3A_115 = tpu.memref_slice %arg2[%dma_start3A_113, %dma_start3A_114] : memref<51200x16xf32, #tpu.memory_space<hbm>> -> memref<51200x16xf32, #tpu.memory_space<hbm>>
        tpu.enqueue_indirect_dma source(%dma_start3A_115 : memref<51200x16xf32, #tpu.memory_space<hbm>>) target(%arg20 : memref<1024x16xf32, #tpu.memory_space<vmem>>) offsets(%arg19 : memref<1024xi32, #tpu.memory_space<vmem>>) semaphore(%arg28 : memref<!tpu.dma_semaphore, #tpu.memory_space<semaphore_mem>>)
        %dma_wait3A_116 = arith.constant 0 : i32
        %dma_wait3A_117 = arith.constant 0 : i32
        %dma_wait3A_118 = tpu.memref_slice %arg14[%dma_wait3A_116, %dma_wait3A_117] : memref<51200x16xf32, #tpu.memory_space<vmem_shared>> -> memref<51200x16xf32, #tpu.memory_space<vmem_shared>>
        tpu.wait_indirect_dma semaphore(%arg29 : memref<!tpu.dma_semaphore, #tpu.memory_space<semaphore_mem>>) src(%arg17 : memref<1024x16xf32, #tpu.memory_space<vmem>>) dst(%dma_wait3A_118 : memref<51200x16xf32, #tpu.memory_space<vmem_shared>>)
        %add3A_119 = arith.constant 1 : i32
        %add3A_120 = arith.addi %add3A_102, %add3A_119 : i32
        %mul3A_121 = arith.constant 1024 : i32
        %mul3A_122 = arith.muli %add3A_120, %mul3A_121 : i32
        %add3A_123 = arith.addi %mul3A_21, %mul3A_122 : i32
        %dma_start3A_124 = tpu.memref_slice %arg5[%add3A_123] : memref<3212288xi32, #tpu.memory_space<hbm>> -> memref<1024xi32, #tpu.memory_space<hbm>>
        %dma_start3A_125 = tpu.memref_slice %arg5[%add3A_123] : memref<3212288xi32, #tpu.memory_space<hbm>> -> memref<1024xi32, #tpu.memory_space<hbm>>
        tpu.enqueue_dma source(%dma_start3A_125 : memref<1024xi32, #tpu.memory_space<hbm>>) target(%arg15 : memref<1024xi32, #tpu.memory_space<vmem>>) target_semaphore(%arg27 : memref<!tpu.dma_semaphore, #tpu.memory_space<semaphore_mem>>)
        %mul3A_126 = arith.constant 1024 : i32
        %mul3A_127 = arith.muli %add3A_120, %mul3A_126 : i32
        %add3A_128 = arith.addi %mul3A_21, %mul3A_127 : i32
        %dma_start3A_129 = tpu.memref_slice %arg4[%add3A_128] : memref<3212288xi32, #tpu.memory_space<hbm>> -> memref<1024xi32, #tpu.memory_space<hbm>>
        %dma_start3A_130 = tpu.memref_slice %arg4[%add3A_128] : memref<3212288xi32, #tpu.memory_space<hbm>> -> memref<1024xi32, #tpu.memory_space<hbm>>
        tpu.enqueue_dma source(%dma_start3A_130 : memref<1024xi32, #tpu.memory_space<hbm>>) target(%arg16 : memref<1024xi32, #tpu.memory_space<vmem>>) target_semaphore(%arg27 : memref<!tpu.dma_semaphore, #tpu.memory_space<semaphore_mem>>)
        %dma_wait3A_131 = arith.constant 0 : i32
        %dma_wait3A_132 = arith.constant 0 : i32
        %dma_wait3A_133 = tpu.memref_slice %arg2[%dma_wait3A_131, %dma_wait3A_132] : memref<51200x16xf32, #tpu.memory_space<hbm>> -> memref<51200x16xf32, #tpu.memory_space<hbm>>
        tpu.wait_indirect_dma semaphore(%arg28 : memref<!tpu.dma_semaphore, #tpu.memory_space<semaphore_mem>>) src(%dma_wait3A_133 : memref<51200x16xf32, #tpu.memory_space<hbm>>) dst(%arg20 : memref<1024x16xf32, #tpu.memory_space<vmem>>)
        %dma_start3A_134 = arith.constant 0 : i32
        %dma_start3A_135 = arith.constant 0 : i32
        %dma_start3A_136 = tpu.memref_slice %arg14[%dma_start3A_134, %dma_start3A_135] : memref<51200x16xf32, #tpu.memory_space<vmem_shared>> -> memref<51200x16xf32, #tpu.memory_space<vmem_shared>>
        tpu.enqueue_indirect_dma source(%arg20 : memref<1024x16xf32, #tpu.memory_space<vmem>>) target(%dma_start3A_136 : memref<51200x16xf32, #tpu.memory_space<vmem_shared>>) offsets(%arg18 : memref<1024xi32, #tpu.memory_space<vmem>>) semaphore(%arg29 : memref<!tpu.dma_semaphore, #tpu.memory_space<semaphore_mem>>) {add = true}
        %scan3A_137 = arith.constant 0 : i32
        scf.yield %scan3A_137 : i32
      }
      %scan3A_34 = arith.constant 98 : i32
      %dma_wait3A = arith.constant 0 : i32
      %dma_wait3A_35 = arith.constant 0 : i32
      %dma_wait3A_36 = tpu.memref_slice %arg14[%dma_wait3A, %dma_wait3A_35] : memref<51200x16xf32, #tpu.memory_space<vmem_shared>> -> memref<51200x16xf32, #tpu.memory_space<vmem_shared>>
      tpu.wait_indirect_dma semaphore(%arg29 : memref<!tpu.dma_semaphore, #tpu.memory_space<semaphore_mem>>) src(%arg20 : memref<1024x16xf32, #tpu.memory_space<vmem>>) dst(%dma_wait3A_36 : memref<51200x16xf32, #tpu.memory_space<vmem_shared>>)
      %add3A_37 = arith.constant 200704 : i32
      %add3A_38 = arith.addi %mul3A_21, %add3A_37 : i32
      %dma_wait3A_39 = tpu.memref_slice %arg5[%add3A_38] : memref<3212288xi32, #tpu.memory_space<hbm>> -> memref<1024xi32, #tpu.memory_space<hbm>>
      %dma_wait3A_40 = tpu.memref_slice %arg5[%add3A_38] : memref<3212288xi32, #tpu.memory_space<hbm>> -> memref<1024xi32, #tpu.memory_space<hbm>>
      tpu.wait_dma2 semaphore(%arg27 : memref<!tpu.dma_semaphore, #tpu.memory_space<semaphore_mem>>) src(%dma_wait3A_40 : memref<1024xi32, #tpu.memory_space<hbm>>) dst(%arg15 : memref<1024xi32, #tpu.memory_space<vmem>>)
      %add3A_41 = arith.constant 200704 : i32
      %add3A_42 = arith.addi %mul3A_21, %add3A_41 : i32
      %dma_wait3A_43 = tpu.memref_slice %arg4[%add3A_42] : memref<3212288xi32, #tpu.memory_space<hbm>> -> memref<1024xi32, #tpu.memory_space<hbm>>
      %dma_wait3A_44 = tpu.memref_slice %arg4[%add3A_42] : memref<3212288xi32, #tpu.memory_space<hbm>> -> memref<1024xi32, #tpu.memory_space<hbm>>
      tpu.wait_dma2 semaphore(%arg27 : memref<!tpu.dma_semaphore, #tpu.memory_space<semaphore_mem>>) src(%dma_wait3A_44 : memref<1024xi32, #tpu.memory_space<hbm>>) dst(%arg16 : memref<1024xi32, #tpu.memory_space<vmem>>)
      %barrier3A_45 = arith.constant 0 : index
      tpu.barrier barrier_id(%barrier3A_45)
      %mul3A_46 = arith.constant 3200 : i32
      %mul3A_47 = arith.muli %arg1, %mul3A_46 : i32
      "tpu.region"() ({
        %run_scoped3A = tpu.sem_alloc : memref<!tpu.dma_semaphore, #tpu.memory_space<semaphore_mem>>
        %dma_start3A_58 = tpu.memref_slice %arg7[%mul3A_47] : memref<51200xf32, #tpu.memory_space<hbm>> -> memref<3200xf32, #tpu.memory_space<hbm>>
        %dma_start3A_59 = tpu.memref_slice %arg7[%mul3A_47] : memref<51200xf32, #tpu.memory_space<hbm>> -> memref<3200xf32, #tpu.memory_space<hbm>>
        tpu.enqueue_dma source(%dma_start3A_59 : memref<3200xf32, #tpu.memory_space<hbm>>) target(%arg25 : memref<3200xf32, #tpu.memory_space<vmem>>) target_semaphore(%run_scoped3A : memref<!tpu.dma_semaphore, #tpu.memory_space<semaphore_mem>>)
        %dma_wait3A_60 = tpu.memref_slice %arg7[%mul3A_47] : memref<51200xf32, #tpu.memory_space<hbm>> -> memref<3200xf32, #tpu.memory_space<hbm>>
        %dma_wait3A_61 = tpu.memref_slice %arg7[%mul3A_47] : memref<51200xf32, #tpu.memory_space<hbm>> -> memref<3200xf32, #tpu.memory_space<hbm>>
        tpu.wait_dma2 semaphore(%run_scoped3A : memref<!tpu.dma_semaphore, #tpu.memory_space<semaphore_mem>>) src(%dma_wait3A_61 : memref<3200xf32, #tpu.memory_space<hbm>>) dst(%arg25 : memref<3200xf32, #tpu.memory_space<vmem>>)
        tpu.yield
      }) : () -> ()
      %mul3A_48 = arith.constant 3200 : i32
      %mul3A_49 = arith.muli %arg1, %mul3A_48 : i32
      "tpu.region"() ({
        %run_scoped3A = tpu.sem_alloc : memref<!tpu.dma_semaphore, #tpu.memory_space<semaphore_mem>>
        %dma_start3A_58 = tpu.memref_slice %arg11[%mul3A_49] : memref<51200xf32, #tpu.memory_space<hbm>> -> memref<3200xf32, #tpu.memory_space<hbm>>
        %dma_start3A_59 = tpu.memref_slice %arg11[%mul3A_49] : memref<51200xf32, #tpu.memory_space<hbm>> -> memref<3200xf32, #tpu.memory_space<hbm>>
        tpu.enqueue_dma source(%dma_start3A_59 : memref<3200xf32, #tpu.memory_space<hbm>>) target(%arg26 : memref<3200xf32, #tpu.memory_space<vmem>>) target_semaphore(%run_scoped3A : memref<!tpu.dma_semaphore, #tpu.memory_space<semaphore_mem>>)
        %dma_wait3A_60 = tpu.memref_slice %arg11[%mul3A_49] : memref<51200xf32, #tpu.memory_space<hbm>> -> memref<3200xf32, #tpu.memory_space<hbm>>
        %dma_wait3A_61 = tpu.memref_slice %arg11[%mul3A_49] : memref<51200xf32, #tpu.memory_space<hbm>> -> memref<3200xf32, #tpu.memory_space<hbm>>
        tpu.wait_dma2 semaphore(%run_scoped3A : memref<!tpu.dma_semaphore, #tpu.memory_space<semaphore_mem>>) src(%dma_wait3A_61 : memref<3200xf32, #tpu.memory_space<hbm>>) dst(%arg26 : memref<3200xf32, #tpu.memory_space<vmem>>)
        tpu.yield
      }) : () -> ()
      %scan3A_50 = arith.constant 0.333333343 : f32
      %scan3A_51 = arith.constant 0 : i32
      %scan3A_52 = arith.constant 0 : i32
      %scan3A_53 = arith.constant 10 : i32
      %scan3A_54 = arith.addi %scan3A_52, %scan3A_53 : i32
      %scan3A_55 = arith.constant 1 : i32
      %scan3A_56 = scf.for %scan3A_58 = %scan3A_52 to %scan3A_54 step %scan3A_55 iter_args(%scan3A_59 = %scan3A_51) -> (i32)  : i32 {
        %mul3A_60 = arith.constant 3200 : i32
        %mul3A_61 = arith.muli %arg1, %mul3A_60 : i32
        %mul3A_62 = arith.constant 320 : i32
        %mul3A_63 = arith.muli %scan3A_58, %mul3A_62 : i32
        %add3A_64 = arith.addi %mul3A_61, %mul3A_63 : i32
        "tpu.region"() ({
          %run_scoped3A = tpu.sem_alloc : memref<!tpu.dma_semaphore, #tpu.memory_space<semaphore_mem>>
          %dma_start3A_73 = arith.constant 0 : i32
          %dma_start3A_74 = tpu.memref_slice %arg14[%add3A_64, %dma_start3A_73] : memref<51200x16xf32, #tpu.memory_space<vmem_shared>> -> memref<320x16xf32, #tpu.memory_space<vmem_shared>>
          %dma_start3A_75 = arith.constant 0 : i32
          %dma_start3A_76 = tpu.memref_slice %arg14[%add3A_64, %dma_start3A_75] : memref<51200x16xf32, #tpu.memory_space<vmem_shared>> -> memref<320x16xf32, #tpu.memory_space<vmem_shared>>
          tpu.enqueue_dma source(%dma_start3A_76 : memref<320x16xf32, #tpu.memory_space<vmem_shared>>) target(%arg21 : memref<320x16xf32, #tpu.memory_space<vmem>>) target_semaphore(%run_scoped3A : memref<!tpu.dma_semaphore, #tpu.memory_space<semaphore_mem>>)
          %dma_wait3A_77 = arith.constant 0 : i32
          %dma_wait3A_78 = tpu.memref_slice %arg14[%add3A_64, %dma_wait3A_77] : memref<51200x16xf32, #tpu.memory_space<vmem_shared>> -> memref<320x16xf32, #tpu.memory_space<vmem_shared>>
          %dma_wait3A_79 = arith.constant 0 : i32
          %dma_wait3A_80 = tpu.memref_slice %arg14[%add3A_64, %dma_wait3A_79] : memref<51200x16xf32, #tpu.memory_space<vmem_shared>> -> memref<320x16xf32, #tpu.memory_space<vmem_shared>>
          tpu.wait_dma2 semaphore(%run_scoped3A : memref<!tpu.dma_semaphore, #tpu.memory_space<semaphore_mem>>) src(%dma_wait3A_80 : memref<320x16xf32, #tpu.memory_space<vmem_shared>>) dst(%arg21 : memref<320x16xf32, #tpu.memory_space<vmem>>)
          tpu.yield
        }) : () -> ()
        "tpu.region"() ({
          %run_scoped3A = tpu.sem_alloc : memref<!tpu.dma_semaphore, #tpu.memory_space<semaphore_mem>>
          %dma_start3A_73 = arith.constant 0 : i32
          %dma_start3A_74 = tpu.memref_slice %arg9[%add3A_64, %dma_start3A_73] : memref<51200x16xf32, #tpu.memory_space<hbm>> -> memref<320x16xf32, #tpu.memory_space<hbm>>
          %dma_start3A_75 = arith.constant 0 : i32
          %dma_start3A_76 = tpu.memref_slice %arg9[%add3A_64, %dma_start3A_75] : memref<51200x16xf32, #tpu.memory_space<hbm>> -> memref<320x16xf32, #tpu.memory_space<hbm>>
          tpu.enqueue_dma source(%dma_start3A_76 : memref<320x16xf32, #tpu.memory_space<hbm>>) target(%arg22 : memref<320x16xf32, #tpu.memory_space<vmem>>) target_semaphore(%run_scoped3A : memref<!tpu.dma_semaphore, #tpu.memory_space<semaphore_mem>>)
          %dma_wait3A_77 = arith.constant 0 : i32
          %dma_wait3A_78 = tpu.memref_slice %arg9[%add3A_64, %dma_wait3A_77] : memref<51200x16xf32, #tpu.memory_space<hbm>> -> memref<320x16xf32, #tpu.memory_space<hbm>>
          %dma_wait3A_79 = arith.constant 0 : i32
          %dma_wait3A_80 = tpu.memref_slice %arg9[%add3A_64, %dma_wait3A_79] : memref<51200x16xf32, #tpu.memory_space<hbm>> -> memref<320x16xf32, #tpu.memory_space<hbm>>
          tpu.wait_dma2 semaphore(%run_scoped3A : memref<!tpu.dma_semaphore, #tpu.memory_space<semaphore_mem>>) src(%dma_wait3A_80 : memref<320x16xf32, #tpu.memory_space<hbm>>) dst(%arg22 : memref<320x16xf32, #tpu.memory_space<vmem>>)
          tpu.yield
        }) : () -> ()
        %scan3A_65 = arith.constant 0 : i32
        %scan3A_66 = arith.constant 0 : i32
        %scan3A_67 = arith.constant 320 : i32
        %scan3A_68 = arith.addi %scan3A_66, %scan3A_67 : i32
        %scan3A_69 = arith.constant 1 : i32
        %scan3A_70 = scf.for %scan3A_73 = %scan3A_66 to %scan3A_68 step %scan3A_69 iter_args(%scan3A_74 = %scan3A_65) -> (i32)  : i32 {
          %mul3A_75 = arith.constant 320 : i32
          %mul3A_76 = arith.muli %scan3A_58, %mul3A_75 : i32
          %add3A_77 = arith.addi %mul3A_76, %scan3A_73 : i32
          %broadcast_in_dim3A_78 = vector.broadcast %add3A_77 : i32 to vector<16xi32>
          %get3A = arith.index_cast %scan3A_73 : i32 to index
          %get3A_79 = arith.constant 0 : index
          %get3A_80 = tpu.vector_load %arg21[%get3A, %get3A_79] {strides = array<i32>} : memref<320x16xf32, #tpu.memory_space<vmem>>, vector<16xf32>,
          %gather3A = tpu.vector_load_idx %arg25[%broadcast_in_dim3A_78] : memref<3200xf32, #tpu.memory_space<vmem>>[vector<16xi32>], vector<16xf32>,
          %mul3A_81 = arith.mulf %get3A_80, %gather3A : vector<16xf32>
          %get3A_82 = arith.index_cast %scan3A_73 : i32 to index
          %get3A_83 = arith.constant 0 : index
          %get3A_84 = tpu.vector_load %arg22[%get3A_82, %get3A_83] {strides = array<i32>} : memref<320x16xf32, #tpu.memory_space<vmem>>, vector<16xf32>,
          %add3A_85 = arith.addf %get3A_84, %mul3A_81 : vector<16xf32>
          %gather3A_86 = tpu.vector_load_idx %arg26[%broadcast_in_dim3A_78] : memref<3200xf32, #tpu.memory_space<vmem>>[vector<16xi32>], vector<16xf32>,
          %mul3A_87 = arith.mulf %add3A_85, %gather3A_86 : vector<16xf32>
          %mul3A_88 = vector.broadcast %scan3A_50 : f32 to vector<16xf32>
          %mul3A_89 = arith.mulf %mul3A_87, %mul3A_88 : vector<16xf32>
          %swap3A = arith.index_cast %scan3A_73 : i32 to index
          %swap3A_90 = arith.constant 0 : index
          %swap3A_91 = tpu.vector_load %arg23[%swap3A, %swap3A_90] {strides = array<i32>} : memref<320x16xf32, #tpu.memory_space<vmem>>, vector<16xf32>,
          tpu.vector_store %arg23[%swap3A, %swap3A_90], %mul3A_89 {strides = array<i32>} : memref<320x16xf32, #tpu.memory_space<vmem>>, vector<16xf32>,
          %scan3A_92 = arith.constant 0 : i32
          scf.yield %scan3A_92 : i32
        }
        %scan3A_71 = arith.constant 320 : i32
        "tpu.region"() ({
          %run_scoped3A = tpu.sem_alloc : memref<!tpu.dma_semaphore, #tpu.memory_space<semaphore_mem>>
          %dma_start3A_73 = arith.constant 0 : i32
          %dma_start3A_74 = tpu.memref_slice %arg13[%add3A_64, %dma_start3A_73] : memref<51200x16xf32, #tpu.memory_space<hbm>> -> memref<320x16xf32, #tpu.memory_space<hbm>>
          %dma_start3A_75 = arith.constant 0 : i32
          %dma_start3A_76 = tpu.memref_slice %arg13[%add3A_64, %dma_start3A_75] : memref<51200x16xf32, #tpu.memory_space<hbm>> -> memref<320x16xf32, #tpu.memory_space<hbm>>
          tpu.enqueue_dma source(%arg23 : memref<320x16xf32, #tpu.memory_space<vmem>>) target(%dma_start3A_76 : memref<320x16xf32, #tpu.memory_space<hbm>>) target_semaphore(%run_scoped3A : memref<!tpu.dma_semaphore, #tpu.memory_space<semaphore_mem>>)
          %dma_wait3A_77 = arith.constant 0 : i32
          %dma_wait3A_78 = tpu.memref_slice %arg13[%add3A_64, %dma_wait3A_77] : memref<51200x16xf32, #tpu.memory_space<hbm>> -> memref<320x16xf32, #tpu.memory_space<hbm>>
          %dma_wait3A_79 = arith.constant 0 : i32
          %dma_wait3A_80 = tpu.memref_slice %arg13[%add3A_64, %dma_wait3A_79] : memref<51200x16xf32, #tpu.memory_space<hbm>> -> memref<320x16xf32, #tpu.memory_space<hbm>>
          tpu.wait_dma2 semaphore(%run_scoped3A : memref<!tpu.dma_semaphore, #tpu.memory_space<semaphore_mem>>) src(%arg23 : memref<320x16xf32, #tpu.memory_space<vmem>>) dst(%dma_wait3A_80 : memref<320x16xf32, #tpu.memory_space<hbm>>)
          tpu.yield
        }) : () -> ()
        %scan3A_72 = arith.constant 0 : i32
        scf.yield %scan3A_72 : i32
      }
      %scan3A_57 = arith.constant 10 : i32
    } else {
    }
    return
  }
}

</mosaic_0001>

<sc_bundles>
// kernel: kernel.11.cloned.1.call-start
scs
__scs_entry_jumppad:
0x0: {  	(pc) =	sbr.rel $0x88, $3  }
0x1: {  	(tag) =	ssettag $0x0;
	lr =	simm.s32 $0x1  }
0x2: {  	[smem:$0x3F9E] =	sst lr;
	_ =	strace $0xD0000000  }
0x3: {  	_ = 	snop  }
0x4: {  	_ = 	snop  }
0x5: {  	_ = 	snop  }
0x6: {  	_ = 	snop  }
0x7: {  	_ = 	snop  }
__scs_overlays_trampoline_lowered:
0x8: {  	[smem:$0x3FAD] =	sst s0  }
0x9: {  	[smem:$0x3FAE] =	sst s1  }
0xa: {  	[smem:$0x3FAF] =	sst s2  }
0xb: {  	[smem:$0x3FB0] =	sst s3  }
0xc: {  	[smem:$0x3FB1] =	sst s4  }
0xd: {  	[smem:$0x3FB2] =	sst s5  }
0xe: {  	[smem:$0x3FB3] =	sst s6  }
0xf: {  	[smem:$0x3FB4] =	sst s7  }
0x10: {  	[smem:$0x3FB5] =	sst s8  }
0x11: {  	[smem:$0x3FB6] =	sst s9;
	s0 =	simm.s32 @!p0 $0x0  }
0x12: {  	s1 =	sld [smem:$0x3F9C];
	s0 =	simm.s32 @p0 $0x1  }
0x13: {  	[smem:$0x3FB7] =	sst s0;
	s0 =	simm.s32 @!p1 $0x0  }
0x14: {  	s2 =	sld [smem:$0x3F9B];
	s0 =	simm.s32 @p1 $0x1  }
0x15: {  	[smem:$0x3FB8] =	sst s0;
	s0 =	simm.s32 @!p2 $0x0  }
0x16: {  	s3 =	sld [smem:$0x3FDB];
	s0 =	simm.s32 @p2 $0x1  }
0x17: {  	s4 =	simm.s32 $0x1BF5;
	[smem:$0x3FBA] =	sst s0  }
0x18: {  	s0 =	sld [smem:$0x3F9D];
	_ =	swait.ge [sflag:s4], $0x0  }
0x19: {  	s7 =	sld [smem:$0x3F9E]  }
0x1a: {  	s8 =	sadd.s32 $0xFFFFE003, lr  }
0x1b: {  	s9 =	sadd.s32 $0xFFFFFEF7, lr;
	s5 =	simm.s32 $0xFFFFFFFF;
	p2 =	slt.u32 s8, $0xFFFFF086  }
0x1c: {  	p1 =	slt.u32 s9, $0xF7A;
	s5 =	simm.s32 @!p2 $0x0  }
0x1d: {  	s5 =	simm.s32 @p1 $0x1;
	p0 =	seq.s32 s7, s2  }
0x1e: {  	s7 =	smul.u32 @!p0 $0xF7A, s2;
	p2 =	seq.s32 @!p0 s5, $0x0  }
0x1f: {  	s9 =	smul.u32 $0xF7A, s1;
	s8 =	simm.s32 @!p0 $0x1BF5;
	p2 =	por !p2, p0  }
0x20: {  	[sflag:s8] =	ssyncset.s32 @!p0 $0xFFFFF086;
	s6 =	sadd.s32 @!p0 s3, s7;
	s7 =	simm.s32 @!p0 $0x108  }
0x21: {  	s3 =	sadd.s32 s3, s9;
	s6 =	sadd.s32 @!p0 $0x88, s6;
	s7 =	simm.s32 @p2 $0x1082  }
0x22: {  	[simem:s7], [sflag:s8] =	dma.local @!p0 [hbm:s6], $0xF7A  }
0x23: {  	s9 =	sor.u32 $0xD0000000, s2;
	s6 =	simm.s32 $0x108;
	_ =	swait.ge @!p0 [sflag:s8], $0x0  }
0x24: {  	s3 =	sadd.s32 $0x88, s3;
	s6 =	simm.s32 @!p1 $0x1082;
	[sflag:s4] =	ssyncset.s32 $0xFFFFF086  }
0x25: {  	[simem:s6], [sflag:s4] =	dma.local [hbm:s3], $0xF7A  }
0x26: {  	[smem:$0x3F9E] =	sst s1;
	(tag) =	ssettag s2;
	_ =	strace s9  }
0x27: {  	s1 =	sld [smem:$0x3FAE]  }
0x28: {  	s2 =	sld [smem:$0x3FAF]  }
0x29: {  	s4 =	sld [smem:$0x3FB1]  }
0x2a: {  	p0 =	seq.s32 s5, $0x0;
	s5 =	sld [smem:$0x3FB2]  }
0x2b: {  	s6 =	sld [smem:$0x3FB3]  }
0x2c: {  	s7 =	sld [smem:$0x3FB4]  }
0x2d: {  	s3 =	simm.s32 $0x108;
	s8 =	sld [smem:$0x3FB5]  }
0x2e: {  	s3 =	simm.s32 @!p0 $0x1082;
	s9 =	sld [smem:$0x3FB6]  }
0x2f: {  	lr =	sadd.s32 s0, s3;
	s0 =	sld [smem:$0x3FAD]  }
0x30: {  	s3 =	sld [smem:$0x3FB0]  }
0x31: {  	[smem:$0x3FB9] =	sst s10  }
0x32: {  	s10 =	sld [smem:$0x3FB7];
	_ =	sdelay $0x3  }
0x33: {  	p0 =	seq.s32 s10, $0x1;
	s10 =	sld [smem:$0x3FB9];
	_ =	sdelay $0x3  }
0x34: {  	[smem:$0x3FB9] =	sst s10  }
0x35: {  	s10 =	sld [smem:$0x3FB8];
	_ =	sdelay $0x3  }
0x36: {  	p1 =	seq.s32 s10, $0x1;
	s10 =	sld [smem:$0x3FB9];
	_ =	sdelay $0x3  }
0x37: {  	[smem:$0x3FB9] =	sst s10  }
0x38: {  	s10 =	sld [smem:$0x3FBA]  }
0x39: {  	_ = 	snop;
	(pc) =	sbr.ind lr, $3  }
0x3a: {  	_ = 	snop  }
0x3b: {  	_ = 	snop  }
0x3c: {  	p2 =	seq.s32 s10, $0x1;
	s10 =	sld [smem:$0x3FB9]  }
0x3d: {  	_ =	shalt  }
0x3e: {  	_ =	shalt  }
0x3f: {  	_ =	shalt  }
0x40: {  	_ =	shalt  }
0x41: {  	_ =	shalt  }
0x42: {  	_ =	shalt  }
0x43: {  	_ =	shalt  }
0x44: {  	_ =	shalt  }
0x45: {  	_ =	shalt  }
0x46: {  	_ =	shalt  }
0x47: {  	_ =	shalt  }
0x48: {  	_ =	shalt  }
0x49: {  	_ =	shalt  }
0x4a: {  	_ =	shalt  }
0x4b: {  	_ =	shalt  }
0x4c: {  	_ =	shalt  }
0x4d: {  	_ =	shalt  }
0x4e: {  	_ =	shalt  }
0x4f: {  	_ =	shalt  }
0x50: {  	_ =	shalt  }
0x51: {  	_ =	shalt  }
0x52: {  	_ =	shalt  }
0x53: {  	_ =	shalt  }
0x54: {  	_ =	shalt  }
0x55: {  	_ =	shalt  }
0x56: {  	_ =	shalt  }
0x57: {  	_ =	shalt  }
0x58: {  	_ =	shalt  }
0x59: {  	_ =	shalt  }
0x5a: {  	_ =	shalt  }
0x5b: {  	_ =	shalt  }
0x5c: {  	_ =	shalt  }
0x5d: {  	_ =	shalt  }
0x5e: {  	_ =	shalt  }
0x5f: {  	_ =	shalt  }
0x60: {  	_ =	shalt  }
0x61: {  	_ =	shalt  }
0x62: {  	_ =	shalt  }
0x63: {  	_ =	shalt  }
0x64: {  	_ =	shalt  }
0x65: {  	_ =	shalt  }
0x66: {  	_ =	shalt  }
0x67: {  	_ =	shalt  }
0x68: {  	_ =	shalt  }
0x69: {  	_ =	shalt  }
0x6a: {  	_ =	shalt  }
0x6b: {  	_ =	shalt  }
0x6c: {  	_ =	shalt  }
0x6d: {  	_ =	shalt  }
0x6e: {  	_ =	shalt  }
0x6f: {  	_ =	shalt  }
0x70: {  	_ =	shalt  }
0x71: {  	_ =	shalt  }
0x72: {  	_ =	shalt  }
0x73: {  	_ =	shalt  }
0x74: {  	_ =	shalt  }
0x75: {  	_ =	shalt  }
0x76: {  	_ =	shalt  }
0x77: {  	_ =	shalt  }
0x78: {  	_ =	shalt  }
0x79: {  	_ =	shalt  }
0x7a: {  	_ =	shalt  }
0x7b: {  	_ =	shalt  }
0x7c: {  	_ =	shalt  }
0x7d: {  	_ =	shalt  }
0x7e: {  	_ =	shalt  }
0x7f: {  	_ =	shalt  }
0x80: {  	_ =	shalt  }
0x81: {  	_ =	shalt  }
0x82: {  	_ =	shalt  }
0x83: {  	_ =	shalt  }
0x84: {  	_ =	shalt  }
0x85: {  	_ =	shalt  }
0x86: {  	_ =	shalt  }
0x87: {  	_ =	shalt  }
.Lfunc_end0:
.L_simem_size_0:
called_computation.2_lowered:
.L_overlay_start_0:
0x88: {  	s2 =	sld [smem:$0x3FD9]  }
0x89: {  	s3 =	sld [smem:$0x3FFE];
	_ =	sdelay $0x1  }
0x8a: {  	s1 =	srdreg.scid  }
0x8b: {  	s0 =	sand.u32 $0x1, s1  }
0x8c: {  	s14 =	sshll.u32 s0, $0xA;
	s2 =	sadd.s32 s3, s2  }
0x8d: {  	s2 =	sadd.s32 s2, s14  }
0x8e: {  	[smem:$0x3FC5] =	sst s2  }
0x8f: {  	_ = 	snop  }
0x90: {  	s2 =	sld [smem:$0x3FD0];
	_ =	sdelay $0x2  }
0x91: {  	s15 =	simm.s32 $0xA;
	s4 =	simm.s32 $0x10  }
0x92: {  	[smem:s4], [sflag:s15] =	dma.local [hbm:s2], $0x1  }
0x93: {  	_ =	swait.eq [sflag:s15], $0x1  }
0x94: {  	[sflag:s15] =	ssyncset.done $0x0  }
0x95: {  	s16 =	sld [smem:$0x10];
	[sflag:s15] =	ssyncadd.s32 $0xFFFFFFFF  }
0x96: {  	s17 =	sld [smem:$0x11];
	(tm) =	ssettm $0x1  }
0x97: {  	s18 =	sld [smem:$0x3FFB];
	_ =	sdelay $0x3  }
0x98: {  	_ =	strace s18  }
0x99: {  	s4 =	sld [smem:$0x3FFC];
	_ =	sdelay $0x3  }
0x9a: {  	_ =	strace s4  }
0x9b: {  	s4 =	sld [smem:$0x3FFD];
	_ =	sdelay $0x3  }
0x9c: {  	_ =	strace s4  }
0x9d: {  	_ =	strace $0x8FFFFFFF  }
0x9e: {  	s19 =	sld [smem:$0x3FDB];
	_ =	sdelay $0x1  }
0x9f: {  	s5 =	simm.s32 $_scs_section_size  }
0xa0: {  	s6 =	simm.s32 $_size__tile_overlayer_lowered;
	s7 =	simm.s32 $_tile_overlayer_lowered  }
0xa1: {  	s22 =	simm.s32 $0x1BFF;
	s21 =	sshll.u32 s7, $0x1;
	s4 =	sadd.s32 s5, s19  }
0xa2: {  	s8 =	simm.s32 $0x0;
	s20 =	sshll.u32 s6, $0x1;
	s6 =	sadd.s32 s21, s4  }
0xa3: {  	[timem:s8], [sflag:s22] =	dma.local [hbm:s6], s20  }
0xa4: {  	_ =	swait.ge [sflag:s22], s20  }
0xa5: {  	s5 =	ssub.s32 $0x0, s20;
	[sflag:s22] =	ssyncset.done $0x0  }
0xa6: {  	[sflag:s22] =	ssyncadd.s32 s5;
	_ =	sdelay $0x1  }
0xa7: {  	s23 =	simm.s32 $0x1B8B  }
0xa8: {  	_ =	swait.ge [sflag:s23], $0x1  }
0xa9: {  	[sflag:s23] =	ssyncset.done $0x0  }
0xaa: {  	s25 =	simm.s32 $0x1B8E;
	s24 =	sld [smem:$0x3FFE];
	[sflag:s23] =	ssyncadd.s32 $0xFFFFFFFF  }
0xab: {  	s26 =	simm.s32 $execute0_lowered;
	[smem:$0x3FD2] =	sst s25  }
0xac: {  	s6 =	sshll.u32 s26, $0x1;
	_ =	strace $0x8000004C;
	[dreg:$0x1] =	wrdreg $0xFFFFFFFF  }
0xad: {  	s28 =	simm.s32 $_size_execute0_lowered;
	s4 =	sadd.s32 s4, s6;
	[dreg:$0x0] =	wrdreg $0x0  }
0xae: {  	s6 =	sshll.u32 s28, $0x1;
	[dreg:$0x2] =	wrdreg s4  }
0xaf: {  	[dreg:$0x3] =	wrdreg s6  }
0xb0: {  	[dreg:$0x4] =	wrdreg $0xC0  }
0xb1: {  	_ =	task [dreg:s8], $0x5FFFF  }
0xb2: {  	[dreg:$0x1] =	wrdreg $0xFFFFFFFF  }
0xb3: {  	[dreg:$0x0] =	wrdreg $0x60  }
0xb4: {  	[dreg:$0x2] =	wrdreg s24  }
0xb5: {  	[dreg:$0x3] =	wrdreg s17  }
0xb6: {  	[dreg:$0x4] =	wrdreg s16  }
0xb7: {  	[dreg:$0x5] =	wrdreg $0x0  }
0xb8: {  	[dreg:$0x6] =	wrdreg $0x9  }
0xb9: {  	_ =	task.clear_ibuf [dreg:s8], $0x7FFFF;
	_ =	strace $0x9000004C  }
0xba: {  	s29 =	simm.s32 $0x9;
	_ =	strace $0x8000004E  }
0xbb: {  	_ =	swait.ge [sflag:s29], $0x1  }
0xbc: {  	[sflag:s29] =	ssyncadd.s32 $0xFFFFFFFF  }
0xbd: {  	_ =	strace $0x9000004E  }
0xbe: {  	_ =	sfence  }
0xbf: {  	s30 =	sld [smem:$0x0];
	_ =	sdelay $0x2  }
0xc0: {  	s31 =	sshll.u32 s1, $0xD;
	s1 =	sshrl.u32 s1, $0x2  }
0xc1: {  	s3 =	sand.u32 $0x4000, s31;
	s1 =	sadd.s32 s1, s30  }
0xc2: {  	s0 =	sor.u32 s3, s0;
	s1 =	sshll.u32 s1, $0x11  }
0xc3: {  	s0 =	sor.u32 s1, s0  }
0xc4: {  	s0 =	sadd.s32 $0x8F2B, s0  }
0xc5: {  	[sflag:s0] =	ssyncadd.remote.s32 $0x1  }
0xc6: {  	_ =	sfence.sel $0xFFFF  }
0xc7: {  	[dreg:$0x0] =	wrdreg $0xFFFFFFFF;
	(pc) =	sbr.abs _section_cstart, $3  }
0xc8: {  	[dreg:$0x1] =	wrdreg $0xFFFFFFFF  }
0xc9: {  	_ =	task.clear_ibuf [dreg:s8], $0x2FFFF;
	_ =	strace $0x9FFFFFFF  }
0xca: {  	(tm) =	ssettm $0x7FFFFFFF  }
0xcb: {  	_ =	shalt  }
tec
execute0_lowered:
.L_overlay_start_1:
0x0: {  	(tag) =	ssettag $0x1  }
0x1: {  	s0 =	rddreg [dreg:$0x0]  }
0x2: {  	s2 =	rddreg [dreg:$0x1]  }
0x3: {  	s7 =	rddreg [dreg:$0x2]  }
0x4: {  	s1 =	rddreg [dreg:$0x3]  }
0x5: {  	s3 =	simm.s32 $0x0;
	s15 =	stileid.u32;
	s16 =	srdreg.scid  }
0x6: {  	s28 =	simm.s32 $0x1A800;
	[smem:$0x7FF] =	sst s3;
	s4 =	sadd.s32 $0x1E00, s0  }
0x7: {  	s5 =	sadd.s32 $0x1AE00, s0;
	s8 =	sadd.s32 $0x33E00, s0;
	s6 =	smul.u32 $0xC80, s15  }
0x8: {  	s9 =	sadd.s32 $0x96000, s0;
	s10 =	sadd.s32 $0xF8200, s0;
	s11 =	sadd.s32 $0x111200, s0  }
0x9: {  	s14 =	smul.u32 $0x31000, s15;
	_ =	strace $0x8000004D;
	[dreg:$0x5] =	wrdreg s10  }
0xa: {  	[dreg:$0x6] =	wrdreg s11;
	s10 =	sand.u32 $0x1, s16;
	s16 =	sadd.s32 $0x143200, s0  }
0xb: {  	s21 =	smul.u32 $0x32000, s15;
	s17 =	sshrl.u32 s6, $0x3;
	[dreg:$0x7] =	wrdreg s16  }
0xc: {  	s19 =	sshrl.u32 s14, $0x3;
	s12 =	sadd.s32 s17, s0;
	s0 =	sadd.s32 $0x12A200, s0  }
0xd: {  	s13 =	ssub.s32 $0x2, s10;
	s20 =	sadd.s32 s8, s19;
	[dreg:$0x8] =	wrdreg s0  }
0xe: {  	p0 =	seq.s32 s10, $0x1;
	s10 =	sadd.s32 s9, s19;
	[dreg:$0x9] =	wrdreg s20  }
0xf: {  	s22 =	sor.u32 $0x400, s14;
	s2 =	sadd.s32 s2, s17;
	[dreg:$0xa] =	wrdreg s10  }
0x10: {  	s14 =	sor.u32 $0x800, s14;
	s24 =	sadd.s32 s7, s17;
	[dreg:$0xb] =	wrdreg s2  }
0x11: {  	s25 =	sshrl.u32 s21, $0x2;
	s23 =	sadd.s32 $0x15C200, s12;
	[dreg:$0xd] =	wrdreg s24  }
0x12: {  	s7 =	sshrl.u32 s14, $0x3;
	s26 =	sadd.s32 $0x15DC00, s12;
	[dreg:$0xc] =	wrdreg s23  }
0x13: {  	s18 =	sshrl.u32 s13, $0x1;
	s14 =	sadd.s32 s8, s7;
	[dreg:$0xe] =	wrdreg s26  }
0x14: {  	s12 =	smul.u32 $0x6200, s15;
	s15 =	sadd.s32 s9, s7;
	[dreg:$0x13] =	wrdreg s14  }
0x15: {  	s0 =	ssub.s32 s13, s18;
	s10 =	sadd.s32 s25, s1;
	[dreg:$0x14] =	wrdreg s15  }
0x16: {  	s2 =	sshrl.u32 s22, $0x3;
	s0 =	smax.u32 s0, $0x1;
	[dreg:$0x10] =	wrdreg s10  }
0x17: {  	s29 =	simm.s32 $0x1B480;
	s13 =	sadd.s32 s8, s2;
	[dreg:$0xf] =	wrdreg s0  }
0x18: {  	s30 =	simm.s32 $0x15800;
	s16 =	sadd.s32 $0x1400, s10;
	[dreg:$0x11] =	wrdreg s13  }
0x19: {  	s31 =	simm.s32 $0x16C00;
	s17 =	sadd.s32 $0x2800, s10;
	[dreg:$0x15] =	wrdreg s16  }
0x1a: {  	s11 =	simm.s32 $0xCC00;
	s18 =	sadd.s32 $0x3C00, s10;
	[dreg:$0x16] =	wrdreg s17  }
0x1b: {  	s7 =	simm.s32 $0x0;
	s19 =	sadd.s32 $0x5000, s10;
	[dreg:$0x17] =	wrdreg s18  }
0x1c: {  	s20 =	sadd.s32 $0x6400, s10;
	s21 =	sadd.s32 $0x7800, s10;
	[dreg:$0x18] =	wrdreg s19  }
0x1d: {  	s22 =	sadd.s32 $0x8C00, s10;
	s25 =	sadd.s32 $0xA000, s10;
	[dreg:$0x19] =	wrdreg s20  }
0x1e: {  	s26 =	sadd.s32 $0xB400, s10;
	s15 =	simm.s32 $0x4;
	[dreg:$0x1a] =	wrdreg s21  }
0x1f: {  	s0 =	sadd.s32 s9, s2;
	s23 =	sadd.s32 s12, s9;
	[dreg:$0x1b] =	wrdreg s22  }
.Ltmp0:
0x20: {  	s24 =	sadd.s32 s12, s8;
	[dreg:$0x1c] =	wrdreg s25;
	(pc) =	sbr.rel .LBB2_1-.Ltmp0, $4  }
0x21: {  	[dreg:$0x1d] =	wrdreg s26;
	s16 =	simm.s32 $0xC800;
	s12 =	simm.s32 $0x1  }
0x22: {  	s17 =	simm.s32 $0x400;
	s19 =	simm.s32 $0xD000;
	s20 =	simm.s32 $0x11000  }
0x23: {  	s21 =	simm.s32 $0x11400;
	s22 =	simm.s32 $0x2;
	s25 =	simm.s32 $0x11800  }
0x24: {  	v0 =	vimm.f32 $0.0e+00;
	s26 =	simm.s32 $0x3;
	[dreg:$0x12] =	wrdreg s0;
	s0 =	simm.s32 $0x18000  }
.LBB2_16:
0x25: {  	s7 =	rddreg [dreg:$0x1e]  }
0x26: {  	s2 =	rddreg [dreg:$0xf];
	s7 =	sadd.s32 $0x1, s7  }
0x27: {  	p1 =	sne.s32 s7, s2  }
.Ltmp1:
0x28: {  	_ = 	snop;
	(pc) =	sbr.rel @!p1 .LBB2_17-.Ltmp1, $1  }
0x29: {  	_ =	sdelay $0x3  }
.LBB2_1:
.Ltmp2:
0x2a: {  	(pc) =	sbr.rel @!p0 .LBB2_2-.Ltmp2, $2  }
0x2b: {  	_ =	sdelay $0x2  }
0x2c: {  	[dreg:$0x1e] =	wrdreg s7;
	s2 =	simm.s32 $0x40;
	s7 =	simm.s32 $0x0  }
.LBB2_9:
0x2d: {  	p1 =	sne.s32 s2, $0x4FC0;
	[tilespmem:s7+$0x19400] =	vst v0;
	s7 =	smov.u32 s2;
	s2 =	sadd.s32 $0x40, s2  }
.Ltmp3:
0x2e: {  	(pc) =	sbr.rel @p1 .LBB2_9-.Ltmp3, $2  }
0x2f: {  	_ =	sdelay $0x2  }
0x30: {  	s7 =	sshra.s32 s7, $0x2  }
0x31: {  	[tilespmem:s7+$0x19400] =	vst v0;
	s2 =	rddreg [dreg:$0x10];
	s7 =	simm.s32 $0x19400  }
0x32: {  	[spmem:s2] =	stream.linear.scatter [tilespmem:s7], [sflag:$0x4], $0x1400, $0x38;
	[tilespmem:$0x1C100] =	vst v63  }
0x33: {  	_ =	swait.ge [sflag:s15], $0x1400  }
0x34: {  	[sflag:s15] =	ssyncset.done $0x0  }
0x35: {  	s8 =	rddreg [dreg:$0x15];
	[sflag:s15] =	ssyncadd.s32 $0xFFFFEC00  }
0x36: {  	[spmem:s8] =	stream.linear.scatter [tilespmem:s7], [sflag:$0x4], $0x1400, $0x38;
	[tilespmem:$0x1C100] =	vst v63  }
0x37: {  	_ =	swait.ge [sflag:s15], $0x1400  }
0x38: {  	[sflag:s15] =	ssyncset.done $0x0  }
0x39: {  	s9 =	rddreg [dreg:$0x16];
	[sflag:s15] =	ssyncadd.s32 $0xFFFFEC00  }
0x3a: {  	[spmem:s9] =	stream.linear.scatter [tilespmem:s7], [sflag:$0x4], $0x1400, $0x38;
	[tilespmem:$0x1C100] =	vst v63  }
0x3b: {  	_ =	swait.ge [sflag:s15], $0x1400  }
0x3c: {  	[sflag:s15] =	ssyncset.done $0x0  }
0x3d: {  	s10 =	rddreg [dreg:$0x17];
	[sflag:s15] =	ssyncadd.s32 $0xFFFFEC00  }
0x3e: {  	[spmem:s10] =	stream.linear.scatter [tilespmem:s7], [sflag:$0x4], $0x1400, $0x38;
	[tilespmem:$0x1C100] =	vst v63  }
0x3f: {  	_ =	swait.ge [sflag:s15], $0x1400  }
0x40: {  	[sflag:s15] =	ssyncset.done $0x0  }
0x41: {  	s13 =	rddreg [dreg:$0x18];
	[sflag:s15] =	ssyncadd.s32 $0xFFFFEC00  }
0x42: {  	[spmem:s13] =	stream.linear.scatter [tilespmem:s7], [sflag:$0x4], $0x1400, $0x38;
	[tilespmem:$0x1C100] =	vst v63  }
0x43: {  	_ =	swait.ge [sflag:s15], $0x1400  }
0x44: {  	[sflag:s15] =	ssyncset.done $0x0  }
0x45: {  	s14 =	rddreg [dreg:$0x19];
	[sflag:s15] =	ssyncadd.s32 $0xFFFFEC00  }
0x46: {  	[spmem:s14] =	stream.linear.scatter [tilespmem:s7], [sflag:$0x4], $0x1400, $0x38;
	[tilespmem:$0x1C100] =	vst v63  }
0x47: {  	_ =	swait.ge [sflag:s15], $0x1400  }
0x48: {  	[sflag:s15] =	ssyncset.done $0x0  }
0x49: {  	s18 =	rddreg [dreg:$0x1a];
	[sflag:s15] =	ssyncadd.s32 $0xFFFFEC00  }
0x4a: {  	[spmem:s18] =	stream.linear.scatter [tilespmem:s7], [sflag:$0x4], $0x1400, $0x38;
	[tilespmem:$0x1C100] =	vst v63  }
0x4b: {  	_ =	swait.ge [sflag:s15], $0x1400  }
0x4c: {  	[sflag:s15] =	ssyncset.done $0x0  }
0x4d: {  	s8 =	rddreg [dreg:$0x1b];
	[sflag:s15] =	ssyncadd.s32 $0xFFFFEC00  }
0x4e: {  	[spmem:s8] =	stream.linear.scatter [tilespmem:s7], [sflag:$0x4], $0x1400, $0x38;
	[tilespmem:$0x1C100] =	vst v63  }
0x4f: {  	_ =	swait.ge [sflag:s15], $0x1400  }
0x50: {  	[sflag:s15] =	ssyncset.done $0x0  }
0x51: {  	s9 =	rddreg [dreg:$0x1c];
	[sflag:s15] =	ssyncadd.s32 $0xFFFFEC00  }
0x52: {  	[spmem:s9] =	stream.linear.scatter [tilespmem:s7], [sflag:$0x4], $0x1400, $0x38;
	[tilespmem:$0x1C100] =	vst v63  }
0x53: {  	_ =	swait.ge [sflag:s15], $0x1400  }
0x54: {  	[sflag:s15] =	ssyncset.done $0x0  }
0x55: {  	s10 =	rddreg [dreg:$0x1d];
	[sflag:s15] =	ssyncadd.s32 $0xFFFFEC00  }
0x56: {  	[spmem:s10] =	stream.linear.scatter [tilespmem:s7], [sflag:$0x4], $0x1400, $0x38;
	[tilespmem:$0x1C100] =	vst v63  }
0x57: {  	_ =	swait.ge [sflag:s15], $0x1400  }
0x58: {  	[sflag:s15] =	ssyncset.done $0x0  }
0x59: {  	[sflag:s15] =	ssyncadd.s32 $0xFFFFEC00  }
0x5a: {  	[bflag:$0x0] =	sbarrier.arrive $0xFFFF  }
0x5b: {  	s13 =	rddreg [dreg:$0xa]  }
0x5c: {  	[tilespmem:s16], [sflag:$0x1] =	stream.linear.gather [hbm4b:s13+s3], $0x400, $0x38;
	[tilespmem:$0x1C100] =	vst v63  }
0x5d: {  	s14 =	rddreg [dreg:$0x9]  }
0x5e: {  	[tilespmem:s11], [sflag:$0x1] =	stream.linear.gather [hbm4b:s14+s3], $0x400, $0x38;
	[tilespmem:$0x1C100] =	vst v63  }
0x5f: {  	_ =	swait.ge [sflag:s12], $0x400  }
0x60: {  	[sflag:s12] =	ssyncset.done $0x0  }
0x61: {  	[sflag:s12] =	ssyncadd.s32 $0xFFFFFC00  }
0x62: {  	_ =	swait.ge [sflag:s12], $0x400  }
0x63: {  	[sflag:s12] =	ssyncset.done $0x0  }
0x64: {  	[sflag:s12] =	ssyncadd.s32 $0xFFFFFC00  }
0x65: {  	[tilespmem:s19], [sflag:$0x2] =	stream.indirect.gather [hbm4b:s4+s17], $0x10, s11, s17, $0xb8;
	[tilespmem:$0x1C100] =	vst v63  }
0x66: {  	s18 =	rddreg [dreg:$0x12]  }
0x67: {  	[tilespmem:s20], [sflag:$0x1] =	stream.linear.gather [hbm4b:s18+s3], $0x400, $0x38;
	[tilespmem:$0x1C100] =	vst v63  }
0x68: {  	s7 =	rddreg [dreg:$0x11]  }
0x69: {  	[tilespmem:s21], [sflag:$0x1] =	stream.linear.gather [hbm4b:s7+s3], $0x400, $0x38;
	[tilespmem:$0x1C100] =	vst v63  }
0x6a: {  	_ =	swait.ge [sflag:s22], $0x4000  }
0x6b: {  	[sflag:s22] =	ssyncset.done $0x0  }
0x6c: {  	[sflag:s22] =	ssyncadd.s32 $0xFFFFC000  }
0x6d: {  	[spmem:s1] =	stream.indirect.scatter.add.f32 [tilespmem:s19], [sflag:$0x3], $0x10, s16, s17, $0xb8;
	[tilespmem:$0x1C100] =	vst v63  }
0x6e: {  	_ =	swait.ge [sflag:s12], $0x400  }
0x6f: {  	[sflag:s12] =	ssyncset.done $0x0  }
0x70: {  	[sflag:s12] =	ssyncadd.s32 $0xFFFFFC00  }
0x71: {  	_ =	swait.ge [sflag:s12], $0x400  }
0x72: {  	[sflag:s12] =	ssyncset.done $0x0  }
0x73: {  	[sflag:s12] =	ssyncadd.s32 $0xFFFFFC00  }
0x74: {  	[tilespmem:s25], [sflag:$0x2] =	stream.indirect.gather [hbm4b:s4+s17], $0x10, s21, s17, $0xb8;
	[tilespmem:$0x1C100] =	vst v63  }
0x75: {  	_ =	swait.ge [sflag:s26], $0x4000  }
0x76: {  	[sflag:s26] =	ssyncset.done $0x0  }
0x77: {  	s8 =	rddreg [dreg:$0x14];
	[sflag:s26] =	ssyncadd.s32 $0xFFFFC000  }
0x78: {  	[tilespmem:s16], [sflag:$0x1] =	stream.linear.gather [hbm4b:s8+s3], $0x400, $0x38;
	[tilespmem:$0x1C100] =	vst v63  }
0x79: {  	s9 =	rddreg [dreg:$0x13]  }
0x7a: {  	[tilespmem:s11], [sflag:$0x1] =	stream.linear.gather [hbm4b:s9+s3], $0x400, $0x38;
	[tilespmem:$0x1C100] =	vst v63  }
0x7b: {  	_ =	swait.ge [sflag:s22], $0x4000  }
0x7c: {  	[sflag:s22] =	ssyncset.done $0x0  }
0x7d: {  	[sflag:s22] =	ssyncadd.s32 $0xFFFFC000  }
0x7e: {  	[spmem:s1] =	stream.indirect.scatter.add.f32 [tilespmem:s25], [sflag:$0x3], $0x10, s20, s17, $0xb8;
	[tilespmem:$0x1C100] =	vst v63  }
0x7f: {  	_ =	swait.ge [sflag:s12], $0x400  }
0x80: {  	[sflag:s12] =	ssyncset.done $0x0  }
0x81: {  	[sflag:s12] =	ssyncadd.s32 $0xFFFFFC00  }
0x82: {  	_ =	swait.ge [sflag:s12], $0x400  }
0x83: {  	[sflag:s12] =	ssyncset.done $0x0  }
0x84: {  	[sflag:s12] =	ssyncadd.s32 $0xFFFFFC00  }
0x85: {  	[tilespmem:s19], [sflag:$0x2] =	stream.indirect.gather [hbm4b:s4+s17], $0x10, s11, s17, $0xb8;
	[tilespmem:$0x1C100] =	vst v63  }
0x86: {  	_ =	swait.ge [sflag:s26], $0x4000  }
0x87: {  	s10 =	sadd.s32 $0xFFFF9F00, s23;
	[sflag:s26] =	ssyncset.done $0x0  }
0x88: {  	s13 =	sadd.s32 $0x6280, s10;
	s8 =	sadd.s32 $0xFFFF9F00, s24;
	[sflag:s26] =	ssyncadd.s32 $0xFFFFC000  }
0x89: {  	[tilespmem:s20], [sflag:$0x1] =	stream.linear.gather [hbm4b:s13+s3], $0x400, $0x38;
	[tilespmem:$0x1C100] =	vst v63  }
0x8a: {  	s14 =	sadd.s32 $0x6280, s8  }
0x8b: {  	[tilespmem:s21], [sflag:$0x1] =	stream.linear.gather [hbm4b:s14+s3], $0x400, $0x38;
	[tilespmem:$0x1C100] =	vst v63  }
0x8c: {  	_ =	swait.ge [sflag:s22], $0x4000  }
0x8d: {  	[sflag:s22] =	ssyncset.done $0x0  }
0x8e: {  	[sflag:s22] =	ssyncadd.s32 $0xFFFFC000  }
0x8f: {  	[spmem:s1] =	stream.indirect.scatter.add.f32 [tilespmem:s19], [sflag:$0x3], $0x10, s16, s17, $0xb8;
	[tilespmem:$0x1C100] =	vst v63  }
0x90: {  	_ =	swait.ge [sflag:s12], $0x400  }
0x91: {  	[sflag:s12] =	ssyncset.done $0x0  }
0x92: {  	[sflag:s12] =	ssyncadd.s32 $0xFFFFFC00  }
0x93: {  	_ =	swait.ge [sflag:s12], $0x400  }
0x94: {  	[sflag:s12] =	ssyncset.done $0x0  }
0x95: {  	[sflag:s12] =	ssyncadd.s32 $0xFFFFFC00  }
0x96: {  	[tilespmem:s25], [sflag:$0x2] =	stream.indirect.gather [hbm4b:s4+s17], $0x10, s21, s17, $0xb8;
	[tilespmem:$0x1C100] =	vst v63  }
0x97: {  	_ =	swait.ge [sflag:s26], $0x4000  }
0x98: {  	[sflag:s26] =	ssyncset.done $0x0  }
0x99: {  	s2 =	sadd.s32 $0x6300, s10;
	[sflag:s26] =	ssyncadd.s32 $0xFFFFC000  }
0x9a: {  	[tilespmem:s16], [sflag:$0x1] =	stream.linear.gather [hbm4b:s2+s3], $0x400, $0x38;
	[tilespmem:$0x1C100] =	vst v63  }
0x9b: {  	s18 =	sadd.s32 $0x6300, s8  }
0x9c: {  	[tilespmem:s11], [sflag:$0x1] =	stream.linear.gather [hbm4b:s18+s3], $0x400, $0x38;
	[tilespmem:$0x1C100] =	vst v63  }
0x9d: {  	_ =	swait.ge [sflag:s22], $0x4000  }
0x9e: {  	[sflag:s22] =	ssyncset.done $0x0  }
0x9f: {  	s13 =	simm.s32 $0xFFFFA000;
	[sflag:s22] =	ssyncadd.s32 $0xFFFFC000  }
.LBB2_11:
0xa0: {  	[spmem:s1] =	stream.indirect.scatter.add.f32 [tilespmem:s25], [sflag:$0x3], $0x10, s20, s17, $0xb8;
	[tilespmem:$0x1C100] =	vst v63  }
0xa1: {  	s2 =	smov.u32 s13  }
0xa2: {  	p1 =	sne.s32 s13, $0xFFFFFF00;
	s13 =	sadd.s32 $0x100, s13;
	_ =	swait.ge [sflag:s12], $0x400  }
0xa3: {  	[sflag:s12] =	ssyncset.done $0x0  }
0xa4: {  	[sflag:s12] =	ssyncadd.s32 $0xFFFFFC00  }
0xa5: {  	_ =	swait.ge [sflag:s12], $0x400  }
0xa6: {  	[sflag:s12] =	ssyncset.done $0x0  }
0xa7: {  	[sflag:s12] =	ssyncadd.s32 $0xFFFFFC00  }
0xa8: {  	[tilespmem:s19], [sflag:$0x2] =	stream.indirect.gather [hbm4b:s4+s17], $0x10, s11, s17, $0xb8;
	[tilespmem:$0x1C100] =	vst v63  }
0xa9: {  	_ =	swait.ge [sflag:s26], $0x4000  }
0xaa: {  	s7 =	sadd.s32 s2, s23;
	[sflag:s26] =	ssyncset.done $0x0  }
0xab: {  	s2 =	sadd.s32 s2, s24;
	s8 =	sadd.s32 $0x6280, s7;
	[sflag:s26] =	ssyncadd.s32 $0xFFFFC000  }
0xac: {  	[tilespmem:s20], [sflag:$0x1] =	stream.linear.gather [hbm4b:s8+s3], $0x400, $0x38;
	[tilespmem:$0x1C100] =	vst v63  }
0xad: {  	s8 =	sadd.s32 $0x6280, s2  }
0xae: {  	[tilespmem:s21], [sflag:$0x1] =	stream.linear.gather [hbm4b:s8+s3], $0x400, $0x38;
	[tilespmem:$0x1C100] =	vst v63  }
0xaf: {  	_ =	swait.ge [sflag:s22], $0x4000  }
0xb0: {  	[sflag:s22] =	ssyncset.done $0x0  }
0xb1: {  	[sflag:s22] =	ssyncadd.s32 $0xFFFFC000  }
0xb2: {  	[spmem:s1] =	stream.indirect.scatter.add.f32 [tilespmem:s19], [sflag:$0x3], $0x10, s16, s17, $0xb8;
	[tilespmem:$0x1C100] =	vst v63  }
0xb3: {  	_ =	swait.ge [sflag:s12], $0x400  }
0xb4: {  	[sflag:s12] =	ssyncset.done $0x0  }
0xb5: {  	[sflag:s12] =	ssyncadd.s32 $0xFFFFFC00  }
0xb6: {  	_ =	swait.ge [sflag:s12], $0x400  }
0xb7: {  	[sflag:s12] =	ssyncset.done $0x0  }
0xb8: {  	[sflag:s12] =	ssyncadd.s32 $0xFFFFFC00  }
0xb9: {  	[tilespmem:s25], [sflag:$0x2] =	stream.indirect.gather [hbm4b:s4+s17], $0x10, s21, s17, $0xb8;
	[tilespmem:$0x1C100] =	vst v63  }
0xba: {  	_ =	swait.ge [sflag:s26], $0x4000  }
0xbb: {  	[sflag:s26] =	ssyncset.done $0x0  }
0xbc: {  	s7 =	sadd.s32 $0x6300, s7;
	[sflag:s26] =	ssyncadd.s32 $0xFFFFC000  }
0xbd: {  	[tilespmem:s16], [sflag:$0x1] =	stream.linear.gather [hbm4b:s7+s3], $0x400, $0x38;
	[tilespmem:$0x1C100] =	vst v63  }
.Ltmp4:
0xbe: {  	s2 =	sadd.s32 $0x6300, s2;
	(pc) =	sbr.rel @p1 .LBB2_11-.Ltmp4, $4  }
0xbf: {  	[tilespmem:s11], [sflag:$0x1] =	stream.linear.gather [hbm4b:s2+s3], $0x400, $0x38;
	[tilespmem:$0x1C100] =	vst v63  }
0xc0: {  	_ =	swait.ge [sflag:s22], $0x4000  }
0xc1: {  	[sflag:s22] =	ssyncset.done $0x0  }
0xc2: {  	[sflag:s22] =	ssyncadd.s32 $0xFFFFC000  }
0xc3: {  	[spmem:s1] =	stream.indirect.scatter.add.f32 [tilespmem:s25], [sflag:$0x3], $0x10, s20, s17, $0xb8;
	[tilespmem:$0x1C100] =	vst v63  }
0xc4: {  	_ =	swait.ge [sflag:s26], $0x4000  }
0xc5: {  	[sflag:s26] =	ssyncset.done $0x0  }
0xc6: {  	[sflag:s26] =	ssyncadd.s32 $0xFFFFC000  }
0xc7: {  	_ =	swait.ge [sflag:s12], $0x400  }
0xc8: {  	[sflag:s12] =	ssyncset.done $0x0  }
0xc9: {  	[sflag:s12] =	ssyncadd.s32 $0xFFFFFC00  }
0xca: {  	_ =	swait.ge [sflag:s12], $0x400  }
0xcb: {  	[sflag:s12] =	ssyncset.done $0x0  }
0xcc: {  	[sflag:s12] =	ssyncadd.s32 $0xFFFFFC00  }
0xcd: {  	[bflag:$0x0] =	sbarrier.arrive $0xFFFF  }
0xce: {  	s13 =	simm.s32 $0x0;
	s2 =	rddreg [dreg:$0xd]  }
0xcf: {  	[tilespmem:s28], [sflag:$0x4] =	stream.linear.gather [hbm4b:s2+s13], $0xC80, $0x38;
	[tilespmem:$0x1C100] =	vst v63  }
0xd0: {  	_ =	swait.ge [sflag:s15], $0xC80  }
0xd1: {  	[sflag:s15] =	ssyncset.done $0x0  }
0xd2: {  	s18 =	rddreg [dreg:$0xe];
	[sflag:s15] =	ssyncadd.s32 $0xFFFFF380  }
0xd3: {  	[tilespmem:s29], [sflag:$0x4] =	stream.linear.gather [hbm4b:s18+s13], $0xC80, $0x38;
	[tilespmem:$0x1C100] =	vst v63  }
0xd4: {  	_ =	swait.ge [sflag:s15], $0xC80  }
0xd5: {  	[sflag:s15] =	ssyncset.done $0x0  }
0xd6: {  	s14 =	simm.s32 $0x0;
	s18 =	simm.s32 $0x0;
	[sflag:s15] =	ssyncadd.s32 $0xFFFFF380  }
.LBB2_13:
0xd7: {  	s2 =	smul.u32 $0x140, s14;
	_ =	sdelay $0x1  }
0xd8: {  	s2 =	sadd.s32 s6, s2  }
0xd9: {  	s7 =	sshll.u32 s2, $0x4  }
0xda: {  	s7 =	sand.u32 $0x3FFFFFF0, s7  }
0xdb: {  	s7 =	sadd.s32 s7, s1  }
0xdc: {  	[tilespmem:s30], [sflag:$0x4] =	stream.linear.gather [spmem:s7], $0x1400, $0x38;
	[tilespmem:$0x1C100] =	vst v63  }
0xdd: {  	_ =	swait.ge [sflag:s15], $0x1400  }
0xde: {  	s2 =	sshll.u32 s2, $0x1;
	[sflag:s15] =	ssyncset.done $0x0;
	s10 =	rddreg [dreg:$0x6]  }
0xdf: {  	v1 =	vmov s18;
	[sflag:s15] =	ssyncadd.s32 $0xFFFFEC00;
	s7 =	sadd.s32 s10, s2  }
0xe0: {  	[tilespmem:s31], [sflag:$0x4] =	stream.linear.gather [hbm4b:s7+s13], $0x1400, $0x38;
	[tilespmem:$0x1C100] =	vst v63  }
0xe1: {  	_ =	swait.ge [sflag:s15], $0x1400  }
0xe2: {  	[sflag:s15] =	ssyncset.done $0x0  }
0xe3: {  	[sflag:s15] =	ssyncadd.s32 $0xFFFFEC00  }
0xe4: {  	s7 =	simm.s32 $0x0;
	v2 =	vld.idx.msk [tilespmem:v1+s28+$0x0], $0xffff  }
0xe5: {  	v3 =	vld [tilespmem:s7+$0x15800];
	_ =	sdelay $0x1  }
0xe6: {  	v4 =	vld [tilespmem:s7+$0x16C00];
	_ =	sdelay $0x1  }
0xe7: {  	v5 =	vld.idx.msk [tilespmem:v1+s29+$0x0], $0xffff  }
0xe8: {  	v1 =	vmul.f32 v2, v3;
	_ =	sdelay $0x1  }
0xe9: {  	v2 =	vadd.f32 v1, v4  }
0xea: {  	s9 =	sadd.s32 $0x1, s18  }
0xeb: {  	s8 =	simm.s32 $0x40;
	s10 =	simm.s32 $0x80;
	v1 =	vmov s9;
	v2 =	vmul.f32 v5, v2  }
.LBB2_14:
0xec: {  	p1 =	sne.s32 s10, $0x4FC0  }
0xed: {  	v2 =	vmul.f32 $3.333333430e-01, v2;
	_ =	sdelay $0x1  }
0xee: {  	[tilespmem:s7+$0x18000] =	vst v2  }
0xef: {  	s7 =	sshra.s32 s8, $0x2;
	s8 =	smov.u32 s10;
	v2 =	vld.idx.msk [tilespmem:v1+s28+$0x0], $0xffff  }
0xf0: {  	v3 =	vld [tilespmem:s7+$0x15800];
	_ =	sdelay $0x1  }
0xf1: {  	v4 =	vld [tilespmem:s7+$0x16C00]  }
0xf2: {  	v5 =	vld.idx.msk [tilespmem:v1+s29+$0x0], $0xffff;
	_ =	sdelay $0x1  }
.Ltmp5:
0xf3: {  	v1 =	vmul.f32 v2, v3;
	(pc) =	sbr.rel @p1 .LBB2_14-.Ltmp5, $4  }
0xf4: {  	_ = 	snop  }
0xf5: {  	v2 =	vadd.f32 v1, v4  }
0xf6: {  	s9 =	sadd.s32 $0x1, s9  }
0xf7: {  	s10 =	sadd.s32 $0x40, s10;
	v1 =	vmov s9;
	v2 =	vmul.f32 v5, v2  }
0xf8: {  	_ = 	snop  }
0xf9: {  	v2 =	vmul.f32 $3.333333430e-01, v2;
	_ =	sdelay $0x1  }
0xfa: {  	[tilespmem:s7+$0x18000] =	vst v2  }
0xfb: {  	s9 =	sshra.s32 s8, $0x2;
	v2 =	vld.idx.msk [tilespmem:v1+s28+$0x0], $0xffff  }
0xfc: {  	v3 =	vld [tilespmem:s9+$0x15800];
	_ =	sdelay $0x1  }
0xfd: {  	v4 =	vld [tilespmem:s9+$0x16C00];
	_ =	sdelay $0x1  }
0xfe: {  	v1 =	vld.idx.msk [tilespmem:v1+s29+$0x0], $0xffff  }
0xff: {  	v2 =	vmul.f32 v2, v3;
	_ =	sdelay $0x1  }
0x100: {  	v2 =	vadd.f32 v2, v4;
	_ =	sdelay $0x1  }
0x101: {  	v1 =	vmul.f32 v1, v2;
	_ =	sdelay $0x1  }
0x102: {  	v1 =	vmul.f32 $3.333333430e-01, v1  }
0x103: {  	s10 =	rddreg [dreg:$0x8];
	s14 =	sadd.s32 $0x1, s14  }
0x104: {  	s2 =	sadd.s32 s10, s2;
	p1 =	sne.s32 s14, $0xA;
	[tilespmem:s9+$0x18000] =	vst v1  }
0x105: {  	[hbm4b:s2+s3] =	stream.linear.scatter [tilespmem:s0], [sflag:$0x4], $0x1400, $0x38;
	[tilespmem:$0x1C100] =	vst v63  }
.Ltmp6:
0x106: {  	_ = 	snop;
	(pc) =	sbr.rel @p1 .LBB2_13-.Ltmp6, $4  }
.Ltmp7:
0x107: {  	_ = 	snop;
	(pc) =	sbr.rel @!p1 .LBB2_16-.Ltmp7, $4  }
0x108: {  	_ =	swait.ge [sflag:s15], $0x1400  }
0x109: {  	[sflag:s15] =	ssyncset.done $0x0  }
0x10a: {  	s18 =	sadd.s32 $0x140, s18;
	[sflag:s15] =	ssyncadd.s32 $0xFFFFEC00  }
0x10b: {  	_ = 	snop  }
.LBB2_2:
0x10c: {  	p1 =	sne.s32 s2, $0x4FC0;
	[tilespmem:s7+$0x19400] =	vst v0;
	s7 =	smov.u32 s2;
	s2 =	sadd.s32 $0x40, s2  }
.Ltmp8:
0x10d: {  	(pc) =	sbr.rel @p1 .LBB2_2-.Ltmp8, $2  }
0x10e: {  	_ =	sdelay $0x2  }
0x10f: {  	s7 =	sshra.s32 s7, $0x2  }
0x110: {  	[tilespmem:s7+$0x19400] =	vst v0;
	s2 =	rddreg [dreg:$0x10];
	s7 =	simm.s32 $0x19400  }
0x111: {  	[spmem:s2] =	stream.linear.scatter [tilespmem:s7], [sflag:$0x4], $0x1400, $0x38;
	[tilespmem:$0x1C100] =	vst v63  }
0x112: {  	_ =	swait.ge [sflag:s15], $0x1400  }
0x113: {  	[sflag:s15] =	ssyncset.done $0x0  }
0x114: {  	s8 =	rddreg [dreg:$0x15];
	[sflag:s15] =	ssyncadd.s32 $0xFFFFEC00  }
0x115: {  	[spmem:s8] =	stream.linear.scatter [tilespmem:s7], [sflag:$0x4], $0x1400, $0x38;
	[tilespmem:$0x1C100] =	vst v63  }
0x116: {  	_ =	swait.ge [sflag:s15], $0x1400  }
0x117: {  	[sflag:s15] =	ssyncset.done $0x0  }
0x118: {  	s9 =	rddreg [dreg:$0x16];
	[sflag:s15] =	ssyncadd.s32 $0xFFFFEC00  }
0x119: {  	[spmem:s9] =	stream.linear.scatter [tilespmem:s7], [sflag:$0x4], $0x1400, $0x38;
	[tilespmem:$0x1C100] =	vst v63  }
0x11a: {  	_ =	swait.ge [sflag:s15], $0x1400  }
0x11b: {  	[sflag:s15] =	ssyncset.done $0x0  }
0x11c: {  	s10 =	rddreg [dreg:$0x17];
	[sflag:s15] =	ssyncadd.s32 $0xFFFFEC00  }
0x11d: {  	[spmem:s10] =	stream.linear.scatter [tilespmem:s7], [sflag:$0x4], $0x1400, $0x38;
	[tilespmem:$0x1C100] =	vst v63  }
0x11e: {  	_ =	swait.ge [sflag:s15], $0x1400  }
0x11f: {  	[sflag:s15] =	ssyncset.done $0x0  }
0x120: {  	s13 =	rddreg [dreg:$0x18];
	[sflag:s15] =	ssyncadd.s32 $0xFFFFEC00  }
0x121: {  	[spmem:s13] =	stream.linear.scatter [tilespmem:s7], [sflag:$0x4], $0x1400, $0x38;
	[tilespmem:$0x1C100] =	vst v63  }
0x122: {  	_ =	swait.ge [sflag:s15], $0x1400  }
0x123: {  	[sflag:s15] =	ssyncset.done $0x0  }
0x124: {  	s14 =	rddreg [dreg:$0x19];
	[sflag:s15] =	ssyncadd.s32 $0xFFFFEC00  }
0x125: {  	[spmem:s14] =	stream.linear.scatter [tilespmem:s7], [sflag:$0x4], $0x1400, $0x38;
	[tilespmem:$0x1C100] =	vst v63  }
0x126: {  	_ =	swait.ge [sflag:s15], $0x1400  }
0x127: {  	[sflag:s15] =	ssyncset.done $0x0  }
0x128: {  	s18 =	rddreg [dreg:$0x1a];
	[sflag:s15] =	ssyncadd.s32 $0xFFFFEC00  }
0x129: {  	[spmem:s18] =	stream.linear.scatter [tilespmem:s7], [sflag:$0x4], $0x1400, $0x38;
	[tilespmem:$0x1C100] =	vst v63  }
0x12a: {  	_ =	swait.ge [sflag:s15], $0x1400  }
0x12b: {  	[sflag:s15] =	ssyncset.done $0x0  }
0x12c: {  	s8 =	rddreg [dreg:$0x1b];
	[sflag:s15] =	ssyncadd.s32 $0xFFFFEC00  }
0x12d: {  	[spmem:s8] =	stream.linear.scatter [tilespmem:s7], [sflag:$0x4], $0x1400, $0x38;
	[tilespmem:$0x1C100] =	vst v63  }
0x12e: {  	_ =	swait.ge [sflag:s15], $0x1400  }
0x12f: {  	[sflag:s15] =	ssyncset.done $0x0  }
0x130: {  	s9 =	rddreg [dreg:$0x1c];
	[sflag:s15] =	ssyncadd.s32 $0xFFFFEC00  }
0x131: {  	[spmem:s9] =	stream.linear.scatter [tilespmem:s7], [sflag:$0x4], $0x1400, $0x38;
	[tilespmem:$0x1C100] =	vst v63  }
0x132: {  	_ =	swait.ge [sflag:s15], $0x1400  }
0x133: {  	[sflag:s15] =	ssyncset.done $0x0  }
0x134: {  	s10 =	rddreg [dreg:$0x1d];
	[sflag:s15] =	ssyncadd.s32 $0xFFFFEC00  }
0x135: {  	[spmem:s10] =	stream.linear.scatter [tilespmem:s7], [sflag:$0x4], $0x1400, $0x38;
	[tilespmem:$0x1C100] =	vst v63  }
0x136: {  	_ =	swait.ge [sflag:s15], $0x1400  }
0x137: {  	[sflag:s15] =	ssyncset.done $0x0  }
0x138: {  	[sflag:s15] =	ssyncadd.s32 $0xFFFFEC00  }
0x139: {  	[bflag:$0x0] =	sbarrier.arrive $0xFFFF  }
0x13a: {  	s13 =	rddreg [dreg:$0x9]  }
0x13b: {  	[tilespmem:s16], [sflag:$0x1] =	stream.linear.gather [hbm4b:s13+s3], $0x400, $0x38;
	[tilespmem:$0x1C100] =	vst v63  }
0x13c: {  	s14 =	rddreg [dreg:$0xa]  }
0x13d: {  	[tilespmem:s11], [sflag:$0x1] =	stream.linear.gather [hbm4b:s14+s3], $0x400, $0x38;
	[tilespmem:$0x1C100] =	vst v63  }
0x13e: {  	_ =	swait.ge [sflag:s12], $0x400  }
0x13f: {  	[sflag:s12] =	ssyncset.done $0x0  }
0x140: {  	[sflag:s12] =	ssyncadd.s32 $0xFFFFFC00  }
0x141: {  	_ =	swait.ge [sflag:s12], $0x400  }
0x142: {  	[sflag:s12] =	ssyncset.done $0x0  }
0x143: {  	[sflag:s12] =	ssyncadd.s32 $0xFFFFFC00  }
0x144: {  	[tilespmem:s19], [sflag:$0x2] =	stream.indirect.gather [hbm4b:s5+s17], $0x10, s11, s17, $0xb8;
	[tilespmem:$0x1C100] =	vst v63  }
0x145: {  	s18 =	rddreg [dreg:$0x11]  }
0x146: {  	[tilespmem:s20], [sflag:$0x1] =	stream.linear.gather [hbm4b:s18+s3], $0x400, $0x38;
	[tilespmem:$0x1C100] =	vst v63  }
0x147: {  	s7 =	rddreg [dreg:$0x12]  }
0x148: {  	[tilespmem:s21], [sflag:$0x1] =	stream.linear.gather [hbm4b:s7+s3], $0x400, $0x38;
	[tilespmem:$0x1C100] =	vst v63  }
0x149: {  	_ =	swait.ge [sflag:s22], $0x4000  }
0x14a: {  	[sflag:s22] =	ssyncset.done $0x0  }
0x14b: {  	[sflag:s22] =	ssyncadd.s32 $0xFFFFC000  }
0x14c: {  	[spmem:s1] =	stream.indirect.scatter.add.f32 [tilespmem:s19], [sflag:$0x3], $0x10, s16, s17, $0xb8;
	[tilespmem:$0x1C100] =	vst v63  }
0x14d: {  	_ =	swait.ge [sflag:s12], $0x400  }
0x14e: {  	[sflag:s12] =	ssyncset.done $0x0  }
0x14f: {  	[sflag:s12] =	ssyncadd.s32 $0xFFFFFC00  }
0x150: {  	_ =	swait.ge [sflag:s12], $0x400  }
0x151: {  	[sflag:s12] =	ssyncset.done $0x0  }
0x152: {  	[sflag:s12] =	ssyncadd.s32 $0xFFFFFC00  }
0x153: {  	[tilespmem:s25], [sflag:$0x2] =	stream.indirect.gather [hbm4b:s5+s17], $0x10, s21, s17, $0xb8;
	[tilespmem:$0x1C100] =	vst v63  }
0x154: {  	_ =	swait.ge [sflag:s26], $0x4000  }
0x155: {  	[sflag:s26] =	ssyncset.done $0x0  }
0x156: {  	s8 =	rddreg [dreg:$0x13];
	[sflag:s26] =	ssyncadd.s32 $0xFFFFC000  }
0x157: {  	[tilespmem:s16], [sflag:$0x1] =	stream.linear.gather [hbm4b:s8+s3], $0x400, $0x38;
	[tilespmem:$0x1C100] =	vst v63  }
0x158: {  	s9 =	rddreg [dreg:$0x14]  }
0x159: {  	[tilespmem:s11], [sflag:$0x1] =	stream.linear.gather [hbm4b:s9+s3], $0x400, $0x38;
	[tilespmem:$0x1C100] =	vst v63  }
0x15a: {  	_ =	swait.ge [sflag:s22], $0x4000  }
0x15b: {  	[sflag:s22] =	ssyncset.done $0x0  }
0x15c: {  	[sflag:s22] =	ssyncadd.s32 $0xFFFFC000  }
0x15d: {  	[spmem:s1] =	stream.indirect.scatter.add.f32 [tilespmem:s25], [sflag:$0x3], $0x10, s20, s17, $0xb8;
	[tilespmem:$0x1C100] =	vst v63  }
0x15e: {  	_ =	swait.ge [sflag:s12], $0x400  }
0x15f: {  	[sflag:s12] =	ssyncset.done $0x0  }
0x160: {  	[sflag:s12] =	ssyncadd.s32 $0xFFFFFC00  }
0x161: {  	_ =	swait.ge [sflag:s12], $0x400  }
0x162: {  	[sflag:s12] =	ssyncset.done $0x0  }
0x163: {  	[sflag:s12] =	ssyncadd.s32 $0xFFFFFC00  }
0x164: {  	[tilespmem:s19], [sflag:$0x2] =	stream.indirect.gather [hbm4b:s5+s17], $0x10, s11, s17, $0xb8;
	[tilespmem:$0x1C100] =	vst v63  }
0x165: {  	_ =	swait.ge [sflag:s26], $0x4000  }
0x166: {  	s10 =	sadd.s32 $0xFFFF9F00, s24;
	[sflag:s26] =	ssyncset.done $0x0  }
0x167: {  	s13 =	sadd.s32 $0x6280, s10;
	s8 =	sadd.s32 $0xFFFF9F00, s23;
	[sflag:s26] =	ssyncadd.s32 $0xFFFFC000  }
0x168: {  	[tilespmem:s20], [sflag:$0x1] =	stream.linear.gather [hbm4b:s13+s3], $0x400, $0x38;
	[tilespmem:$0x1C100] =	vst v63  }
0x169: {  	s14 =	sadd.s32 $0x6280, s8  }
0x16a: {  	[tilespmem:s21], [sflag:$0x1] =	stream.linear.gather [hbm4b:s14+s3], $0x400, $0x38;
	[tilespmem:$0x1C100] =	vst v63  }
0x16b: {  	_ =	swait.ge [sflag:s22], $0x4000  }
0x16c: {  	[sflag:s22] =	ssyncset.done $0x0  }
0x16d: {  	[sflag:s22] =	ssyncadd.s32 $0xFFFFC000  }
0x16e: {  	[spmem:s1] =	stream.indirect.scatter.add.f32 [tilespmem:s19], [sflag:$0x3], $0x10, s16, s17, $0xb8;
	[tilespmem:$0x1C100] =	vst v63  }
0x16f: {  	_ =	swait.ge [sflag:s12], $0x400  }
0x170: {  	[sflag:s12] =	ssyncset.done $0x0  }
0x171: {  	[sflag:s12] =	ssyncadd.s32 $0xFFFFFC00  }
0x172: {  	_ =	swait.ge [sflag:s12], $0x400  }
0x173: {  	[sflag:s12] =	ssyncset.done $0x0  }
0x174: {  	[sflag:s12] =	ssyncadd.s32 $0xFFFFFC00  }
0x175: {  	[tilespmem:s25], [sflag:$0x2] =	stream.indirect.gather [hbm4b:s5+s17], $0x10, s21, s17, $0xb8;
	[tilespmem:$0x1C100] =	vst v63  }
0x176: {  	_ =	swait.ge [sflag:s26], $0x4000  }
0x177: {  	[sflag:s26] =	ssyncset.done $0x0  }
0x178: {  	s2 =	sadd.s32 $0x6300, s10;
	[sflag:s26] =	ssyncadd.s32 $0xFFFFC000  }
0x179: {  	[tilespmem:s16], [sflag:$0x1] =	stream.linear.gather [hbm4b:s2+s3], $0x400, $0x38;
	[tilespmem:$0x1C100] =	vst v63  }
0x17a: {  	s18 =	sadd.s32 $0x6300, s8  }
0x17b: {  	[tilespmem:s11], [sflag:$0x1] =	stream.linear.gather [hbm4b:s18+s3], $0x400, $0x38;
	[tilespmem:$0x1C100] =	vst v63  }
0x17c: {  	_ =	swait.ge [sflag:s22], $0x4000  }
0x17d: {  	[sflag:s22] =	ssyncset.done $0x0  }
0x17e: {  	s13 =	simm.s32 $0xFFFFA000;
	[sflag:s22] =	ssyncadd.s32 $0xFFFFC000  }
.LBB2_4:
0x17f: {  	[spmem:s1] =	stream.indirect.scatter.add.f32 [tilespmem:s25], [sflag:$0x3], $0x10, s20, s17, $0xb8;
	[tilespmem:$0x1C100] =	vst v63  }
0x180: {  	s2 =	smov.u32 s13  }
0x181: {  	p1 =	sne.s32 s13, $0xFFFFFF00;
	s13 =	sadd.s32 $0x100, s13;
	_ =	swait.ge [sflag:s12], $0x400  }
0x182: {  	[sflag:s12] =	ssyncset.done $0x0  }
0x183: {  	[sflag:s12] =	ssyncadd.s32 $0xFFFFFC00  }
0x184: {  	_ =	swait.ge [sflag:s12], $0x400  }
0x185: {  	[sflag:s12] =	ssyncset.done $0x0  }
0x186: {  	[sflag:s12] =	ssyncadd.s32 $0xFFFFFC00  }
0x187: {  	[tilespmem:s19], [sflag:$0x2] =	stream.indirect.gather [hbm4b:s5+s17], $0x10, s11, s17, $0xb8;
	[tilespmem:$0x1C100] =	vst v63  }
0x188: {  	_ =	swait.ge [sflag:s26], $0x4000  }
0x189: {  	s7 =	sadd.s32 s2, s24;
	[sflag:s26] =	ssyncset.done $0x0  }
0x18a: {  	s2 =	sadd.s32 s2, s23;
	s8 =	sadd.s32 $0x6280, s7;
	[sflag:s26] =	ssyncadd.s32 $0xFFFFC000  }
0x18b: {  	[tilespmem:s20], [sflag:$0x1] =	stream.linear.gather [hbm4b:s8+s3], $0x400, $0x38;
	[tilespmem:$0x1C100] =	vst v63  }
0x18c: {  	s8 =	sadd.s32 $0x6280, s2  }
0x18d: {  	[tilespmem:s21], [sflag:$0x1] =	stream.linear.gather [hbm4b:s8+s3], $0x400, $0x38;
	[tilespmem:$0x1C100] =	vst v63  }
0x18e: {  	_ =	swait.ge [sflag:s22], $0x4000  }
0x18f: {  	[sflag:s22] =	ssyncset.done $0x0  }
0x190: {  	[sflag:s22] =	ssyncadd.s32 $0xFFFFC000  }
0x191: {  	[spmem:s1] =	stream.indirect.scatter.add.f32 [tilespmem:s19], [sflag:$0x3], $0x10, s16, s17, $0xb8;
	[tilespmem:$0x1C100] =	vst v63  }
0x192: {  	_ =	swait.ge [sflag:s12], $0x400  }
0x193: {  	[sflag:s12] =	ssyncset.done $0x0  }
0x194: {  	[sflag:s12] =	ssyncadd.s32 $0xFFFFFC00  }
0x195: {  	_ =	swait.ge [sflag:s12], $0x400  }
0x196: {  	[sflag:s12] =	ssyncset.done $0x0  }
0x197: {  	[sflag:s12] =	ssyncadd.s32 $0xFFFFFC00  }
0x198: {  	[tilespmem:s25], [sflag:$0x2] =	stream.indirect.gather [hbm4b:s5+s17], $0x10, s21, s17, $0xb8;
	[tilespmem:$0x1C100] =	vst v63  }
0x199: {  	_ =	swait.ge [sflag:s26], $0x4000  }
0x19a: {  	[sflag:s26] =	ssyncset.done $0x0  }
0x19b: {  	s7 =	sadd.s32 $0x6300, s7;
	[sflag:s26] =	ssyncadd.s32 $0xFFFFC000  }
0x19c: {  	[tilespmem:s16], [sflag:$0x1] =	stream.linear.gather [hbm4b:s7+s3], $0x400, $0x38;
	[tilespmem:$0x1C100] =	vst v63  }
.Ltmp9:
0x19d: {  	s2 =	sadd.s32 $0x6300, s2;
	(pc) =	sbr.rel @p1 .LBB2_4-.Ltmp9, $4  }
0x19e: {  	[tilespmem:s11], [sflag:$0x1] =	stream.linear.gather [hbm4b:s2+s3], $0x400, $0x38;
	[tilespmem:$0x1C100] =	vst v63  }
0x19f: {  	_ =	swait.ge [sflag:s22], $0x4000  }
0x1a0: {  	[sflag:s22] =	ssyncset.done $0x0  }
0x1a1: {  	[sflag:s22] =	ssyncadd.s32 $0xFFFFC000  }
0x1a2: {  	[spmem:s1] =	stream.indirect.scatter.add.f32 [tilespmem:s25], [sflag:$0x3], $0x10, s20, s17, $0xb8;
	[tilespmem:$0x1C100] =	vst v63  }
0x1a3: {  	_ =	swait.ge [sflag:s26], $0x4000  }
0x1a4: {  	[sflag:s26] =	ssyncset.done $0x0  }
0x1a5: {  	[sflag:s26] =	ssyncadd.s32 $0xFFFFC000  }
0x1a6: {  	_ =	swait.ge [sflag:s12], $0x400  }
0x1a7: {  	[sflag:s12] =	ssyncset.done $0x0  }
0x1a8: {  	[sflag:s12] =	ssyncadd.s32 $0xFFFFFC00  }
0x1a9: {  	_ =	swait.ge [sflag:s12], $0x400  }
0x1aa: {  	[sflag:s12] =	ssyncset.done $0x0  }
0x1ab: {  	[sflag:s12] =	ssyncadd.s32 $0xFFFFFC00  }
0x1ac: {  	[bflag:$0x0] =	sbarrier.arrive $0xFFFF  }
0x1ad: {  	s13 =	simm.s32 $0x0;
	s2 =	rddreg [dreg:$0xb]  }
0x1ae: {  	[tilespmem:s28], [sflag:$0x4] =	stream.linear.gather [hbm4b:s2+s13], $0xC80, $0x38;
	[tilespmem:$0x1C100] =	vst v63  }
0x1af: {  	_ =	swait.ge [sflag:s15], $0xC80  }
0x1b0: {  	[sflag:s15] =	ssyncset.done $0x0  }
0x1b1: {  	s18 =	rddreg [dreg:$0xc];
	[sflag:s15] =	ssyncadd.s32 $0xFFFFF380  }
0x1b2: {  	[tilespmem:s29], [sflag:$0x4] =	stream.linear.gather [hbm4b:s18+s13], $0xC80, $0x38;
	[tilespmem:$0x1C100] =	vst v63  }
0x1b3: {  	_ =	swait.ge [sflag:s15], $0xC80  }
0x1b4: {  	[sflag:s15] =	ssyncset.done $0x0  }
0x1b5: {  	s14 =	simm.s32 $0x0;
	s18 =	simm.s32 $0x0;
	[sflag:s15] =	ssyncadd.s32 $0xFFFFF380  }
.LBB2_6:
0x1b6: {  	s2 =	smul.u32 $0x140, s14;
	_ =	sdelay $0x1  }
0x1b7: {  	s2 =	sadd.s32 s6, s2  }
0x1b8: {  	s7 =	sshll.u32 s2, $0x4  }
0x1b9: {  	s7 =	sand.u32 $0x3FFFFFF0, s7  }
0x1ba: {  	s7 =	sadd.s32 s7, s1  }
0x1bb: {  	[tilespmem:s30], [sflag:$0x4] =	stream.linear.gather [spmem:s7], $0x1400, $0x38;
	[tilespmem:$0x1C100] =	vst v63  }
0x1bc: {  	_ =	swait.ge [sflag:s15], $0x1400  }
0x1bd: {  	s2 =	sshll.u32 s2, $0x1;
	[sflag:s15] =	ssyncset.done $0x0;
	s10 =	rddreg [dreg:$0x5]  }
0x1be: {  	v1 =	vmov s18;
	[sflag:s15] =	ssyncadd.s32 $0xFFFFEC00;
	s7 =	sadd.s32 s10, s2  }
0x1bf: {  	[tilespmem:s31], [sflag:$0x4] =	stream.linear.gather [hbm4b:s7+s13], $0x1400, $0x38;
	[tilespmem:$0x1C100] =	vst v63  }
0x1c0: {  	_ =	swait.ge [sflag:s15], $0x1400  }
0x1c1: {  	[sflag:s15] =	ssyncset.done $0x0  }
0x1c2: {  	[sflag:s15] =	ssyncadd.s32 $0xFFFFEC00  }
0x1c3: {  	s7 =	simm.s32 $0x0;
	v2 =	vld.idx.msk [tilespmem:v1+s28+$0x0], $0xffff  }
0x1c4: {  	v3 =	vld [tilespmem:s7+$0x15800];
	_ =	sdelay $0x1  }
0x1c5: {  	v4 =	vld [tilespmem:s7+$0x16C00];
	_ =	sdelay $0x1  }
0x1c6: {  	v5 =	vld.idx.msk [tilespmem:v1+s29+$0x0], $0xffff  }
0x1c7: {  	v1 =	vmul.f32 v2, v3;
	_ =	sdelay $0x1  }
0x1c8: {  	v2 =	vadd.f32 v1, v4  }
0x1c9: {  	s9 =	sadd.s32 $0x1, s18  }
0x1ca: {  	s8 =	simm.s32 $0x40;
	s10 =	simm.s32 $0x80;
	v1 =	vmov s9;
	v2 =	vmul.f32 v5, v2  }
.LBB2_7:
0x1cb: {  	p1 =	sne.s32 s10, $0x4FC0  }
0x1cc: {  	v2 =	vmul.f32 $3.333333430e-01, v2;
	_ =	sdelay $0x1  }
0x1cd: {  	[tilespmem:s7+$0x18000] =	vst v2  }
0x1ce: {  	s7 =	sshra.s32 s8, $0x2;
	s8 =	smov.u32 s10;
	v2 =	vld.idx.msk [tilespmem:v1+s28+$0x0], $0xffff  }
0x1cf: {  	v3 =	vld [tilespmem:s7+$0x15800];
	_ =	sdelay $0x1  }
0x1d0: {  	v4 =	vld [tilespmem:s7+$0x16C00]  }
0x1d1: {  	v5 =	vld.idx.msk [tilespmem:v1+s29+$0x0], $0xffff;
	_ =	sdelay $0x1  }
.Ltmp10:
0x1d2: {  	v1 =	vmul.f32 v2, v3;
	(pc) =	sbr.rel @p1 .LBB2_7-.Ltmp10, $4  }
0x1d3: {  	_ = 	snop  }
0x1d4: {  	v2 =	vadd.f32 v1, v4  }
0x1d5: {  	s9 =	sadd.s32 $0x1, s9  }
0x1d6: {  	s10 =	sadd.s32 $0x40, s10;
	v1 =	vmov s9;
	v2 =	vmul.f32 v5, v2  }
0x1d7: {  	_ = 	snop  }
0x1d8: {  	v2 =	vmul.f32 $3.333333430e-01, v2;
	_ =	sdelay $0x1  }
0x1d9: {  	[tilespmem:s7+$0x18000] =	vst v2  }
0x1da: {  	s9 =	sshra.s32 s8, $0x2;
	v2 =	vld.idx.msk [tilespmem:v1+s28+$0x0], $0xffff  }
0x1db: {  	v3 =	vld [tilespmem:s9+$0x15800];
	_ =	sdelay $0x1  }
0x1dc: {  	v4 =	vld [tilespmem:s9+$0x16C00];
	_ =	sdelay $0x1  }
0x1dd: {  	v1 =	vld.idx.msk [tilespmem:v1+s29+$0x0], $0xffff  }
0x1de: {  	v2 =	vmul.f32 v2, v3;
	_ =	sdelay $0x1  }
0x1df: {  	v2 =	vadd.f32 v2, v4;
	_ =	sdelay $0x1  }
0x1e0: {  	v1 =	vmul.f32 v1, v2;
	_ =	sdelay $0x1  }
0x1e1: {  	v1 =	vmul.f32 $3.333333430e-01, v1  }
0x1e2: {  	s10 =	rddreg [dreg:$0x7];
	s14 =	sadd.s32 $0x1, s14  }
0x1e3: {  	s2 =	sadd.s32 s10, s2;
	p1 =	seq.s32 s14, $0xA;
	[tilespmem:s9+$0x18000] =	vst v1  }
0x1e4: {  	[hbm4b:s2+s3] =	stream.linear.scatter [tilespmem:s0], [sflag:$0x4], $0x1400, $0x38;
	[tilespmem:$0x1C100] =	vst v63  }
.Ltmp11:
0x1e5: {  	_ = 	snop;
	(pc) =	sbr.rel @!p1 .LBB2_6-.Ltmp11, $4  }
.Ltmp12:
0x1e6: {  	_ = 	snop;
	(pc) =	sbr.rel @p1 .LBB2_16-.Ltmp12, $4  }
0x1e7: {  	_ =	swait.ge [sflag:s15], $0x1400  }
0x1e8: {  	[sflag:s15] =	ssyncset.done $0x0  }
0x1e9: {  	s18 =	sadd.s32 $0x140, s18;
	[sflag:s15] =	ssyncadd.s32 $0xFFFFEC00  }
0x1ea: {  	_ = 	snop  }
.LBB2_17:
0x1eb: {  	_ =	sfence.sel $0x180000  }
0x1ec: {  	[bflag:$0x0] =	sbarrier.arrive $0xFFFF  }
0x1ed: {  	_ =	strace $0x9000004D  }
0x1ee: {  	s0 =	stileid.u32;
	[bflag:$0x2] =	sbarrier.arrive $0xFFFF  }
0x1ef: {  	p0 =	sne.s32 s0, $0x0;
	s0 =	rddreg [dreg:$0x4]  }
0x1f0: {  	s0 =	sadd.s32 @!p0 $0x100000, s0  }
0x1f1: {  	[sflag:s0] =	ssyncadd.tile.s32 @!p0 $0x1;
	_ =	shalt  }
.Lfunc_end2:
_tile_overlayer_lowered:
.L_overlay_start_2:
0x1f2: {  	(tag) =	ssettag $0x2  }
0x1f3: {  	s0 =	rddreg [dreg:$0x0];
	s2 =	stileid.u32  }
0x1f4: {  	s1 =	rddreg [dreg:$0x1];
	p0 =	sne.s32 s2, $0x0  }
0x1f5: {  	s3 =	rddreg [dreg:$0x2];
	[bflag:$0x3] =	sbarrier.arrive $0xFFFF;
	s2 =	simm.s32 @!p0 $0x1C04  }
0x1f6: {  	[timem:s3], [sflag:s2] =	dma.local @!p0 [hbm:s0], s1  }
0x1f7: {  	s0 =	simm.s32 @!p0 $0x4  }
0x1f8: {  	_ =	swait.ge @!p0 [sflag:s0], s1  }
0x1f9: {  	s1 =	ssub.s32 @!p0 $0x0, s1;
	[sflag:s0] =	ssyncset.done @!p0 $0x0  }
0x1fa: {  	[sflag:s0] =	ssyncadd.s32 @!p0 s1  }
0x1fb: {  	[bflag:$0x3] =	sbarrier.arrive $0xFFFF  }
0x1fc: {  	_ =	shalt  }

// kernel: kernel.5.cloned.1.call-start
scs
__scs_entry_jumppad:
0x0: {  	(pc) =	sbr.rel $0x88, $3  }
0x1: {  	(tag) =	ssettag $0x0;
	lr =	simm.s32 $0x1  }
0x2: {  	[smem:$0x3F9E] =	sst lr;
	_ =	strace $0xD0000000  }
0x3: {  	_ = 	snop  }
0x4: {  	_ = 	snop  }
0x5: {  	_ = 	snop  }
0x6: {  	_ = 	snop  }
0x7: {  	_ = 	snop  }
__scs_overlays_trampoline_lowered:
0x8: {  	[smem:$0x3FAD] =	sst s0  }
0x9: {  	[smem:$0x3FAE] =	sst s1  }
0xa: {  	[smem:$0x3FAF] =	sst s2  }
0xb: {  	[smem:$0x3FB0] =	sst s3  }
0xc: {  	[smem:$0x3FB1] =	sst s4  }
0xd: {  	[smem:$0x3FB2] =	sst s5  }
0xe: {  	[smem:$0x3FB3] =	sst s6  }
0xf: {  	[smem:$0x3FB4] =	sst s7  }
0x10: {  	[smem:$0x3FB5] =	sst s8  }
0x11: {  	[smem:$0x3FB6] =	sst s9;
	s0 =	simm.s32 @!p0 $0x0  }
0x12: {  	s1 =	sld [smem:$0x3F9C];
	s0 =	simm.s32 @p0 $0x1  }
0x13: {  	[smem:$0x3FB7] =	sst s0;
	s0 =	simm.s32 @!p1 $0x0  }
0x14: {  	s2 =	sld [smem:$0x3F9B];
	s0 =	simm.s32 @p1 $0x1  }
0x15: {  	[smem:$0x3FB8] =	sst s0;
	s0 =	simm.s32 @!p2 $0x0  }
0x16: {  	s3 =	sld [smem:$0x3FDB];
	s0 =	simm.s32 @p2 $0x1  }
0x17: {  	s4 =	simm.s32 $0x1BF5;
	[smem:$0x3FBA] =	sst s0  }
0x18: {  	s0 =	sld [smem:$0x3F9D];
	_ =	swait.ge [sflag:s4], $0x0  }
0x19: {  	s7 =	sld [smem:$0x3F9E]  }
0x1a: {  	s8 =	sadd.s32 $0xFFFFE003, lr  }
0x1b: {  	s9 =	sadd.s32 $0xFFFFFEF7, lr;
	s5 =	simm.s32 $0xFFFFFFFF;
	p2 =	slt.u32 s8, $0xFFFFF086  }
0x1c: {  	p1 =	slt.u32 s9, $0xF7A;
	s5 =	simm.s32 @!p2 $0x0  }
0x1d: {  	s5 =	simm.s32 @p1 $0x1;
	p0 =	seq.s32 s7, s2  }
0x1e: {  	s7 =	smul.u32 @!p0 $0xF7A, s2;
	p2 =	seq.s32 @!p0 s5, $0x0  }
0x1f: {  	s9 =	smul.u32 $0xF7A, s1;
	s8 =	simm.s32 @!p0 $0x1BF5;
	p2 =	por !p2, p0  }
0x20: {  	[sflag:s8] =	ssyncset.s32 @!p0 $0xFFFFF086;
	s6 =	sadd.s32 @!p0 s3, s7;
	s7 =	simm.s32 @!p0 $0x108  }
0x21: {  	s3 =	sadd.s32 s3, s9;
	s6 =	sadd.s32 @!p0 $0x88, s6;
	s7 =	simm.s32 @p2 $0x1082  }
0x22: {  	[simem:s7], [sflag:s8] =	dma.local @!p0 [hbm:s6], $0xF7A  }
0x23: {  	s9 =	sor.u32 $0xD0000000, s2;
	s6 =	simm.s32 $0x108;
	_ =	swait.ge @!p0 [sflag:s8], $0x0  }
0x24: {  	s3 =	sadd.s32 $0x88, s3;
	s6 =	simm.s32 @!p1 $0x1082;
	[sflag:s4] =	ssyncset.s32 $0xFFFFF086  }
0x25: {  	[simem:s6], [sflag:s4] =	dma.local [hbm:s3], $0xF7A  }
0x26: {  	[smem:$0x3F9E] =	sst s1;
	(tag) =	ssettag s2;
	_ =	strace s9  }
0x27: {  	s1 =	sld [smem:$0x3FAE]  }
0x28: {  	s2 =	sld [smem:$0x3FAF]  }
0x29: {  	s4 =	sld [smem:$0x3FB1]  }
0x2a: {  	p0 =	seq.s32 s5, $0x0;
	s5 =	sld [smem:$0x3FB2]  }
0x2b: {  	s6 =	sld [smem:$0x3FB3]  }
0x2c: {  	s7 =	sld [smem:$0x3FB4]  }
0x2d: {  	s3 =	simm.s32 $0x108;
	s8 =	sld [smem:$0x3FB5]  }
0x2e: {  	s3 =	simm.s32 @!p0 $0x1082;
	s9 =	sld [smem:$0x3FB6]  }
0x2f: {  	lr =	sadd.s32 s0, s3;
	s0 =	sld [smem:$0x3FAD]  }
0x30: {  	s3 =	sld [smem:$0x3FB0]  }
0x31: {  	[smem:$0x3FB9] =	sst s10  }
0x32: {  	s10 =	sld [smem:$0x3FB7];
	_ =	sdelay $0x3  }
0x33: {  	p0 =	seq.s32 s10, $0x1;
	s10 =	sld [smem:$0x3FB9];
	_ =	sdelay $0x3  }
0x34: {  	[smem:$0x3FB9] =	sst s10  }
0x35: {  	s10 =	sld [smem:$0x3FB8];
	_ =	sdelay $0x3  }
0x36: {  	p1 =	seq.s32 s10, $0x1;
	s10 =	sld [smem:$0x3FB9];
	_ =	sdelay $0x3  }
0x37: {  	[smem:$0x3FB9] =	sst s10  }
0x38: {  	s10 =	sld [smem:$0x3FBA]  }
0x39: {  	_ = 	snop;
	(pc) =	sbr.ind lr, $3  }
0x3a: {  	_ = 	snop  }
0x3b: {  	_ = 	snop  }
0x3c: {  	p2 =	seq.s32 s10, $0x1;
	s10 =	sld [smem:$0x3FB9]  }
0x3d: {  	_ =	shalt  }
0x3e: {  	_ =	shalt  }
0x3f: {  	_ =	shalt  }
0x40: {  	_ =	shalt  }
0x41: {  	_ =	shalt  }
0x42: {  	_ =	shalt  }
0x43: {  	_ =	shalt  }
0x44: {  	_ =	shalt  }
0x45: {  	_ =	shalt  }
0x46: {  	_ =	shalt  }
0x47: {  	_ =	shalt  }
0x48: {  	_ =	shalt  }
0x49: {  	_ =	shalt  }
0x4a: {  	_ =	shalt  }
0x4b: {  	_ =	shalt  }
0x4c: {  	_ =	shalt  }
0x4d: {  	_ =	shalt  }
0x4e: {  	_ =	shalt  }
0x4f: {  	_ =	shalt  }
0x50: {  	_ =	shalt  }
0x51: {  	_ =	shalt  }
0x52: {  	_ =	shalt  }
0x53: {  	_ =	shalt  }
0x54: {  	_ =	shalt  }
0x55: {  	_ =	shalt  }
0x56: {  	_ =	shalt  }
0x57: {  	_ =	shalt  }
0x58: {  	_ =	shalt  }
0x59: {  	_ =	shalt  }
0x5a: {  	_ =	shalt  }
0x5b: {  	_ =	shalt  }
0x5c: {  	_ =	shalt  }
0x5d: {  	_ =	shalt  }
0x5e: {  	_ =	shalt  }
0x5f: {  	_ =	shalt  }
0x60: {  	_ =	shalt  }
0x61: {  	_ =	shalt  }
0x62: {  	_ =	shalt  }
0x63: {  	_ =	shalt  }
0x64: {  	_ =	shalt  }
0x65: {  	_ =	shalt  }
0x66: {  	_ =	shalt  }
0x67: {  	_ =	shalt  }
0x68: {  	_ =	shalt  }
0x69: {  	_ =	shalt  }
0x6a: {  	_ =	shalt  }
0x6b: {  	_ =	shalt  }
0x6c: {  	_ =	shalt  }
0x6d: {  	_ =	shalt  }
0x6e: {  	_ =	shalt  }
0x6f: {  	_ =	shalt  }
0x70: {  	_ =	shalt  }
0x71: {  	_ =	shalt  }
0x72: {  	_ =	shalt  }
0x73: {  	_ =	shalt  }
0x74: {  	_ =	shalt  }
0x75: {  	_ =	shalt  }
0x76: {  	_ =	shalt  }
0x77: {  	_ =	shalt  }
0x78: {  	_ =	shalt  }
0x79: {  	_ =	shalt  }
0x7a: {  	_ =	shalt  }
0x7b: {  	_ =	shalt  }
0x7c: {  	_ =	shalt  }
0x7d: {  	_ =	shalt  }
0x7e: {  	_ =	shalt  }
0x7f: {  	_ =	shalt  }
0x80: {  	_ =	shalt  }
0x81: {  	_ =	shalt  }
0x82: {  	_ =	shalt  }
0x83: {  	_ =	shalt  }
0x84: {  	_ =	shalt  }
0x85: {  	_ =	shalt  }
0x86: {  	_ =	shalt  }
0x87: {  	_ =	shalt  }
.Lfunc_end0:
.L_simem_size_0:
called_computation_lowered:
.L_overlay_start_0:
0x88: {  	s2 =	sld [smem:$0x3FD9]  }
0x89: {  	s3 =	sld [smem:$0x3FFE];
	_ =	sdelay $0x1  }
0x8a: {  	s1 =	srdreg.scid  }
0x8b: {  	s0 =	sand.u32 $0x1, s1  }
0x8c: {  	s14 =	sshll.u32 s0, $0xA;
	s2 =	sadd.s32 s3, s2  }
0x8d: {  	s2 =	sadd.s32 s2, s14  }
0x8e: {  	[smem:$0x3FC5] =	sst s2  }
0x8f: {  	_ = 	snop  }
0x90: {  	s2 =	sld [smem:$0x3FD0];
	_ =	sdelay $0x2  }
0x91: {  	s15 =	simm.s32 $0xA;
	s4 =	simm.s32 $0x10  }
0x92: {  	[smem:s4], [sflag:s15] =	dma.local [hbm:s2], $0x1  }
0x93: {  	_ =	swait.eq [sflag:s15], $0x1  }
0x94: {  	[sflag:s15] =	ssyncset.done $0x0  }
0x95: {  	s16 =	sld [smem:$0x10];
	[sflag:s15] =	ssyncadd.s32 $0xFFFFFFFF  }
0x96: {  	s17 =	sld [smem:$0x11];
	(tm) =	ssettm $0x1  }
0x97: {  	s18 =	sld [smem:$0x3FFB];
	_ =	sdelay $0x3  }
0x98: {  	_ =	strace s18  }
0x99: {  	s4 =	sld [smem:$0x3FFC];
	_ =	sdelay $0x3  }
0x9a: {  	_ =	strace s4  }
0x9b: {  	s4 =	sld [smem:$0x3FFD];
	_ =	sdelay $0x3  }
0x9c: {  	_ =	strace s4  }
0x9d: {  	_ =	strace $0x8FFFFFFF  }
0x9e: {  	s19 =	sld [smem:$0x3FDB];
	_ =	sdelay $0x1  }
0x9f: {  	s5 =	simm.s32 $_scs_section_size  }
0xa0: {  	s6 =	simm.s32 $_size__tile_overlayer_lowered;
	s7 =	simm.s32 $_tile_overlayer_lowered  }
0xa1: {  	s22 =	simm.s32 $0x1BFF;
	s21 =	sshll.u32 s7, $0x1;
	s4 =	sadd.s32 s5, s19  }
0xa2: {  	s8 =	simm.s32 $0x0;
	s20 =	sshll.u32 s6, $0x1;
	s6 =	sadd.s32 s21, s4  }
0xa3: {  	[timem:s8], [sflag:s22] =	dma.local [hbm:s6], s20  }
0xa4: {  	_ =	swait.ge [sflag:s22], s20  }
0xa5: {  	s5 =	ssub.s32 $0x0, s20;
	[sflag:s22] =	ssyncset.done $0x0  }
0xa6: {  	[sflag:s22] =	ssyncadd.s32 s5;
	_ =	sdelay $0x1  }
0xa7: {  	s23 =	simm.s32 $0x1B8B  }
0xa8: {  	_ =	swait.ge [sflag:s23], $0x1  }
0xa9: {  	[sflag:s23] =	ssyncset.done $0x0  }
0xaa: {  	s25 =	simm.s32 $0x1B8E;
	s24 =	sld [smem:$0x3FFE];
	[sflag:s23] =	ssyncadd.s32 $0xFFFFFFFF  }
0xab: {  	s26 =	simm.s32 $execute0_lowered;
	[smem:$0x3FD2] =	sst s25  }
0xac: {  	s6 =	sshll.u32 s26, $0x1;
	_ =	strace $0x80000046;
	[dreg:$0x1] =	wrdreg $0xFFFFFFFF  }
0xad: {  	s28 =	simm.s32 $_size_execute0_lowered;
	s4 =	sadd.s32 s4, s6;
	[dreg:$0x0] =	wrdreg $0x0  }
0xae: {  	s6 =	sshll.u32 s28, $0x1;
	[dreg:$0x2] =	wrdreg s4  }
0xaf: {  	[dreg:$0x3] =	wrdreg s6  }
0xb0: {  	[dreg:$0x4] =	wrdreg $0xC0  }
0xb1: {  	_ =	task [dreg:s8], $0x5FFFF  }
0xb2: {  	[dreg:$0x1] =	wrdreg $0xFFFFFFFF  }
0xb3: {  	[dreg:$0x0] =	wrdreg $0x60  }
0xb4: {  	[dreg:$0x2] =	wrdreg s24  }
0xb5: {  	[dreg:$0x3] =	wrdreg s17  }
0xb6: {  	[dreg:$0x4] =	wrdreg s16  }
0xb7: {  	[dreg:$0x5] =	wrdreg $0x9  }
0xb8: {  	_ =	task.clear_ibuf [dreg:s8], $0x6FFFF;
	_ =	strace $0x90000046  }
0xb9: {  	s29 =	simm.s32 $0x9;
	_ =	strace $0x80000048  }
0xba: {  	_ =	swait.ge [sflag:s29], $0x1  }
0xbb: {  	[sflag:s29] =	ssyncadd.s32 $0xFFFFFFFF  }
0xbc: {  	_ =	strace $0x90000048  }
0xbd: {  	_ =	sfence  }
0xbe: {  	s30 =	sld [smem:$0x0];
	_ =	sdelay $0x2  }
0xbf: {  	s31 =	sshll.u32 s1, $0xD;
	s1 =	sshrl.u32 s1, $0x2  }
0xc0: {  	s3 =	sand.u32 $0x4000, s31;
	s1 =	sadd.s32 s1, s30  }
0xc1: {  	s0 =	sor.u32 s3, s0;
	s1 =	sshll.u32 s1, $0x11  }
0xc2: {  	s0 =	sor.u32 s1, s0  }
0xc3: {  	s0 =	sadd.s32 $0x8F2B, s0  }
0xc4: {  	[sflag:s0] =	ssyncadd.remote.s32 $0x1  }
0xc5: {  	_ =	sfence.sel $0xFFFF  }
0xc6: {  	[dreg:$0x0] =	wrdreg $0xFFFFFFFF;
	(pc) =	sbr.abs _section_cstart, $3  }
0xc7: {  	[dreg:$0x1] =	wrdreg $0xFFFFFFFF  }
0xc8: {  	_ =	task.clear_ibuf [dreg:s8], $0x2FFFF;
	_ =	strace $0x9FFFFFFF  }
0xc9: {  	(tm) =	ssettm $0x7FFFFFFF  }
tec
execute0_lowered:
.L_overlay_start_1:
0x0: {  	(tag) =	ssettag $0x1  }
0x1: {  	s0 =	rddreg [dreg:$0x0]  }
0x2: {  	s2 =	rddreg [dreg:$0x1]  }
0x3: {  	s3 =	rddreg [dreg:$0x2];
	s1 =	simm.s32 $0x0;
	s26 =	stileid.u32  }
0x4: {  	s9 =	srdreg.scid;
	s28 =	simm.s32 $0x1;
	s29 =	simm.s32 $0xCC00  }
0x5: {  	s30 =	simm.s32 $0x2;
	s31 =	simm.s32 $0x3;
	[smem:$0x7FF] =	sst s1  }
0x6: {  	s4 =	sadd.s32 $0x1E00, s0;
	s25 =	sadd.s32 $0x1AE00, s0;
	s5 =	sadd.s32 $0x33E00, s0  }
0x7: {  	s6 =	sadd.s32 $0x96000, s0;
	s7 =	smul.u32 $0xC80, s26;
	s8 =	sadd.s32 $0x12A200, s0  }
0x8: {  	s11 =	sand.u32 $0x1, s9;
	s14 =	smul.u32 $0x31000, s26;
	s9 =	sadd.s32 $0x143200, s0  }
0x9: {  	s10 =	sadd.s32 $0xF8200, s0;
	_ =	strace $0x80000047;
	[dreg:$0x4] =	wrdreg s4  }
0xa: {  	[dreg:$0x5] =	wrdreg s25;
	s12 =	ssub.s32 $0x2, s11;
	s19 =	smul.u32 $0xC8000, s11  }
0xb: {  	p0 =	sne.s32 s11, $0x0;
	s4 =	simm.s32 $0x0;
	s16 =	sshrl.u32 s7, $0x3  }
0xc: {  	s13 =	sshrl.u32 s12, $0x1;
	s18 =	sshrl.u32 s14, $0x3;
	s17 =	sadd.s32 s16, s0  }
0xd: {  	s0 =	ssub.s32 s12, s13;
	s15 =	sadd.s32 s6, s18;
	s12 =	sor.u32 $0x400, s14  }
0xe: {  	s13 =	sshll.u32 s11, $0x4;
	s14 =	sor.u32 $0x800, s14;
	s21 =	sadd.s32 s7, s19  }
0xf: {  	s18 =	sadd.s32 s5, s18;
	s3 =	sadd.s32 s3, s16;
	[dreg:$0x6] =	wrdreg s15  }
0x10: {  	s2 =	sadd.s32 s2, s16;
	s11 =	simm.s32 $0x11100;
	[dreg:$0x7] =	wrdreg s18  }
0x11: {  	s16 =	simm.s32 $0x12A00;
	s20 =	sor.u32 s26, s13;
	[dreg:$0xb] =	wrdreg s3  }
0x12: {  	s15 =	sadd.s32 $0xC800, s7;
	s21 =	sshrl.u32 s21, $0x3;
	[dreg:$0xc] =	wrdreg s2  }
0x13: {  	s25 =	sadd.s32 $0x15DC00, s17;
	s26 =	sadd.s32 $0x15C200, s17;
	s0 =	smax.u32 s0, $0x1  }
0x14: {  	s2 =	simm.s32 $0x10480;
	s20 =	smul.u32 $0x1900, s20;
	[dreg:$0xd] =	wrdreg s25  }
.Ltmp0:
0x15: {  	s19 =	sadd.s32 s19, s15;
	[dreg:$0xe] =	wrdreg s26;
	(pc) =	sbr.rel .LBB2_1-.Ltmp0, $4  }
0x16: {  	s23 =	sadd.s32 s10, s21;
	[dreg:$0xf] =	wrdreg s0;
	s26 =	simm.s32 $0xC800  }
0x17: {  	s19 =	sshrl.u32 s19, $0x3;
	[dreg:$0x9] =	wrdreg s23;
	s22 =	sadd.s32 s10, s20  }
0x18: {  	s0 =	simm.s32 $0xD000;
	s24 =	sadd.s32 s10, s19;
	[dreg:$0x8] =	wrdreg s22  }
0x19: {  	v0 =	vimm.f32 $0.0e+00;
	v1 =	vimm.f32 $1.000000000e+00;
	s20 =	simm.s32 $0xE400;
	[dreg:$0xa] =	wrdreg s24;
	s22 =	sor.u32 $0x2, s13  }
.LBB2_35:
0x1a: {  	s4 =	rddreg [dreg:$0x10]  }
0x1b: {  	s3 =	rddreg [dreg:$0xf];
	s4 =	sadd.s32 $0x1, s4  }
0x1c: {  	p1 =	sne.s32 s4, s3  }
.Ltmp1:
0x1d: {  	_ = 	snop;
	(pc) =	sbr.rel @!p1 .LBB2_36-.Ltmp1, $1  }
0x1e: {  	_ =	sdelay $0x3  }
.LBB2_1:
0x1f: {  	s3 =	simm.s32 $0x40;
	s17 =	simm.s32 $0x0  }
.LBB2_2:
0x20: {  	p1 =	sne.s32 s3, $0x31FC0;
	[tilespmem:s17+$0x0] =	vst v0;
	s17 =	smov.u32 s3;
	s3 =	sadd.s32 $0x40, s3  }
.Ltmp2:
0x21: {  	(pc) =	sbr.rel @p1 .LBB2_2-.Ltmp2, $2  }
0x22: {  	_ =	sdelay $0x2  }
0x23: {  	s17 =	sshra.s32 s17, $0x2  }
.Ltmp3:
0x24: {  	(pc) =	sbr.rel @p0 .LBB2_10-.Ltmp3, $2  }
0x25: {  	_ =	sdelay $0x2  }
0x26: {  	[tilespmem:s17+$0x0] =	vst v0;
	s17 =	simm.s32 $0x0  }
0x27: {  	s3 =	rddreg [dreg:$0x7];
	s18 =	simm.s32 $0x0  }
0x28: {  	[tilespmem:s26], [sflag:$0x1] =	stream.linear.gather [hbm4b:s3+s17], $0x400, $0x38;
	[tilespmem:$0x14300] =	vst v63  }
.LBB2_5:
0x29: {  	s3 =	sshll.u32 s18, $0xB  }
0x2a: {  	_ =	swait.ge [sflag:s28], $0x400;
	s19 =	sadd.s32 s3, s12  }
0x2b: {  	[sflag:s28] =	ssyncset.done $0x0;
	s19 =	sshrl.u32 s19, $0x3  }
0x2c: {  	[sflag:s28] =	ssyncadd.s32 $0xFFFFFC00;
	s19 =	sadd.s32 s5, s19  }
0x2d: {  	[tilespmem:s29], [sflag:$0x2] =	stream.linear.gather [hbm4b:s19+s17], $0x400, $0x38;
	[tilespmem:$0x14300] =	vst v63  }
0x2e: {  	s21 =	simm.s32 $0x0;
	s19 =	simm.s32 $0x40  }
.LBB2_6:
0x2f: {  	p1 =	sne.s32 s19, $0xFC0;
	v2 =	vld [tilespmem:s21+$0xC800];
	_ =	sdelay $0x3  }
.Ltmp4:
0x30: {  	(pc) =	sbr.rel @p1 .LBB2_6-.Ltmp4, $2  }
0x31: {  	_ =	sdelay $0x2  }
0x32: {  	s21 =	sshra.s32 s19, $0x2;
	s19 =	sadd.s32 $0x40, s19;
	[tilespmem:v2+s1+$0x0] =	vst.idx.add.f32.msk $0xffff, v1  }
0x33: {  	v2 =	vld [tilespmem:s21+$0xC800];
	_ =	sdelay $0x7  }
0x34: {  	[tilespmem:v2+s1+$0x0] =	vst.idx.add.f32.msk $0xffff, v1  }
0x35: {  	s3 =	sadd.s32 s3, s14;
	_ =	swait.ge [sflag:s30], $0x400  }
0x36: {  	s3 =	sshrl.u32 s3, $0x3;
	[sflag:s30] =	ssyncset.done $0x0  }
0x37: {  	s19 =	simm.s32 $0x0;
	s3 =	sadd.s32 s5, s3;
	[sflag:s30] =	ssyncadd.s32 $0xFFFFFC00  }
0x38: {  	[tilespmem:s26], [sflag:$0x1] =	stream.linear.gather [hbm4b:s3+s19], $0x400, $0x38;
	[tilespmem:$0x14300] =	vst v63  }
0x39: {  	s19 =	simm.s32 $0x0;
	s3 =	simm.s32 $0x40  }
.LBB2_8:
0x3a: {  	p1 =	sne.s32 s3, $0xFC0;
	v2 =	vld [tilespmem:s19+$0xCC00];
	_ =	sdelay $0x3  }
.Ltmp5:
0x3b: {  	(pc) =	sbr.rel @p1 .LBB2_8-.Ltmp5, $2  }
0x3c: {  	_ =	sdelay $0x2  }
0x3d: {  	s19 =	sshra.s32 s3, $0x2;
	s3 =	sadd.s32 $0x40, s3;
	[tilespmem:v2+s1+$0x0] =	vst.idx.add.f32.msk $0xffff, v1  }
0x3e: {  	v2 =	vld [tilespmem:s19+$0xCC00];
	_ =	sdelay $0x1  }
0x3f: {  	s18 =	sadd.s32 $0x1, s18  }
0x40: {  	p1 =	seq.s32 s18, $0x62  }
.Ltmp6:
0x41: {  	_ = 	snop;
	(pc) =	sbr.rel @!p1 .LBB2_5-.Ltmp6, $4  }
.Ltmp7:
0x42: {  	_ = 	snop;
	(pc) =	sbr.rel @p1 .LBB2_16-.Ltmp7, $4  }
0x43: {  	_ = 	snop  }
0x44: {  	_ = 	snop  }
0x45: {  	[tilespmem:v2+s1+$0x0] =	vst.idx.add.f32.msk $0xffff, v1  }
0x46: {  	_ = 	snop  }
.LBB2_10:
0x47: {  	s3 =	rddreg [dreg:$0x6];
	s18 =	simm.s32 $0x0  }
0x48: {  	[tilespmem:s26], [sflag:$0x1] =	stream.linear.gather [hbm4b:s3+s17], $0x400, $0x38;
	[tilespmem:$0x14300] =	vst v63  }
.LBB2_11:
0x49: {  	s3 =	sshll.u32 s18, $0xB  }
0x4a: {  	_ =	swait.ge [sflag:s28], $0x400;
	s19 =	sadd.s32 s3, s12  }
0x4b: {  	[sflag:s28] =	ssyncset.done $0x0;
	s19 =	sshrl.u32 s19, $0x3  }
0x4c: {  	[sflag:s28] =	ssyncadd.s32 $0xFFFFFC00;
	s19 =	sadd.s32 s6, s19  }
0x4d: {  	[tilespmem:s29], [sflag:$0x2] =	stream.linear.gather [hbm4b:s19+s17], $0x400, $0x38;
	[tilespmem:$0x14300] =	vst v63  }
0x4e: {  	s21 =	simm.s32 $0x0;
	s19 =	simm.s32 $0x40  }
.LBB2_12:
0x4f: {  	p1 =	sne.s32 s19, $0xFC0;
	v2 =	vld [tilespmem:s21+$0xC800];
	_ =	sdelay $0x3  }
.Ltmp8:
0x50: {  	(pc) =	sbr.rel @p1 .LBB2_12-.Ltmp8, $2  }
0x51: {  	_ =	sdelay $0x2  }
0x52: {  	s21 =	sshra.s32 s19, $0x2;
	s19 =	sadd.s32 $0x40, s19;
	[tilespmem:v2+s1+$0x0] =	vst.idx.add.f32.msk $0xffff, v1  }
0x53: {  	v2 =	vld [tilespmem:s21+$0xC800];
	_ =	sdelay $0x7  }
0x54: {  	[tilespmem:v2+s1+$0x0] =	vst.idx.add.f32.msk $0xffff, v1  }
0x55: {  	s3 =	sadd.s32 s3, s14;
	_ =	swait.ge [sflag:s30], $0x400  }
0x56: {  	s3 =	sshrl.u32 s3, $0x3;
	[sflag:s30] =	ssyncset.done $0x0  }
0x57: {  	s19 =	simm.s32 $0x0;
	s3 =	sadd.s32 s6, s3;
	[sflag:s30] =	ssyncadd.s32 $0xFFFFFC00  }
0x58: {  	[tilespmem:s26], [sflag:$0x1] =	stream.linear.gather [hbm4b:s3+s19], $0x400, $0x38;
	[tilespmem:$0x14300] =	vst v63  }
0x59: {  	s19 =	simm.s32 $0x0;
	s3 =	simm.s32 $0x40  }
.LBB2_14:
0x5a: {  	p1 =	sne.s32 s3, $0xFC0;
	v2 =	vld [tilespmem:s19+$0xCC00];
	_ =	sdelay $0x3  }
.Ltmp9:
0x5b: {  	(pc) =	sbr.rel @p1 .LBB2_14-.Ltmp9, $2  }
0x5c: {  	_ =	sdelay $0x2  }
0x5d: {  	s19 =	sshra.s32 s3, $0x2;
	s3 =	sadd.s32 $0x40, s3;
	[tilespmem:v2+s1+$0x0] =	vst.idx.add.f32.msk $0xffff, v1  }
0x5e: {  	v2 =	vld [tilespmem:s19+$0xCC00];
	_ =	sdelay $0x1  }
0x5f: {  	s18 =	sadd.s32 $0x1, s18  }
0x60: {  	p1 =	sne.s32 s18, $0x62  }
.Ltmp10:
0x61: {  	_ = 	snop;
	(pc) =	sbr.rel @p1 .LBB2_11-.Ltmp10, $2  }
0x62: {  	_ =	sdelay $0x2  }
0x63: {  	[tilespmem:v2+s1+$0x0] =	vst.idx.add.f32.msk $0xffff, v1  }
.LBB2_16:
0x64: {  	[dreg:$0x10] =	wrdreg s4  }
0x65: {  	_ =	swait.ge [sflag:s28], $0x400  }
0x66: {  	[sflag:s28] =	ssyncset.done $0x0  }
0x67: {  	s17 =	simm.s32 $0x0;
	s3 =	rddreg [dreg:$0x8];
	[sflag:s28] =	ssyncadd.s32 $0xFFFFFC00  }
0x68: {  	[hbm4b:s3+s17] =	stream.linear.scatter [tilespmem:s17], [sflag:$0x3], $0xC800, $0x38;
	[tilespmem:$0x14300] =	vst v63  }
0x69: {  	_ =	swait.ge [sflag:s31], $0xC800  }
0x6a: {  	[sflag:s31] =	ssyncset.done $0x0  }
0x6b: {  	[sflag:s31] =	ssyncadd.s32 $0xFFFF3800  }
0x6c: {  	[bflag:$0x0] =	sbarrier.arrive $0xFFFF  }
0x6d: {  	s24 =	simm.s32 $0xF800;
	s23 =	rddreg [dreg:$0x9]  }
0x6e: {  	[tilespmem:s24], [sflag:$0x3] =	stream.linear.gather [hbm4b:s23+s17], $0xC80, $0x38;
	[tilespmem:$0x14300] =	vst v63  }
0x6f: {  	_ =	swait.ge [sflag:s31], $0xC80  }
0x70: {  	[sflag:s31] =	ssyncset.done $0x0  }
0x71: {  	s18 =	simm.s32 $0x0;
	s25 =	rddreg [dreg:$0xa];
	[sflag:s31] =	ssyncadd.s32 $0xFFFFF380  }
0x72: {  	[tilespmem:s2], [sflag:$0x1] =	stream.linear.gather [hbm4b:s25+s17], $0xC80, $0x38;
	[tilespmem:$0x14300] =	vst v63  }
.LBB2_17:
0x73: {  	s3 =	sshll.u32 s18, $0x1  }
0x74: {  	s19 =	sadd.s32 s3, s13  }
0x75: {  	s19 =	smul.u32 $0xC800, s19;
	_ =	sdelay $0x1  }
0x76: {  	s19 =	sadd.s32 s15, s19  }
0x77: {  	_ =	swait.ge [sflag:s28], $0xC80;
	s19 =	sadd.s32 $0xC800, s19  }
0x78: {  	[sflag:s28] =	ssyncset.done $0x0;
	s19 =	sshrl.u32 s19, $0x3  }
0x79: {  	[sflag:s28] =	ssyncadd.s32 $0xFFFFF380;
	s19 =	sadd.s32 s10, s19  }
0x7a: {  	[tilespmem:s11], [sflag:$0x2] =	stream.linear.gather [hbm4b:s19+s17], $0xC80, $0x38;
	[tilespmem:$0x14300] =	vst v63  }
0x7b: {  	s19 =	simm.s32 $0x0  }
0x7c: {  	s21 =	simm.s32 $0x40;
	v2 =	vld [tilespmem:s19+$0x10480]  }
.LBB2_18:
0x7d: {  	p1 =	sne.s32 s21, $0x31C0;
	v3 =	vld [tilespmem:s19+$0xF800];
	_ =	sdelay $0x2  }
.Ltmp11:
0x7e: {  	(pc) =	sbr.rel @p1 .LBB2_18-.Ltmp11, $4  }
0x7f: {  	_ = 	snop  }
0x80: {  	v3 =	vadd.f32 v2, v3  }
0x81: {  	s23 =	sshra.s32 s21, $0x2  }
0x82: {  	s21 =	sadd.s32 $0x40, s21;
	v2 =	vld [tilespmem:s23+$0x10480];
	[tilespmem:s19+$0xF800] =	vst v3;
	s19 =	smov.u32 s23  }
0x83: {  	v3 =	vld [tilespmem:s19+$0xF800];
	_ =	sdelay $0x4  }
0x84: {  	s3 =	sadd.s32 s3, s22;
	v2 =	vadd.f32 v2, v3  }
0x85: {  	s3 =	smul.u32 $0xC800, s3  }
0x86: {  	[tilespmem:s19+$0xF800] =	vst v2  }
0x87: {  	s3 =	sadd.s32 s3, s15;
	_ =	swait.ge [sflag:s30], $0xC80  }
0x88: {  	s3 =	sshrl.u32 s3, $0x3;
	[sflag:s30] =	ssyncset.done $0x0  }
0x89: {  	s25 =	simm.s32 $0x0;
	s3 =	sadd.s32 s10, s3;
	[sflag:s30] =	ssyncadd.s32 $0xFFFFF380  }
0x8a: {  	[tilespmem:s2], [sflag:$0x1] =	stream.linear.gather [hbm4b:s3+s25], $0xC80, $0x38;
	[tilespmem:$0x14300] =	vst v63  }
0x8b: {  	s3 =	simm.s32 $0x0  }
0x8c: {  	s19 =	simm.s32 $0x40;
	v2 =	vld [tilespmem:s3+$0x11100]  }
.LBB2_20:
0x8d: {  	p1 =	sne.s32 s19, $0x31C0;
	v3 =	vld [tilespmem:s3+$0xF800];
	_ =	sdelay $0x2  }
.Ltmp12:
0x8e: {  	(pc) =	sbr.rel @p1 .LBB2_20-.Ltmp12, $4  }
0x8f: {  	_ = 	snop  }
0x90: {  	v3 =	vadd.f32 v2, v3  }
0x91: {  	s21 =	sshra.s32 s19, $0x2  }
0x92: {  	s19 =	sadd.s32 $0x40, s19;
	v2 =	vld [tilespmem:s21+$0x11100];
	[tilespmem:s3+$0xF800] =	vst v3;
	s3 =	smov.u32 s21  }
0x93: {  	v3 =	vld [tilespmem:s3+$0xF800]  }
0x94: {  	s18 =	sadd.s32 $0x1, s18  }
0x95: {  	p1 =	sne.s32 s18, $0x7  }
.Ltmp13:
0x96: {  	_ = 	snop;
	(pc) =	sbr.rel @p1 .LBB2_17-.Ltmp13, $3  }
0x97: {  	_ = 	snop  }
0x98: {  	v2 =	vadd.f32 v2, v3;
	_ =	sdelay $0x1  }
0x99: {  	[tilespmem:s3+$0xF800] =	vst v2  }
0x9a: {  	_ =	swait.ge [sflag:s28], $0xC80  }
0x9b: {  	[sflag:s28] =	ssyncset.done $0x0  }
0x9c: {  	s3 =	simm.s32 $0x0;
	[sflag:s28] =	ssyncadd.s32 $0xFFFFF380  }
0x9d: {  	s17 =	simm.s32 $0x40;
	v2 =	vld [tilespmem:s3+$0x10480]  }
.LBB2_23:
0x9e: {  	p1 =	sne.s32 s17, $0x31C0;
	v3 =	vld [tilespmem:s3+$0xF800];
	_ =	sdelay $0x2  }
.Ltmp14:
0x9f: {  	(pc) =	sbr.rel @p1 .LBB2_23-.Ltmp14, $4  }
0xa0: {  	_ = 	snop  }
0xa1: {  	v3 =	vadd.f32 v2, v3  }
0xa2: {  	s18 =	sshra.s32 s17, $0x2  }
0xa3: {  	s17 =	sadd.s32 $0x40, s17;
	v2 =	vld [tilespmem:s18+$0x10480];
	[tilespmem:s3+$0xF800] =	vst v3;
	s3 =	smov.u32 s18  }
0xa4: {  	v3 =	vld [tilespmem:s3+$0xF800];
	_ =	sdelay $0x4  }
0xa5: {  	v2 =	vadd.f32 v2, v3;
	_ =	sdelay $0x1  }
0xa6: {  	s19 =	simm.s32 $0x0;
	[tilespmem:s3+$0xF800] =	vst v2  }
0xa7: {  	v2 =	vld [tilespmem:s19+$0xF800];
	_ =	sdelay $0x3  }
0xa8: {  	s24 =	simm.s32 $0x10  }
0xa9: {  	v10 =	vmax.f32 v2, $1.000000000e+00;
	v2 =	vld [tilespmem:s24+$0xF800]  }
0xaa: {  	v3 =	vshra.s32 v10, $0x1;
	v4 =	vmul.f32 $5.000000000e-01, v10  }
0xab: {  	v3 =	vsub.s32 $0x5F3759DF, v3  }
0xac: {  	s17 =	simm.s32 $0x20;
	v5 =	vmul.f32 v3, v4  }
0xad: {  	v6 =	vld [tilespmem:s17+$0xF800]  }
0xae: {  	v7 =	vmul.f32 v3, v5;
	v5 =	vmax.f32 v2, $1.000000000e+00  }
0xaf: {  	v2 =	vshra.s32 v5, $0x1;
	v13 =	vmul.f32 $5.000000000e-01, v5  }
0xb0: {  	v7 =	vsub.f32 $1.500000000e+00, v7;
	v2 =	vsub.s32 $0x5F3759DF, v2  }
0xb1: {  	s23 =	simm.s32 $0x30;
	v8 =	vmul.f32 v2, v13  }
0xb2: {  	v9 =	vmul.f32 v3, v7;
	v3 =	vmax.f32 v6, $1.000000000e+00;
	v7 =	vld [tilespmem:s23+$0xF800]  }
0xb3: {  	v8 =	vmul.f32 v2, v8;
	v11 =	vshra.s32 v3, $0x1;
	v6 =	vmul.f32 $5.000000000e-01, v3  }
0xb4: {  	v12 =	vmul.f32 v9, v4;
	v11 =	vsub.s32 $0x5F3759DF, v11  }
0xb5: {  	v8 =	vsub.f32 $1.500000000e+00, v8;
	v14 =	vmul.f32 v11, v6  }
0xb6: {  	v12 =	vmul.f32 v12, v9  }
0xb7: {  	v15 =	vmul.f32 v2, v8;
	v8 =	vmul.f32 v11, v14;
	v2 =	vmax.f32 v7, $1.000000000e+00  }
0xb8: {  	s18 =	simm.s32 $0x40;
	v12 =	vsub.f32 $1.500000000e+00, v12;
	v14 =	vshra.s32 v2, $0x1;
	v7 =	vmul.f32 $5.000000000e-01, v2  }
0xb9: {  	v17 =	vld [tilespmem:s18+$0xF800];
	v16 =	vmul.f32 v15, v13;
	v8 =	vsub.f32 $1.500000000e+00, v8;
	v14 =	vsub.s32 $0x5F3759DF, v14  }
0xba: {  	v18 =	vmul.f32 v14, v7;
	v19 =	vmul.f32 v12, v9  }
0xbb: {  	v12 =	vmul.f32 v16, v15;
	v9 =	vmul.f32 v11, v8  }
0xbc: {  	v8 =	vmul.f32 v14, v18;
	v11 =	vmul.f32 v19, v4  }
0xbd: {  	v16 =	vsub.f32 $1.500000000e+00, v12;
	v12 =	vmul.f32 v9, v6  }
0xbe: {  	v4 =	vmax.f32 v17, $1.000000000e+00;
	v17 =	vsub.f32 $1.500000000e+00, v8;
	v18 =	vmul.f32 v11, v19  }
0xbf: {  	s25 =	simm.s32 $0x50;
	v11 =	vshra.s32 v4, $0x1;
	v8 =	vmul.f32 $5.000000000e-01, v4;
	v20 =	vmul.f32 v12, v9  }
0xc0: {  	v21 =	vld [tilespmem:s25+$0xF800];
	v12 =	vsub.s32 $0x5F3759DF, v11;
	v11 =	vmul.f32 v14, v17;
	v14 =	vsub.f32 $1.500000000e+00, v18  }
0xc1: {  	v15 =	vmul.f32 v16, v15;
	v17 =	vmul.f32 v12, v8  }
0xc2: {  	v16 =	vmul.f32 v11, v7;
	v14 =	vmul.f32 v14, v19  }
0xc3: {  	v22 =	vmul.f32 v15, v13;
	v17 =	vmul.f32 v12, v17  }
0xc4: {  	v13 =	vsub.f32 $1.500000000e+00, v20;
	v16 =	vmul.f32 v16, v11;
	v19 =	vmul.f32 v14, v10  }
0xc5: {  	s21 =	simm.s32 $0x1C0;
	s3 =	simm.s32 $0x180;
	[tilespmem:s19+$0x12A00] =	vst v14;
	v10 =	vmax.f32 v21, $1.000000000e+00;
	v18 =	vsub.f32 $1.500000000e+00, v17;
	v17 =	vmul.f32 v22, v15  }
.LBB2_25:
0xc6: {  	p1 =	sne.s32 s21, $0x31C0  }
0xc7: {  	s4 =	sshra.s32 s3, $0x2;
	v20 =	vshra.s32 v10, $0x1;
	v21 =	vmul.f32 $5.000000000e-01, v10;
	[tilespmem:s19+$0x11D80] =	vst v19;
	v14 =	vmul.f32 v14, v14;
	v22 =	vmovc v4;
	v4 =	vmovc v10;
	s3 =	smov.u32 s21;
	s21 =	sadd.s32 $0x40, s21  }
0xc8: {  	v10 =	vld [tilespmem:s4+$0xF800];
	v18 =	vmul.f32 v12, v18;
	v12 =	vsub.s32 $0x5F3759DF, v20;
	v17 =	vsub.f32 $1.500000000e+00, v17  }
.Ltmp15:
0xc9: {  	v20 =	vmul.f32 v13, v9;
	v13 =	vsub.f32 $1.500000000e+00, v16;
	v9 =	vmovc v11;
	v19 =	vmul.f32 v12, v21;
	[tilespmem:s19+$0x13680] =	vst v14;
	s19 =	smov.u32 s24;
	s24 =	smov.u32 s17;
	(pc) =	sbr.rel @p1 .LBB2_25-.Ltmp15, $4  }
0xca: {  	s17 =	smov.u32 s23;
	s23 =	smov.u32 s18;
	s18 =	smov.u32 s25;
	v16 =	vmul.f32 v18, v8;
	v14 =	vmul.f32 v17, v15;
	v11 =	vmov v18  }
0xcb: {  	s25 =	smov.u32 s4;
	v23 =	vmul.f32 v20, v6;
	v6 =	vmovc v7;
	v7 =	vmovc v8;
	v8 =	vmov v21;
	v17 =	vmul.f32 v12, v19  }
0xcc: {  	v15 =	vmovc v20;
	v16 =	vmul.f32 v16, v11;
	[tilespmem:s19+$0x12A00] =	vst v14;
	v19 =	vmul.f32 v14, v5;
	v5 =	vmov v3  }
0xcd: {  	v3 =	vmovc v2;
	v2 =	vmovc v22;
	v10 =	vmax.f32 v10, $1.000000000e+00;
	v18 =	vsub.f32 $1.500000000e+00, v17;
	v17 =	vmul.f32 v23, v15  }
0xce: {  	s21 =	sshra.s32 s3, $0x2;
	[tilespmem:s19+$0x11D80] =	vst v19  }
0xcf: {  	v19 =	vld [tilespmem:s21+$0xF800];
	_ =	sdelay $0x2  }
0xd0: {  	v20 =	vshra.s32 v10, $0x1;
	v21 =	vmul.f32 $5.000000000e-01, v10  }
0xd1: {  	v20 =	vsub.s32 $0x5F3759DF, v20  }
0xd2: {  	v9 =	vmul.f32 v13, v9;
	v22 =	vmul.f32 v20, v21;
	v19 =	vmax.f32 v19, $1.000000000e+00  }
0xd3: {  	v16 =	vsub.f32 $1.500000000e+00, v16;
	v23 =	vshra.s32 v19, $0x1;
	v24 =	vmul.f32 $5.000000000e-01, v19  }
0xd4: {  	v14 =	vmul.f32 v14, v14;
	v22 =	vmul.f32 v20, v22;
	v23 =	vsub.s32 $0x5F3759DF, v23  }
0xd5: {  	v12 =	vmul.f32 v12, v18;
	v17 =	vsub.f32 $1.500000000e+00, v17;
	v25 =	vmul.f32 v23, v24  }
0xd6: {  	v6 =	vmul.f32 v9, v6;
	v11 =	vmul.f32 v16, v11;
	v44 =	vsub.f32 $1.500000000e+00, v22  }
0xd7: {  	v46 =	vmul.f32 v12, v8;
	v45 =	vmul.f32 v23, v25  }
0xd8: {  	v15 =	vmul.f32 v17, v15;
	v13 =	vmul.f32 v20, v44  }
0xd9: {  	v6 =	vmul.f32 v6, v9;
	v47 =	vmul.f32 v46, v12;
	v18 =	vsub.f32 $1.500000000e+00, v45  }
0xda: {  	v7 =	vmul.f32 v11, v7;
	v49 =	vmul.f32 v13, v21  }
0xdb: {  	v5 =	vmul.f32 v15, v5;
	v16 =	vsub.f32 $1.500000000e+00, v47;
	v48 =	vmul.f32 v23, v18  }
0xdc: {  	v6 =	vsub.f32 $1.500000000e+00, v6;
	v7 =	vmul.f32 v7, v11;
	v18 =	vmul.f32 v49, v13  }
0xdd: {  	v12 =	vmul.f32 v16, v12;
	v50 =	vmul.f32 v48, v24  }
0xde: {  	[tilespmem:s19+$0x13680] =	vst v14;
	v51 =	vmul.f32 v15, v15;
	v6 =	vmul.f32 v6, v9;
	v52 =	vsub.f32 $1.500000000e+00, v18  }
0xdf: {  	[tilespmem:s24+$0x12A00] =	vst v15;
	v7 =	vsub.f32 $1.500000000e+00, v7;
	v53 =	vmul.f32 v12, v8;
	v54 =	vmul.f32 v50, v48  }
0xe0: {  	[tilespmem:s24+$0x11D80] =	vst v5;
	v3 =	vmul.f32 v6, v3;
	v55 =	vmul.f32 v52, v13  }
0xe1: {  	[tilespmem:s24+$0x13680] =	vst v51;
	v7 =	vmul.f32 v7, v11;
	v8 =	vmul.f32 v53, v12;
	v56 =	vsub.f32 $1.500000000e+00, v54  }
0xe2: {  	[tilespmem:s17+$0x12A00] =	vst v6;
	v6 =	vmul.f32 v6, v6;
	v57 =	vmul.f32 v55, v21  }
0xe3: {  	[tilespmem:s17+$0x11D80] =	vst v3;
	v2 =	vmul.f32 v7, v2;
	v3 =	vsub.f32 $1.500000000e+00, v8;
	v58 =	vmul.f32 v56, v48  }
0xe4: {  	[tilespmem:s17+$0x13680] =	vst v6;
	v59 =	vmul.f32 v7, v7;
	v60 =	vmul.f32 v57, v55  }
0xe5: {  	[tilespmem:s23+$0x12A00] =	vst v7;
	v3 =	vmul.f32 v3, v12;
	v61 =	vmul.f32 v58, v24  }
0xe6: {  	[tilespmem:s23+$0x11D80] =	vst v2;
	v2 =	vsub.f32 $1.500000000e+00, v60  }
0xe7: {  	[tilespmem:s23+$0x13680] =	vst v59;
	v4 =	vmul.f32 v3, v4;
	v62 =	vmul.f32 v61, v58  }
0xe8: {  	[tilespmem:s18+$0x12A00] =	vst v3;
	v3 =	vmul.f32 v3, v3;
	v2 =	vmul.f32 v2, v55  }
0xe9: {  	[tilespmem:s18+$0x11D80] =	vst v4;
	v63 =	vsub.f32 $1.500000000e+00, v62  }
0xea: {  	[tilespmem:s18+$0x13680] =	vst v3;
	v3 =	vmul.f32 v2, v10  }
0xeb: {  	[tilespmem:s25+$0x12A00] =	vst v2;
	v2 =	vmul.f32 v2, v2;
	v4 =	vmul.f32 v63, v58  }
.Ltmp16:
0xec: {  	[tilespmem:s25+$0x11D80] =	vst v3;
	(pc) =	sbr.rel @p0 .LBB2_31-.Ltmp16, $4  }
0xed: {  	[tilespmem:s25+$0x13680] =	vst v2;
	v2 =	vmul.f32 v4, v19  }
0xee: {  	[tilespmem:s21+$0x12A00] =	vst v4;
	v3 =	vmul.f32 v4, v4  }
0xef: {  	[tilespmem:s21+$0x11D80] =	vst v2  }
0xf0: {  	s17 =	simm.s32 $0x0;
	[tilespmem:s21+$0x13680] =	vst v3  }
0xf1: {  	s3 =	rddreg [dreg:$0xc];
	s4 =	simm.s32 $0x13680  }
0xf2: {  	[hbm4b:s3+s17] =	stream.linear.scatter [tilespmem:s4], [sflag:$0x3], $0xC80, $0x38;
	[tilespmem:$0x14300] =	vst v63  }
0xf3: {  	_ =	swait.ge [sflag:s31], $0xC80  }
0xf4: {  	[sflag:s31] =	ssyncset.done $0x0  }
0xf5: {  	s25 =	simm.s32 $0x11D80;
	s24 =	rddreg [dreg:$0xe];
	[sflag:s31] =	ssyncadd.s32 $0xFFFFF380  }
0xf6: {  	[hbm4b:s24+s17] =	stream.linear.scatter [tilespmem:s25], [sflag:$0x3], $0xC80, $0x38;
	[tilespmem:$0x14300] =	vst v63  }
0xf7: {  	_ =	swait.ge [sflag:s31], $0xC80  }
0xf8: {  	[sflag:s31] =	ssyncset.done $0x0  }
0xf9: {  	s18 =	simm.s32 $0x0;
	s19 =	simm.s32 $0x0;
	[sflag:s31] =	ssyncadd.s32 $0xFFFFF380  }
.LBB2_28:
0xfa: {  	s3 =	smul.u32 $0x140, s19;
	_ =	sdelay $0x1  }
0xfb: {  	s3 =	sadd.s32 s7, s3  }
0xfc: {  	s4 =	rddreg [dreg:$0x4];
	s3 =	sshll.u32 s3, $0x1  }
0xfd: {  	v2 =	vmov s18;
	s4 =	sadd.s32 s4, s3  }
0xfe: {  	[tilespmem:s0], [sflag:$0x3] =	stream.linear.gather [hbm4b:s4+s17], $0x1400, $0x38;
	[tilespmem:$0x14300] =	vst v63  }
0xff: {  	_ =	swait.ge [sflag:s31], $0x1400  }
0x100: {  	[sflag:s31] =	ssyncset.done $0x0  }
0x101: {  	[sflag:s31] =	ssyncadd.s32 $0xFFFFEC00  }
0x102: {  	s21 =	simm.s32 $0x0;
	v2 =	vld.idx.msk [tilespmem:v2+s16+$0x0], $0xffff  }
0x103: {  	v4 =	vld [tilespmem:s21+$0xD000];
	_ =	sdelay $0x1  }
0x104: {  	s24 =	sadd.s32 $0x1, s18  }
0x105: {  	s23 =	simm.s32 $0x40;
	s25 =	simm.s32 $0x80;
	v3 =	vmov s24  }
.LBB2_29:
0x106: {  	p1 =	sne.s32 s25, $0x4FC0  }
0x107: {  	v2 =	vmul.f32 v2, v4;
	_ =	sdelay $0x1  }
0x108: {  	[tilespmem:s21+$0xE400] =	vst v2  }
.Ltmp17:
0x109: {  	s21 =	sshra.s32 s23, $0x2;
	s23 =	smov.u32 s25;
	v2 =	vld.idx.msk [tilespmem:v3+s16+$0x0], $0xffff;
	(pc) =	sbr.rel @p1 .LBB2_29-.Ltmp17, $3  }
0x10a: {  	v4 =	vld [tilespmem:s21+$0xD000];
	_ =	sdelay $0x1  }
0x10b: {  	s24 =	sadd.s32 $0x1, s24  }
0x10c: {  	s25 =	sadd.s32 $0x40, s25;
	v3 =	vmov s24  }
0x10d: {  	_ = 	snop  }
0x10e: {  	v2 =	vmul.f32 v2, v4;
	_ =	sdelay $0x1  }
0x10f: {  	[tilespmem:s21+$0xE400] =	vst v2  }
0x110: {  	s4 =	sshra.s32 s23, $0x2;
	v2 =	vld.idx.msk [tilespmem:v3+s16+$0x0], $0xffff  }
0x111: {  	v3 =	vld [tilespmem:s4+$0xD000];
	_ =	sdelay $0x4  }
0x112: {  	v2 =	vmul.f32 v2, v3  }
0x113: {  	s19 =	sadd.s32 $0x1, s19  }
0x114: {  	s3 =	sadd.s32 s8, s3;
	p1 =	seq.s32 s19, $0xA;
	[tilespmem:s4+$0xE400] =	vst v2  }
0x115: {  	[hbm4b:s3+s1] =	stream.linear.scatter [tilespmem:s20], [sflag:$0x3], $0x1400, $0x38;
	[tilespmem:$0x14300] =	vst v63  }
.Ltmp18:
0x116: {  	_ = 	snop;
	(pc) =	sbr.rel @!p1 .LBB2_28-.Ltmp18, $4  }
.Ltmp19:
0x117: {  	_ = 	snop;
	(pc) =	sbr.rel @p1 .LBB2_35-.Ltmp19, $4  }
0x118: {  	_ =	swait.ge [sflag:s31], $0x1400  }
0x119: {  	[sflag:s31] =	ssyncset.done $0x0  }
0x11a: {  	s18 =	sadd.s32 $0x140, s18;
	[sflag:s31] =	ssyncadd.s32 $0xFFFFEC00  }
0x11b: {  	_ = 	snop  }
.LBB2_31:
0x11c: {  	s3 =	rddreg [dreg:$0xb];
	s4 =	simm.s32 $0x13680  }
0x11d: {  	[hbm4b:s3+s17] =	stream.linear.scatter [tilespmem:s4], [sflag:$0x3], $0xC80, $0x38;
	[tilespmem:$0x14300] =	vst v63  }
0x11e: {  	_ =	swait.ge [sflag:s31], $0xC80  }
0x11f: {  	[sflag:s31] =	ssyncset.done $0x0  }
0x120: {  	s25 =	simm.s32 $0x11D80;
	s24 =	rddreg [dreg:$0xd];
	[sflag:s31] =	ssyncadd.s32 $0xFFFFF380  }
0x121: {  	[hbm4b:s24+s17] =	stream.linear.scatter [tilespmem:s25], [sflag:$0x3], $0xC80, $0x38;
	[tilespmem:$0x14300] =	vst v63  }
0x122: {  	_ =	swait.ge [sflag:s31], $0xC80  }
0x123: {  	[sflag:s31] =	ssyncset.done $0x0  }
0x124: {  	s18 =	simm.s32 $0x0;
	s19 =	simm.s32 $0x0;
	[sflag:s31] =	ssyncadd.s32 $0xFFFFF380  }
.LBB2_32:
0x125: {  	s3 =	smul.u32 $0x140, s19;
	_ =	sdelay $0x1  }
0x126: {  	s3 =	sadd.s32 s7, s3  }
0x127: {  	s4 =	rddreg [dreg:$0x5];
	s3 =	sshll.u32 s3, $0x1  }
0x128: {  	v2 =	vmov s18;
	s4 =	sadd.s32 s4, s3  }
0x129: {  	[tilespmem:s0], [sflag:$0x3] =	stream.linear.gather [hbm4b:s4+s17], $0x1400, $0x38;
	[tilespmem:$0x14300] =	vst v63  }
0x12a: {  	_ =	swait.ge [sflag:s31], $0x1400  }
0x12b: {  	[sflag:s31] =	ssyncset.done $0x0  }
0x12c: {  	[sflag:s31] =	ssyncadd.s32 $0xFFFFEC00  }
0x12d: {  	s21 =	simm.s32 $0x0;
	v2 =	vld.idx.msk [tilespmem:v2+s16+$0x0], $0xffff  }
0x12e: {  	v4 =	vld [tilespmem:s21+$0xD000];
	_ =	sdelay $0x1  }
0x12f: {  	s24 =	sadd.s32 $0x1, s18  }
0x130: {  	s23 =	simm.s32 $0x40;
	s25 =	simm.s32 $0x80;
	v3 =	vmov s24  }
.LBB2_33:
0x131: {  	p1 =	sne.s32 s25, $0x4FC0  }
0x132: {  	v2 =	vmul.f32 v2, v4;
	_ =	sdelay $0x1  }
0x133: {  	[tilespmem:s21+$0xE400] =	vst v2  }
.Ltmp20:
0x134: {  	s21 =	sshra.s32 s23, $0x2;
	s23 =	smov.u32 s25;
	v2 =	vld.idx.msk [tilespmem:v3+s16+$0x0], $0xffff;
	(pc) =	sbr.rel @p1 .LBB2_33-.Ltmp20, $3  }
0x135: {  	v4 =	vld [tilespmem:s21+$0xD000];
	_ =	sdelay $0x1  }
0x136: {  	s24 =	sadd.s32 $0x1, s24  }
0x137: {  	s25 =	sadd.s32 $0x40, s25;
	v3 =	vmov s24  }
0x138: {  	_ = 	snop  }
0x139: {  	v2 =	vmul.f32 v2, v4;
	_ =	sdelay $0x1  }
0x13a: {  	[tilespmem:s21+$0xE400] =	vst v2  }
0x13b: {  	s4 =	sshra.s32 s23, $0x2;
	v2 =	vld.idx.msk [tilespmem:v3+s16+$0x0], $0xffff  }
0x13c: {  	v3 =	vld [tilespmem:s4+$0xD000];
	_ =	sdelay $0x4  }
0x13d: {  	v2 =	vmul.f32 v2, v3  }
0x13e: {  	s19 =	sadd.s32 $0x1, s19  }
0x13f: {  	s3 =	sadd.s32 s9, s3;
	p1 =	sne.s32 s19, $0xA;
	[tilespmem:s4+$0xE400] =	vst v2  }
0x140: {  	[hbm4b:s3+s1] =	stream.linear.scatter [tilespmem:s20], [sflag:$0x3], $0x1400, $0x38;
	[tilespmem:$0x14300] =	vst v63  }
.Ltmp21:
0x141: {  	_ = 	snop;
	(pc) =	sbr.rel @p1 .LBB2_32-.Ltmp21, $4  }
.Ltmp22:
0x142: {  	_ = 	snop;
	(pc) =	sbr.rel @!p1 .LBB2_35-.Ltmp22, $4  }
0x143: {  	_ =	swait.ge [sflag:s31], $0x1400  }
0x144: {  	[sflag:s31] =	ssyncset.done $0x0  }
0x145: {  	s18 =	sadd.s32 $0x140, s18;
	[sflag:s31] =	ssyncadd.s32 $0xFFFFEC00  }
0x146: {  	_ = 	snop  }
.LBB2_36:
0x147: {  	_ =	sfence.sel $0x180000  }
0x148: {  	[bflag:$0x0] =	sbarrier.arrive $0xFFFF  }
0x149: {  	_ =	strace $0x90000047  }
0x14a: {  	s0 =	stileid.u32;
	[bflag:$0x2] =	sbarrier.arrive $0xFFFF  }
0x14b: {  	p0 =	sne.s32 s0, $0x0;
	s0 =	rddreg [dreg:$0x3]  }
0x14c: {  	s0 =	sadd.s32 @!p0 $0x100000, s0  }
0x14d: {  	[sflag:s0] =	ssyncadd.tile.s32 @!p0 $0x1;
	_ =	shalt  }
.Lfunc_end2:
_tile_overlayer_lowered:
.L_overlay_start_2:
0x14e: {  	(tag) =	ssettag $0x2  }
0x14f: {  	s0 =	rddreg [dreg:$0x0];
	s2 =	stileid.u32  }
0x150: {  	s1 =	rddreg [dreg:$0x1];
	p0 =	sne.s32 s2, $0x0  }
0x151: {  	s3 =	rddreg [dreg:$0x2];
	[bflag:$0x3] =	sbarrier.arrive $0xFFFF;
	s2 =	simm.s32 @!p0 $0x1C03  }
0x152: {  	[timem:s3], [sflag:s2] =	dma.local @!p0 [hbm:s0], s1  }
0x153: {  	s0 =	simm.s32 @!p0 $0x3  }
0x154: {  	_ =	swait.ge @!p0 [sflag:s0], s1  }
0x155: {  	s1 =	ssub.s32 @!p0 $0x0, s1;
	[sflag:s0] =	ssyncset.done @!p0 $0x0  }
0x156: {  	[sflag:s0] =	ssyncadd.s32 @!p0 s1  }
0x157: {  	[bflag:$0x3] =	sbarrier.arrive $0xFFFF  }
0x158: {  	_ =	shalt  }

// kernel: kernel.8.cloned.1.call-start
scs
__scs_entry_jumppad:
0x0: {  	(pc) =	sbr.rel $0x88, $3  }
0x1: {  	(tag) =	ssettag $0x0;
	lr =	simm.s32 $0x1  }
0x2: {  	[smem:$0x3F9E] =	sst lr;
	_ =	strace $0xD0000000  }
0x3: {  	_ = 	snop  }
0x4: {  	_ = 	snop  }
0x5: {  	_ = 	snop  }
0x6: {  	_ = 	snop  }
0x7: {  	_ = 	snop  }
__scs_overlays_trampoline_lowered:
0x8: {  	[smem:$0x3FAD] =	sst s0  }
0x9: {  	[smem:$0x3FAE] =	sst s1  }
0xa: {  	[smem:$0x3FAF] =	sst s2  }
0xb: {  	[smem:$0x3FB0] =	sst s3  }
0xc: {  	[smem:$0x3FB1] =	sst s4  }
0xd: {  	[smem:$0x3FB2] =	sst s5  }
0xe: {  	[smem:$0x3FB3] =	sst s6  }
0xf: {  	[smem:$0x3FB4] =	sst s7  }
0x10: {  	[smem:$0x3FB5] =	sst s8  }
0x11: {  	[smem:$0x3FB6] =	sst s9;
	s0 =	simm.s32 @!p0 $0x0  }
0x12: {  	s1 =	sld [smem:$0x3F9C];
	s0 =	simm.s32 @p0 $0x1  }
0x13: {  	[smem:$0x3FB7] =	sst s0;
	s0 =	simm.s32 @!p1 $0x0  }
0x14: {  	s2 =	sld [smem:$0x3F9B];
	s0 =	simm.s32 @p1 $0x1  }
0x15: {  	[smem:$0x3FB8] =	sst s0;
	s0 =	simm.s32 @!p2 $0x0  }
0x16: {  	s3 =	sld [smem:$0x3FDB];
	s0 =	simm.s32 @p2 $0x1  }
0x17: {  	s4 =	simm.s32 $0x1BF5;
	[smem:$0x3FBA] =	sst s0  }
0x18: {  	s0 =	sld [smem:$0x3F9D];
	_ =	swait.ge [sflag:s4], $0x0  }
0x19: {  	s7 =	sld [smem:$0x3F9E]  }
0x1a: {  	s8 =	sadd.s32 $0xFFFFE003, lr  }
0x1b: {  	s9 =	sadd.s32 $0xFFFFFEF7, lr;
	s5 =	simm.s32 $0xFFFFFFFF;
	p2 =	slt.u32 s8, $0xFFFFF086  }
0x1c: {  	p1 =	slt.u32 s9, $0xF7A;
	s5 =	simm.s32 @!p2 $0x0  }
0x1d: {  	s5 =	simm.s32 @p1 $0x1;
	p0 =	seq.s32 s7, s2  }
0x1e: {  	s7 =	smul.u32 @!p0 $0xF7A, s2;
	p2 =	seq.s32 @!p0 s5, $0x0  }
0x1f: {  	s9 =	smul.u32 $0xF7A, s1;
	s8 =	simm.s32 @!p0 $0x1BF5;
	p2 =	por !p2, p0  }
0x20: {  	[sflag:s8] =	ssyncset.s32 @!p0 $0xFFFFF086;
	s6 =	sadd.s32 @!p0 s3, s7;
	s7 =	simm.s32 @!p0 $0x108  }
0x21: {  	s3 =	sadd.s32 s3, s9;
	s6 =	sadd.s32 @!p0 $0x88, s6;
	s7 =	simm.s32 @p2 $0x1082  }
0x22: {  	[simem:s7], [sflag:s8] =	dma.local @!p0 [hbm:s6], $0xF7A  }
0x23: {  	s9 =	sor.u32 $0xD0000000, s2;
	s6 =	simm.s32 $0x108;
	_ =	swait.ge @!p0 [sflag:s8], $0x0  }
0x24: {  	s3 =	sadd.s32 $0x88, s3;
	s6 =	simm.s32 @!p1 $0x1082;
	[sflag:s4] =	ssyncset.s32 $0xFFFFF086  }
0x25: {  	[simem:s6], [sflag:s4] =	dma.local [hbm:s3], $0xF7A  }
0x26: {  	[smem:$0x3F9E] =	sst s1;
	(tag) =	ssettag s2;
	_ =	strace s9  }
0x27: {  	s1 =	sld [smem:$0x3FAE]  }
0x28: {  	s2 =	sld [smem:$0x3FAF]  }
0x29: {  	s4 =	sld [smem:$0x3FB1]  }
0x2a: {  	p0 =	seq.s32 s5, $0x0;
	s5 =	sld [smem:$0x3FB2]  }
0x2b: {  	s6 =	sld [smem:$0x3FB3]  }
0x2c: {  	s7 =	sld [smem:$0x3FB4]  }
0x2d: {  	s3 =	simm.s32 $0x108;
	s8 =	sld [smem:$0x3FB5]  }
0x2e: {  	s3 =	simm.s32 @!p0 $0x1082;
	s9 =	sld [smem:$0x3FB6]  }
0x2f: {  	lr =	sadd.s32 s0, s3;
	s0 =	sld [smem:$0x3FAD]  }
0x30: {  	s3 =	sld [smem:$0x3FB0]  }
0x31: {  	[smem:$0x3FB9] =	sst s10  }
0x32: {  	s10 =	sld [smem:$0x3FB7];
	_ =	sdelay $0x3  }
0x33: {  	p0 =	seq.s32 s10, $0x1;
	s10 =	sld [smem:$0x3FB9];
	_ =	sdelay $0x3  }
0x34: {  	[smem:$0x3FB9] =	sst s10  }
0x35: {  	s10 =	sld [smem:$0x3FB8];
	_ =	sdelay $0x3  }
0x36: {  	p1 =	seq.s32 s10, $0x1;
	s10 =	sld [smem:$0x3FB9];
	_ =	sdelay $0x3  }
0x37: {  	[smem:$0x3FB9] =	sst s10  }
0x38: {  	s10 =	sld [smem:$0x3FBA]  }
0x39: {  	_ = 	snop;
	(pc) =	sbr.ind lr, $3  }
0x3a: {  	_ = 	snop  }
0x3b: {  	_ = 	snop  }
0x3c: {  	p2 =	seq.s32 s10, $0x1;
	s10 =	sld [smem:$0x3FB9]  }
0x3d: {  	_ =	shalt  }
0x3e: {  	_ =	shalt  }
0x3f: {  	_ =	shalt  }
0x40: {  	_ =	shalt  }
0x41: {  	_ =	shalt  }
0x42: {  	_ =	shalt  }
0x43: {  	_ =	shalt  }
0x44: {  	_ =	shalt  }
0x45: {  	_ =	shalt  }
0x46: {  	_ =	shalt  }
0x47: {  	_ =	shalt  }
0x48: {  	_ =	shalt  }
0x49: {  	_ =	shalt  }
0x4a: {  	_ =	shalt  }
0x4b: {  	_ =	shalt  }
0x4c: {  	_ =	shalt  }
0x4d: {  	_ =	shalt  }
0x4e: {  	_ =	shalt  }
0x4f: {  	_ =	shalt  }
0x50: {  	_ =	shalt  }
0x51: {  	_ =	shalt  }
0x52: {  	_ =	shalt  }
0x53: {  	_ =	shalt  }
0x54: {  	_ =	shalt  }
0x55: {  	_ =	shalt  }
0x56: {  	_ =	shalt  }
0x57: {  	_ =	shalt  }
0x58: {  	_ =	shalt  }
0x59: {  	_ =	shalt  }
0x5a: {  	_ =	shalt  }
0x5b: {  	_ =	shalt  }
0x5c: {  	_ =	shalt  }
0x5d: {  	_ =	shalt  }
0x5e: {  	_ =	shalt  }
0x5f: {  	_ =	shalt  }
0x60: {  	_ =	shalt  }
0x61: {  	_ =	shalt  }
0x62: {  	_ =	shalt  }
0x63: {  	_ =	shalt  }
0x64: {  	_ =	shalt  }
0x65: {  	_ =	shalt  }
0x66: {  	_ =	shalt  }
0x67: {  	_ =	shalt  }
0x68: {  	_ =	shalt  }
0x69: {  	_ =	shalt  }
0x6a: {  	_ =	shalt  }
0x6b: {  	_ =	shalt  }
0x6c: {  	_ =	shalt  }
0x6d: {  	_ =	shalt  }
0x6e: {  	_ =	shalt  }
0x6f: {  	_ =	shalt  }
0x70: {  	_ =	shalt  }
0x71: {  	_ =	shalt  }
0x72: {  	_ =	shalt  }
0x73: {  	_ =	shalt  }
0x74: {  	_ =	shalt  }
0x75: {  	_ =	shalt  }
0x76: {  	_ =	shalt  }
0x77: {  	_ =	shalt  }
0x78: {  	_ =	shalt  }
0x79: {  	_ =	shalt  }
0x7a: {  	_ =	shalt  }
0x7b: {  	_ =	shalt  }
0x7c: {  	_ =	shalt  }
0x7d: {  	_ =	shalt  }
0x7e: {  	_ =	shalt  }
0x7f: {  	_ =	shalt  }
0x80: {  	_ =	shalt  }
0x81: {  	_ =	shalt  }
0x82: {  	_ =	shalt  }
0x83: {  	_ =	shalt  }
0x84: {  	_ =	shalt  }
0x85: {  	_ =	shalt  }
0x86: {  	_ =	shalt  }
0x87: {  	_ =	shalt  }
.Lfunc_end0:
.L_simem_size_0:
called_computation.1_lowered:
.L_overlay_start_0:
0x88: {  	s2 =	sld [smem:$0x3FD9]  }
0x89: {  	s3 =	sld [smem:$0x3FFE];
	_ =	sdelay $0x1  }
0x8a: {  	s1 =	srdreg.scid  }
0x8b: {  	s0 =	sand.u32 $0x1, s1  }
0x8c: {  	s14 =	sshll.u32 s0, $0xA;
	s2 =	sadd.s32 s3, s2  }
0x8d: {  	s2 =	sadd.s32 s2, s14  }
0x8e: {  	[smem:$0x3FC5] =	sst s2  }
0x8f: {  	_ = 	snop  }
0x90: {  	s2 =	sld [smem:$0x3FD0];
	_ =	sdelay $0x2  }
0x91: {  	s15 =	simm.s32 $0xA;
	s4 =	simm.s32 $0x10  }
0x92: {  	[smem:s4], [sflag:s15] =	dma.local [hbm:s2], $0x1  }
0x93: {  	_ =	swait.eq [sflag:s15], $0x1  }
0x94: {  	[sflag:s15] =	ssyncset.done $0x0  }
0x95: {  	s16 =	sld [smem:$0x10];
	[sflag:s15] =	ssyncadd.s32 $0xFFFFFFFF  }
0x96: {  	s17 =	sld [smem:$0x11];
	(tm) =	ssettm $0x1  }
0x97: {  	s18 =	sld [smem:$0x3FFB];
	_ =	sdelay $0x3  }
0x98: {  	_ =	strace s18  }
0x99: {  	s4 =	sld [smem:$0x3FFC];
	_ =	sdelay $0x3  }
0x9a: {  	_ =	strace s4  }
0x9b: {  	s4 =	sld [smem:$0x3FFD];
	_ =	sdelay $0x3  }
0x9c: {  	_ =	strace s4  }
0x9d: {  	_ =	strace $0x8FFFFFFF  }
0x9e: {  	s19 =	sld [smem:$0x3FDB];
	_ =	sdelay $0x1  }
0x9f: {  	s5 =	simm.s32 $_scs_section_size  }
0xa0: {  	s6 =	simm.s32 $_size__tile_overlayer_lowered;
	s7 =	simm.s32 $_tile_overlayer_lowered  }
0xa1: {  	s22 =	simm.s32 $0x1BFF;
	s21 =	sshll.u32 s7, $0x1;
	s4 =	sadd.s32 s5, s19  }
0xa2: {  	s8 =	simm.s32 $0x0;
	s20 =	sshll.u32 s6, $0x1;
	s6 =	sadd.s32 s21, s4  }
0xa3: {  	[timem:s8], [sflag:s22] =	dma.local [hbm:s6], s20  }
0xa4: {  	_ =	swait.ge [sflag:s22], s20  }
0xa5: {  	s5 =	ssub.s32 $0x0, s20;
	[sflag:s22] =	ssyncset.done $0x0  }
0xa6: {  	[sflag:s22] =	ssyncadd.s32 s5;
	_ =	sdelay $0x1  }
0xa7: {  	s23 =	simm.s32 $0x1B8B  }
0xa8: {  	_ =	swait.ge [sflag:s23], $0x1  }
0xa9: {  	[sflag:s23] =	ssyncset.done $0x0  }
0xaa: {  	s25 =	simm.s32 $0x1B8E;
	s24 =	sld [smem:$0x3FFE];
	[sflag:s23] =	ssyncadd.s32 $0xFFFFFFFF  }
0xab: {  	s26 =	simm.s32 $execute0_lowered;
	[smem:$0x3FD2] =	sst s25  }
0xac: {  	s6 =	sshll.u32 s26, $0x1;
	_ =	strace $0x80000049;
	[dreg:$0x1] =	wrdreg $0xFFFFFFFF  }
0xad: {  	s28 =	simm.s32 $_size_execute0_lowered;
	s4 =	sadd.s32 s4, s6;
	[dreg:$0x0] =	wrdreg $0x0  }
0xae: {  	s6 =	sshll.u32 s28, $0x1;
	[dreg:$0x2] =	wrdreg s4  }
0xaf: {  	[dreg:$0x3] =	wrdreg s6  }
0xb0: {  	[dreg:$0x4] =	wrdreg $0xC0  }
0xb1: {  	_ =	task [dreg:s8], $0x5FFFF  }
0xb2: {  	[dreg:$0x1] =	wrdreg $0xFFFFFFFF  }
0xb3: {  	[dreg:$0x0] =	wrdreg $0x60  }
0xb4: {  	[dreg:$0x2] =	wrdreg s24  }
0xb5: {  	[dreg:$0x3] =	wrdreg s17  }
0xb6: {  	[dreg:$0x4] =	wrdreg s16  }
0xb7: {  	[dreg:$0x5] =	wrdreg $0x0  }
0xb8: {  	[dreg:$0x6] =	wrdreg $0x9  }
0xb9: {  	_ =	task.clear_ibuf [dreg:s8], $0x7FFFF;
	_ =	strace $0x90000049  }
0xba: {  	s29 =	simm.s32 $0x9;
	_ =	strace $0x8000004B  }
0xbb: {  	_ =	swait.ge [sflag:s29], $0x1  }
0xbc: {  	[sflag:s29] =	ssyncadd.s32 $0xFFFFFFFF  }
0xbd: {  	_ =	strace $0x9000004B  }
0xbe: {  	_ =	sfence  }
0xbf: {  	s30 =	sld [smem:$0x0];
	_ =	sdelay $0x2  }
0xc0: {  	s31 =	sshll.u32 s1, $0xD;
	s1 =	sshrl.u32 s1, $0x2  }
0xc1: {  	s3 =	sand.u32 $0x4000, s31;
	s1 =	sadd.s32 s1, s30  }
0xc2: {  	s0 =	sor.u32 s3, s0;
	s1 =	sshll.u32 s1, $0x11  }
0xc3: {  	s0 =	sor.u32 s1, s0  }
0xc4: {  	s0 =	sadd.s32 $0x8F2B, s0  }
0xc5: {  	[sflag:s0] =	ssyncadd.remote.s32 $0x1  }
0xc6: {  	_ =	sfence.sel $0xFFFF  }
0xc7: {  	[dreg:$0x0] =	wrdreg $0xFFFFFFFF;
	(pc) =	sbr.abs _section_cstart, $3  }
0xc8: {  	[dreg:$0x1] =	wrdreg $0xFFFFFFFF  }
0xc9: {  	_ =	task.clear_ibuf [dreg:s8], $0x2FFFF;
	_ =	strace $0x9FFFFFFF  }
0xca: {  	(tm) =	ssettm $0x7FFFFFFF  }
0xcb: {  	_ =	shalt  }
tec
execute0_lowered:
.L_overlay_start_1:
0x0: {  	(tag) =	ssettag $0x1  }
0x1: {  	s0 =	rddreg [dreg:$0x0]  }
0x2: {  	s5 =	rddreg [dreg:$0x1]  }
0x3: {  	s6 =	rddreg [dreg:$0x2]  }
0x4: {  	s1 =	rddreg [dreg:$0x3];
	s2 =	simm.s32 $0x0  }
0x5: {  	s8 =	srdreg.scid;
	s14 =	stileid.u32;
	s3 =	sadd.s32 $0x12A200, s0  }
0x6: {  	[smem:$0x7FF] =	sst s2;
	s4 =	sadd.s32 $0x143200, s0;
	s7 =	sadd.s32 $0x33E00, s0  }
0x7: {  	s9 =	sadd.s32 $0x96000, s0;
	s10 =	sadd.s32 $0x1E00, s0;
	s8 =	sand.u32 $0x1, s8  }
0x8: {  	s20 =	sadd.s32 $0x1AE00, s0;
	_ =	strace $0x8000004A;
	[dreg:$0x5] =	wrdreg s10  }
0x9: {  	s11 =	sadd.s32 $0xF8200, s0;
	s12 =	smul.u32 $0x31000, s14;
	[dreg:$0x6] =	wrdreg s20  }
0xa: {  	s0 =	sadd.s32 $0x111200, s0;
	s25 =	smul.u32 $0x32000, s14;
	[dreg:$0x7] =	wrdreg s11  }
0xb: {  	s21 =	ssub.s32 $0x2, s8;
	[dreg:$0x8] =	wrdreg s0;
	s24 =	sshrl.u32 s12, $0x3  }
0xc: {  	s10 =	smul.u32 $0xC80, s14;
	p0 =	seq.s32 s8, $0x1;
	s13 =	sadd.s32 s7, s24  }
0xd: {  	s11 =	sshrl.u32 s25, $0x2;
	s8 =	sadd.s32 s9, s24;
	[dreg:$0x9] =	wrdreg s13  }
0xe: {  	s30 =	sshrl.u32 s10, $0x3;
	s11 =	sadd.s32 s11, s1;
	[dreg:$0xa] =	wrdreg s8  }
0xf: {  	s22 =	sshrl.u32 s21, $0x1;
	s5 =	sadd.s32 s5, s30;
	[dreg:$0xd] =	wrdreg s11  }
0x10: {  	s23 =	ssub.s32 s21, s22;
	s31 =	sadd.s32 s6, s30;
	[dreg:$0xb] =	wrdreg s5  }
0x11: {  	s26 =	sor.u32 $0x400, s12;
	s0 =	smax.u32 s23, $0x1;
	[dreg:$0xc] =	wrdreg s31  }
0x12: {  	s12 =	sor.u32 $0x800, s12;
	s6 =	sadd.s32 $0x1400, s11;
	[dreg:$0xe] =	wrdreg s0  }
0x13: {  	s15 =	sshrl.u32 s26, $0x3;
	s13 =	sadd.s32 $0x2800, s11;
	[dreg:$0xf] =	wrdreg s6  }
0x14: {  	s16 =	sshrl.u32 s12, $0x3;
	s8 =	sadd.s32 s7, s15;
	[dreg:$0x10] =	wrdreg s13  }
0x15: {  	s28 =	simm.s32 $0x16C00;
	s18 =	sadd.s32 s7, s16;
	[dreg:$0x11] =	wrdreg s8  }
0x16: {  	s29 =	simm.s32 $0x18000;
	s19 =	sadd.s32 s9, s16;
	[dreg:$0x13] =	wrdreg s18  }
0x17: {  	s17 =	smul.u32 $0x6200, s14;
	s20 =	sadd.s32 $0x3C00, s11;
	[dreg:$0x14] =	wrdreg s19  }
0x18: {  	s14 =	simm.s32 $0xC800;
	s21 =	sadd.s32 $0x5000, s11;
	[dreg:$0x15] =	wrdreg s20  }
0x19: {  	s24 =	sadd.s32 s17, s7;
	s22 =	sadd.s32 $0x6400, s11;
	[dreg:$0x16] =	wrdreg s21  }
0x1a: {  	s12 =	simm.s32 $0x1;
	s25 =	sadd.s32 $0x7800, s11;
	[dreg:$0x17] =	wrdreg s22  }
0x1b: {  	s23 =	sadd.s32 s17, s9;
	s26 =	sadd.s32 $0x8C00, s11;
	[dreg:$0x18] =	wrdreg s25  }
0x1c: {  	s30 =	sadd.s32 $0xA000, s11;
	s16 =	simm.s32 $0x400;
	[dreg:$0x19] =	wrdreg s26  }
0x1d: {  	s17 =	simm.s32 $0xD000;
	s0 =	sadd.s32 s9, s15;
	[dreg:$0x1a] =	wrdreg s30  }
.Ltmp0:
0x1e: {  	s31 =	sadd.s32 $0xB400, s11;
	s5 =	simm.s32 $0x19400;
	(pc) =	sbr.rel .LBB2_1-.Ltmp0, $4  }
0x1f: {  	s13 =	simm.s32 $0x4;
	s11 =	simm.s32 $0xCC00;
	s18 =	simm.s32 $0x11000  }
0x20: {  	s19 =	simm.s32 $0x11400;
	s20 =	simm.s32 $0x2;
	s21 =	simm.s32 $0x11800  }
0x21: {  	s22 =	simm.s32 $0x3;
	s25 =	simm.s32 $0x1A800;
	[dreg:$0x12] =	wrdreg s0  }
0x22: {  	v0 =	vimm.f32 $0.0e+00;
	s26 =	simm.s32 $0x15800;
	s6 =	simm.s32 $0x0;
	[dreg:$0x1b] =	wrdreg s31  }
.LBB2_16:
0x23: {  	s6 =	rddreg [dreg:$0x1c]  }
0x24: {  	s0 =	rddreg [dreg:$0xe];
	s6 =	sadd.s32 $0x1, s6  }
0x25: {  	p1 =	sne.s32 s6, s0  }
.Ltmp1:
0x26: {  	_ = 	snop;
	(pc) =	sbr.rel @!p1 .LBB2_17-.Ltmp1, $1  }
0x27: {  	_ =	sdelay $0x3  }
.LBB2_1:
.Ltmp2:
0x28: {  	(pc) =	sbr.rel @!p0 .LBB2_2-.Ltmp2, $2  }
0x29: {  	_ =	sdelay $0x2  }
0x2a: {  	[dreg:$0x1c] =	wrdreg s6;
	s0 =	simm.s32 $0x40;
	s6 =	simm.s32 $0x0  }
.LBB2_9:
0x2b: {  	p1 =	sne.s32 s0, $0x4FC0;
	[tilespmem:s6+$0x19400] =	vst v0;
	s6 =	smov.u32 s0;
	s0 =	sadd.s32 $0x40, s0  }
.Ltmp3:
0x2c: {  	(pc) =	sbr.rel @p1 .LBB2_9-.Ltmp3, $2  }
0x2d: {  	_ =	sdelay $0x2  }
0x2e: {  	s6 =	sshra.s32 s6, $0x2  }
0x2f: {  	[tilespmem:s6+$0x19400] =	vst v0;
	s0 =	rddreg [dreg:$0xd]  }
0x30: {  	[spmem:s0] =	stream.linear.scatter [tilespmem:s5], [sflag:$0x4], $0x1400, $0x38;
	[tilespmem:$0x1B480] =	vst v63  }
0x31: {  	_ =	swait.ge [sflag:s13], $0x1400  }
0x32: {  	[sflag:s13] =	ssyncset.done $0x0  }
0x33: {  	s8 =	rddreg [dreg:$0xf];
	[sflag:s13] =	ssyncadd.s32 $0xFFFFEC00  }
0x34: {  	[spmem:s8] =	stream.linear.scatter [tilespmem:s5], [sflag:$0x4], $0x1400, $0x38;
	[tilespmem:$0x1B480] =	vst v63  }
0x35: {  	_ =	swait.ge [sflag:s13], $0x1400  }
0x36: {  	[sflag:s13] =	ssyncset.done $0x0  }
0x37: {  	s9 =	rddreg [dreg:$0x10];
	[sflag:s13] =	ssyncadd.s32 $0xFFFFEC00  }
0x38: {  	[spmem:s9] =	stream.linear.scatter [tilespmem:s5], [sflag:$0x4], $0x1400, $0x38;
	[tilespmem:$0x1B480] =	vst v63  }
0x39: {  	_ =	swait.ge [sflag:s13], $0x1400  }
0x3a: {  	[sflag:s13] =	ssyncset.done $0x0  }
0x3b: {  	s15 =	rddreg [dreg:$0x15];
	[sflag:s13] =	ssyncadd.s32 $0xFFFFEC00  }
0x3c: {  	[spmem:s15] =	stream.linear.scatter [tilespmem:s5], [sflag:$0x4], $0x1400, $0x38;
	[tilespmem:$0x1B480] =	vst v63  }
0x3d: {  	_ =	swait.ge [sflag:s13], $0x1400  }
0x3e: {  	[sflag:s13] =	ssyncset.done $0x0  }
0x3f: {  	s30 =	rddreg [dreg:$0x16];
	[sflag:s13] =	ssyncadd.s32 $0xFFFFEC00  }
0x40: {  	[spmem:s30] =	stream.linear.scatter [tilespmem:s5], [sflag:$0x4], $0x1400, $0x38;
	[tilespmem:$0x1B480] =	vst v63  }
0x41: {  	_ =	swait.ge [sflag:s13], $0x1400  }
0x42: {  	[sflag:s13] =	ssyncset.done $0x0  }
0x43: {  	s31 =	rddreg [dreg:$0x17];
	[sflag:s13] =	ssyncadd.s32 $0xFFFFEC00  }
0x44: {  	[spmem:s31] =	stream.linear.scatter [tilespmem:s5], [sflag:$0x4], $0x1400, $0x38;
	[tilespmem:$0x1B480] =	vst v63  }
0x45: {  	_ =	swait.ge [sflag:s13], $0x1400  }
0x46: {  	[sflag:s13] =	ssyncset.done $0x0  }
0x47: {  	s6 =	rddreg [dreg:$0x18];
	[sflag:s13] =	ssyncadd.s32 $0xFFFFEC00  }
0x48: {  	[spmem:s6] =	stream.linear.scatter [tilespmem:s5], [sflag:$0x4], $0x1400, $0x38;
	[tilespmem:$0x1B480] =	vst v63  }
0x49: {  	_ =	swait.ge [sflag:s13], $0x1400  }
0x4a: {  	[sflag:s13] =	ssyncset.done $0x0  }
0x4b: {  	s7 =	rddreg [dreg:$0x19];
	[sflag:s13] =	ssyncadd.s32 $0xFFFFEC00  }
0x4c: {  	[spmem:s7] =	stream.linear.scatter [tilespmem:s5], [sflag:$0x4], $0x1400, $0x38;
	[tilespmem:$0x1B480] =	vst v63  }
0x4d: {  	_ =	swait.ge [sflag:s13], $0x1400  }
0x4e: {  	[sflag:s13] =	ssyncset.done $0x0  }
0x4f: {  	s8 =	rddreg [dreg:$0x1a];
	[sflag:s13] =	ssyncadd.s32 $0xFFFFEC00  }
0x50: {  	[spmem:s8] =	stream.linear.scatter [tilespmem:s5], [sflag:$0x4], $0x1400, $0x38;
	[tilespmem:$0x1B480] =	vst v63  }
0x51: {  	_ =	swait.ge [sflag:s13], $0x1400  }
0x52: {  	[sflag:s13] =	ssyncset.done $0x0  }
0x53: {  	s9 =	rddreg [dreg:$0x1b];
	[sflag:s13] =	ssyncadd.s32 $0xFFFFEC00  }
0x54: {  	[spmem:s9] =	stream.linear.scatter [tilespmem:s5], [sflag:$0x4], $0x1400, $0x38;
	[tilespmem:$0x1B480] =	vst v63  }
0x55: {  	_ =	swait.ge [sflag:s13], $0x1400  }
0x56: {  	[sflag:s13] =	ssyncset.done $0x0  }
0x57: {  	[sflag:s13] =	ssyncadd.s32 $0xFFFFEC00  }
0x58: {  	[bflag:$0x0] =	sbarrier.arrive $0xFFFF  }
0x59: {  	s15 =	rddreg [dreg:$0xa]  }
0x5a: {  	[tilespmem:s14], [sflag:$0x1] =	stream.linear.gather [hbm4b:s15+s2], $0x400, $0x38;
	[tilespmem:$0x1B480] =	vst v63  }
0x5b: {  	s30 =	rddreg [dreg:$0x9]  }
0x5c: {  	[tilespmem:s11], [sflag:$0x1] =	stream.linear.gather [hbm4b:s30+s2], $0x400, $0x38;
	[tilespmem:$0x1B480] =	vst v63  }
0x5d: {  	_ =	swait.ge [sflag:s12], $0x400  }
0x5e: {  	[sflag:s12] =	ssyncset.done $0x0  }
0x5f: {  	[sflag:s12] =	ssyncadd.s32 $0xFFFFFC00  }
0x60: {  	_ =	swait.ge [sflag:s12], $0x400  }
0x61: {  	[sflag:s12] =	ssyncset.done $0x0  }
0x62: {  	[sflag:s12] =	ssyncadd.s32 $0xFFFFFC00  }
0x63: {  	[tilespmem:s17], [sflag:$0x2] =	stream.indirect.gather [hbm4b:s3+s16], $0x10, s11, s16, $0xb8;
	[tilespmem:$0x1B480] =	vst v63  }
0x64: {  	s31 =	rddreg [dreg:$0x12]  }
0x65: {  	[tilespmem:s18], [sflag:$0x1] =	stream.linear.gather [hbm4b:s31+s2], $0x400, $0x38;
	[tilespmem:$0x1B480] =	vst v63  }
0x66: {  	s6 =	rddreg [dreg:$0x11]  }
0x67: {  	[tilespmem:s19], [sflag:$0x1] =	stream.linear.gather [hbm4b:s6+s2], $0x400, $0x38;
	[tilespmem:$0x1B480] =	vst v63  }
0x68: {  	_ =	swait.ge [sflag:s20], $0x4000  }
0x69: {  	[sflag:s20] =	ssyncset.done $0x0  }
0x6a: {  	[sflag:s20] =	ssyncadd.s32 $0xFFFFC000  }
0x6b: {  	[spmem:s1] =	stream.indirect.scatter.add.f32 [tilespmem:s17], [sflag:$0x3], $0x10, s14, s16, $0xb8;
	[tilespmem:$0x1B480] =	vst v63  }
0x6c: {  	_ =	swait.ge [sflag:s12], $0x400  }
0x6d: {  	[sflag:s12] =	ssyncset.done $0x0  }
0x6e: {  	[sflag:s12] =	ssyncadd.s32 $0xFFFFFC00  }
0x6f: {  	_ =	swait.ge [sflag:s12], $0x400  }
0x70: {  	[sflag:s12] =	ssyncset.done $0x0  }
0x71: {  	[sflag:s12] =	ssyncadd.s32 $0xFFFFFC00  }
0x72: {  	[tilespmem:s21], [sflag:$0x2] =	stream.indirect.gather [hbm4b:s3+s16], $0x10, s19, s16, $0xb8;
	[tilespmem:$0x1B480] =	vst v63  }
0x73: {  	_ =	swait.ge [sflag:s22], $0x4000  }
0x74: {  	[sflag:s22] =	ssyncset.done $0x0  }
0x75: {  	s7 =	rddreg [dreg:$0x14];
	[sflag:s22] =	ssyncadd.s32 $0xFFFFC000  }
0x76: {  	[tilespmem:s14], [sflag:$0x1] =	stream.linear.gather [hbm4b:s7+s2], $0x400, $0x38;
	[tilespmem:$0x1B480] =	vst v63  }
0x77: {  	s8 =	rddreg [dreg:$0x13]  }
0x78: {  	[tilespmem:s11], [sflag:$0x1] =	stream.linear.gather [hbm4b:s8+s2], $0x400, $0x38;
	[tilespmem:$0x1B480] =	vst v63  }
0x79: {  	_ =	swait.ge [sflag:s20], $0x4000  }
0x7a: {  	[sflag:s20] =	ssyncset.done $0x0  }
0x7b: {  	[sflag:s20] =	ssyncadd.s32 $0xFFFFC000  }
0x7c: {  	[spmem:s1] =	stream.indirect.scatter.add.f32 [tilespmem:s21], [sflag:$0x3], $0x10, s18, s16, $0xb8;
	[tilespmem:$0x1B480] =	vst v63  }
0x7d: {  	_ =	swait.ge [sflag:s12], $0x400  }
0x7e: {  	[sflag:s12] =	ssyncset.done $0x0  }
0x7f: {  	[sflag:s12] =	ssyncadd.s32 $0xFFFFFC00  }
0x80: {  	_ =	swait.ge [sflag:s12], $0x400  }
0x81: {  	[sflag:s12] =	ssyncset.done $0x0  }
0x82: {  	[sflag:s12] =	ssyncadd.s32 $0xFFFFFC00  }
0x83: {  	[tilespmem:s17], [sflag:$0x2] =	stream.indirect.gather [hbm4b:s3+s16], $0x10, s11, s16, $0xb8;
	[tilespmem:$0x1B480] =	vst v63  }
0x84: {  	_ =	swait.ge [sflag:s22], $0x4000  }
0x85: {  	s9 =	sadd.s32 $0xFFFF9F00, s23;
	[sflag:s22] =	ssyncset.done $0x0  }
0x86: {  	s15 =	sadd.s32 $0x6280, s9;
	s7 =	sadd.s32 $0xFFFF9F00, s24;
	[sflag:s22] =	ssyncadd.s32 $0xFFFFC000  }
0x87: {  	[tilespmem:s18], [sflag:$0x1] =	stream.linear.gather [hbm4b:s15+s2], $0x400, $0x38;
	[tilespmem:$0x1B480] =	vst v63  }
0x88: {  	s30 =	sadd.s32 $0x6280, s7  }
0x89: {  	[tilespmem:s19], [sflag:$0x1] =	stream.linear.gather [hbm4b:s30+s2], $0x400, $0x38;
	[tilespmem:$0x1B480] =	vst v63  }
0x8a: {  	_ =	swait.ge [sflag:s20], $0x4000  }
0x8b: {  	[sflag:s20] =	ssyncset.done $0x0  }
0x8c: {  	[sflag:s20] =	ssyncadd.s32 $0xFFFFC000  }
0x8d: {  	[spmem:s1] =	stream.indirect.scatter.add.f32 [tilespmem:s17], [sflag:$0x3], $0x10, s14, s16, $0xb8;
	[tilespmem:$0x1B480] =	vst v63  }
0x8e: {  	_ =	swait.ge [sflag:s12], $0x400  }
0x8f: {  	[sflag:s12] =	ssyncset.done $0x0  }
0x90: {  	[sflag:s12] =	ssyncadd.s32 $0xFFFFFC00  }
0x91: {  	_ =	swait.ge [sflag:s12], $0x400  }
0x92: {  	[sflag:s12] =	ssyncset.done $0x0  }
0x93: {  	[sflag:s12] =	ssyncadd.s32 $0xFFFFFC00  }
0x94: {  	[tilespmem:s21], [sflag:$0x2] =	stream.indirect.gather [hbm4b:s3+s16], $0x10, s19, s16, $0xb8;
	[tilespmem:$0x1B480] =	vst v63  }
0x95: {  	_ =	swait.ge [sflag:s22], $0x4000  }
0x96: {  	[sflag:s22] =	ssyncset.done $0x0  }
0x97: {  	s0 =	sadd.s32 $0x6300, s9;
	[sflag:s22] =	ssyncadd.s32 $0xFFFFC000  }
0x98: {  	[tilespmem:s14], [sflag:$0x1] =	stream.linear.gather [hbm4b:s0+s2], $0x400, $0x38;
	[tilespmem:$0x1B480] =	vst v63  }
0x99: {  	s31 =	sadd.s32 $0x6300, s7  }
0x9a: {  	[tilespmem:s11], [sflag:$0x1] =	stream.linear.gather [hbm4b:s31+s2], $0x400, $0x38;
	[tilespmem:$0x1B480] =	vst v63  }
0x9b: {  	_ =	swait.ge [sflag:s20], $0x4000  }
0x9c: {  	[sflag:s20] =	ssyncset.done $0x0  }
0x9d: {  	s0 =	simm.s32 $0xFFFFA000;
	[sflag:s20] =	ssyncadd.s32 $0xFFFFC000  }
.LBB2_11:
0x9e: {  	[spmem:s1] =	stream.indirect.scatter.add.f32 [tilespmem:s21], [sflag:$0x3], $0x10, s18, s16, $0xb8;
	[tilespmem:$0x1B480] =	vst v63  }
0x9f: {  	s6 =	smov.u32 s0  }
0xa0: {  	p1 =	sne.s32 s0, $0xFFFFFF00;
	s0 =	sadd.s32 $0x100, s0;
	_ =	swait.ge [sflag:s12], $0x400  }
0xa1: {  	[sflag:s12] =	ssyncset.done $0x0  }
0xa2: {  	[sflag:s12] =	ssyncadd.s32 $0xFFFFFC00  }
0xa3: {  	_ =	swait.ge [sflag:s12], $0x400  }
0xa4: {  	[sflag:s12] =	ssyncset.done $0x0  }
0xa5: {  	[sflag:s12] =	ssyncadd.s32 $0xFFFFFC00  }
0xa6: {  	[tilespmem:s17], [sflag:$0x2] =	stream.indirect.gather [hbm4b:s3+s16], $0x10, s11, s16, $0xb8;
	[tilespmem:$0x1B480] =	vst v63  }
0xa7: {  	_ =	swait.ge [sflag:s22], $0x4000  }
0xa8: {  	s7 =	sadd.s32 s6, s23;
	[sflag:s22] =	ssyncset.done $0x0  }
0xa9: {  	s6 =	sadd.s32 s6, s24;
	s8 =	sadd.s32 $0x6280, s7;
	[sflag:s22] =	ssyncadd.s32 $0xFFFFC000  }
0xaa: {  	[tilespmem:s18], [sflag:$0x1] =	stream.linear.gather [hbm4b:s8+s2], $0x400, $0x38;
	[tilespmem:$0x1B480] =	vst v63  }
0xab: {  	s8 =	sadd.s32 $0x6280, s6  }
0xac: {  	[tilespmem:s19], [sflag:$0x1] =	stream.linear.gather [hbm4b:s8+s2], $0x400, $0x38;
	[tilespmem:$0x1B480] =	vst v63  }
0xad: {  	_ =	swait.ge [sflag:s20], $0x4000  }
0xae: {  	[sflag:s20] =	ssyncset.done $0x0  }
0xaf: {  	[sflag:s20] =	ssyncadd.s32 $0xFFFFC000  }
0xb0: {  	[spmem:s1] =	stream.indirect.scatter.add.f32 [tilespmem:s17], [sflag:$0x3], $0x10, s14, s16, $0xb8;
	[tilespmem:$0x1B480] =	vst v63  }
0xb1: {  	_ =	swait.ge [sflag:s12], $0x400  }
0xb2: {  	[sflag:s12] =	ssyncset.done $0x0  }
0xb3: {  	[sflag:s12] =	ssyncadd.s32 $0xFFFFFC00  }
0xb4: {  	_ =	swait.ge [sflag:s12], $0x400  }
0xb5: {  	[sflag:s12] =	ssyncset.done $0x0  }
0xb6: {  	[sflag:s12] =	ssyncadd.s32 $0xFFFFFC00  }
0xb7: {  	[tilespmem:s21], [sflag:$0x2] =	stream.indirect.gather [hbm4b:s3+s16], $0x10, s19, s16, $0xb8;
	[tilespmem:$0x1B480] =	vst v63  }
0xb8: {  	_ =	swait.ge [sflag:s22], $0x4000  }
0xb9: {  	[sflag:s22] =	ssyncset.done $0x0  }
0xba: {  	s7 =	sadd.s32 $0x6300, s7;
	[sflag:s22] =	ssyncadd.s32 $0xFFFFC000  }
0xbb: {  	[tilespmem:s14], [sflag:$0x1] =	stream.linear.gather [hbm4b:s7+s2], $0x400, $0x38;
	[tilespmem:$0x1B480] =	vst v63  }
.Ltmp4:
0xbc: {  	s6 =	sadd.s32 $0x6300, s6;
	(pc) =	sbr.rel @p1 .LBB2_11-.Ltmp4, $4  }
0xbd: {  	[tilespmem:s11], [sflag:$0x1] =	stream.linear.gather [hbm4b:s6+s2], $0x400, $0x38;
	[tilespmem:$0x1B480] =	vst v63  }
0xbe: {  	_ =	swait.ge [sflag:s20], $0x4000  }
0xbf: {  	[sflag:s20] =	ssyncset.done $0x0  }
0xc0: {  	[sflag:s20] =	ssyncadd.s32 $0xFFFFC000  }
0xc1: {  	[spmem:s1] =	stream.indirect.scatter.add.f32 [tilespmem:s21], [sflag:$0x3], $0x10, s18, s16, $0xb8;
	[tilespmem:$0x1B480] =	vst v63  }
0xc2: {  	_ =	swait.ge [sflag:s22], $0x4000  }
0xc3: {  	[sflag:s22] =	ssyncset.done $0x0  }
0xc4: {  	[sflag:s22] =	ssyncadd.s32 $0xFFFFC000  }
0xc5: {  	_ =	swait.ge [sflag:s12], $0x400  }
0xc6: {  	[sflag:s12] =	ssyncset.done $0x0  }
0xc7: {  	[sflag:s12] =	ssyncadd.s32 $0xFFFFFC00  }
0xc8: {  	_ =	swait.ge [sflag:s12], $0x400  }
0xc9: {  	[sflag:s12] =	ssyncset.done $0x0  }
0xca: {  	[sflag:s12] =	ssyncadd.s32 $0xFFFFFC00  }
0xcb: {  	[bflag:$0x0] =	sbarrier.arrive $0xFFFF  }
0xcc: {  	s31 =	simm.s32 $0x0;
	s0 =	rddreg [dreg:$0xc]  }
0xcd: {  	[tilespmem:s25], [sflag:$0x4] =	stream.linear.gather [hbm4b:s0+s31], $0xC80, $0x38;
	[tilespmem:$0x1B480] =	vst v63  }
0xce: {  	_ =	swait.ge [sflag:s13], $0xC80  }
0xcf: {  	[sflag:s13] =	ssyncset.done $0x0  }
0xd0: {  	s15 =	simm.s32 $0x0;
	s0 =	simm.s32 $0x0;
	[sflag:s13] =	ssyncadd.s32 $0xFFFFF380  }
.LBB2_13:
0xd1: {  	s6 =	smul.u32 $0x140, s15;
	_ =	sdelay $0x1  }
0xd2: {  	s6 =	sadd.s32 s10, s6  }
0xd3: {  	s7 =	sshll.u32 s6, $0x4  }
0xd4: {  	s7 =	sand.u32 $0x3FFFFFF0, s7  }
0xd5: {  	s7 =	sadd.s32 s7, s1  }
0xd6: {  	[tilespmem:s26], [sflag:$0x4] =	stream.linear.gather [spmem:s7], $0x1400, $0x38;
	[tilespmem:$0x1B480] =	vst v63  }
0xd7: {  	_ =	swait.ge [sflag:s13], $0x1400  }
0xd8: {  	s30 =	sshll.u32 s6, $0x1;
	[sflag:s13] =	ssyncset.done $0x0  }
0xd9: {  	v1 =	vmov s0;
	s6 =	sadd.s32 s4, s30;
	[sflag:s13] =	ssyncadd.s32 $0xFFFFEC00  }
0xda: {  	[tilespmem:s28], [sflag:$0x4] =	stream.linear.gather [hbm4b:s6+s31], $0x1400, $0x38;
	[tilespmem:$0x1B480] =	vst v63  }
0xdb: {  	_ =	swait.ge [sflag:s13], $0x1400  }
0xdc: {  	[sflag:s13] =	ssyncset.done $0x0  }
0xdd: {  	[sflag:s13] =	ssyncadd.s32 $0xFFFFEC00  }
0xde: {  	s6 =	simm.s32 $0x0;
	v3 =	vld.idx.msk [tilespmem:v1+s25+$0x0], $0xffff  }
0xdf: {  	v4 =	vld [tilespmem:s6+$0x15800];
	_ =	sdelay $0x1  }
0xe0: {  	v2 =	vld [tilespmem:s6+$0x16C00];
	_ =	sdelay $0x1  }
0xe1: {  	s8 =	sadd.s32 $0x1, s0  }
0xe2: {  	s9 =	simm.s32 $0x80;
	s7 =	simm.s32 $0x40;
	v1 =	vmov s8;
	v3 =	vmul.f32 v3, v4  }
.LBB2_14:
0xe3: {  	p1 =	sne.s32 s9, $0x4FC0  }
0xe4: {  	v2 =	vadd.f32 v3, v2;
	[tilespmem:s6+$0x18000] =	vst v3;
	_ =	sdelay $0x1  }
0xe5: {  	[tilespmem:s6+$0x19400] =	vst v2  }
0xe6: {  	s6 =	sshra.s32 s7, $0x2;
	s7 =	smov.u32 s9;
	v3 =	vld.idx.msk [tilespmem:v1+s25+$0x0], $0xffff  }
0xe7: {  	v4 =	vld [tilespmem:s6+$0x15800]  }
.Ltmp5:
0xe8: {  	(pc) =	sbr.rel @p1 .LBB2_14-.Ltmp5, $3  }
0xe9: {  	v2 =	vld [tilespmem:s6+$0x16C00];
	_ =	sdelay $0x1  }
0xea: {  	s8 =	sadd.s32 $0x1, s8  }
0xeb: {  	s9 =	sadd.s32 $0x40, s9;
	v1 =	vmov s8;
	v3 =	vmul.f32 v3, v4  }
0xec: {  	_ = 	snop  }
0xed: {  	v2 =	vadd.f32 v3, v2  }
0xee: {  	[tilespmem:s6+$0x18000] =	vst v3  }
0xef: {  	[tilespmem:s6+$0x19400] =	vst v2  }
0xf0: {  	s7 =	sshra.s32 s7, $0x2;
	v1 =	vld.idx.msk [tilespmem:v1+s25+$0x0], $0xffff  }
0xf1: {  	v2 =	vld [tilespmem:s7+$0x15800];
	_ =	sdelay $0x1  }
0xf2: {  	v3 =	vld [tilespmem:s7+$0x16C00];
	_ =	sdelay $0x2  }
0xf3: {  	v1 =	vmul.f32 v1, v2;
	_ =	sdelay $0x1  }
0xf4: {  	v2 =	vadd.f32 v1, v3  }
0xf5: {  	s8 =	rddreg [dreg:$0x6];
	[tilespmem:s7+$0x18000] =	vst v1  }
0xf6: {  	s6 =	sadd.s32 s8, s30;
	[tilespmem:s7+$0x19400] =	vst v2  }
0xf7: {  	[hbm4b:s6+s2] =	stream.linear.scatter [tilespmem:s29], [sflag:$0x4], $0x1400, $0x38;
	[tilespmem:$0x1B480] =	vst v63  }
0xf8: {  	_ =	swait.ge [sflag:s13], $0x1400  }
0xf9: {  	s15 =	sadd.s32 $0x1, s15;
	[sflag:s13] =	ssyncset.done $0x0;
	s9 =	rddreg [dreg:$0x8]  }
0xfa: {  	p1 =	sne.s32 s15, $0xA;
	[sflag:s13] =	ssyncadd.s32 $0xFFFFEC00;
	s6 =	sadd.s32 s9, s30  }
0xfb: {  	[hbm4b:s6+s2] =	stream.linear.scatter [tilespmem:s5], [sflag:$0x4], $0x1400, $0x38;
	[tilespmem:$0x1B480] =	vst v63  }
.Ltmp6:
0xfc: {  	_ = 	snop;
	(pc) =	sbr.rel @p1 .LBB2_13-.Ltmp6, $4  }
.Ltmp7:
0xfd: {  	_ = 	snop;
	(pc) =	sbr.rel @!p1 .LBB2_16-.Ltmp7, $4  }
0xfe: {  	_ =	swait.ge [sflag:s13], $0x1400  }
0xff: {  	[sflag:s13] =	ssyncset.done $0x0  }
0x100: {  	s0 =	sadd.s32 $0x140, s0;
	[sflag:s13] =	ssyncadd.s32 $0xFFFFEC00  }
0x101: {  	_ = 	snop  }
.LBB2_2:
0x102: {  	p1 =	sne.s32 s0, $0x4FC0;
	[tilespmem:s6+$0x19400] =	vst v0;
	s6 =	smov.u32 s0;
	s0 =	sadd.s32 $0x40, s0  }
.Ltmp8:
0x103: {  	(pc) =	sbr.rel @p1 .LBB2_2-.Ltmp8, $2  }
0x104: {  	_ =	sdelay $0x2  }
0x105: {  	s6 =	sshra.s32 s6, $0x2  }
0x106: {  	[tilespmem:s6+$0x19400] =	vst v0;
	s0 =	rddreg [dreg:$0xd]  }
0x107: {  	[spmem:s0] =	stream.linear.scatter [tilespmem:s5], [sflag:$0x4], $0x1400, $0x38;
	[tilespmem:$0x1B480] =	vst v63  }
0x108: {  	_ =	swait.ge [sflag:s13], $0x1400  }
0x109: {  	[sflag:s13] =	ssyncset.done $0x0  }
0x10a: {  	s8 =	rddreg [dreg:$0xf];
	[sflag:s13] =	ssyncadd.s32 $0xFFFFEC00  }
0x10b: {  	[spmem:s8] =	stream.linear.scatter [tilespmem:s5], [sflag:$0x4], $0x1400, $0x38;
	[tilespmem:$0x1B480] =	vst v63  }
0x10c: {  	_ =	swait.ge [sflag:s13], $0x1400  }
0x10d: {  	[sflag:s13] =	ssyncset.done $0x0  }
0x10e: {  	s9 =	rddreg [dreg:$0x10];
	[sflag:s13] =	ssyncadd.s32 $0xFFFFEC00  }
0x10f: {  	[spmem:s9] =	stream.linear.scatter [tilespmem:s5], [sflag:$0x4], $0x1400, $0x38;
	[tilespmem:$0x1B480] =	vst v63  }
0x110: {  	_ =	swait.ge [sflag:s13], $0x1400  }
0x111: {  	[sflag:s13] =	ssyncset.done $0x0  }
0x112: {  	s15 =	rddreg [dreg:$0x15];
	[sflag:s13] =	ssyncadd.s32 $0xFFFFEC00  }
0x113: {  	[spmem:s15] =	stream.linear.scatter [tilespmem:s5], [sflag:$0x4], $0x1400, $0x38;
	[tilespmem:$0x1B480] =	vst v63  }
0x114: {  	_ =	swait.ge [sflag:s13], $0x1400  }
0x115: {  	[sflag:s13] =	ssyncset.done $0x0  }
0x116: {  	s30 =	rddreg [dreg:$0x16];
	[sflag:s13] =	ssyncadd.s32 $0xFFFFEC00  }
0x117: {  	[spmem:s30] =	stream.linear.scatter [tilespmem:s5], [sflag:$0x4], $0x1400, $0x38;
	[tilespmem:$0x1B480] =	vst v63  }
0x118: {  	_ =	swait.ge [sflag:s13], $0x1400  }
0x119: {  	[sflag:s13] =	ssyncset.done $0x0  }
0x11a: {  	s31 =	rddreg [dreg:$0x17];
	[sflag:s13] =	ssyncadd.s32 $0xFFFFEC00  }
0x11b: {  	[spmem:s31] =	stream.linear.scatter [tilespmem:s5], [sflag:$0x4], $0x1400, $0x38;
	[tilespmem:$0x1B480] =	vst v63  }
0x11c: {  	_ =	swait.ge [sflag:s13], $0x1400  }
0x11d: {  	[sflag:s13] =	ssyncset.done $0x0  }
0x11e: {  	s6 =	rddreg [dreg:$0x18];
	[sflag:s13] =	ssyncadd.s32 $0xFFFFEC00  }
0x11f: {  	[spmem:s6] =	stream.linear.scatter [tilespmem:s5], [sflag:$0x4], $0x1400, $0x38;
	[tilespmem:$0x1B480] =	vst v63  }
0x120: {  	_ =	swait.ge [sflag:s13], $0x1400  }
0x121: {  	[sflag:s13] =	ssyncset.done $0x0  }
0x122: {  	s7 =	rddreg [dreg:$0x19];
	[sflag:s13] =	ssyncadd.s32 $0xFFFFEC00  }
0x123: {  	[spmem:s7] =	stream.linear.scatter [tilespmem:s5], [sflag:$0x4], $0x1400, $0x38;
	[tilespmem:$0x1B480] =	vst v63  }
0x124: {  	_ =	swait.ge [sflag:s13], $0x1400  }
0x125: {  	[sflag:s13] =	ssyncset.done $0x0  }
0x126: {  	s8 =	rddreg [dreg:$0x1a];
	[sflag:s13] =	ssyncadd.s32 $0xFFFFEC00  }
0x127: {  	[spmem:s8] =	stream.linear.scatter [tilespmem:s5], [sflag:$0x4], $0x1400, $0x38;
	[tilespmem:$0x1B480] =	vst v63  }
0x128: {  	_ =	swait.ge [sflag:s13], $0x1400  }
0x129: {  	[sflag:s13] =	ssyncset.done $0x0  }
0x12a: {  	s9 =	rddreg [dreg:$0x1b];
	[sflag:s13] =	ssyncadd.s32 $0xFFFFEC00  }
0x12b: {  	[spmem:s9] =	stream.linear.scatter [tilespmem:s5], [sflag:$0x4], $0x1400, $0x38;
	[tilespmem:$0x1B480] =	vst v63  }
0x12c: {  	_ =	swait.ge [sflag:s13], $0x1400  }
0x12d: {  	[sflag:s13] =	ssyncset.done $0x0  }
0x12e: {  	[sflag:s13] =	ssyncadd.s32 $0xFFFFEC00  }
0x12f: {  	[bflag:$0x0] =	sbarrier.arrive $0xFFFF  }
0x130: {  	s15 =	rddreg [dreg:$0x9]  }
0x131: {  	[tilespmem:s14], [sflag:$0x1] =	stream.linear.gather [hbm4b:s15+s2], $0x400, $0x38;
	[tilespmem:$0x1B480] =	vst v63  }
0x132: {  	s30 =	rddreg [dreg:$0xa]  }
0x133: {  	[tilespmem:s11], [sflag:$0x1] =	stream.linear.gather [hbm4b:s30+s2], $0x400, $0x38;
	[tilespmem:$0x1B480] =	vst v63  }
0x134: {  	_ =	swait.ge [sflag:s12], $0x400  }
0x135: {  	[sflag:s12] =	ssyncset.done $0x0  }
0x136: {  	[sflag:s12] =	ssyncadd.s32 $0xFFFFFC00  }
0x137: {  	_ =	swait.ge [sflag:s12], $0x400  }
0x138: {  	[sflag:s12] =	ssyncset.done $0x0  }
0x139: {  	[sflag:s12] =	ssyncadd.s32 $0xFFFFFC00  }
0x13a: {  	[tilespmem:s17], [sflag:$0x2] =	stream.indirect.gather [hbm4b:s4+s16], $0x10, s11, s16, $0xb8;
	[tilespmem:$0x1B480] =	vst v63  }
0x13b: {  	s31 =	rddreg [dreg:$0x11]  }
0x13c: {  	[tilespmem:s18], [sflag:$0x1] =	stream.linear.gather [hbm4b:s31+s2], $0x400, $0x38;
	[tilespmem:$0x1B480] =	vst v63  }
0x13d: {  	s6 =	rddreg [dreg:$0x12]  }
0x13e: {  	[tilespmem:s19], [sflag:$0x1] =	stream.linear.gather [hbm4b:s6+s2], $0x400, $0x38;
	[tilespmem:$0x1B480] =	vst v63  }
0x13f: {  	_ =	swait.ge [sflag:s20], $0x4000  }
0x140: {  	[sflag:s20] =	ssyncset.done $0x0  }
0x141: {  	[sflag:s20] =	ssyncadd.s32 $0xFFFFC000  }
0x142: {  	[spmem:s1] =	stream.indirect.scatter.add.f32 [tilespmem:s17], [sflag:$0x3], $0x10, s14, s16, $0xb8;
	[tilespmem:$0x1B480] =	vst v63  }
0x143: {  	_ =	swait.ge [sflag:s12], $0x400  }
0x144: {  	[sflag:s12] =	ssyncset.done $0x0  }
0x145: {  	[sflag:s12] =	ssyncadd.s32 $0xFFFFFC00  }
0x146: {  	_ =	swait.ge [sflag:s12], $0x400  }
0x147: {  	[sflag:s12] =	ssyncset.done $0x0  }
0x148: {  	[sflag:s12] =	ssyncadd.s32 $0xFFFFFC00  }
0x149: {  	[tilespmem:s21], [sflag:$0x2] =	stream.indirect.gather [hbm4b:s4+s16], $0x10, s19, s16, $0xb8;
	[tilespmem:$0x1B480] =	vst v63  }
0x14a: {  	_ =	swait.ge [sflag:s22], $0x4000  }
0x14b: {  	[sflag:s22] =	ssyncset.done $0x0  }
0x14c: {  	s7 =	rddreg [dreg:$0x13];
	[sflag:s22] =	ssyncadd.s32 $0xFFFFC000  }
0x14d: {  	[tilespmem:s14], [sflag:$0x1] =	stream.linear.gather [hbm4b:s7+s2], $0x400, $0x38;
	[tilespmem:$0x1B480] =	vst v63  }
0x14e: {  	s8 =	rddreg [dreg:$0x14]  }
0x14f: {  	[tilespmem:s11], [sflag:$0x1] =	stream.linear.gather [hbm4b:s8+s2], $0x400, $0x38;
	[tilespmem:$0x1B480] =	vst v63  }
0x150: {  	_ =	swait.ge [sflag:s20], $0x4000  }
0x151: {  	[sflag:s20] =	ssyncset.done $0x0  }
0x152: {  	[sflag:s20] =	ssyncadd.s32 $0xFFFFC000  }
0x153: {  	[spmem:s1] =	stream.indirect.scatter.add.f32 [tilespmem:s21], [sflag:$0x3], $0x10, s18, s16, $0xb8;
	[tilespmem:$0x1B480] =	vst v63  }
0x154: {  	_ =	swait.ge [sflag:s12], $0x400  }
0x155: {  	[sflag:s12] =	ssyncset.done $0x0  }
0x156: {  	[sflag:s12] =	ssyncadd.s32 $0xFFFFFC00  }
0x157: {  	_ =	swait.ge [sflag:s12], $0x400  }
0x158: {  	[sflag:s12] =	ssyncset.done $0x0  }
0x159: {  	[sflag:s12] =	ssyncadd.s32 $0xFFFFFC00  }
0x15a: {  	[tilespmem:s17], [sflag:$0x2] =	stream.indirect.gather [hbm4b:s4+s16], $0x10, s11, s16, $0xb8;
	[tilespmem:$0x1B480] =	vst v63  }
0x15b: {  	_ =	swait.ge [sflag:s22], $0x4000  }
0x15c: {  	s9 =	sadd.s32 $0xFFFF9F00, s24;
	[sflag:s22] =	ssyncset.done $0x0  }
0x15d: {  	s15 =	sadd.s32 $0x6280, s9;
	s7 =	sadd.s32 $0xFFFF9F00, s23;
	[sflag:s22] =	ssyncadd.s32 $0xFFFFC000  }
0x15e: {  	[tilespmem:s18], [sflag:$0x1] =	stream.linear.gather [hbm4b:s15+s2], $0x400, $0x38;
	[tilespmem:$0x1B480] =	vst v63  }
0x15f: {  	s30 =	sadd.s32 $0x6280, s7  }
0x160: {  	[tilespmem:s19], [sflag:$0x1] =	stream.linear.gather [hbm4b:s30+s2], $0x400, $0x38;
	[tilespmem:$0x1B480] =	vst v63  }
0x161: {  	_ =	swait.ge [sflag:s20], $0x4000  }
0x162: {  	[sflag:s20] =	ssyncset.done $0x0  }
0x163: {  	[sflag:s20] =	ssyncadd.s32 $0xFFFFC000  }
0x164: {  	[spmem:s1] =	stream.indirect.scatter.add.f32 [tilespmem:s17], [sflag:$0x3], $0x10, s14, s16, $0xb8;
	[tilespmem:$0x1B480] =	vst v63  }
0x165: {  	_ =	swait.ge [sflag:s12], $0x400  }
0x166: {  	[sflag:s12] =	ssyncset.done $0x0  }
0x167: {  	[sflag:s12] =	ssyncadd.s32 $0xFFFFFC00  }
0x168: {  	_ =	swait.ge [sflag:s12], $0x400  }
0x169: {  	[sflag:s12] =	ssyncset.done $0x0  }
0x16a: {  	[sflag:s12] =	ssyncadd.s32 $0xFFFFFC00  }
0x16b: {  	[tilespmem:s21], [sflag:$0x2] =	stream.indirect.gather [hbm4b:s4+s16], $0x10, s19, s16, $0xb8;
	[tilespmem:$0x1B480] =	vst v63  }
0x16c: {  	_ =	swait.ge [sflag:s22], $0x4000  }
0x16d: {  	[sflag:s22] =	ssyncset.done $0x0  }
0x16e: {  	s0 =	sadd.s32 $0x6300, s9;
	[sflag:s22] =	ssyncadd.s32 $0xFFFFC000  }
0x16f: {  	[tilespmem:s14], [sflag:$0x1] =	stream.linear.gather [hbm4b:s0+s2], $0x400, $0x38;
	[tilespmem:$0x1B480] =	vst v63  }
0x170: {  	s31 =	sadd.s32 $0x6300, s7  }
0x171: {  	[tilespmem:s11], [sflag:$0x1] =	stream.linear.gather [hbm4b:s31+s2], $0x400, $0x38;
	[tilespmem:$0x1B480] =	vst v63  }
0x172: {  	_ =	swait.ge [sflag:s20], $0x4000  }
0x173: {  	[sflag:s20] =	ssyncset.done $0x0  }
0x174: {  	s0 =	simm.s32 $0xFFFFA000;
	[sflag:s20] =	ssyncadd.s32 $0xFFFFC000  }
.LBB2_4:
0x175: {  	[spmem:s1] =	stream.indirect.scatter.add.f32 [tilespmem:s21], [sflag:$0x3], $0x10, s18, s16, $0xb8;
	[tilespmem:$0x1B480] =	vst v63  }
0x176: {  	s6 =	smov.u32 s0  }
0x177: {  	p1 =	sne.s32 s0, $0xFFFFFF00;
	s0 =	sadd.s32 $0x100, s0;
	_ =	swait.ge [sflag:s12], $0x400  }
0x178: {  	[sflag:s12] =	ssyncset.done $0x0  }
0x179: {  	[sflag:s12] =	ssyncadd.s32 $0xFFFFFC00  }
0x17a: {  	_ =	swait.ge [sflag:s12], $0x400  }
0x17b: {  	[sflag:s12] =	ssyncset.done $0x0  }
0x17c: {  	[sflag:s12] =	ssyncadd.s32 $0xFFFFFC00  }
0x17d: {  	[tilespmem:s17], [sflag:$0x2] =	stream.indirect.gather [hbm4b:s4+s16], $0x10, s11, s16, $0xb8;
	[tilespmem:$0x1B480] =	vst v63  }
0x17e: {  	_ =	swait.ge [sflag:s22], $0x4000  }
0x17f: {  	s7 =	sadd.s32 s6, s24;
	[sflag:s22] =	ssyncset.done $0x0  }
0x180: {  	s6 =	sadd.s32 s6, s23;
	s8 =	sadd.s32 $0x6280, s7;
	[sflag:s22] =	ssyncadd.s32 $0xFFFFC000  }
0x181: {  	[tilespmem:s18], [sflag:$0x1] =	stream.linear.gather [hbm4b:s8+s2], $0x400, $0x38;
	[tilespmem:$0x1B480] =	vst v63  }
0x182: {  	s8 =	sadd.s32 $0x6280, s6  }
0x183: {  	[tilespmem:s19], [sflag:$0x1] =	stream.linear.gather [hbm4b:s8+s2], $0x400, $0x38;
	[tilespmem:$0x1B480] =	vst v63  }
0x184: {  	_ =	swait.ge [sflag:s20], $0x4000  }
0x185: {  	[sflag:s20] =	ssyncset.done $0x0  }
0x186: {  	[sflag:s20] =	ssyncadd.s32 $0xFFFFC000  }
0x187: {  	[spmem:s1] =	stream.indirect.scatter.add.f32 [tilespmem:s17], [sflag:$0x3], $0x10, s14, s16, $0xb8;
	[tilespmem:$0x1B480] =	vst v63  }
0x188: {  	_ =	swait.ge [sflag:s12], $0x400  }
0x189: {  	[sflag:s12] =	ssyncset.done $0x0  }
0x18a: {  	[sflag:s12] =	ssyncadd.s32 $0xFFFFFC00  }
0x18b: {  	_ =	swait.ge [sflag:s12], $0x400  }
0x18c: {  	[sflag:s12] =	ssyncset.done $0x0  }
0x18d: {  	[sflag:s12] =	ssyncadd.s32 $0xFFFFFC00  }
0x18e: {  	[tilespmem:s21], [sflag:$0x2] =	stream.indirect.gather [hbm4b:s4+s16], $0x10, s19, s16, $0xb8;
	[tilespmem:$0x1B480] =	vst v63  }
0x18f: {  	_ =	swait.ge [sflag:s22], $0x4000  }
0x190: {  	[sflag:s22] =	ssyncset.done $0x0  }
0x191: {  	s7 =	sadd.s32 $0x6300, s7;
	[sflag:s22] =	ssyncadd.s32 $0xFFFFC000  }
0x192: {  	[tilespmem:s14], [sflag:$0x1] =	stream.linear.gather [hbm4b:s7+s2], $0x400, $0x38;
	[tilespmem:$0x1B480] =	vst v63  }
.Ltmp9:
0x193: {  	s6 =	sadd.s32 $0x6300, s6;
	(pc) =	sbr.rel @p1 .LBB2_4-.Ltmp9, $4  }
0x194: {  	[tilespmem:s11], [sflag:$0x1] =	stream.linear.gather [hbm4b:s6+s2], $0x400, $0x38;
	[tilespmem:$0x1B480] =	vst v63  }
0x195: {  	_ =	swait.ge [sflag:s20], $0x4000  }
0x196: {  	[sflag:s20] =	ssyncset.done $0x0  }
0x197: {  	[sflag:s20] =	ssyncadd.s32 $0xFFFFC000  }
0x198: {  	[spmem:s1] =	stream.indirect.scatter.add.f32 [tilespmem:s21], [sflag:$0x3], $0x10, s18, s16, $0xb8;
	[tilespmem:$0x1B480] =	vst v63  }
0x199: {  	_ =	swait.ge [sflag:s22], $0x4000  }
0x19a: {  	[sflag:s22] =	ssyncset.done $0x0  }
0x19b: {  	[sflag:s22] =	ssyncadd.s32 $0xFFFFC000  }
0x19c: {  	_ =	swait.ge [sflag:s12], $0x400  }
0x19d: {  	[sflag:s12] =	ssyncset.done $0x0  }
0x19e: {  	[sflag:s12] =	ssyncadd.s32 $0xFFFFFC00  }
0x19f: {  	_ =	swait.ge [sflag:s12], $0x400  }
0x1a0: {  	[sflag:s12] =	ssyncset.done $0x0  }
0x1a1: {  	[sflag:s12] =	ssyncadd.s32 $0xFFFFFC00  }
0x1a2: {  	[bflag:$0x0] =	sbarrier.arrive $0xFFFF  }
0x1a3: {  	s31 =	simm.s32 $0x0;
	s0 =	rddreg [dreg:$0xb]  }
0x1a4: {  	[tilespmem:s25], [sflag:$0x4] =	stream.linear.gather [hbm4b:s0+s31], $0xC80, $0x38;
	[tilespmem:$0x1B480] =	vst v63  }
0x1a5: {  	_ =	swait.ge [sflag:s13], $0xC80  }
0x1a6: {  	[sflag:s13] =	ssyncset.done $0x0  }
0x1a7: {  	s15 =	simm.s32 $0x0;
	s0 =	simm.s32 $0x0;
	[sflag:s13] =	ssyncadd.s32 $0xFFFFF380  }
.LBB2_6:
0x1a8: {  	s6 =	smul.u32 $0x140, s15;
	_ =	sdelay $0x1  }
0x1a9: {  	s6 =	sadd.s32 s10, s6  }
0x1aa: {  	s7 =	sshll.u32 s6, $0x4  }
0x1ab: {  	s7 =	sand.u32 $0x3FFFFFF0, s7  }
0x1ac: {  	s7 =	sadd.s32 s7, s1  }
0x1ad: {  	[tilespmem:s26], [sflag:$0x4] =	stream.linear.gather [spmem:s7], $0x1400, $0x38;
	[tilespmem:$0x1B480] =	vst v63  }
0x1ae: {  	_ =	swait.ge [sflag:s13], $0x1400  }
0x1af: {  	s30 =	sshll.u32 s6, $0x1;
	[sflag:s13] =	ssyncset.done $0x0  }
0x1b0: {  	v1 =	vmov s0;
	s6 =	sadd.s32 s3, s30;
	[sflag:s13] =	ssyncadd.s32 $0xFFFFEC00  }
0x1b1: {  	[tilespmem:s28], [sflag:$0x4] =	stream.linear.gather [hbm4b:s6+s31], $0x1400, $0x38;
	[tilespmem:$0x1B480] =	vst v63  }
0x1b2: {  	_ =	swait.ge [sflag:s13], $0x1400  }
0x1b3: {  	[sflag:s13] =	ssyncset.done $0x0  }
0x1b4: {  	[sflag:s13] =	ssyncadd.s32 $0xFFFFEC00  }
0x1b5: {  	s6 =	simm.s32 $0x0;
	v3 =	vld.idx.msk [tilespmem:v1+s25+$0x0], $0xffff  }
0x1b6: {  	v4 =	vld [tilespmem:s6+$0x15800];
	_ =	sdelay $0x1  }
0x1b7: {  	v2 =	vld [tilespmem:s6+$0x16C00];
	_ =	sdelay $0x1  }
0x1b8: {  	s8 =	sadd.s32 $0x1, s0  }
0x1b9: {  	s9 =	simm.s32 $0x80;
	s7 =	simm.s32 $0x40;
	v1 =	vmov s8;
	v3 =	vmul.f32 v3, v4  }
.LBB2_7:
0x1ba: {  	p1 =	sne.s32 s9, $0x4FC0  }
0x1bb: {  	v2 =	vadd.f32 v3, v2;
	[tilespmem:s6+$0x18000] =	vst v3;
	_ =	sdelay $0x1  }
0x1bc: {  	[tilespmem:s6+$0x19400] =	vst v2  }
0x1bd: {  	s6 =	sshra.s32 s7, $0x2;
	s7 =	smov.u32 s9;
	v3 =	vld.idx.msk [tilespmem:v1+s25+$0x0], $0xffff  }
0x1be: {  	v4 =	vld [tilespmem:s6+$0x15800]  }
.Ltmp10:
0x1bf: {  	(pc) =	sbr.rel @p1 .LBB2_7-.Ltmp10, $3  }
0x1c0: {  	v2 =	vld [tilespmem:s6+$0x16C00];
	_ =	sdelay $0x1  }
0x1c1: {  	s8 =	sadd.s32 $0x1, s8  }
0x1c2: {  	s9 =	sadd.s32 $0x40, s9;
	v1 =	vmov s8;
	v3 =	vmul.f32 v3, v4  }
0x1c3: {  	_ = 	snop  }
0x1c4: {  	v2 =	vadd.f32 v3, v2  }
0x1c5: {  	[tilespmem:s6+$0x18000] =	vst v3  }
0x1c6: {  	[tilespmem:s6+$0x19400] =	vst v2  }
0x1c7: {  	s7 =	sshra.s32 s7, $0x2;
	v1 =	vld.idx.msk [tilespmem:v1+s25+$0x0], $0xffff  }
0x1c8: {  	v2 =	vld [tilespmem:s7+$0x15800];
	_ =	sdelay $0x1  }
0x1c9: {  	v3 =	vld [tilespmem:s7+$0x16C00];
	_ =	sdelay $0x2  }
0x1ca: {  	v1 =	vmul.f32 v1, v2;
	_ =	sdelay $0x1  }
0x1cb: {  	v2 =	vadd.f32 v1, v3  }
0x1cc: {  	s8 =	rddreg [dreg:$0x5];
	[tilespmem:s7+$0x18000] =	vst v1  }
0x1cd: {  	s6 =	sadd.s32 s8, s30;
	[tilespmem:s7+$0x19400] =	vst v2  }
0x1ce: {  	[hbm4b:s6+s2] =	stream.linear.scatter [tilespmem:s29], [sflag:$0x4], $0x1400, $0x38;
	[tilespmem:$0x1B480] =	vst v63  }
0x1cf: {  	_ =	swait.ge [sflag:s13], $0x1400  }
0x1d0: {  	s15 =	sadd.s32 $0x1, s15;
	[sflag:s13] =	ssyncset.done $0x0;
	s9 =	rddreg [dreg:$0x7]  }
0x1d1: {  	p1 =	seq.s32 s15, $0xA;
	[sflag:s13] =	ssyncadd.s32 $0xFFFFEC00;
	s6 =	sadd.s32 s9, s30  }
0x1d2: {  	[hbm4b:s6+s2] =	stream.linear.scatter [tilespmem:s5], [sflag:$0x4], $0x1400, $0x38;
	[tilespmem:$0x1B480] =	vst v63  }
.Ltmp11:
0x1d3: {  	_ = 	snop;
	(pc) =	sbr.rel @!p1 .LBB2_6-.Ltmp11, $4  }
.Ltmp12:
0x1d4: {  	_ = 	snop;
	(pc) =	sbr.rel @p1 .LBB2_16-.Ltmp12, $4  }
0x1d5: {  	_ =	swait.ge [sflag:s13], $0x1400  }
0x1d6: {  	[sflag:s13] =	ssyncset.done $0x0  }
0x1d7: {  	s0 =	sadd.s32 $0x140, s0;
	[sflag:s13] =	ssyncadd.s32 $0xFFFFEC00  }
0x1d8: {  	_ = 	snop  }
.LBB2_17:
0x1d9: {  	_ =	sfence.sel $0x180000  }
0x1da: {  	[bflag:$0x0] =	sbarrier.arrive $0xFFFF  }
0x1db: {  	_ =	strace $0x9000004A  }
0x1dc: {  	s0 =	stileid.u32;
	[bflag:$0x2] =	sbarrier.arrive $0xFFFF  }
0x1dd: {  	p0 =	sne.s32 s0, $0x0;
	s0 =	rddreg [dreg:$0x4]  }
0x1de: {  	s0 =	sadd.s32 @!p0 $0x100000, s0  }
0x1df: {  	[sflag:s0] =	ssyncadd.tile.s32 @!p0 $0x1;
	_ =	shalt  }
.Lfunc_end2:
_tile_overlayer_lowered:
.L_overlay_start_2:
0x1e0: {  	(tag) =	ssettag $0x2  }
0x1e1: {  	s0 =	rddreg [dreg:$0x0];
	s2 =	stileid.u32  }
0x1e2: {  	s1 =	rddreg [dreg:$0x1];
	p0 =	sne.s32 s2, $0x0  }
0x1e3: {  	s3 =	rddreg [dreg:$0x2];
	[bflag:$0x3] =	sbarrier.arrive $0xFFFF;
	s2 =	simm.s32 @!p0 $0x1C04  }
0x1e4: {  	[timem:s3], [sflag:s2] =	dma.local @!p0 [hbm:s0], s1  }
0x1e5: {  	s0 =	simm.s32 @!p0 $0x4  }
0x1e6: {  	_ =	swait.ge @!p0 [sflag:s0], s1  }
0x1e7: {  	s1 =	ssub.s32 @!p0 $0x0, s1;
	[sflag:s0] =	ssyncset.done @!p0 $0x0  }
0x1e8: {  	[sflag:s0] =	ssyncadd.s32 @!p0 s1  }
0x1e9: {  	[bflag:$0x3] =	sbarrier.arrive $0xFFFF  }
0x1ea: {  	_ =	shalt  }

</sc_bundles>
